<compile_context>
chip_gen: v7x
topology: tpu7x:2x2x1
jax: 0.10.2.dev20260603
libtpu: 0.0.44.dev20260713+nightly
codegen_flags: <defaults>
</compile_context>

<pallas_src>
import functools

import jax
import jax.numpy as jnp
from jax import lax
from jax.experimental import pallas as pl
from jax.experimental.pallas import tpu as pltpu
from jax.experimental.pallas import tpu_sc as plsc

N = 100000
D = 16
EPS = 0.01
PROP_STEP = 2
C_CONST = 0.01
E = 3200000

NPAD = 100096
CHUNK = 100
ECH = E // CHUNK
IDXB = 20
NBLK = 50
NCH = IDXB * NBLK
NG = 166
SID_ROWS = NPAD // 16
PACK_ROWS = NPAD // 8

_mesh = plsc.VectorSubcoreMesh(core_axis_name="c", subcore_axis_name="s")


@functools.partial(
    pl.kernel,
    mesh=_mesh,
    compiler_params=pltpu.CompilerParams(use_tc_tiling_on_sc=False),
    out_type=jax.ShapeDtypeStruct((2, NPAD, D), jnp.float32),
    scratch_types=[
        pltpu.VMEM((2, IDXB, CHUNK), jnp.int32),
        pltpu.VMEM((2, IDXB, CHUNK), jnp.int32),
        pltpu.VMEM((6, CHUNK, D), jnp.float32),
        pltpu.VMEM((6, CHUNK, D), jnp.float32),
        pltpu.VMEM_SHARED((NPAD, D), jnp.float32),
        pltpu.SemaphoreType.DMA((6,)),
        pltpu.SemaphoreType.DMA((6,)),
        pltpu.SemaphoreType.DMA((6,)),
        pltpu.SemaphoreType.DMA((6,)),
        pltpu.SemaphoreType.DMA((2,)),
    ],
)
def _sc_aggregate(y_hbm, edges_hbm, zeros_hbm, out_hbm,
                  srcb, dstb, rows_f, rows_b, acc,
                  sem_gf, sem_gb, sem_sf, sem_sb, sem_i):
    cid = lax.axis_index("c")
    sid = lax.axis_index("s")
    wid = cid * 16 + sid

    pltpu.sync_copy(zeros_hbm.at[pl.ds(sid * SID_ROWS, SID_ROWS)],
                    acc.at[pl.ds(sid * SID_ROWS, SID_ROWS)])
    plsc.subcore_barrier()

    def gather(h, row, slot):
        pltpu.async_copy(y_hbm.at[srcb.at[h, row]], rows_f.at[slot], sem_gf.at[slot])
        pltpu.async_copy(y_hbm.at[dstb.at[h, row]], rows_b.at[slot], sem_gb.at[slot])

    def wait_gather(slot):
        pltpu.make_async_copy(y_hbm.at[srcb.at[0, 0]], rows_f.at[slot], sem_gf.at[slot]).wait()
        pltpu.make_async_copy(y_hbm.at[dstb.at[0, 0]], rows_b.at[slot], sem_gb.at[slot]).wait()

    def scatter(h, row, slot):
        pltpu.async_copy(rows_f.at[slot], acc.at[dstb.at[h, row]], sem_sf.at[slot], add=True)
        pltpu.async_copy(rows_b.at[slot], acc.at[srcb.at[h, row]], sem_sb.at[slot], add=True)

    def wait_scatter(slot):
        pltpu.make_async_copy(rows_f.at[slot], acc.at[dstb.at[0, 0]], sem_sf.at[slot]).wait()
        pltpu.make_async_copy(rows_b.at[slot], acc.at[srcb.at[0, 0]], sem_sb.at[slot]).wait()

    base_row = wid * NCH

    def idx_load(blk, half):
        row0 = base_row + blk * IDXB
        pltpu.async_copy(edges_hbm.at[0, pl.ds(row0, IDXB)], srcb.at[half], sem_i.at[half])
        pltpu.async_copy(edges_hbm.at[1, pl.ds(row0, IDXB)], dstb.at[half], sem_i.at[half])

    def wait_idx(half):
        pltpu.make_async_copy(edges_hbm.at[0, pl.ds(0, IDXB)], srcb.at[half], sem_i.at[half]).wait()
        pltpu.make_async_copy(edges_hbm.at[1, pl.ds(0, IDXB)], dstb.at[half], sem_i.at[half]).wait()

    idx_load(0, 0)
    idx_load(1, 1)
    wait_idx(0)
    gather(0, 0, 0)
    gather(0, 1, 1)
    gather(0, 2, 2)

    def group_body(g, carry):
        j0 = 6 * g
        q0 = j0 // IDXB
        r0 = j0 - q0 * IDXB

        def coords(off):
            rr = r0 + off
            wrap = jnp.where(rr >= IDXB, 1, 0)
            return lax.rem(q0 + wrap, 2), rr - IDXB * wrap

        @pl.when((r0 >= 4) & (r0 <= 9) & (q0 >= 1) & (q0 + 1 < NBLK))
        def _():
            idx_load(q0 + 1, lax.rem(q0 + 1, 2))

        @pl.when((r0 >= 12) & (r0 <= 17) & (q0 + 1 < NBLK))
        def _():
            wait_idx(lax.rem(q0 + 1, 2))

        for par in range(6):
            s_cur = par
            s_nxt = (par + 3) % 6
            h3, row3 = coords(par + 3)

            def refill(do_drain, s_nxt=s_nxt, h3=h3, row3=row3):
                if do_drain:
                    wait_scatter(s_nxt)
                gather(h3, row3, s_nxt)

            if par < 3:
                @pl.when(g >= 1)
                def _():
                    refill(True)

                @pl.when(g == 0)
                def _():
                    refill(False)
            else:
                @pl.when(g <= NG - 2)
                def _():
                    refill(True)
            h, row = coords(par)
            wait_gather(s_cur)
            scatter(h, row, s_cur)
        return carry

    lax.fori_loop(0, NG, group_body, 0)
    for slot in range(6):
        wait_scatter(slot)

    def tail_body(i, carry):
        gather(1, 16 + i, 0)
        wait_gather(0)
        scatter(1, 16 + i, 0)
        wait_scatter(0)
        return carry

    lax.fori_loop(0, 4, tail_body, 0)

    plsc.subcore_barrier()
    pltpu.sync_copy(acc.at[pl.ds(sid * SID_ROWS, SID_ROWS)],
                    out_hbm.at[cid, pl.ds(sid * SID_ROWS, SID_ROWS)])


_BU = 3128
_SOFF = PACK_ROWS // _BU


def _tc_update_body(s0_ref, s1_ref, m8_ref, lab8_ref, rep_ref, h128_ref, y_ref):
    s = s0_ref[...] + s1_ref[...]
    rep = rep_ref[...]
    mrep = jnp.dot(m8_ref[...], rep, preferred_element_type=jnp.float32)
    labrep = jnp.dot(lab8_ref[...], rep, preferred_element_type=jnp.float32)
    cls = (lax.broadcasted_iota(jnp.int32, (_BU, 128), 1) % D).astype(jnp.float32)
    onehot = (labrep == cls).astype(jnp.float32)
    prior = mrep * ((D * C_CONST) * onehot - C_CONST)
    agg = jnp.dot(s, h128_ref[...], preferred_element_type=jnp.float32)
    y_ref[...] = prior + (EPS / D) * agg


def _make_tc_update(dup_input):
    s1_map = (lambda i: (i + _SOFF, 0)) if dup_input else (lambda i: (i, 0))
    return pl.pallas_call(
        _tc_update_body,
        grid=(PACK_ROWS // _BU,),
        in_specs=[
            pl.BlockSpec((_BU, 128), lambda i: (i, 0)),
            pl.BlockSpec((_BU, 128), s1_map),
            pl.BlockSpec((_BU, 8), lambda i: (i, 0)),
            pl.BlockSpec((_BU, 8), lambda i: (i, 0)),
            pl.BlockSpec((8, 128), lambda i: (0, 0)),
            pl.BlockSpec((128, 128), lambda i: (0, 0)),
        ],
        out_specs=pl.BlockSpec((_BU, 128), lambda i: (i, 0)),
        out_shape=jax.ShapeDtypeStruct((PACK_ROWS, 128), jnp.float32),
    )


_tc_update_pair = _make_tc_update(True)
_tc_update_zero = _make_tc_update(False)


def kernel(X, H, edge_index, train_mask, labels):
    m8 = jnp.pad(train_mask.astype(jnp.float32), (0, NPAD - N)).reshape(PACK_ROWS, 8)
    lab8 = jnp.pad(labels.astype(jnp.float32), (0, NPAD - N)).reshape(PACK_ROWS, 8)

    rep = jnp.repeat(jnp.eye(8, dtype=jnp.float32), D, axis=1)
    h128 = jnp.kron(jnp.eye(8, dtype=jnp.float32), H.astype(jnp.float32))

    edges = edge_index.reshape(2, ECH, CHUNK)
    zeros_rows = jnp.zeros((NPAD, D), jnp.float32)
    zeros_packed = jnp.zeros((PACK_ROWS, 128), jnp.float32)

    y = _tc_update_zero(zeros_packed, zeros_packed, m8, lab8, rep, h128)
    for _ in range(PROP_STEP):
        s_pair = _sc_aggregate(y.reshape(NPAD, D), edges, zeros_rows)
        s_flat = s_pair.reshape(2 * PACK_ROWS, 128)
        y = _tc_update_pair(s_flat, s_flat, m8, lab8, rep, h128)
    return y.reshape(NPAD, D)[:N]

# --- scband reference (transcript-rebuilt; emitter-appended) ---
"""Pipeline reference for scband-zoo-bp-43293270343692 (READ-ONLY COPY).

The authoritative reference and input builder live on the scoring server;
editing this copy changes nothing except your own understanding.
"""

import jax, jax.numpy as jnp
import numpy as np

N_NODES = 100000
N_EDGES = 3200000
D = 16
EPS = 0.01
PROP_STEP = 2
C_CONST = 0.01


def setup_inputs(seed: int = 0) -> dict:
    key = jax.random.key(seed)
    k1, k2, k3 = jax.random.split(key, 3)
    X = jnp.zeros((N_NODES, D), dtype=jnp.float32)
    edge_index = jax.random.randint(k1, (2, N_EDGES), 0, N_NODES, dtype=jnp.int64 if jax.config.jax_enable_x64 else jnp.int32).astype(jnp.int32)
    train_mask = jax.random.randint(k2, (N_NODES,), 0, 2).astype(bool)
    labels = jax.random.randint(k3, (N_NODES,), 0, D)
    # ZooBP compatibility matrix H for same-dim src/dst node types: eye(d) - 1/d
    H = jnp.eye(D, dtype=jnp.float32) - 1.0 / D
    return {"X": X, "H": H, "edge_index": edge_index, "train_mask": train_mask, "labels": labels}


def reference(X, H, edge_index, train_mask, labels):
    N, d = X.shape
    src = edge_index[0]
    dst = edge_index[1]
    mask = train_mask[:, None]
    # Prior beliefs: train nodes get -c everywhere, +d*c on their label (residual centering)
    onehot = jax.nn.one_hot(labels, d, dtype=jnp.float32) * (d * C_CONST)
    prior = jnp.where(mask, -C_CONST + onehot, 0.0)
    Y = prior
    # Linearized belief propagation (ZooBP): iterate residual-belief updates
    # over the canonical etype and its inverse etype (edge weights w = 1)
    for _ in range(PROP_STEP):
        msg_fwd = Y[src] @ H
        agg_fwd = jax.ops.segment_sum(msg_fwd, dst, num_segments=N)
        msg_bwd = Y[dst] @ H.T
        agg_bwd = jax.ops.segment_sum(msg_bwd, src, num_segments=N)
        Y = prior + (EPS / d) * (agg_fwd + agg_bwd)
    return Y

if __name__ == "__main__":
    import jax
    _d = setup_inputs()
    print(jax.jit(kernel)(*tuple(_d.values())))

</pallas_src>

<mosaic_0001>
#map = affine_map<(d0, d1) -> (0, 0)>
#map1 = affine_map<(d0, d1) -> (0, 0, 0)>
module attributes {stable_mosaic.version = 14 : i64} {
  func.func @_sc_aggregate(%arg0: i32, %arg1: i32, %arg2: memref<100096x16xf32, #tpu.memory_space<hbm>>, %arg3: memref<2x32000x100xi32, #tpu.memory_space<hbm>>, %arg4: memref<100096x16xf32, #tpu.memory_space<hbm>>, %arg5: memref<2x100096x16xf32, #tpu.memory_space<hbm>>, %arg6: memref<2x20x100xi32, #tpu.memory_space<vmem>>, %arg7: memref<2x20x100xi32, #tpu.memory_space<vmem>>, %arg8: memref<6x100x16xf32, #tpu.memory_space<vmem>>, %arg9: memref<6x100x16xf32, #tpu.memory_space<vmem>>, %arg10: memref<100096x16xf32, #tpu.memory_space<vmem_shared>>, %arg11: memref<6x!tpu.dma_semaphore, #tpu.memory_space<semaphore_mem>>, %arg12: memref<6x!tpu.dma_semaphore, #tpu.memory_space<semaphore_mem>>, %arg13: memref<6x!tpu.dma_semaphore, #tpu.memory_space<semaphore_mem>>, %arg14: memref<6x!tpu.dma_semaphore, #tpu.memory_space<semaphore_mem>>, %arg15: memref<2x!tpu.dma_semaphore, #tpu.memory_space<semaphore_mem>>) attributes {dimension_semantics = [#tpu.dimension_semantics<core_parallel>, #tpu.dimension_semantics<subcore_parallel>], iteration_bounds = array<i64: 2, 16>, scalar_prefetch = 0 : i64, scratch_operands = 10 : i64, tpu.core_type = #tpu.core_type<sc_vector_subcore>, window_params = [{transform_indices = #map}, {transform_indices = #map1}, {transform_indices = #map}, {transform_indices = #map1}]} {
    %mul3A = arith.constant 16 : i32
    %mul3A_0 = arith.muli %arg0, %mul3A : i32
    %add3A = arith.addi %mul3A_0, %arg1 : i32
    %mul3A_1 = arith.constant 6256 : i32
    %mul3A_2 = arith.muli %arg1, %mul3A_1 : i32
    %mul3A_3 = arith.constant 6256 : i32
    %mul3A_4 = arith.muli %arg1, %mul3A_3 : i32
    "tpu.region"() ({
      %run_scoped3A = tpu.sem_alloc : memref<!tpu.dma_semaphore, #tpu.memory_space<semaphore_mem>>
      %dma_start3A_431 = arith.constant 0 : i32
      %dma_start3A_432 = tpu.memref_slice %arg10[%mul3A_4, %dma_start3A_431] : memref<100096x16xf32, #tpu.memory_space<vmem_shared>> -> memref<6256x16xf32, #tpu.memory_space<vmem_shared>>
      %dma_start3A_433 = arith.constant 0 : i32
      %dma_start3A_434 = tpu.memref_slice %arg4[%mul3A_2, %dma_start3A_433] : memref<100096x16xf32, #tpu.memory_space<hbm>> -> memref<6256x16xf32, #tpu.memory_space<hbm>>
      tpu.enqueue_dma source(%dma_start3A_434 : memref<6256x16xf32, #tpu.memory_space<hbm>>) target(%dma_start3A_432 : memref<6256x16xf32, #tpu.memory_space<vmem_shared>>) target_semaphore(%run_scoped3A : memref<!tpu.dma_semaphore, #tpu.memory_space<semaphore_mem>>)
      %dma_wait3A_435 = arith.constant 0 : i32
      %dma_wait3A_436 = tpu.memref_slice %arg10[%mul3A_4, %dma_wait3A_435] : memref<100096x16xf32, #tpu.memory_space<vmem_shared>> -> memref<6256x16xf32, #tpu.memory_space<vmem_shared>>
      %dma_wait3A_437 = arith.constant 0 : i32
      %dma_wait3A_438 = tpu.memref_slice %arg4[%mul3A_2, %dma_wait3A_437] : memref<100096x16xf32, #tpu.memory_space<hbm>> -> memref<6256x16xf32, #tpu.memory_space<hbm>>
      tpu.wait_dma2 semaphore(%run_scoped3A : memref<!tpu.dma_semaphore, #tpu.memory_space<semaphore_mem>>) src(%dma_wait3A_438 : memref<6256x16xf32, #tpu.memory_space<hbm>>) dst(%dma_wait3A_436 : memref<6256x16xf32, #tpu.memory_space<vmem_shared>>)
      tpu.yield
    }) : () -> ()
    %barrier3A = arith.constant 0 : index
    tpu.barrier barrier_id(%barrier3A)
    %mul3A_5 = arith.constant 1000 : i32
    %mul3A_6 = arith.muli %add3A, %mul3A_5 : i32
    %add3A_7 = arith.constant 0 : i32
    %add3A_8 = arith.addi %mul3A_6, %add3A_7 : i32
    %dma_start3A = arith.constant 0 : i32
    %dma_start3A_9 = arith.constant 0 : i32
    %dma_start3A_10 = arith.constant 0 : i32
    %dma_start3A_11 = arith.constant 0 : i32
    %dma_start3A_12 = arith.constant 0 : i32
    %dma_start3A_13 = tpu.memref_slice %arg6[%dma_start3A_9, %dma_start3A_11, %dma_start3A_12] : memref<2x20x100xi32, #tpu.memory_space<vmem>> -> memref<1x20x100xi32, #tpu.memory_space<vmem>>
    %dma_start3A_14 = tpu.memref_squeeze %dma_start3A_13 : memref<1x20x100xi32, #tpu.memory_space<vmem>> -> memref<20x100xi32, #tpu.memory_space<vmem>>
    %dma_start3A_15 = arith.constant 0 : i32
    %dma_start3A_16 = tpu.memref_slice %arg3[%dma_start3A, %add3A_8, %dma_start3A_15] : memref<2x32000x100xi32, #tpu.memory_space<hbm>> -> memref<1x20x100xi32, #tpu.memory_space<hbm>>
    %dma_start3A_17 = tpu.memref_squeeze %dma_start3A_16 : memref<1x20x100xi32, #tpu.memory_space<hbm>> -> memref<20x100xi32, #tpu.memory_space<hbm>>
    %dma_start3A_18 = tpu.memref_slice %arg15[%dma_start3A_10] : memref<2x!tpu.dma_semaphore, #tpu.memory_space<semaphore_mem>> -> memref<1x!tpu.dma_semaphore, #tpu.memory_space<semaphore_mem>>
    %dma_start3A_19 = tpu.memref_squeeze %dma_start3A_18 : memref<1x!tpu.dma_semaphore, #tpu.memory_space<semaphore_mem>> -> memref<!tpu.dma_semaphore, #tpu.memory_space<semaphore_mem>>
    %dma_start3A_20 = arith.constant 0 : i32
    %dma_start3A_21 = arith.constant 0 : i32
    %dma_start3A_22 = tpu.memref_slice %arg6[%dma_start3A_9, %dma_start3A_20, %dma_start3A_21] : memref<2x20x100xi32, #tpu.memory_space<vmem>> -> memref<1x20x100xi32, #tpu.memory_space<vmem>>
    %dma_start3A_23 = tpu.memref_squeeze %dma_start3A_22 : memref<1x20x100xi32, #tpu.memory_space<vmem>> -> memref<20x100xi32, #tpu.memory_space<vmem>>
    %dma_start3A_24 = arith.constant 0 : i32
    %dma_start3A_25 = tpu.memref_slice %arg3[%dma_start3A, %add3A_8, %dma_start3A_24] : memref<2x32000x100xi32, #tpu.memory_space<hbm>> -> memref<1x20x100xi32, #tpu.memory_space<hbm>>
    %dma_start3A_26 = tpu.memref_squeeze %dma_start3A_25 : memref<1x20x100xi32, #tpu.memory_space<hbm>> -> memref<20x100xi32, #tpu.memory_space<hbm>>
    tpu.enqueue_dma source(%dma_start3A_26 : memref<20x100xi32, #tpu.memory_space<hbm>>) target(%dma_start3A_23 : memref<20x100xi32, #tpu.memory_space<vmem>>) target_semaphore(%dma_start3A_19 : memref<!tpu.dma_semaphore, #tpu.memory_space<semaphore_mem>>)
    %dma_start3A_27 = arith.constant 1 : i32
    %dma_start3A_28 = arith.constant 0 : i32
    %dma_start3A_29 = arith.constant 0 : i32
    %dma_start3A_30 = arith.constant 0 : i32
    %dma_start3A_31 = arith.constant 0 : i32
    %dma_start3A_32 = tpu.memref_slice %arg7[%dma_start3A_28, %dma_start3A_30, %dma_start3A_31] : memref<2x20x100xi32, #tpu.memory_space<vmem>> -> memref<1x20x100xi32, #tpu.memory_space<vmem>>
    %dma_start3A_33 = tpu.memref_squeeze %dma_start3A_32 : memref<1x20x100xi32, #tpu.memory_space<vmem>> -> memref<20x100xi32, #tpu.memory_space<vmem>>
    %dma_start3A_34 = arith.constant 0 : i32
    %dma_start3A_35 = tpu.memref_slice %arg3[%dma_start3A_27, %add3A_8, %dma_start3A_34] : memref<2x32000x100xi32, #tpu.memory_space<hbm>> -> memref<1x20x100xi32, #tpu.memory_space<hbm>>
    %dma_start3A_36 = tpu.memref_squeeze %dma_start3A_35 : memref<1x20x100xi32, #tpu.memory_space<hbm>> -> memref<20x100xi32, #tpu.memory_space<hbm>>
    %dma_start3A_37 = tpu.memref_slice %arg15[%dma_start3A_29] : memref<2x!tpu.dma_semaphore, #tpu.memory_space<semaphore_mem>> -> memref<1x!tpu.dma_semaphore, #tpu.memory_space<semaphore_mem>>
    %dma_start3A_38 = tpu.memref_squeeze %dma_start3A_37 : memref<1x!tpu.dma_semaphore, #tpu.memory_space<semaphore_mem>> -> memref<!tpu.dma_semaphore, #tpu.memory_space<semaphore_mem>>
    %dma_start3A_39 = arith.constant 0 : i32
    %dma_start3A_40 = arith.constant 0 : i32
    %dma_start3A_41 = tpu.memref_slice %arg7[%dma_start3A_28, %dma_start3A_39, %dma_start3A_40] : memref<2x20x100xi32, #tpu.memory_space<vmem>> -> memref<1x20x100xi32, #tpu.memory_space<vmem>>
    %dma_start3A_42 = tpu.memref_squeeze %dma_start3A_41 : memref<1x20x100xi32, #tpu.memory_space<vmem>> -> memref<20x100xi32, #tpu.memory_space<vmem>>
    %dma_start3A_43 = arith.constant 0 : i32
    %dma_start3A_44 = tpu.memref_slice %arg3[%dma_start3A_27, %add3A_8, %dma_start3A_43] : memref<2x32000x100xi32, #tpu.memory_space<hbm>> -> memref<1x20x100xi32, #tpu.memory_space<hbm>>
    %dma_start3A_45 = tpu.memref_squeeze %dma_start3A_44 : memref<1x20x100xi32, #tpu.memory_space<hbm>> -> memref<20x100xi32, #tpu.memory_space<hbm>>
    tpu.enqueue_dma source(%dma_start3A_45 : memref<20x100xi32, #tpu.memory_space<hbm>>) target(%dma_start3A_42 : memref<20x100xi32, #tpu.memory_space<vmem>>) target_semaphore(%dma_start3A_38 : memref<!tpu.dma_semaphore, #tpu.memory_space<semaphore_mem>>)
    %add3A_46 = arith.constant 20 : i32
    %add3A_47 = arith.addi %mul3A_6, %add3A_46 : i32
    %dma_start3A_48 = arith.constant 0 : i32
    %dma_start3A_49 = arith.constant 1 : i32
    %dma_start3A_50 = arith.constant 1 : i32
    %dma_start3A_51 = arith.constant 0 : i32
    %dma_start3A_52 = arith.constant 0 : i32
    %dma_start3A_53 = tpu.memref_slice %arg6[%dma_start3A_49, %dma_start3A_51, %dma_start3A_52] : memref<2x20x100xi32, #tpu.memory_space<vmem>> -> memref<1x20x100xi32, #tpu.memory_space<vmem>>
    %dma_start3A_54 = tpu.memref_squeeze %dma_start3A_53 : memref<1x20x100xi32, #tpu.memory_space<vmem>> -> memref<20x100xi32, #tpu.memory_space<vmem>>
    %dma_start3A_55 = arith.constant 0 : i32
    %dma_start3A_56 = tpu.memref_slice %arg3[%dma_start3A_48, %add3A_47, %dma_start3A_55] : memref<2x32000x100xi32, #tpu.memory_space<hbm>> -> memref<1x20x100xi32, #tpu.memory_space<hbm>>
    %dma_start3A_57 = tpu.memref_squeeze %dma_start3A_56 : memref<1x20x100xi32, #tpu.memory_space<hbm>> -> memref<20x100xi32, #tpu.memory_space<hbm>>
    %dma_start3A_58 = tpu.memref_slice %arg15[%dma_start3A_50] : memref<2x!tpu.dma_semaphore, #tpu.memory_space<semaphore_mem>> -> memref<1x!tpu.dma_semaphore, #tpu.memory_space<semaphore_mem>>
    %dma_start3A_59 = tpu.memref_squeeze %dma_start3A_58 : memref<1x!tpu.dma_semaphore, #tpu.memory_space<semaphore_mem>> -> memref<!tpu.dma_semaphore, #tpu.memory_space<semaphore_mem>>
    %dma_start3A_60 = arith.constant 0 : i32
    %dma_start3A_61 = arith.constant 0 : i32
    %dma_start3A_62 = tpu.memref_slice %arg6[%dma_start3A_49, %dma_start3A_60, %dma_start3A_61] : memref<2x20x100xi32, #tpu.memory_space<vmem>> -> memref<1x20x100xi32, #tpu.memory_space<vmem>>
    %dma_start3A_63 = tpu.memref_squeeze %dma_start3A_62 : memref<1x20x100xi32, #tpu.memory_space<vmem>> -> memref<20x100xi32, #tpu.memory_space<vmem>>
    %dma_start3A_64 = arith.constant 0 : i32
    %dma_start3A_65 = tpu.memref_slice %arg3[%dma_start3A_48, %add3A_47, %dma_start3A_64] : memref<2x32000x100xi32, #tpu.memory_space<hbm>> -> memref<1x20x100xi32, #tpu.memory_space<hbm>>
    %dma_start3A_66 = tpu.memref_squeeze %dma_start3A_65 : memref<1x20x100xi32, #tpu.memory_space<hbm>> -> memref<20x100xi32, #tpu.memory_space<hbm>>
    tpu.enqueue_dma source(%dma_start3A_66 : memref<20x100xi32, #tpu.memory_space<hbm>>) target(%dma_start3A_63 : memref<20x100xi32, #tpu.memory_space<vmem>>) target_semaphore(%dma_start3A_59 : memref<!tpu.dma_semaphore, #tpu.memory_space<semaphore_mem>>)
    %dma_start3A_67 = arith.constant 1 : i32
    %dma_start3A_68 = arith.constant 1 : i32
    %dma_start3A_69 = arith.constant 1 : i32
    %dma_start3A_70 = arith.constant 0 : i32
    %dma_start3A_71 = arith.constant 0 : i32
    %dma_start3A_72 = tpu.memref_slice %arg7[%dma_start3A_68, %dma_start3A_70, %dma_start3A_71] : memref<2x20x100xi32, #tpu.memory_space<vmem>> -> memref<1x20x100xi32, #tpu.memory_space<vmem>>
    %dma_start3A_73 = tpu.memref_squeeze %dma_start3A_72 : memref<1x20x100xi32, #tpu.memory_space<vmem>> -> memref<20x100xi32, #tpu.memory_space<vmem>>
    %dma_start3A_74 = arith.constant 0 : i32
    %dma_start3A_75 = tpu.memref_slice %arg3[%dma_start3A_67, %add3A_47, %dma_start3A_74] : memref<2x32000x100xi32, #tpu.memory_space<hbm>> -> memref<1x20x100xi32, #tpu.memory_space<hbm>>
    %dma_start3A_76 = tpu.memref_squeeze %dma_start3A_75 : memref<1x20x100xi32, #tpu.memory_space<hbm>> -> memref<20x100xi32, #tpu.memory_space<hbm>>
    %dma_start3A_77 = tpu.memref_slice %arg15[%dma_start3A_69] : memref<2x!tpu.dma_semaphore, #tpu.memory_space<semaphore_mem>> -> memref<1x!tpu.dma_semaphore, #tpu.memory_space<semaphore_mem>>
    %dma_start3A_78 = tpu.memref_squeeze %dma_start3A_77 : memref<1x!tpu.dma_semaphore, #tpu.memory_space<semaphore_mem>> -> memref<!tpu.dma_semaphore, #tpu.memory_space<semaphore_mem>>
    %dma_start3A_79 = arith.constant 0 : i32
    %dma_start3A_80 = arith.constant 0 : i32
    %dma_start3A_81 = tpu.memref_slice %arg7[%dma_start3A_68, %dma_start3A_79, %dma_start3A_80] : memref<2x20x100xi32, #tpu.memory_space<vmem>> -> memref<1x20x100xi32, #tpu.memory_space<vmem>>
    %dma_start3A_82 = tpu.memref_squeeze %dma_start3A_81 : memref<1x20x100xi32, #tpu.memory_space<vmem>> -> memref<20x100xi32, #tpu.memory_space<vmem>>
    %dma_start3A_83 = arith.constant 0 : i32
    %dma_start3A_84 = tpu.memref_slice %arg3[%dma_start3A_67, %add3A_47, %dma_start3A_83] : memref<2x32000x100xi32, #tpu.memory_space<hbm>> -> memref<1x20x100xi32, #tpu.memory_space<hbm>>
    %dma_start3A_85 = tpu.memref_squeeze %dma_start3A_84 : memref<1x20x100xi32, #tpu.memory_space<hbm>> -> memref<20x100xi32, #tpu.memory_space<hbm>>
    tpu.enqueue_dma source(%dma_start3A_85 : memref<20x100xi32, #tpu.memory_space<hbm>>) target(%dma_start3A_82 : memref<20x100xi32, #tpu.memory_space<vmem>>) target_semaphore(%dma_start3A_78 : memref<!tpu.dma_semaphore, #tpu.memory_space<semaphore_mem>>)
    %dma_wait3A = arith.constant 0 : i32
    %dma_wait3A_86 = arith.constant 0 : i32
    %dma_wait3A_87 = arith.constant 0 : i32
    %dma_wait3A_88 = arith.constant 0 : i32
    %dma_wait3A_89 = arith.constant 0 : i32
    %dma_wait3A_90 = tpu.memref_slice %arg6[%dma_wait3A_86, %dma_wait3A_88, %dma_wait3A_89] : memref<2x20x100xi32, #tpu.memory_space<vmem>> -> memref<1x20x100xi32, #tpu.memory_space<vmem>>
    %dma_wait3A_91 = tpu.memref_squeeze %dma_wait3A_90 : memref<1x20x100xi32, #tpu.memory_space<vmem>> -> memref<20x100xi32, #tpu.memory_space<vmem>>
    %dma_wait3A_92 = arith.constant 0 : i32
    %dma_wait3A_93 = arith.constant 0 : i32
    %dma_wait3A_94 = tpu.memref_slice %arg3[%dma_wait3A, %dma_wait3A_92, %dma_wait3A_93] : memref<2x32000x100xi32, #tpu.memory_space<hbm>> -> memref<1x20x100xi32, #tpu.memory_space<hbm>>
    %dma_wait3A_95 = tpu.memref_squeeze %dma_wait3A_94 : memref<1x20x100xi32, #tpu.memory_space<hbm>> -> memref<20x100xi32, #tpu.memory_space<hbm>>
    %dma_wait3A_96 = tpu.memref_slice %arg15[%dma_wait3A_87] : memref<2x!tpu.dma_semaphore, #tpu.memory_space<semaphore_mem>> -> memref<1x!tpu.dma_semaphore, #tpu.memory_space<semaphore_mem>>
    %dma_wait3A_97 = tpu.memref_squeeze %dma_wait3A_96 : memref<1x!tpu.dma_semaphore, #tpu.memory_space<semaphore_mem>> -> memref<!tpu.dma_semaphore, #tpu.memory_space<semaphore_mem>>
    %dma_wait3A_98 = arith.constant 0 : i32
    %dma_wait3A_99 = arith.constant 0 : i32
    %dma_wait3A_100 = tpu.memref_slice %arg6[%dma_wait3A_86, %dma_wait3A_98, %dma_wait3A_99] : memref<2x20x100xi32, #tpu.memory_space<vmem>> -> memref<1x20x100xi32, #tpu.memory_space<vmem>>
    %dma_wait3A_101 = tpu.memref_squeeze %dma_wait3A_100 : memref<1x20x100xi32, #tpu.memory_space<vmem>> -> memref<20x100xi32, #tpu.memory_space<vmem>>
    %dma_wait3A_102 = arith.constant 0 : i32
    %dma_wait3A_103 = arith.constant 0 : i32
    %dma_wait3A_104 = tpu.memref_slice %arg3[%dma_wait3A, %dma_wait3A_102, %dma_wait3A_103] : memref<2x32000x100xi32, #tpu.memory_space<hbm>> -> memref<1x20x100xi32, #tpu.memory_space<hbm>>
    %dma_wait3A_105 = tpu.memref_squeeze %dma_wait3A_104 : memref<1x20x100xi32, #tpu.memory_space<hbm>> -> memref<20x100xi32, #tpu.memory_space<hbm>>
    tpu.wait_dma2 semaphore(%dma_wait3A_97 : memref<!tpu.dma_semaphore, #tpu.memory_space<semaphore_mem>>) src(%dma_wait3A_105 : memref<20x100xi32, #tpu.memory_space<hbm>>) dst(%dma_wait3A_101 : memref<20x100xi32, #tpu.memory_space<vmem>>)
    %dma_wait3A_106 = arith.constant 1 : i32
    %dma_wait3A_107 = arith.constant 0 : i32
    %dma_wait3A_108 = arith.constant 0 : i32
    %dma_wait3A_109 = arith.constant 0 : i32
    %dma_wait3A_110 = arith.constant 0 : i32
    %dma_wait3A_111 = tpu.memref_slice %arg7[%dma_wait3A_107, %dma_wait3A_109, %dma_wait3A_110] : memref<2x20x100xi32, #tpu.memory_space<vmem>> -> memref<1x20x100xi32, #tpu.memory_space<vmem>>
    %dma_wait3A_112 = tpu.memref_squeeze %dma_wait3A_111 : memref<1x20x100xi32, #tpu.memory_space<vmem>> -> memref<20x100xi32, #tpu.memory_space<vmem>>
    %dma_wait3A_113 = arith.constant 0 : i32
    %dma_wait3A_114 = arith.constant 0 : i32
    %dma_wait3A_115 = tpu.memref_slice %arg3[%dma_wait3A_106, %dma_wait3A_113, %dma_wait3A_114] : memref<2x32000x100xi32, #tpu.memory_space<hbm>> -> memref<1x20x100xi32, #tpu.memory_space<hbm>>
    %dma_wait3A_116 = tpu.memref_squeeze %dma_wait3A_115 : memref<1x20x100xi32, #tpu.memory_space<hbm>> -> memref<20x100xi32, #tpu.memory_space<hbm>>
    %dma_wait3A_117 = tpu.memref_slice %arg15[%dma_wait3A_108] : memref<2x!tpu.dma_semaphore, #tpu.memory_space<semaphore_mem>> -> memref<1x!tpu.dma_semaphore, #tpu.memory_space<semaphore_mem>>
    %dma_wait3A_118 = tpu.memref_squeeze %dma_wait3A_117 : memref<1x!tpu.dma_semaphore, #tpu.memory_space<semaphore_mem>> -> memref<!tpu.dma_semaphore, #tpu.memory_space<semaphore_mem>>
    %dma_wait3A_119 = arith.constant 0 : i32
    %dma_wait3A_120 = arith.constant 0 : i32
    %dma_wait3A_121 = tpu.memref_slice %arg7[%dma_wait3A_107, %dma_wait3A_119, %dma_wait3A_120] : memref<2x20x100xi32, #tpu.memory_space<vmem>> -> memref<1x20x100xi32, #tpu.memory_space<vmem>>
    %dma_wait3A_122 = tpu.memref_squeeze %dma_wait3A_121 : memref<1x20x100xi32, #tpu.memory_space<vmem>> -> memref<20x100xi32, #tpu.memory_space<vmem>>
    %dma_wait3A_123 = arith.constant 0 : i32
    %dma_wait3A_124 = arith.constant 0 : i32
    %dma_wait3A_125 = tpu.memref_slice %arg3[%dma_wait3A_106, %dma_wait3A_123, %dma_wait3A_124] : memref<2x32000x100xi32, #tpu.memory_space<hbm>> -> memref<1x20x100xi32, #tpu.memory_space<hbm>>
    %dma_wait3A_126 = tpu.memref_squeeze %dma_wait3A_125 : memref<1x20x100xi32, #tpu.memory_space<hbm>> -> memref<20x100xi32, #tpu.memory_space<hbm>>
    tpu.wait_dma2 semaphore(%dma_wait3A_118 : memref<!tpu.dma_semaphore, #tpu.memory_space<semaphore_mem>>) src(%dma_wait3A_126 : memref<20x100xi32, #tpu.memory_space<hbm>>) dst(%dma_wait3A_122 : memref<20x100xi32, #tpu.memory_space<vmem>>)
    %dma_start3A_127 = arith.constant 0 : i32
    %dma_start3A_128 = arith.constant 0 : i32
    %dma_start3A_129 = arith.constant 0 : i32
    %dma_start3A_130 = arith.constant 0 : i32
    %dma_start3A_131 = arith.constant 0 : i32
    %dma_start3A_132 = arith.constant 0 : i32
    %dma_start3A_133 = tpu.memref_slice %arg8[%dma_start3A_129, %dma_start3A_131, %dma_start3A_132] : memref<6x100x16xf32, #tpu.memory_space<vmem>> -> memref<1x100x16xf32, #tpu.memory_space<vmem>>
    %dma_start3A_134 = tpu.memref_squeeze %dma_start3A_133 : memref<1x100x16xf32, #tpu.memory_space<vmem>> -> memref<100x16xf32, #tpu.memory_space<vmem>>
    %dma_start3A_135 = arith.constant 0 : i32
    %dma_start3A_136 = tpu.memref_slice %arg6[%dma_start3A_127, %dma_start3A_128, %dma_start3A_135] : memref<2x20x100xi32, #tpu.memory_space<vmem>> -> memref<1x1x100xi32, #tpu.memory_space<vmem>>
    %dma_start3A_137 = tpu.memref_squeeze %dma_start3A_136 : memref<1x1x100xi32, #tpu.memory_space<vmem>> -> memref<100xi32, #tpu.memory_space<vmem>>
    %dma_start3A_138 = arith.constant 0 : i32
    %dma_start3A_139 = arith.constant 0 : i32
    %dma_start3A_140 = tpu.memref_slice %arg2[%dma_start3A_138, %dma_start3A_139] : memref<100096x16xf32, #tpu.memory_space<hbm>> -> memref<100096x16xf32, #tpu.memory_space<hbm>>
    %dma_start3A_141 = tpu.memref_slice %arg11[%dma_start3A_130] : memref<6x!tpu.dma_semaphore, #tpu.memory_space<semaphore_mem>> -> memref<1x!tpu.dma_semaphore, #tpu.memory_space<semaphore_mem>>
    %dma_start3A_142 = tpu.memref_squeeze %dma_start3A_141 : memref<1x!tpu.dma_semaphore, #tpu.memory_space<semaphore_mem>> -> memref<!tpu.dma_semaphore, #tpu.memory_space<semaphore_mem>>
    tpu.enqueue_indirect_dma source(%dma_start3A_140 : memref<100096x16xf32, #tpu.memory_space<hbm>>) target(%dma_start3A_134 : memref<100x16xf32, #tpu.memory_space<vmem>>) offsets(%dma_start3A_137 : memref<100xi32, #tpu.memory_space<vmem>>) semaphore(%dma_start3A_142 : memref<!tpu.dma_semaphore, #tpu.memory_space<semaphore_mem>>)
    %dma_start3A_143 = arith.constant 0 : i32
    %dma_start3A_144 = arith.constant 0 : i32
    %dma_start3A_145 = arith.constant 0 : i32
    %dma_start3A_146 = arith.constant 0 : i32
    %dma_start3A_147 = arith.constant 0 : i32
    %dma_start3A_148 = arith.constant 0 : i32
    %dma_start3A_149 = tpu.memref_slice %arg9[%dma_start3A_145, %dma_start3A_147, %dma_start3A_148] : memref<6x100x16xf32, #tpu.memory_space<vmem>> -> memref<1x100x16xf32, #tpu.memory_space<vmem>>
    %dma_start3A_150 = tpu.memref_squeeze %dma_start3A_149 : memref<1x100x16xf32, #tpu.memory_space<vmem>> -> memref<100x16xf32, #tpu.memory_space<vmem>>
    %dma_start3A_151 = arith.constant 0 : i32
    %dma_start3A_152 = tpu.memref_slice %arg7[%dma_start3A_143, %dma_start3A_144, %dma_start3A_151] : memref<2x20x100xi32, #tpu.memory_space<vmem>> -> memref<1x1x100xi32, #tpu.memory_space<vmem>>
    %dma_start3A_153 = tpu.memref_squeeze %dma_start3A_152 : memref<1x1x100xi32, #tpu.memory_space<vmem>> -> memref<100xi32, #tpu.memory_space<vmem>>
    %dma_start3A_154 = arith.constant 0 : i32
    %dma_start3A_155 = arith.constant 0 : i32
    %dma_start3A_156 = tpu.memref_slice %arg2[%dma_start3A_154, %dma_start3A_155] : memref<100096x16xf32, #tpu.memory_space<hbm>> -> memref<100096x16xf32, #tpu.memory_space<hbm>>
    %dma_start3A_157 = tpu.memref_slice %arg12[%dma_start3A_146] : memref<6x!tpu.dma_semaphore, #tpu.memory_space<semaphore_mem>> -> memref<1x!tpu.dma_semaphore, #tpu.memory_space<semaphore_mem>>
    %dma_start3A_158 = tpu.memref_squeeze %dma_start3A_157 : memref<1x!tpu.dma_semaphore, #tpu.memory_space<semaphore_mem>> -> memref<!tpu.dma_semaphore, #tpu.memory_space<semaphore_mem>>
    tpu.enqueue_indirect_dma source(%dma_start3A_156 : memref<100096x16xf32, #tpu.memory_space<hbm>>) target(%dma_start3A_150 : memref<100x16xf32, #tpu.memory_space<vmem>>) offsets(%dma_start3A_153 : memref<100xi32, #tpu.memory_space<vmem>>) semaphore(%dma_start3A_158 : memref<!tpu.dma_semaphore, #tpu.memory_space<semaphore_mem>>)
    %dma_start3A_159 = arith.constant 0 : i32
    %dma_start3A_160 = arith.constant 1 : i32
    %dma_start3A_161 = arith.constant 1 : i32
    %dma_start3A_162 = arith.constant 1 : i32
    %dma_start3A_163 = arith.constant 0 : i32
    %dma_start3A_164 = arith.constant 0 : i32
    %dma_start3A_165 = tpu.memref_slice %arg8[%dma_start3A_161, %dma_start3A_163, %dma_start3A_164] : memref<6x100x16xf32, #tpu.memory_space<vmem>> -> memref<1x100x16xf32, #tpu.memory_space<vmem>>
    %dma_start3A_166 = tpu.memref_squeeze %dma_start3A_165 : memref<1x100x16xf32, #tpu.memory_space<vmem>> -> memref<100x16xf32, #tpu.memory_space<vmem>>
    %dma_start3A_167 = arith.constant 0 : i32
    %dma_start3A_168 = tpu.memref_slice %arg6[%dma_start3A_159, %dma_start3A_160, %dma_start3A_167] : memref<2x20x100xi32, #tpu.memory_space<vmem>> -> memref<1x1x100xi32, #tpu.memory_space<vmem>>
    %dma_start3A_169 = tpu.memref_squeeze %dma_start3A_168 : memref<1x1x100xi32, #tpu.memory_space<vmem>> -> memref<100xi32, #tpu.memory_space<vmem>>
    %dma_start3A_170 = arith.constant 0 : i32
    %dma_start3A_171 = arith.constant 0 : i32
    %dma_start3A_172 = tpu.memref_slice %arg2[%dma_start3A_170, %dma_start3A_171] : memref<100096x16xf32, #tpu.memory_space<hbm>> -> memref<100096x16xf32, #tpu.memory_space<hbm>>
    %dma_start3A_173 = tpu.memref_slice %arg11[%dma_start3A_162] : memref<6x!tpu.dma_semaphore, #tpu.memory_space<semaphore_mem>> -> memref<1x!tpu.dma_semaphore, #tpu.memory_space<semaphore_mem>>
    %dma_start3A_174 = tpu.memref_squeeze %dma_start3A_173 : memref<1x!tpu.dma_semaphore, #tpu.memory_space<semaphore_mem>> -> memref<!tpu.dma_semaphore, #tpu.memory_space<semaphore_mem>>
    tpu.enqueue_indirect_dma source(%dma_start3A_172 : memref<100096x16xf32, #tpu.memory_space<hbm>>) target(%dma_start3A_166 : memref<100x16xf32, #tpu.memory_space<vmem>>) offsets(%dma_start3A_169 : memref<100xi32, #tpu.memory_space<vmem>>) semaphore(%dma_start3A_174 : memref<!tpu.dma_semaphore, #tpu.memory_space<semaphore_mem>>)
    %dma_start3A_175 = arith.constant 0 : i32
    %dma_start3A_176 = arith.constant 1 : i32
    %dma_start3A_177 = arith.constant 1 : i32
    %dma_start3A_178 = arith.constant 1 : i32
    %dma_start3A_179 = arith.constant 0 : i32
    %dma_start3A_180 = arith.constant 0 : i32
    %dma_start3A_181 = tpu.memref_slice %arg9[%dma_start3A_177, %dma_start3A_179, %dma_start3A_180] : memref<6x100x16xf32, #tpu.memory_space<vmem>> -> memref<1x100x16xf32, #tpu.memory_space<vmem>>
    %dma_start3A_182 = tpu.memref_squeeze %dma_start3A_181 : memref<1x100x16xf32, #tpu.memory_space<vmem>> -> memref<100x16xf32, #tpu.memory_space<vmem>>
    %dma_start3A_183 = arith.constant 0 : i32
    %dma_start3A_184 = tpu.memref_slice %arg7[%dma_start3A_175, %dma_start3A_176, %dma_start3A_183] : memref<2x20x100xi32, #tpu.memory_space<vmem>> -> memref<1x1x100xi32, #tpu.memory_space<vmem>>
    %dma_start3A_185 = tpu.memref_squeeze %dma_start3A_184 : memref<1x1x100xi32, #tpu.memory_space<vmem>> -> memref<100xi32, #tpu.memory_space<vmem>>
    %dma_start3A_186 = arith.constant 0 : i32
    %dma_start3A_187 = arith.constant 0 : i32
    %dma_start3A_188 = tpu.memref_slice %arg2[%dma_start3A_186, %dma_start3A_187] : memref<100096x16xf32, #tpu.memory_space<hbm>> -> memref<100096x16xf32, #tpu.memory_space<hbm>>
    %dma_start3A_189 = tpu.memref_slice %arg12[%dma_start3A_178] : memref<6x!tpu.dma_semaphore, #tpu.memory_space<semaphore_mem>> -> memref<1x!tpu.dma_semaphore, #tpu.memory_space<semaphore_mem>>
    %dma_start3A_190 = tpu.memref_squeeze %dma_start3A_189 : memref<1x!tpu.dma_semaphore, #tpu.memory_space<semaphore_mem>> -> memref<!tpu.dma_semaphore, #tpu.memory_space<semaphore_mem>>
    tpu.enqueue_indirect_dma source(%dma_start3A_188 : memref<100096x16xf32, #tpu.memory_space<hbm>>) target(%dma_start3A_182 : memref<100x16xf32, #tpu.memory_space<vmem>>) offsets(%dma_start3A_185 : memref<100xi32, #tpu.memory_space<vmem>>) semaphore(%dma_start3A_190 : memref<!tpu.dma_semaphore, #tpu.memory_space<semaphore_mem>>)
    %dma_start3A_191 = arith.constant 0 : i32
    %dma_start3A_192 = arith.constant 2 : i32
    %dma_start3A_193 = arith.constant 2 : i32
    %dma_start3A_194 = arith.constant 2 : i32
    %dma_start3A_195 = arith.constant 0 : i32
    %dma_start3A_196 = arith.constant 0 : i32
    %dma_start3A_197 = tpu.memref_slice %arg8[%dma_start3A_193, %dma_start3A_195, %dma_start3A_196] : memref<6x100x16xf32, #tpu.memory_space<vmem>> -> memref<1x100x16xf32, #tpu.memory_space<vmem>>
    %dma_start3A_198 = tpu.memref_squeeze %dma_start3A_197 : memref<1x100x16xf32, #tpu.memory_space<vmem>> -> memref<100x16xf32, #tpu.memory_space<vmem>>
    %dma_start3A_199 = arith.constant 0 : i32
    %dma_start3A_200 = tpu.memref_slice %arg6[%dma_start3A_191, %dma_start3A_192, %dma_start3A_199] : memref<2x20x100xi32, #tpu.memory_space<vmem>> -> memref<1x1x100xi32, #tpu.memory_space<vmem>>
    %dma_start3A_201 = tpu.memref_squeeze %dma_start3A_200 : memref<1x1x100xi32, #tpu.memory_space<vmem>> -> memref<100xi32, #tpu.memory_space<vmem>>
    %dma_start3A_202 = arith.constant 0 : i32
    %dma_start3A_203 = arith.constant 0 : i32
    %dma_start3A_204 = tpu.memref_slice %arg2[%dma_start3A_202, %dma_start3A_203] : memref<100096x16xf32, #tpu.memory_space<hbm>> -> memref<100096x16xf32, #tpu.memory_space<hbm>>
    %dma_start3A_205 = tpu.memref_slice %arg11[%dma_start3A_194] : memref<6x!tpu.dma_semaphore, #tpu.memory_space<semaphore_mem>> -> memref<1x!tpu.dma_semaphore, #tpu.memory_space<semaphore_mem>>
    %dma_start3A_206 = tpu.memref_squeeze %dma_start3A_205 : memref<1x!tpu.dma_semaphore, #tpu.memory_space<semaphore_mem>> -> memref<!tpu.dma_semaphore, #tpu.memory_space<semaphore_mem>>
    tpu.enqueue_indirect_dma source(%dma_start3A_204 : memref<100096x16xf32, #tpu.memory_space<hbm>>) target(%dma_start3A_198 : memref<100x16xf32, #tpu.memory_space<vmem>>) offsets(%dma_start3A_201 : memref<100xi32, #tpu.memory_space<vmem>>) semaphore(%dma_start3A_206 : memref<!tpu.dma_semaphore, #tpu.memory_space<semaphore_mem>>)
    %dma_start3A_207 = arith.constant 0 : i32
    %dma_start3A_208 = arith.constant 2 : i32
    %dma_start3A_209 = arith.constant 2 : i32
    %dma_start3A_210 = arith.constant 2 : i32
    %dma_start3A_211 = arith.constant 0 : i32
    %dma_start3A_212 = arith.constant 0 : i32
    %dma_start3A_213 = tpu.memref_slice %arg9[%dma_start3A_209, %dma_start3A_211, %dma_start3A_212] : memref<6x100x16xf32, #tpu.memory_space<vmem>> -> memref<1x100x16xf32, #tpu.memory_space<vmem>>
    %dma_start3A_214 = tpu.memref_squeeze %dma_start3A_213 : memref<1x100x16xf32, #tpu.memory_space<vmem>> -> memref<100x16xf32, #tpu.memory_space<vmem>>
    %dma_start3A_215 = arith.constant 0 : i32
    %dma_start3A_216 = tpu.memref_slice %arg7[%dma_start3A_207, %dma_start3A_208, %dma_start3A_215] : memref<2x20x100xi32, #tpu.memory_space<vmem>> -> memref<1x1x100xi32, #tpu.memory_space<vmem>>
    %dma_start3A_217 = tpu.memref_squeeze %dma_start3A_216 : memref<1x1x100xi32, #tpu.memory_space<vmem>> -> memref<100xi32, #tpu.memory_space<vmem>>
    %dma_start3A_218 = arith.constant 0 : i32
    %dma_start3A_219 = arith.constant 0 : i32
    %dma_start3A_220 = tpu.memref_slice %arg2[%dma_start3A_218, %dma_start3A_219] : memref<100096x16xf32, #tpu.memory_space<hbm>> -> memref<100096x16xf32, #tpu.memory_space<hbm>>
    %dma_start3A_221 = tpu.memref_slice %arg12[%dma_start3A_210] : memref<6x!tpu.dma_semaphore, #tpu.memory_space<semaphore_mem>> -> memref<1x!tpu.dma_semaphore, #tpu.memory_space<semaphore_mem>>
    %dma_start3A_222 = tpu.memref_squeeze %dma_start3A_221 : memref<1x!tpu.dma_semaphore, #tpu.memory_space<semaphore_mem>> -> memref<!tpu.dma_semaphore, #tpu.memory_space<semaphore_mem>>
    tpu.enqueue_indirect_dma source(%dma_start3A_220 : memref<100096x16xf32, #tpu.memory_space<hbm>>) target(%dma_start3A_214 : memref<100x16xf32, #tpu.memory_space<vmem>>) offsets(%dma_start3A_217 : memref<100xi32, #tpu.memory_space<vmem>>) semaphore(%dma_start3A_222 : memref<!tpu.dma_semaphore, #tpu.memory_space<semaphore_mem>>)
    %scan3A = arith.constant 0 : i32
    %scan3A_223 = arith.constant 0 : i32
    %scan3A_224 = arith.constant 166 : i32
    %scan3A_225 = arith.addi %scan3A_223, %scan3A_224 : i32
    %scan3A_226 = arith.constant 1 : i32
    scf.for %scan3A_431 = %scan3A_223 to %scan3A_225 step %scan3A_226  : i32 {
      %mul3A_432 = arith.constant 6 : i32
      %mul3A_433 = arith.muli %mul3A_432, %scan3A_431 : i32
      %jit3A = arith.constant 20 : i32
      %div3A = arith.divsi %mul3A_433, %jit3A : i32
      %sign3A = arith.constant 0 : i32
      %sign3A_434 = arith.cmpi sgt, %mul3A_433, %sign3A : i32
      %sign3A_435 = arith.extui %sign3A_434 : i1 to i32
      %sign3A_436 = arith.constant 0 : i32
      %sign3A_437 = arith.cmpi slt, %mul3A_433, %sign3A_436 : i32
      %sign3A_438 = arith.extui %sign3A_437 : i1 to i32
      %sign3A_439 = arith.subi %sign3A_435, %sign3A_438 : i32
      %sign3A_440 = arith.constant 0 : i32
      %sign3A_441 = arith.cmpi sgt, %jit3A, %sign3A_440 : i32
      %sign3A_442 = arith.extui %sign3A_441 : i1 to i32
      %sign3A_443 = arith.constant 0 : i32
      %sign3A_444 = arith.cmpi slt, %jit3A, %sign3A_443 : i32
      %sign3A_445 = arith.extui %sign3A_444 : i1 to i32
      %sign3A_446 = arith.subi %sign3A_442, %sign3A_445 : i32
      %ne3A = arith.cmpi ne, %sign3A_439, %sign3A_446 : i32
      %rem3A = arith.remsi %mul3A_433, %jit3A : i32
      %ne3A_447 = arith.constant 0 : i32
      %ne3A_448 = arith.cmpi ne, %rem3A, %ne3A_447 : i32
      %and3A = arith.andi %ne3A, %ne3A_448 : i1
      %sub3A = arith.constant 1 : i32
      %sub3A_449 = arith.subi %div3A, %sub3A : i32
      %select_n3A = arith.select %and3A, %sub3A_449, %div3A : i32
      %mul3A_450 = arith.constant 20 : i32
      %mul3A_451 = arith.muli %select_n3A, %mul3A_450 : i32
      %sub3A_452 = arith.subi %mul3A_433, %mul3A_451 : i32
      %ge3A = arith.constant 4 : i32
      %ge3A_453 = arith.cmpi sge, %sub3A_452, %ge3A : i32
      %le3A = arith.constant 9 : i32
      %le3A_454 = arith.cmpi sle, %sub3A_452, %le3A : i32
      %and3A_455 = arith.andi %ge3A_453, %le3A_454 : i1
      %ge3A_456 = arith.constant 1 : i32
      %ge3A_457 = arith.cmpi sge, %select_n3A, %ge3A_456 : i32
      %and3A_458 = arith.andi %and3A_455, %ge3A_457 : i1
      %add3A_459 = arith.constant 1 : i32
      %add3A_460 = arith.addi %select_n3A, %add3A_459 : i32
      %lt3A = arith.constant 50 : i32
      %lt3A_461 = arith.cmpi slt, %add3A_460, %lt3A : i32
      %and3A_462 = arith.andi %and3A_458, %lt3A_461 : i1
      %convert_element_type3A = arith.extui %and3A_462 : i1 to i32
      %cond3A = arith.constant 0 : i32
      %cond3A_463 = arith.cmpi ne, %convert_element_type3A, %cond3A : i32
      scf.if %cond3A_463 {
        %add3A_1037 = arith.constant 1 : i32
        %add3A_1038 = arith.addi %select_n3A, %add3A_1037 : i32
        %add3A_1039 = arith.constant 1 : i32
        %add3A_1040 = arith.addi %select_n3A, %add3A_1039 : i32
        %rem3A_1041 = arith.constant 2 : i32
        %rem3A_1042 = arith.remsi %add3A_1040, %rem3A_1041 : i32
        %mul3A_1043 = arith.constant 20 : i32
        %mul3A_1044 = arith.muli %add3A_1038, %mul3A_1043 : i32
        %add3A_1045 = arith.addi %mul3A_6, %mul3A_1044 : i32
        %dma_start3A_1046 = arith.constant 0 : i32
        %dma_start3A_1047 = arith.constant 0 : i32
        %dma_start3A_1048 = arith.constant 0 : i32
        %dma_start3A_1049 = tpu.memref_slice %arg6[%rem3A_1042, %dma_start3A_1047, %dma_start3A_1048] : memref<2x20x100xi32, #tpu.memory_space<vmem>> -> memref<1x20x100xi32, #tpu.memory_space<vmem>>
        %dma_start3A_1050 = tpu.memref_squeeze %dma_start3A_1049 : memref<1x20x100xi32, #tpu.memory_space<vmem>> -> memref<20x100xi32, #tpu.memory_space<vmem>>
        %dma_start3A_1051 = arith.constant 0 : i32
        %dma_start3A_1052 = tpu.memref_slice %arg3[%dma_start3A_1046, %add3A_1045, %dma_start3A_1051] : memref<2x32000x100xi32, #tpu.memory_space<hbm>> -> memref<1x20x100xi32, #tpu.memory_space<hbm>>
        %dma_start3A_1053 = tpu.memref_squeeze %dma_start3A_1052 : memref<1x20x100xi32, #tpu.memory_space<hbm>> -> memref<20x100xi32, #tpu.memory_space<hbm>>
        %dma_start3A_1054 = tpu.memref_slice %arg15[%rem3A_1042] : memref<2x!tpu.dma_semaphore, #tpu.memory_space<semaphore_mem>> -> memref<1x!tpu.dma_semaphore, #tpu.memory_space<semaphore_mem>>
        %dma_start3A_1055 = tpu.memref_squeeze %dma_start3A_1054 : memref<1x!tpu.dma_semaphore, #tpu.memory_space<semaphore_mem>> -> memref<!tpu.dma_semaphore, #tpu.memory_space<semaphore_mem>>
        %dma_start3A_1056 = arith.constant 0 : i32
        %dma_start3A_1057 = arith.constant 0 : i32
        %dma_start3A_1058 = tpu.memref_slice %arg6[%rem3A_1042, %dma_start3A_1056, %dma_start3A_1057] : memref<2x20x100xi32, #tpu.memory_space<vmem>> -> memref<1x20x100xi32, #tpu.memory_space<vmem>>
        %dma_start3A_1059 = tpu.memref_squeeze %dma_start3A_1058 : memref<1x20x100xi32, #tpu.memory_space<vmem>> -> memref<20x100xi32, #tpu.memory_space<vmem>>
        %dma_start3A_1060 = arith.constant 0 : i32
        %dma_start3A_1061 = tpu.memref_slice %arg3[%dma_start3A_1046, %add3A_1045, %dma_start3A_1060] : memref<2x32000x100xi32, #tpu.memory_space<hbm>> -> memref<1x20x100xi32, #tpu.memory_space<hbm>>
        %dma_start3A_1062 = tpu.memref_squeeze %dma_start3A_1061 : memref<1x20x100xi32, #tpu.memory_space<hbm>> -> memref<20x100xi32, #tpu.memory_space<hbm>>
        tpu.enqueue_dma source(%dma_start3A_1062 : memref<20x100xi32, #tpu.memory_space<hbm>>) target(%dma_start3A_1059 : memref<20x100xi32, #tpu.memory_space<vmem>>) target_semaphore(%dma_start3A_1055 : memref<!tpu.dma_semaphore, #tpu.memory_space<semaphore_mem>>)
        %dma_start3A_1063 = arith.constant 1 : i32
        %dma_start3A_1064 = arith.constant 0 : i32
        %dma_start3A_1065 = arith.constant 0 : i32
        %dma_start3A_1066 = tpu.memref_slice %arg7[%rem3A_1042, %dma_start3A_1064, %dma_start3A_1065] : memref<2x20x100xi32, #tpu.memory_space<vmem>> -> memref<1x20x100xi32, #tpu.memory_space<vmem>>
        %dma_start3A_1067 = tpu.memref_squeeze %dma_start3A_1066 : memref<1x20x100xi32, #tpu.memory_space<vmem>> -> memref<20x100xi32, #tpu.memory_space<vmem>>
        %dma_start3A_1068 = arith.constant 0 : i32
        %dma_start3A_1069 = tpu.memref_slice %arg3[%dma_start3A_1063, %add3A_1045, %dma_start3A_1068] : memref<2x32000x100xi32, #tpu.memory_space<hbm>> -> memref<1x20x100xi32, #tpu.memory_space<hbm>>
        %dma_start3A_1070 = tpu.memref_squeeze %dma_start3A_1069 : memref<1x20x100xi32, #tpu.memory_space<hbm>> -> memref<20x100xi32, #tpu.memory_space<hbm>>
        %dma_start3A_1071 = tpu.memref_slice %arg15[%rem3A_1042] : memref<2x!tpu.dma_semaphore, #tpu.memory_space<semaphore_mem>> -> memref<1x!tpu.dma_semaphore, #tpu.memory_space<semaphore_mem>>
        %dma_start3A_1072 = tpu.memref_squeeze %dma_start3A_1071 : memref<1x!tpu.dma_semaphore, #tpu.memory_space<semaphore_mem>> -> memref<!tpu.dma_semaphore, #tpu.memory_space<semaphore_mem>>
        %dma_start3A_1073 = arith.constant 0 : i32
        %dma_start3A_1074 = arith.constant 0 : i32
        %dma_start3A_1075 = tpu.memref_slice %arg7[%rem3A_1042, %dma_start3A_1073, %dma_start3A_1074] : memref<2x20x100xi32, #tpu.memory_space<vmem>> -> memref<1x20x100xi32, #tpu.memory_space<vmem>>
        %dma_start3A_1076 = tpu.memref_squeeze %dma_start3A_1075 : memref<1x20x100xi32, #tpu.memory_space<vmem>> -> memref<20x100xi32, #tpu.memory_space<vmem>>
        %dma_start3A_1077 = arith.constant 0 : i32
        %dma_start3A_1078 = tpu.memref_slice %arg3[%dma_start3A_1063, %add3A_1045, %dma_start3A_1077] : memref<2x32000x100xi32, #tpu.memory_space<hbm>> -> memref<1x20x100xi32, #tpu.memory_space<hbm>>
        %dma_start3A_1079 = tpu.memref_squeeze %dma_start3A_1078 : memref<1x20x100xi32, #tpu.memory_space<hbm>> -> memref<20x100xi32, #tpu.memory_space<hbm>>
        tpu.enqueue_dma source(%dma_start3A_1079 : memref<20x100xi32, #tpu.memory_space<hbm>>) target(%dma_start3A_1076 : memref<20x100xi32, #tpu.memory_space<vmem>>) target_semaphore(%dma_start3A_1072 : memref<!tpu.dma_semaphore, #tpu.memory_space<semaphore_mem>>)
      } else {
      }
      %ge3A_464 = arith.constant 12 : i32
      %ge3A_465 = arith.cmpi sge, %sub3A_452, %ge3A_464 : i32
      %le3A_466 = arith.constant 17 : i32
      %le3A_467 = arith.cmpi sle, %sub3A_452, %le3A_466 : i32
      %and3A_468 = arith.andi %ge3A_465, %le3A_467 : i1
      %add3A_469 = arith.constant 1 : i32
      %add3A_470 = arith.addi %select_n3A, %add3A_469 : i32
      %lt3A_471 = arith.constant 50 : i32
      %lt3A_472 = arith.cmpi slt, %add3A_470, %lt3A_471 : i32
      %and3A_473 = arith.andi %and3A_468, %lt3A_472 : i1
      %convert_element_type3A_474 = arith.extui %and3A_473 : i1 to i32
      %cond3A_475 = arith.constant 0 : i32
      %cond3A_476 = arith.cmpi ne, %convert_element_type3A_474, %cond3A_475 : i32
      scf.if %cond3A_476 {
        %add3A_1037 = arith.constant 1 : i32
        %add3A_1038 = arith.addi %select_n3A, %add3A_1037 : i32
        %rem3A_1039 = arith.constant 2 : i32
        %rem3A_1040 = arith.remsi %add3A_1038, %rem3A_1039 : i32
        %dma_wait3A_1041 = arith.constant 0 : i32
        %dma_wait3A_1042 = arith.constant 0 : i32
        %dma_wait3A_1043 = arith.constant 0 : i32
        %dma_wait3A_1044 = tpu.memref_slice %arg6[%rem3A_1040, %dma_wait3A_1042, %dma_wait3A_1043] : memref<2x20x100xi32, #tpu.memory_space<vmem>> -> memref<1x20x100xi32, #tpu.memory_space<vmem>>
        %dma_wait3A_1045 = tpu.memref_squeeze %dma_wait3A_1044 : memref<1x20x100xi32, #tpu.memory_space<vmem>> -> memref<20x100xi32, #tpu.memory_space<vmem>>
        %dma_wait3A_1046 = arith.constant 0 : i32
        %dma_wait3A_1047 = arith.constant 0 : i32
        %dma_wait3A_1048 = tpu.memref_slice %arg3[%dma_wait3A_1041, %dma_wait3A_1046, %dma_wait3A_1047] : memref<2x32000x100xi32, #tpu.memory_space<hbm>> -> memref<1x20x100xi32, #tpu.memory_space<hbm>>
        %dma_wait3A_1049 = tpu.memref_squeeze %dma_wait3A_1048 : memref<1x20x100xi32, #tpu.memory_space<hbm>> -> memref<20x100xi32, #tpu.memory_space<hbm>>
        %dma_wait3A_1050 = tpu.memref_slice %arg15[%rem3A_1040] : memref<2x!tpu.dma_semaphore, #tpu.memory_space<semaphore_mem>> -> memref<1x!tpu.dma_semaphore, #tpu.memory_space<semaphore_mem>>
        %dma_wait3A_1051 = tpu.memref_squeeze %dma_wait3A_1050 : memref<1x!tpu.dma_semaphore, #tpu.memory_space<semaphore_mem>> -> memref<!tpu.dma_semaphore, #tpu.memory_space<semaphore_mem>>
        %dma_wait3A_1052 = arith.constant 0 : i32
        %dma_wait3A_1053 = arith.constant 0 : i32
        %dma_wait3A_1054 = tpu.memref_slice %arg6[%rem3A_1040, %dma_wait3A_1052, %dma_wait3A_1053] : memref<2x20x100xi32, #tpu.memory_space<vmem>> -> memref<1x20x100xi32, #tpu.memory_space<vmem>>
        %dma_wait3A_1055 = tpu.memref_squeeze %dma_wait3A_1054 : memref<1x20x100xi32, #tpu.memory_space<vmem>> -> memref<20x100xi32, #tpu.memory_space<vmem>>
        %dma_wait3A_1056 = arith.constant 0 : i32
        %dma_wait3A_1057 = arith.constant 0 : i32
        %dma_wait3A_1058 = tpu.memref_slice %arg3[%dma_wait3A_1041, %dma_wait3A_1056, %dma_wait3A_1057] : memref<2x32000x100xi32, #tpu.memory_space<hbm>> -> memref<1x20x100xi32, #tpu.memory_space<hbm>>
        %dma_wait3A_1059 = tpu.memref_squeeze %dma_wait3A_1058 : memref<1x20x100xi32, #tpu.memory_space<hbm>> -> memref<20x100xi32, #tpu.memory_space<hbm>>
        tpu.wait_dma2 semaphore(%dma_wait3A_1051 : memref<!tpu.dma_semaphore, #tpu.memory_space<semaphore_mem>>) src(%dma_wait3A_1059 : memref<20x100xi32, #tpu.memory_space<hbm>>) dst(%dma_wait3A_1055 : memref<20x100xi32, #tpu.memory_space<vmem>>)
        %dma_wait3A_1060 = arith.constant 1 : i32
        %dma_wait3A_1061 = arith.constant 0 : i32
        %dma_wait3A_1062 = arith.constant 0 : i32
        %dma_wait3A_1063 = tpu.memref_slice %arg7[%rem3A_1040, %dma_wait3A_1061, %dma_wait3A_1062] : memref<2x20x100xi32, #tpu.memory_space<vmem>> -> memref<1x20x100xi32, #tpu.memory_space<vmem>>
        %dma_wait3A_1064 = tpu.memref_squeeze %dma_wait3A_1063 : memref<1x20x100xi32, #tpu.memory_space<vmem>> -> memref<20x100xi32, #tpu.memory_space<vmem>>
        %dma_wait3A_1065 = arith.constant 0 : i32
        %dma_wait3A_1066 = arith.constant 0 : i32
        %dma_wait3A_1067 = tpu.memref_slice %arg3[%dma_wait3A_1060, %dma_wait3A_1065, %dma_wait3A_1066] : memref<2x32000x100xi32, #tpu.memory_space<hbm>> -> memref<1x20x100xi32, #tpu.memory_space<hbm>>
        %dma_wait3A_1068 = tpu.memref_squeeze %dma_wait3A_1067 : memref<1x20x100xi32, #tpu.memory_space<hbm>> -> memref<20x100xi32, #tpu.memory_space<hbm>>
        %dma_wait3A_1069 = tpu.memref_slice %arg15[%rem3A_1040] : memref<2x!tpu.dma_semaphore, #tpu.memory_space<semaphore_mem>> -> memref<1x!tpu.dma_semaphore, #tpu.memory_space<semaphore_mem>>
        %dma_wait3A_1070 = tpu.memref_squeeze %dma_wait3A_1069 : memref<1x!tpu.dma_semaphore, #tpu.memory_space<semaphore_mem>> -> memref<!tpu.dma_semaphore, #tpu.memory_space<semaphore_mem>>
        %dma_wait3A_1071 = arith.constant 0 : i32
        %dma_wait3A_1072 = arith.constant 0 : i32
        %dma_wait3A_1073 = tpu.memref_slice %arg7[%rem3A_1040, %dma_wait3A_1071, %dma_wait3A_1072] : memref<2x20x100xi32, #tpu.memory_space<vmem>> -> memref<1x20x100xi32, #tpu.memory_space<vmem>>
        %dma_wait3A_1074 = tpu.memref_squeeze %dma_wait3A_1073 : memref<1x20x100xi32, #tpu.memory_space<vmem>> -> memref<20x100xi32, #tpu.memory_space<vmem>>
        %dma_wait3A_1075 = arith.constant 0 : i32
        %dma_wait3A_1076 = arith.constant 0 : i32
        %dma_wait3A_1077 = tpu.memref_slice %arg3[%dma_wait3A_1060, %dma_wait3A_1075, %dma_wait3A_1076] : memref<2x32000x100xi32, #tpu.memory_space<hbm>> -> memref<1x20x100xi32, #tpu.memory_space<hbm>>
        %dma_wait3A_1078 = tpu.memref_squeeze %dma_wait3A_1077 : memref<1x20x100xi32, #tpu.memory_space<hbm>> -> memref<20x100xi32, #tpu.memory_space<hbm>>
        tpu.wait_dma2 semaphore(%dma_wait3A_1070 : memref<!tpu.dma_semaphore, #tpu.memory_space<semaphore_mem>>) src(%dma_wait3A_1078 : memref<20x100xi32, #tpu.memory_space<hbm>>) dst(%dma_wait3A_1074 : memref<20x100xi32, #tpu.memory_space<vmem>>)
      } else {
      }
      %add3A_477 = arith.constant 3 : i32
      %add3A_478 = arith.addi %sub3A_452, %add3A_477 : i32
      %ge3A_479 = arith.constant 20 : i32
      %ge3A_480 = arith.cmpi sge, %add3A_478, %ge3A_479 : i32
      %jit3A_481 = arith.constant 1 : i32
      %jit3A_482 = arith.constant 0 : i32
      %select_n3A_483 = arith.select %ge3A_480, %jit3A_481, %jit3A_482 : i32
      %add3A_484 = arith.addi %select_n3A, %select_n3A_483 : i32
      %rem3A_485 = arith.constant 2 : i32
      %rem3A_486 = arith.remsi %add3A_484, %rem3A_485 : i32
      %mul3A_487 = arith.constant 20 : i32
      %mul3A_488 = arith.muli %mul3A_487, %select_n3A_483 : i32
      %sub3A_489 = arith.subi %add3A_478, %mul3A_488 : i32
      %ge3A_490 = arith.constant 1 : i32
      %ge3A_491 = arith.cmpi sge, %scan3A_431, %ge3A_490 : i32
      %convert_element_type3A_492 = arith.extui %ge3A_491 : i1 to i32
      %cond3A_493 = arith.constant 0 : i32
      %cond3A_494 = arith.cmpi ne, %convert_element_type3A_492, %cond3A_493 : i32
      scf.if %cond3A_494 {
        %dma_wait3A_1037 = arith.constant 3 : i32
        %dma_wait3A_1038 = arith.constant 0 : i32
        %dma_wait3A_1039 = arith.constant 0 : i32
        %dma_wait3A_1040 = arith.constant 3 : i32
        %dma_wait3A_1041 = arith.constant 0 : i32
        %dma_wait3A_1042 = arith.constant 0 : i32
        %dma_wait3A_1043 = tpu.memref_slice %arg8[%dma_wait3A_1037, %dma_wait3A_1041, %dma_wait3A_1042] : memref<6x100x16xf32, #tpu.memory_space<vmem>> -> memref<1x100x16xf32, #tpu.memory_space<vmem>>
        %dma_wait3A_1044 = tpu.memref_squeeze %dma_wait3A_1043 : memref<1x100x16xf32, #tpu.memory_space<vmem>> -> memref<100x16xf32, #tpu.memory_space<vmem>>
        %dma_wait3A_1045 = arith.constant 0 : i32
        %dma_wait3A_1046 = tpu.memref_slice %arg7[%dma_wait3A_1038, %dma_wait3A_1039, %dma_wait3A_1045] : memref<2x20x100xi32, #tpu.memory_space<vmem>> -> memref<1x1x100xi32, #tpu.memory_space<vmem>>
        %dma_wait3A_1047 = tpu.memref_squeeze %dma_wait3A_1046 : memref<1x1x100xi32, #tpu.memory_space<vmem>> -> memref<100xi32, #tpu.memory_space<vmem>>
        %dma_wait3A_1048 = arith.constant 0 : i32
        %dma_wait3A_1049 = arith.constant 0 : i32
        %dma_wait3A_1050 = tpu.memref_slice %arg10[%dma_wait3A_1048, %dma_wait3A_1049] : memref<100096x16xf32, #tpu.memory_space<vmem_shared>> -> memref<100096x16xf32, #tpu.memory_space<vmem_shared>>
        %dma_wait3A_1051 = tpu.memref_slice %arg13[%dma_wait3A_1040] : memref<6x!tpu.dma_semaphore, #tpu.memory_space<semaphore_mem>> -> memref<1x!tpu.dma_semaphore, #tpu.memory_space<semaphore_mem>>
        %dma_wait3A_1052 = tpu.memref_squeeze %dma_wait3A_1051 : memref<1x!tpu.dma_semaphore, #tpu.memory_space<semaphore_mem>> -> memref<!tpu.dma_semaphore, #tpu.memory_space<semaphore_mem>>
        tpu.wait_indirect_dma semaphore(%dma_wait3A_1052 : memref<!tpu.dma_semaphore, #tpu.memory_space<semaphore_mem>>) src(%dma_wait3A_1044 : memref<100x16xf32, #tpu.memory_space<vmem>>) dst(%dma_wait3A_1050 : memref<100096x16xf32, #tpu.memory_space<vmem_shared>>)
        %dma_wait3A_1053 = arith.constant 3 : i32
        %dma_wait3A_1054 = arith.constant 0 : i32
        %dma_wait3A_1055 = arith.constant 0 : i32
        %dma_wait3A_1056 = arith.constant 3 : i32
        %dma_wait3A_1057 = arith.constant 0 : i32
        %dma_wait3A_1058 = arith.constant 0 : i32
        %dma_wait3A_1059 = tpu.memref_slice %arg9[%dma_wait3A_1053, %dma_wait3A_1057, %dma_wait3A_1058] : memref<6x100x16xf32, #tpu.memory_space<vmem>> -> memref<1x100x16xf32, #tpu.memory_space<vmem>>
        %dma_wait3A_1060 = tpu.memref_squeeze %dma_wait3A_1059 : memref<1x100x16xf32, #tpu.memory_space<vmem>> -> memref<100x16xf32, #tpu.memory_space<vmem>>
        %dma_wait3A_1061 = arith.constant 0 : i32
        %dma_wait3A_1062 = tpu.memref_slice %arg6[%dma_wait3A_1054, %dma_wait3A_1055, %dma_wait3A_1061] : memref<2x20x100xi32, #tpu.memory_space<vmem>> -> memref<1x1x100xi32, #tpu.memory_space<vmem>>
        %dma_wait3A_1063 = tpu.memref_squeeze %dma_wait3A_1062 : memref<1x1x100xi32, #tpu.memory_space<vmem>> -> memref<100xi32, #tpu.memory_space<vmem>>
        %dma_wait3A_1064 = arith.constant 0 : i32
        %dma_wait3A_1065 = arith.constant 0 : i32
        %dma_wait3A_1066 = tpu.memref_slice %arg10[%dma_wait3A_1064, %dma_wait3A_1065] : memref<100096x16xf32, #tpu.memory_space<vmem_shared>> -> memref<100096x16xf32, #tpu.memory_space<vmem_shared>>
        %dma_wait3A_1067 = tpu.memref_slice %arg14[%dma_wait3A_1056] : memref<6x!tpu.dma_semaphore, #tpu.memory_space<semaphore_mem>> -> memref<1x!tpu.dma_semaphore, #tpu.memory_space<semaphore_mem>>
        %dma_wait3A_1068 = tpu.memref_squeeze %dma_wait3A_1067 : memref<1x!tpu.dma_semaphore, #tpu.memory_space<semaphore_mem>> -> memref<!tpu.dma_semaphore, #tpu.memory_space<semaphore_mem>>
        tpu.wait_indirect_dma semaphore(%dma_wait3A_1068 : memref<!tpu.dma_semaphore, #tpu.memory_space<semaphore_mem>>) src(%dma_wait3A_1060 : memref<100x16xf32, #tpu.memory_space<vmem>>) dst(%dma_wait3A_1066 : memref<100096x16xf32, #tpu.memory_space<vmem_shared>>)
        %dma_start3A_1069 = arith.constant 3 : i32
        %dma_start3A_1070 = arith.constant 3 : i32
        %dma_start3A_1071 = arith.constant 0 : i32
        %dma_start3A_1072 = arith.constant 0 : i32
        %dma_start3A_1073 = tpu.memref_slice %arg8[%dma_start3A_1069, %dma_start3A_1071, %dma_start3A_1072] : memref<6x100x16xf32, #tpu.memory_space<vmem>> -> memref<1x100x16xf32, #tpu.memory_space<vmem>>
        %dma_start3A_1074 = tpu.memref_squeeze %dma_start3A_1073 : memref<1x100x16xf32, #tpu.memory_space<vmem>> -> memref<100x16xf32, #tpu.memory_space<vmem>>
        %dma_start3A_1075 = arith.constant 0 : i32
        %dma_start3A_1076 = tpu.memref_slice %arg6[%rem3A_486, %sub3A_489, %dma_start3A_1075] : memref<2x20x100xi32, #tpu.memory_space<vmem>> -> memref<1x1x100xi32, #tpu.memory_space<vmem>>
        %dma_start3A_1077 = tpu.memref_squeeze %dma_start3A_1076 : memref<1x1x100xi32, #tpu.memory_space<vmem>> -> memref<100xi32, #tpu.memory_space<vmem>>
        %dma_start3A_1078 = arith.constant 0 : i32
        %dma_start3A_1079 = arith.constant 0 : i32
        %dma_start3A_1080 = tpu.memref_slice %arg2[%dma_start3A_1078, %dma_start3A_1079] : memref<100096x16xf32, #tpu.memory_space<hbm>> -> memref<100096x16xf32, #tpu.memory_space<hbm>>
        %dma_start3A_1081 = tpu.memref_slice %arg11[%dma_start3A_1070] : memref<6x!tpu.dma_semaphore, #tpu.memory_space<semaphore_mem>> -> memref<1x!tpu.dma_semaphore, #tpu.memory_space<semaphore_mem>>
        %dma_start3A_1082 = tpu.memref_squeeze %dma_start3A_1081 : memref<1x!tpu.dma_semaphore, #tpu.memory_space<semaphore_mem>> -> memref<!tpu.dma_semaphore, #tpu.memory_space<semaphore_mem>>
        tpu.enqueue_indirect_dma source(%dma_start3A_1080 : memref<100096x16xf32, #tpu.memory_space<hbm>>) target(%dma_start3A_1074 : memref<100x16xf32, #tpu.memory_space<vmem>>) offsets(%dma_start3A_1077 : memref<100xi32, #tpu.memory_space<vmem>>) semaphore(%dma_start3A_1082 : memref<!tpu.dma_semaphore, #tpu.memory_space<semaphore_mem>>)
        %dma_start3A_1083 = arith.constant 3 : i32
        %dma_start3A_1084 = arith.constant 3 : i32
        %dma_start3A_1085 = arith.constant 0 : i32
        %dma_start3A_1086 = arith.constant 0 : i32
        %dma_start3A_1087 = tpu.memref_slice %arg9[%dma_start3A_1083, %dma_start3A_1085, %dma_start3A_1086] : memref<6x100x16xf32, #tpu.memory_space<vmem>> -> memref<1x100x16xf32, #tpu.memory_space<vmem>>
        %dma_start3A_1088 = tpu.memref_squeeze %dma_start3A_1087 : memref<1x100x16xf32, #tpu.memory_space<vmem>> -> memref<100x16xf32, #tpu.memory_space<vmem>>
        %dma_start3A_1089 = arith.constant 0 : i32
        %dma_start3A_1090 = tpu.memref_slice %arg7[%rem3A_486, %sub3A_489, %dma_start3A_1089] : memref<2x20x100xi32, #tpu.memory_space<vmem>> -> memref<1x1x100xi32, #tpu.memory_space<vmem>>
        %dma_start3A_1091 = tpu.memref_squeeze %dma_start3A_1090 : memref<1x1x100xi32, #tpu.memory_space<vmem>> -> memref<100xi32, #tpu.memory_space<vmem>>
        %dma_start3A_1092 = arith.constant 0 : i32
        %dma_start3A_1093 = arith.constant 0 : i32
        %dma_start3A_1094 = tpu.memref_slice %arg2[%dma_start3A_1092, %dma_start3A_1093] : memref<100096x16xf32, #tpu.memory_space<hbm>> -> memref<100096x16xf32, #tpu.memory_space<hbm>>
        %dma_start3A_1095 = tpu.memref_slice %arg12[%dma_start3A_1084] : memref<6x!tpu.dma_semaphore, #tpu.memory_space<semaphore_mem>> -> memref<1x!tpu.dma_semaphore, #tpu.memory_space<semaphore_mem>>
        %dma_start3A_1096 = tpu.memref_squeeze %dma_start3A_1095 : memref<1x!tpu.dma_semaphore, #tpu.memory_space<semaphore_mem>> -> memref<!tpu.dma_semaphore, #tpu.memory_space<semaphore_mem>>
        tpu.enqueue_indirect_dma source(%dma_start3A_1094 : memref<100096x16xf32, #tpu.memory_space<hbm>>) target(%dma_start3A_1088 : memref<100x16xf32, #tpu.memory_space<vmem>>) offsets(%dma_start3A_1091 : memref<100xi32, #tpu.memory_space<vmem>>) semaphore(%dma_start3A_1096 : memref<!tpu.dma_semaphore, #tpu.memory_space<semaphore_mem>>)
      } else {
      }
      %eq3A = arith.constant 0 : i32
      %eq3A_495 = arith.cmpi eq, %scan3A_431, %eq3A : i32
      %convert_element_type3A_496 = arith.extui %eq3A_495 : i1 to i32
      %cond3A_497 = arith.constant 0 : i32
      %cond3A_498 = arith.cmpi ne, %convert_element_type3A_496, %cond3A_497 : i32
      scf.if %cond3A_498 {
        %dma_start3A_1037 = arith.constant 3 : i32
        %dma_start3A_1038 = arith.constant 3 : i32
        %dma_start3A_1039 = arith.constant 0 : i32
        %dma_start3A_1040 = arith.constant 0 : i32
        %dma_start3A_1041 = tpu.memref_slice %arg8[%dma_start3A_1037, %dma_start3A_1039, %dma_start3A_1040] : memref<6x100x16xf32, #tpu.memory_space<vmem>> -> memref<1x100x16xf32, #tpu.memory_space<vmem>>
        %dma_start3A_1042 = tpu.memref_squeeze %dma_start3A_1041 : memref<1x100x16xf32, #tpu.memory_space<vmem>> -> memref<100x16xf32, #tpu.memory_space<vmem>>
        %dma_start3A_1043 = arith.constant 0 : i32
        %dma_start3A_1044 = tpu.memref_slice %arg6[%rem3A_486, %sub3A_489, %dma_start3A_1043] : memref<2x20x100xi32, #tpu.memory_space<vmem>> -> memref<1x1x100xi32, #tpu.memory_space<vmem>>
        %dma_start3A_1045 = tpu.memref_squeeze %dma_start3A_1044 : memref<1x1x100xi32, #tpu.memory_space<vmem>> -> memref<100xi32, #tpu.memory_space<vmem>>
        %dma_start3A_1046 = arith.constant 0 : i32
        %dma_start3A_1047 = arith.constant 0 : i32
        %dma_start3A_1048 = tpu.memref_slice %arg2[%dma_start3A_1046, %dma_start3A_1047] : memref<100096x16xf32, #tpu.memory_space<hbm>> -> memref<100096x16xf32, #tpu.memory_space<hbm>>
        %dma_start3A_1049 = tpu.memref_slice %arg11[%dma_start3A_1038] : memref<6x!tpu.dma_semaphore, #tpu.memory_space<semaphore_mem>> -> memref<1x!tpu.dma_semaphore, #tpu.memory_space<semaphore_mem>>
        %dma_start3A_1050 = tpu.memref_squeeze %dma_start3A_1049 : memref<1x!tpu.dma_semaphore, #tpu.memory_space<semaphore_mem>> -> memref<!tpu.dma_semaphore, #tpu.memory_space<semaphore_mem>>
        tpu.enqueue_indirect_dma source(%dma_start3A_1048 : memref<100096x16xf32, #tpu.memory_space<hbm>>) target(%dma_start3A_1042 : memref<100x16xf32, #tpu.memory_space<vmem>>) offsets(%dma_start3A_1045 : memref<100xi32, #tpu.memory_space<vmem>>) semaphore(%dma_start3A_1050 : memref<!tpu.dma_semaphore, #tpu.memory_space<semaphore_mem>>)
        %dma_start3A_1051 = arith.constant 3 : i32
        %dma_start3A_1052 = arith.constant 3 : i32
        %dma_start3A_1053 = arith.constant 0 : i32
        %dma_start3A_1054 = arith.constant 0 : i32
        %dma_start3A_1055 = tpu.memref_slice %arg9[%dma_start3A_1051, %dma_start3A_1053, %dma_start3A_1054] : memref<6x100x16xf32, #tpu.memory_space<vmem>> -> memref<1x100x16xf32, #tpu.memory_space<vmem>>
        %dma_start3A_1056 = tpu.memref_squeeze %dma_start3A_1055 : memref<1x100x16xf32, #tpu.memory_space<vmem>> -> memref<100x16xf32, #tpu.memory_space<vmem>>
        %dma_start3A_1057 = arith.constant 0 : i32
        %dma_start3A_1058 = tpu.memref_slice %arg7[%rem3A_486, %sub3A_489, %dma_start3A_1057] : memref<2x20x100xi32, #tpu.memory_space<vmem>> -> memref<1x1x100xi32, #tpu.memory_space<vmem>>
        %dma_start3A_1059 = tpu.memref_squeeze %dma_start3A_1058 : memref<1x1x100xi32, #tpu.memory_space<vmem>> -> memref<100xi32, #tpu.memory_space<vmem>>
        %dma_start3A_1060 = arith.constant 0 : i32
        %dma_start3A_1061 = arith.constant 0 : i32
        %dma_start3A_1062 = tpu.memref_slice %arg2[%dma_start3A_1060, %dma_start3A_1061] : memref<100096x16xf32, #tpu.memory_space<hbm>> -> memref<100096x16xf32, #tpu.memory_space<hbm>>
        %dma_start3A_1063 = tpu.memref_slice %arg12[%dma_start3A_1052] : memref<6x!tpu.dma_semaphore, #tpu.memory_space<semaphore_mem>> -> memref<1x!tpu.dma_semaphore, #tpu.memory_space<semaphore_mem>>
        %dma_start3A_1064 = tpu.memref_squeeze %dma_start3A_1063 : memref<1x!tpu.dma_semaphore, #tpu.memory_space<semaphore_mem>> -> memref<!tpu.dma_semaphore, #tpu.memory_space<semaphore_mem>>
        tpu.enqueue_indirect_dma source(%dma_start3A_1062 : memref<100096x16xf32, #tpu.memory_space<hbm>>) target(%dma_start3A_1056 : memref<100x16xf32, #tpu.memory_space<vmem>>) offsets(%dma_start3A_1059 : memref<100xi32, #tpu.memory_space<vmem>>) semaphore(%dma_start3A_1064 : memref<!tpu.dma_semaphore, #tpu.memory_space<semaphore_mem>>)
      } else {
      }
      %add3A_499 = arith.constant 0 : i32
      %add3A_500 = arith.addi %sub3A_452, %add3A_499 : i32
      %ge3A_501 = arith.constant 20 : i32
      %ge3A_502 = arith.cmpi sge, %add3A_500, %ge3A_501 : i32
      %jit3A_503 = arith.constant 1 : i32
      %jit3A_504 = arith.constant 0 : i32
      %select_n3A_505 = arith.select %ge3A_502, %jit3A_503, %jit3A_504 : i32
      %add3A_506 = arith.addi %select_n3A, %select_n3A_505 : i32
      %rem3A_507 = arith.constant 2 : i32
      %rem3A_508 = arith.remsi %add3A_506, %rem3A_507 : i32
      %mul3A_509 = arith.constant 20 : i32
      %mul3A_510 = arith.muli %mul3A_509, %select_n3A_505 : i32
      %sub3A_511 = arith.subi %add3A_500, %mul3A_510 : i32
      %dma_wait3A_512 = arith.constant 0 : i32
      %dma_wait3A_513 = arith.constant 0 : i32
      %dma_wait3A_514 = arith.constant 0 : i32
      %dma_wait3A_515 = arith.constant 0 : i32
      %dma_wait3A_516 = arith.constant 0 : i32
      %dma_wait3A_517 = arith.constant 0 : i32
      %dma_wait3A_518 = tpu.memref_slice %arg8[%dma_wait3A_514, %dma_wait3A_516, %dma_wait3A_517] : memref<6x100x16xf32, #tpu.memory_space<vmem>> -> memref<1x100x16xf32, #tpu.memory_space<vmem>>
      %dma_wait3A_519 = tpu.memref_squeeze %dma_wait3A_518 : memref<1x100x16xf32, #tpu.memory_space<vmem>> -> memref<100x16xf32, #tpu.memory_space<vmem>>
      %dma_wait3A_520 = arith.constant 0 : i32
      %dma_wait3A_521 = tpu.memref_slice %arg6[%dma_wait3A_512, %dma_wait3A_513, %dma_wait3A_520] : memref<2x20x100xi32, #tpu.memory_space<vmem>> -> memref<1x1x100xi32, #tpu.memory_space<vmem>>
      %dma_wait3A_522 = tpu.memref_squeeze %dma_wait3A_521 : memref<1x1x100xi32, #tpu.memory_space<vmem>> -> memref<100xi32, #tpu.memory_space<vmem>>
      %dma_wait3A_523 = arith.constant 0 : i32
      %dma_wait3A_524 = arith.constant 0 : i32
      %dma_wait3A_525 = tpu.memref_slice %arg2[%dma_wait3A_523, %dma_wait3A_524] : memref<100096x16xf32, #tpu.memory_space<hbm>> -> memref<100096x16xf32, #tpu.memory_space<hbm>>
      %dma_wait3A_526 = tpu.memref_slice %arg11[%dma_wait3A_515] : memref<6x!tpu.dma_semaphore, #tpu.memory_space<semaphore_mem>> -> memref<1x!tpu.dma_semaphore, #tpu.memory_space<semaphore_mem>>
      %dma_wait3A_527 = tpu.memref_squeeze %dma_wait3A_526 : memref<1x!tpu.dma_semaphore, #tpu.memory_space<semaphore_mem>> -> memref<!tpu.dma_semaphore, #tpu.memory_space<semaphore_mem>>
      tpu.wait_indirect_dma semaphore(%dma_wait3A_527 : memref<!tpu.dma_semaphore, #tpu.memory_space<semaphore_mem>>) src(%dma_wait3A_525 : memref<100096x16xf32, #tpu.memory_space<hbm>>) dst(%dma_wait3A_519 : memref<100x16xf32, #tpu.memory_space<vmem>>)
      %dma_wait3A_528 = arith.constant 0 : i32
      %dma_wait3A_529 = arith.constant 0 : i32
      %dma_wait3A_530 = arith.constant 0 : i32
      %dma_wait3A_531 = arith.constant 0 : i32
      %dma_wait3A_532 = arith.constant 0 : i32
      %dma_wait3A_533 = arith.constant 0 : i32
      %dma_wait3A_534 = tpu.memref_slice %arg9[%dma_wait3A_530, %dma_wait3A_532, %dma_wait3A_533] : memref<6x100x16xf32, #tpu.memory_space<vmem>> -> memref<1x100x16xf32, #tpu.memory_space<vmem>>
      %dma_wait3A_535 = tpu.memref_squeeze %dma_wait3A_534 : memref<1x100x16xf32, #tpu.memory_space<vmem>> -> memref<100x16xf32, #tpu.memory_space<vmem>>
      %dma_wait3A_536 = arith.constant 0 : i32
      %dma_wait3A_537 = tpu.memref_slice %arg7[%dma_wait3A_528, %dma_wait3A_529, %dma_wait3A_536] : memref<2x20x100xi32, #tpu.memory_space<vmem>> -> memref<1x1x100xi32, #tpu.memory_space<vmem>>
      %dma_wait3A_538 = tpu.memref_squeeze %dma_wait3A_537 : memref<1x1x100xi32, #tpu.memory_space<vmem>> -> memref<100xi32, #tpu.memory_space<vmem>>
      %dma_wait3A_539 = arith.constant 0 : i32
      %dma_wait3A_540 = arith.constant 0 : i32
      %dma_wait3A_541 = tpu.memref_slice %arg2[%dma_wait3A_539, %dma_wait3A_540] : memref<100096x16xf32, #tpu.memory_space<hbm>> -> memref<100096x16xf32, #tpu.memory_space<hbm>>
      %dma_wait3A_542 = tpu.memref_slice %arg12[%dma_wait3A_531] : memref<6x!tpu.dma_semaphore, #tpu.memory_space<semaphore_mem>> -> memref<1x!tpu.dma_semaphore, #tpu.memory_space<semaphore_mem>>
      %dma_wait3A_543 = tpu.memref_squeeze %dma_wait3A_542 : memref<1x!tpu.dma_semaphore, #tpu.memory_space<semaphore_mem>> -> memref<!tpu.dma_semaphore, #tpu.memory_space<semaphore_mem>>
      tpu.wait_indirect_dma semaphore(%dma_wait3A_543 : memref<!tpu.dma_semaphore, #tpu.memory_space<semaphore_mem>>) src(%dma_wait3A_541 : memref<100096x16xf32, #tpu.memory_space<hbm>>) dst(%dma_wait3A_535 : memref<100x16xf32, #tpu.memory_space<vmem>>)
      %dma_start3A_544 = arith.constant 0 : i32
      %dma_start3A_545 = arith.constant 0 : i32
      %dma_start3A_546 = arith.constant 0 : i32
      %dma_start3A_547 = arith.constant 0 : i32
      %dma_start3A_548 = tpu.memref_slice %arg8[%dma_start3A_544, %dma_start3A_546, %dma_start3A_547] : memref<6x100x16xf32, #tpu.memory_space<vmem>> -> memref<1x100x16xf32, #tpu.memory_space<vmem>>
      %dma_start3A_549 = tpu.memref_squeeze %dma_start3A_548 : memref<1x100x16xf32, #tpu.memory_space<vmem>> -> memref<100x16xf32, #tpu.memory_space<vmem>>
      %dma_start3A_550 = arith.constant 0 : i32
      %dma_start3A_551 = tpu.memref_slice %arg7[%rem3A_508, %sub3A_511, %dma_start3A_550] : memref<2x20x100xi32, #tpu.memory_space<vmem>> -> memref<1x1x100xi32, #tpu.memory_space<vmem>>
      %dma_start3A_552 = tpu.memref_squeeze %dma_start3A_551 : memref<1x1x100xi32, #tpu.memory_space<vmem>> -> memref<100xi32, #tpu.memory_space<vmem>>
      %dma_start3A_553 = arith.constant 0 : i32
      %dma_start3A_554 = arith.constant 0 : i32
      %dma_start3A_555 = tpu.memref_slice %arg10[%dma_start3A_553, %dma_start3A_554] : memref<100096x16xf32, #tpu.memory_space<vmem_shared>> -> memref<100096x16xf32, #tpu.memory_space<vmem_shared>>
      %dma_start3A_556 = tpu.memref_slice %arg13[%dma_start3A_545] : memref<6x!tpu.dma_semaphore, #tpu.memory_space<semaphore_mem>> -> memref<1x!tpu.dma_semaphore, #tpu.memory_space<semaphore_mem>>
      %dma_start3A_557 = tpu.memref_squeeze %dma_start3A_556 : memref<1x!tpu.dma_semaphore, #tpu.memory_space<semaphore_mem>> -> memref<!tpu.dma_semaphore, #tpu.memory_space<semaphore_mem>>
      tpu.enqueue_indirect_dma source(%dma_start3A_549 : memref<100x16xf32, #tpu.memory_space<vmem>>) target(%dma_start3A_555 : memref<100096x16xf32, #tpu.memory_space<vmem_shared>>) offsets(%dma_start3A_552 : memref<100xi32, #tpu.memory_space<vmem>>) semaphore(%dma_start3A_557 : memref<!tpu.dma_semaphore, #tpu.memory_space<semaphore_mem>>) {add = true}
      %dma_start3A_558 = arith.constant 0 : i32
      %dma_start3A_559 = arith.constant 0 : i32
      %dma_start3A_560 = arith.constant 0 : i32
      %dma_start3A_561 = arith.constant 0 : i32
      %dma_start3A_562 = tpu.memref_slice %arg9[%dma_start3A_558, %dma_start3A_560, %dma_start3A_561] : memref<6x100x16xf32, #tpu.memory_space<vmem>> -> memref<1x100x16xf32, #tpu.memory_space<vmem>>
      %dma_start3A_563 = tpu.memref_squeeze %dma_start3A_562 : memref<1x100x16xf32, #tpu.memory_space<vmem>> -> memref<100x16xf32, #tpu.memory_space<vmem>>
      %dma_start3A_564 = arith.constant 0 : i32
      %dma_start3A_565 = tpu.memref_slice %arg6[%rem3A_508, %sub3A_511, %dma_start3A_564] : memref<2x20x100xi32, #tpu.memory_space<vmem>> -> memref<1x1x100xi32, #tpu.memory_space<vmem>>
      %dma_start3A_566 = tpu.memref_squeeze %dma_start3A_565 : memref<1x1x100xi32, #tpu.memory_space<vmem>> -> memref<100xi32, #tpu.memory_space<vmem>>
      %dma_start3A_567 = arith.constant 0 : i32
      %dma_start3A_568 = arith.constant 0 : i32
      %dma_start3A_569 = tpu.memref_slice %arg10[%dma_start3A_567, %dma_start3A_568] : memref<100096x16xf32, #tpu.memory_space<vmem_shared>> -> memref<100096x16xf32, #tpu.memory_space<vmem_shared>>
      %dma_start3A_570 = tpu.memref_slice %arg14[%dma_start3A_559] : memref<6x!tpu.dma_semaphore, #tpu.memory_space<semaphore_mem>> -> memref<1x!tpu.dma_semaphore, #tpu.memory_space<semaphore_mem>>
      %dma_start3A_571 = tpu.memref_squeeze %dma_start3A_570 : memref<1x!tpu.dma_semaphore, #tpu.memory_space<semaphore_mem>> -> memref<!tpu.dma_semaphore, #tpu.memory_space<semaphore_mem>>
      tpu.enqueue_indirect_dma source(%dma_start3A_563 : memref<100x16xf32, #tpu.memory_space<vmem>>) target(%dma_start3A_569 : memref<100096x16xf32, #tpu.memory_space<vmem_shared>>) offsets(%dma_start3A_566 : memref<100xi32, #tpu.memory_space<vmem>>) semaphore(%dma_start3A_571 : memref<!tpu.dma_semaphore, #tpu.memory_space<semaphore_mem>>) {add = true}
      %add3A_572 = arith.constant 4 : i32
      %add3A_573 = arith.addi %sub3A_452, %add3A_572 : i32
      %ge3A_574 = arith.constant 20 : i32
      %ge3A_575 = arith.cmpi sge, %add3A_573, %ge3A_574 : i32
      %jit3A_576 = arith.constant 1 : i32
      %jit3A_577 = arith.constant 0 : i32
      %select_n3A_578 = arith.select %ge3A_575, %jit3A_576, %jit3A_577 : i32
      %add3A_579 = arith.addi %select_n3A, %select_n3A_578 : i32
      %rem3A_580 = arith.constant 2 : i32
      %rem3A_581 = arith.remsi %add3A_579, %rem3A_580 : i32
      %mul3A_582 = arith.constant 20 : i32
      %mul3A_583 = arith.muli %mul3A_582, %select_n3A_578 : i32
      %sub3A_584 = arith.subi %add3A_573, %mul3A_583 : i32
      %ge3A_585 = arith.constant 1 : i32
      %ge3A_586 = arith.cmpi sge, %scan3A_431, %ge3A_585 : i32
      %convert_element_type3A_587 = arith.extui %ge3A_586 : i1 to i32
      %cond3A_588 = arith.constant 0 : i32
      %cond3A_589 = arith.cmpi ne, %convert_element_type3A_587, %cond3A_588 : i32
      scf.if %cond3A_589 {
        %dma_wait3A_1037 = arith.constant 4 : i32
        %dma_wait3A_1038 = arith.constant 0 : i32
        %dma_wait3A_1039 = arith.constant 0 : i32
        %dma_wait3A_1040 = arith.constant 4 : i32
        %dma_wait3A_1041 = arith.constant 0 : i32
        %dma_wait3A_1042 = arith.constant 0 : i32
        %dma_wait3A_1043 = tpu.memref_slice %arg8[%dma_wait3A_1037, %dma_wait3A_1041, %dma_wait3A_1042] : memref<6x100x16xf32, #tpu.memory_space<vmem>> -> memref<1x100x16xf32, #tpu.memory_space<vmem>>
        %dma_wait3A_1044 = tpu.memref_squeeze %dma_wait3A_1043 : memref<1x100x16xf32, #tpu.memory_space<vmem>> -> memref<100x16xf32, #tpu.memory_space<vmem>>
        %dma_wait3A_1045 = arith.constant 0 : i32
        %dma_wait3A_1046 = tpu.memref_slice %arg7[%dma_wait3A_1038, %dma_wait3A_1039, %dma_wait3A_1045] : memref<2x20x100xi32, #tpu.memory_space<vmem>> -> memref<1x1x100xi32, #tpu.memory_space<vmem>>
        %dma_wait3A_1047 = tpu.memref_squeeze %dma_wait3A_1046 : memref<1x1x100xi32, #tpu.memory_space<vmem>> -> memref<100xi32, #tpu.memory_space<vmem>>
        %dma_wait3A_1048 = arith.constant 0 : i32
        %dma_wait3A_1049 = arith.constant 0 : i32
        %dma_wait3A_1050 = tpu.memref_slice %arg10[%dma_wait3A_1048, %dma_wait3A_1049] : memref<100096x16xf32, #tpu.memory_space<vmem_shared>> -> memref<100096x16xf32, #tpu.memory_space<vmem_shared>>
        %dma_wait3A_1051 = tpu.memref_slice %arg13[%dma_wait3A_1040] : memref<6x!tpu.dma_semaphore, #tpu.memory_space<semaphore_mem>> -> memref<1x!tpu.dma_semaphore, #tpu.memory_space<semaphore_mem>>
        %dma_wait3A_1052 = tpu.memref_squeeze %dma_wait3A_1051 : memref<1x!tpu.dma_semaphore, #tpu.memory_space<semaphore_mem>> -> memref<!tpu.dma_semaphore, #tpu.memory_space<semaphore_mem>>
        tpu.wait_indirect_dma semaphore(%dma_wait3A_1052 : memref<!tpu.dma_semaphore, #tpu.memory_space<semaphore_mem>>) src(%dma_wait3A_1044 : memref<100x16xf32, #tpu.memory_space<vmem>>) dst(%dma_wait3A_1050 : memref<100096x16xf32, #tpu.memory_space<vmem_shared>>)
        %dma_wait3A_1053 = arith.constant 4 : i32
        %dma_wait3A_1054 = arith.constant 0 : i32
        %dma_wait3A_1055 = arith.constant 0 : i32
        %dma_wait3A_1056 = arith.constant 4 : i32
        %dma_wait3A_1057 = arith.constant 0 : i32
        %dma_wait3A_1058 = arith.constant 0 : i32
        %dma_wait3A_1059 = tpu.memref_slice %arg9[%dma_wait3A_1053, %dma_wait3A_1057, %dma_wait3A_1058] : memref<6x100x16xf32, #tpu.memory_space<vmem>> -> memref<1x100x16xf32, #tpu.memory_space<vmem>>
        %dma_wait3A_1060 = tpu.memref_squeeze %dma_wait3A_1059 : memref<1x100x16xf32, #tpu.memory_space<vmem>> -> memref<100x16xf32, #tpu.memory_space<vmem>>
        %dma_wait3A_1061 = arith.constant 0 : i32
        %dma_wait3A_1062 = tpu.memref_slice %arg6[%dma_wait3A_1054, %dma_wait3A_1055, %dma_wait3A_1061] : memref<2x20x100xi32, #tpu.memory_space<vmem>> -> memref<1x1x100xi32, #tpu.memory_space<vmem>>
        %dma_wait3A_1063 = tpu.memref_squeeze %dma_wait3A_1062 : memref<1x1x100xi32, #tpu.memory_space<vmem>> -> memref<100xi32, #tpu.memory_space<vmem>>
        %dma_wait3A_1064 = arith.constant 0 : i32
        %dma_wait3A_1065 = arith.constant 0 : i32
        %dma_wait3A_1066 = tpu.memref_slice %arg10[%dma_wait3A_1064, %dma_wait3A_1065] : memref<100096x16xf32, #tpu.memory_space<vmem_shared>> -> memref<100096x16xf32, #tpu.memory_space<vmem_shared>>
        %dma_wait3A_1067 = tpu.memref_slice %arg14[%dma_wait3A_1056] : memref<6x!tpu.dma_semaphore, #tpu.memory_space<semaphore_mem>> -> memref<1x!tpu.dma_semaphore, #tpu.memory_space<semaphore_mem>>
        %dma_wait3A_1068 = tpu.memref_squeeze %dma_wait3A_1067 : memref<1x!tpu.dma_semaphore, #tpu.memory_space<semaphore_mem>> -> memref<!tpu.dma_semaphore, #tpu.memory_space<semaphore_mem>>
        tpu.wait_indirect_dma semaphore(%dma_wait3A_1068 : memref<!tpu.dma_semaphore, #tpu.memory_space<semaphore_mem>>) src(%dma_wait3A_1060 : memref<100x16xf32, #tpu.memory_space<vmem>>) dst(%dma_wait3A_1066 : memref<100096x16xf32, #tpu.memory_space<vmem_shared>>)
        %dma_start3A_1069 = arith.constant 4 : i32
        %dma_start3A_1070 = arith.constant 4 : i32
        %dma_start3A_1071 = arith.constant 0 : i32
        %dma_start3A_1072 = arith.constant 0 : i32
        %dma_start3A_1073 = tpu.memref_slice %arg8[%dma_start3A_1069, %dma_start3A_1071, %dma_start3A_1072] : memref<6x100x16xf32, #tpu.memory_space<vmem>> -> memref<1x100x16xf32, #tpu.memory_space<vmem>>
        %dma_start3A_1074 = tpu.memref_squeeze %dma_start3A_1073 : memref<1x100x16xf32, #tpu.memory_space<vmem>> -> memref<100x16xf32, #tpu.memory_space<vmem>>
        %dma_start3A_1075 = arith.constant 0 : i32
        %dma_start3A_1076 = tpu.memref_slice %arg6[%rem3A_581, %sub3A_584, %dma_start3A_1075] : memref<2x20x100xi32, #tpu.memory_space<vmem>> -> memref<1x1x100xi32, #tpu.memory_space<vmem>>
        %dma_start3A_1077 = tpu.memref_squeeze %dma_start3A_1076 : memref<1x1x100xi32, #tpu.memory_space<vmem>> -> memref<100xi32, #tpu.memory_space<vmem>>
        %dma_start3A_1078 = arith.constant 0 : i32
        %dma_start3A_1079 = arith.constant 0 : i32
        %dma_start3A_1080 = tpu.memref_slice %arg2[%dma_start3A_1078, %dma_start3A_1079] : memref<100096x16xf32, #tpu.memory_space<hbm>> -> memref<100096x16xf32, #tpu.memory_space<hbm>>
        %dma_start3A_1081 = tpu.memref_slice %arg11[%dma_start3A_1070] : memref<6x!tpu.dma_semaphore, #tpu.memory_space<semaphore_mem>> -> memref<1x!tpu.dma_semaphore, #tpu.memory_space<semaphore_mem>>
        %dma_start3A_1082 = tpu.memref_squeeze %dma_start3A_1081 : memref<1x!tpu.dma_semaphore, #tpu.memory_space<semaphore_mem>> -> memref<!tpu.dma_semaphore, #tpu.memory_space<semaphore_mem>>
        tpu.enqueue_indirect_dma source(%dma_start3A_1080 : memref<100096x16xf32, #tpu.memory_space<hbm>>) target(%dma_start3A_1074 : memref<100x16xf32, #tpu.memory_space<vmem>>) offsets(%dma_start3A_1077 : memref<100xi32, #tpu.memory_space<vmem>>) semaphore(%dma_start3A_1082 : memref<!tpu.dma_semaphore, #tpu.memory_space<semaphore_mem>>)
        %dma_start3A_1083 = arith.constant 4 : i32
        %dma_start3A_1084 = arith.constant 4 : i32
        %dma_start3A_1085 = arith.constant 0 : i32
        %dma_start3A_1086 = arith.constant 0 : i32
        %dma_start3A_1087 = tpu.memref_slice %arg9[%dma_start3A_1083, %dma_start3A_1085, %dma_start3A_1086] : memref<6x100x16xf32, #tpu.memory_space<vmem>> -> memref<1x100x16xf32, #tpu.memory_space<vmem>>
        %dma_start3A_1088 = tpu.memref_squeeze %dma_start3A_1087 : memref<1x100x16xf32, #tpu.memory_space<vmem>> -> memref<100x16xf32, #tpu.memory_space<vmem>>
        %dma_start3A_1089 = arith.constant 0 : i32
        %dma_start3A_1090 = tpu.memref_slice %arg7[%rem3A_581, %sub3A_584, %dma_start3A_1089] : memref<2x20x100xi32, #tpu.memory_space<vmem>> -> memref<1x1x100xi32, #tpu.memory_space<vmem>>
        %dma_start3A_1091 = tpu.memref_squeeze %dma_start3A_1090 : memref<1x1x100xi32, #tpu.memory_space<vmem>> -> memref<100xi32, #tpu.memory_space<vmem>>
        %dma_start3A_1092 = arith.constant 0 : i32
        %dma_start3A_1093 = arith.constant 0 : i32
        %dma_start3A_1094 = tpu.memref_slice %arg2[%dma_start3A_1092, %dma_start3A_1093] : memref<100096x16xf32, #tpu.memory_space<hbm>> -> memref<100096x16xf32, #tpu.memory_space<hbm>>
        %dma_start3A_1095 = tpu.memref_slice %arg12[%dma_start3A_1084] : memref<6x!tpu.dma_semaphore, #tpu.memory_space<semaphore_mem>> -> memref<1x!tpu.dma_semaphore, #tpu.memory_space<semaphore_mem>>
        %dma_start3A_1096 = tpu.memref_squeeze %dma_start3A_1095 : memref<1x!tpu.dma_semaphore, #tpu.memory_space<semaphore_mem>> -> memref<!tpu.dma_semaphore, #tpu.memory_space<semaphore_mem>>
        tpu.enqueue_indirect_dma source(%dma_start3A_1094 : memref<100096x16xf32, #tpu.memory_space<hbm>>) target(%dma_start3A_1088 : memref<100x16xf32, #tpu.memory_space<vmem>>) offsets(%dma_start3A_1091 : memref<100xi32, #tpu.memory_space<vmem>>) semaphore(%dma_start3A_1096 : memref<!tpu.dma_semaphore, #tpu.memory_space<semaphore_mem>>)
      } else {
      }
      %eq3A_590 = arith.constant 0 : i32
      %eq3A_591 = arith.cmpi eq, %scan3A_431, %eq3A_590 : i32
      %convert_element_type3A_592 = arith.extui %eq3A_591 : i1 to i32
      %cond3A_593 = arith.constant 0 : i32
      %cond3A_594 = arith.cmpi ne, %convert_element_type3A_592, %cond3A_593 : i32
      scf.if %cond3A_594 {
        %dma_start3A_1037 = arith.constant 4 : i32
        %dma_start3A_1038 = arith.constant 4 : i32
        %dma_start3A_1039 = arith.constant 0 : i32
        %dma_start3A_1040 = arith.constant 0 : i32
        %dma_start3A_1041 = tpu.memref_slice %arg8[%dma_start3A_1037, %dma_start3A_1039, %dma_start3A_1040] : memref<6x100x16xf32, #tpu.memory_space<vmem>> -> memref<1x100x16xf32, #tpu.memory_space<vmem>>
        %dma_start3A_1042 = tpu.memref_squeeze %dma_start3A_1041 : memref<1x100x16xf32, #tpu.memory_space<vmem>> -> memref<100x16xf32, #tpu.memory_space<vmem>>
        %dma_start3A_1043 = arith.constant 0 : i32
        %dma_start3A_1044 = tpu.memref_slice %arg6[%rem3A_581, %sub3A_584, %dma_start3A_1043] : memref<2x20x100xi32, #tpu.memory_space<vmem>> -> memref<1x1x100xi32, #tpu.memory_space<vmem>>
        %dma_start3A_1045 = tpu.memref_squeeze %dma_start3A_1044 : memref<1x1x100xi32, #tpu.memory_space<vmem>> -> memref<100xi32, #tpu.memory_space<vmem>>
        %dma_start3A_1046 = arith.constant 0 : i32
        %dma_start3A_1047 = arith.constant 0 : i32
        %dma_start3A_1048 = tpu.memref_slice %arg2[%dma_start3A_1046, %dma_start3A_1047] : memref<100096x16xf32, #tpu.memory_space<hbm>> -> memref<100096x16xf32, #tpu.memory_space<hbm>>
        %dma_start3A_1049 = tpu.memref_slice %arg11[%dma_start3A_1038] : memref<6x!tpu.dma_semaphore, #tpu.memory_space<semaphore_mem>> -> memref<1x!tpu.dma_semaphore, #tpu.memory_space<semaphore_mem>>
        %dma_start3A_1050 = tpu.memref_squeeze %dma_start3A_1049 : memref<1x!tpu.dma_semaphore, #tpu.memory_space<semaphore_mem>> -> memref<!tpu.dma_semaphore, #tpu.memory_space<semaphore_mem>>
        tpu.enqueue_indirect_dma source(%dma_start3A_1048 : memref<100096x16xf32, #tpu.memory_space<hbm>>) target(%dma_start3A_1042 : memref<100x16xf32, #tpu.memory_space<vmem>>) offsets(%dma_start3A_1045 : memref<100xi32, #tpu.memory_space<vmem>>) semaphore(%dma_start3A_1050 : memref<!tpu.dma_semaphore, #tpu.memory_space<semaphore_mem>>)
        %dma_start3A_1051 = arith.constant 4 : i32
        %dma_start3A_1052 = arith.constant 4 : i32
        %dma_start3A_1053 = arith.constant 0 : i32
        %dma_start3A_1054 = arith.constant 0 : i32
        %dma_start3A_1055 = tpu.memref_slice %arg9[%dma_start3A_1051, %dma_start3A_1053, %dma_start3A_1054] : memref<6x100x16xf32, #tpu.memory_space<vmem>> -> memref<1x100x16xf32, #tpu.memory_space<vmem>>
        %dma_start3A_1056 = tpu.memref_squeeze %dma_start3A_1055 : memref<1x100x16xf32, #tpu.memory_space<vmem>> -> memref<100x16xf32, #tpu.memory_space<vmem>>
        %dma_start3A_1057 = arith.constant 0 : i32
        %dma_start3A_1058 = tpu.memref_slice %arg7[%rem3A_581, %sub3A_584, %dma_start3A_1057] : memref<2x20x100xi32, #tpu.memory_space<vmem>> -> memref<1x1x100xi32, #tpu.memory_space<vmem>>
        %dma_start3A_1059 = tpu.memref_squeeze %dma_start3A_1058 : memref<1x1x100xi32, #tpu.memory_space<vmem>> -> memref<100xi32, #tpu.memory_space<vmem>>
        %dma_start3A_1060 = arith.constant 0 : i32
        %dma_start3A_1061 = arith.constant 0 : i32
        %dma_start3A_1062 = tpu.memref_slice %arg2[%dma_start3A_1060, %dma_start3A_1061] : memref<100096x16xf32, #tpu.memory_space<hbm>> -> memref<100096x16xf32, #tpu.memory_space<hbm>>
        %dma_start3A_1063 = tpu.memref_slice %arg12[%dma_start3A_1052] : memref<6x!tpu.dma_semaphore, #tpu.memory_space<semaphore_mem>> -> memref<1x!tpu.dma_semaphore, #tpu.memory_space<semaphore_mem>>
        %dma_start3A_1064 = tpu.memref_squeeze %dma_start3A_1063 : memref<1x!tpu.dma_semaphore, #tpu.memory_space<semaphore_mem>> -> memref<!tpu.dma_semaphore, #tpu.memory_space<semaphore_mem>>
        tpu.enqueue_indirect_dma source(%dma_start3A_1062 : memref<100096x16xf32, #tpu.memory_space<hbm>>) target(%dma_start3A_1056 : memref<100x16xf32, #tpu.memory_space<vmem>>) offsets(%dma_start3A_1059 : memref<100xi32, #tpu.memory_space<vmem>>) semaphore(%dma_start3A_1064 : memref<!tpu.dma_semaphore, #tpu.memory_space<semaphore_mem>>)
      } else {
      }
      %add3A_595 = arith.constant 1 : i32
      %add3A_596 = arith.addi %sub3A_452, %add3A_595 : i32
      %ge3A_597 = arith.constant 20 : i32
      %ge3A_598 = arith.cmpi sge, %add3A_596, %ge3A_597 : i32
      %jit3A_599 = arith.constant 1 : i32
      %jit3A_600 = arith.constant 0 : i32
      %select_n3A_601 = arith.select %ge3A_598, %jit3A_599, %jit3A_600 : i32
      %add3A_602 = arith.addi %select_n3A, %select_n3A_601 : i32
      %rem3A_603 = arith.constant 2 : i32
      %rem3A_604 = arith.remsi %add3A_602, %rem3A_603 : i32
      %mul3A_605 = arith.constant 20 : i32
      %mul3A_606 = arith.muli %mul3A_605, %select_n3A_601 : i32
      %sub3A_607 = arith.subi %add3A_596, %mul3A_606 : i32
      %dma_wait3A_608 = arith.constant 0 : i32
      %dma_wait3A_609 = arith.constant 0 : i32
      %dma_wait3A_610 = arith.constant 1 : i32
      %dma_wait3A_611 = arith.constant 1 : i32
      %dma_wait3A_612 = arith.constant 0 : i32
      %dma_wait3A_613 = arith.constant 0 : i32
      %dma_wait3A_614 = tpu.memref_slice %arg8[%dma_wait3A_610, %dma_wait3A_612, %dma_wait3A_613] : memref<6x100x16xf32, #tpu.memory_space<vmem>> -> memref<1x100x16xf32, #tpu.memory_space<vmem>>
      %dma_wait3A_615 = tpu.memref_squeeze %dma_wait3A_614 : memref<1x100x16xf32, #tpu.memory_space<vmem>> -> memref<100x16xf32, #tpu.memory_space<vmem>>
      %dma_wait3A_616 = arith.constant 0 : i32
      %dma_wait3A_617 = tpu.memref_slice %arg6[%dma_wait3A_608, %dma_wait3A_609, %dma_wait3A_616] : memref<2x20x100xi32, #tpu.memory_space<vmem>> -> memref<1x1x100xi32, #tpu.memory_space<vmem>>
      %dma_wait3A_618 = tpu.memref_squeeze %dma_wait3A_617 : memref<1x1x100xi32, #tpu.memory_space<vmem>> -> memref<100xi32, #tpu.memory_space<vmem>>
      %dma_wait3A_619 = arith.constant 0 : i32
      %dma_wait3A_620 = arith.constant 0 : i32
      %dma_wait3A_621 = tpu.memref_slice %arg2[%dma_wait3A_619, %dma_wait3A_620] : memref<100096x16xf32, #tpu.memory_space<hbm>> -> memref<100096x16xf32, #tpu.memory_space<hbm>>
      %dma_wait3A_622 = tpu.memref_slice %arg11[%dma_wait3A_611] : memref<6x!tpu.dma_semaphore, #tpu.memory_space<semaphore_mem>> -> memref<1x!tpu.dma_semaphore, #tpu.memory_space<semaphore_mem>>
      %dma_wait3A_623 = tpu.memref_squeeze %dma_wait3A_622 : memref<1x!tpu.dma_semaphore, #tpu.memory_space<semaphore_mem>> -> memref<!tpu.dma_semaphore, #tpu.memory_space<semaphore_mem>>
      tpu.wait_indirect_dma semaphore(%dma_wait3A_623 : memref<!tpu.dma_semaphore, #tpu.memory_space<semaphore_mem>>) src(%dma_wait3A_621 : memref<100096x16xf32, #tpu.memory_space<hbm>>) dst(%dma_wait3A_615 : memref<100x16xf32, #tpu.memory_space<vmem>>)
      %dma_wait3A_624 = arith.constant 0 : i32
      %dma_wait3A_625 = arith.constant 0 : i32
      %dma_wait3A_626 = arith.constant 1 : i32
      %dma_wait3A_627 = arith.constant 1 : i32
      %dma_wait3A_628 = arith.constant 0 : i32
      %dma_wait3A_629 = arith.constant 0 : i32
      %dma_wait3A_630 = tpu.memref_slice %arg9[%dma_wait3A_626, %dma_wait3A_628, %dma_wait3A_629] : memref<6x100x16xf32, #tpu.memory_space<vmem>> -> memref<1x100x16xf32, #tpu.memory_space<vmem>>
      %dma_wait3A_631 = tpu.memref_squeeze %dma_wait3A_630 : memref<1x100x16xf32, #tpu.memory_space<vmem>> -> memref<100x16xf32, #tpu.memory_space<vmem>>
      %dma_wait3A_632 = arith.constant 0 : i32
      %dma_wait3A_633 = tpu.memref_slice %arg7[%dma_wait3A_624, %dma_wait3A_625, %dma_wait3A_632] : memref<2x20x100xi32, #tpu.memory_space<vmem>> -> memref<1x1x100xi32, #tpu.memory_space<vmem>>
      %dma_wait3A_634 = tpu.memref_squeeze %dma_wait3A_633 : memref<1x1x100xi32, #tpu.memory_space<vmem>> -> memref<100xi32, #tpu.memory_space<vmem>>
      %dma_wait3A_635 = arith.constant 0 : i32
      %dma_wait3A_636 = arith.constant 0 : i32
      %dma_wait3A_637 = tpu.memref_slice %arg2[%dma_wait3A_635, %dma_wait3A_636] : memref<100096x16xf32, #tpu.memory_space<hbm>> -> memref<100096x16xf32, #tpu.memory_space<hbm>>
      %dma_wait3A_638 = tpu.memref_slice %arg12[%dma_wait3A_627] : memref<6x!tpu.dma_semaphore, #tpu.memory_space<semaphore_mem>> -> memref<1x!tpu.dma_semaphore, #tpu.memory_space<semaphore_mem>>
      %dma_wait3A_639 = tpu.memref_squeeze %dma_wait3A_638 : memref<1x!tpu.dma_semaphore, #tpu.memory_space<semaphore_mem>> -> memref<!tpu.dma_semaphore, #tpu.memory_space<semaphore_mem>>
      tpu.wait_indirect_dma semaphore(%dma_wait3A_639 : memref<!tpu.dma_semaphore, #tpu.memory_space<semaphore_mem>>) src(%dma_wait3A_637 : memref<100096x16xf32, #tpu.memory_space<hbm>>) dst(%dma_wait3A_631 : memref<100x16xf32, #tpu.memory_space<vmem>>)
      %dma_start3A_640 = arith.constant 1 : i32
      %dma_start3A_641 = arith.constant 1 : i32
      %dma_start3A_642 = arith.constant 0 : i32
      %dma_start3A_643 = arith.constant 0 : i32
      %dma_start3A_644 = tpu.memref_slice %arg8[%dma_start3A_640, %dma_start3A_642, %dma_start3A_643] : memref<6x100x16xf32, #tpu.memory_space<vmem>> -> memref<1x100x16xf32, #tpu.memory_space<vmem>>
      %dma_start3A_645 = tpu.memref_squeeze %dma_start3A_644 : memref<1x100x16xf32, #tpu.memory_space<vmem>> -> memref<100x16xf32, #tpu.memory_space<vmem>>
      %dma_start3A_646 = arith.constant 0 : i32
      %dma_start3A_647 = tpu.memref_slice %arg7[%rem3A_604, %sub3A_607, %dma_start3A_646] : memref<2x20x100xi32, #tpu.memory_space<vmem>> -> memref<1x1x100xi32, #tpu.memory_space<vmem>>
      %dma_start3A_648 = tpu.memref_squeeze %dma_start3A_647 : memref<1x1x100xi32, #tpu.memory_space<vmem>> -> memref<100xi32, #tpu.memory_space<vmem>>
      %dma_start3A_649 = arith.constant 0 : i32
      %dma_start3A_650 = arith.constant 0 : i32
      %dma_start3A_651 = tpu.memref_slice %arg10[%dma_start3A_649, %dma_start3A_650] : memref<100096x16xf32, #tpu.memory_space<vmem_shared>> -> memref<100096x16xf32, #tpu.memory_space<vmem_shared>>
      %dma_start3A_652 = tpu.memref_slice %arg13[%dma_start3A_641] : memref<6x!tpu.dma_semaphore, #tpu.memory_space<semaphore_mem>> -> memref<1x!tpu.dma_semaphore, #tpu.memory_space<semaphore_mem>>
      %dma_start3A_653 = tpu.memref_squeeze %dma_start3A_652 : memref<1x!tpu.dma_semaphore, #tpu.memory_space<semaphore_mem>> -> memref<!tpu.dma_semaphore, #tpu.memory_space<semaphore_mem>>
      tpu.enqueue_indirect_dma source(%dma_start3A_645 : memref<100x16xf32, #tpu.memory_space<vmem>>) target(%dma_start3A_651 : memref<100096x16xf32, #tpu.memory_space<vmem_shared>>) offsets(%dma_start3A_648 : memref<100xi32, #tpu.memory_space<vmem>>) semaphore(%dma_start3A_653 : memref<!tpu.dma_semaphore, #tpu.memory_space<semaphore_mem>>) {add = true}
      %dma_start3A_654 = arith.constant 1 : i32
      %dma_start3A_655 = arith.constant 1 : i32
      %dma_start3A_656 = arith.constant 0 : i32
      %dma_start3A_657 = arith.constant 0 : i32
      %dma_start3A_658 = tpu.memref_slice %arg9[%dma_start3A_654, %dma_start3A_656, %dma_start3A_657] : memref<6x100x16xf32, #tpu.memory_space<vmem>> -> memref<1x100x16xf32, #tpu.memory_space<vmem>>
      %dma_start3A_659 = tpu.memref_squeeze %dma_start3A_658 : memref<1x100x16xf32, #tpu.memory_space<vmem>> -> memref<100x16xf32, #tpu.memory_space<vmem>>
      %dma_start3A_660 = arith.constant 0 : i32
      %dma_start3A_661 = tpu.memref_slice %arg6[%rem3A_604, %sub3A_607, %dma_start3A_660] : memref<2x20x100xi32, #tpu.memory_space<vmem>> -> memref<1x1x100xi32, #tpu.memory_space<vmem>>
      %dma_start3A_662 = tpu.memref_squeeze %dma_start3A_661 : memref<1x1x100xi32, #tpu.memory_space<vmem>> -> memref<100xi32, #tpu.memory_space<vmem>>
      %dma_start3A_663 = arith.constant 0 : i32
      %dma_start3A_664 = arith.constant 0 : i32
      %dma_start3A_665 = tpu.memref_slice %arg10[%dma_start3A_663, %dma_start3A_664] : memref<100096x16xf32, #tpu.memory_space<vmem_shared>> -> memref<100096x16xf32, #tpu.memory_space<vmem_shared>>
      %dma_start3A_666 = tpu.memref_slice %arg14[%dma_start3A_655] : memref<6x!tpu.dma_semaphore, #tpu.memory_space<semaphore_mem>> -> memref<1x!tpu.dma_semaphore, #tpu.memory_space<semaphore_mem>>
      %dma_start3A_667 = tpu.memref_squeeze %dma_start3A_666 : memref<1x!tpu.dma_semaphore, #tpu.memory_space<semaphore_mem>> -> memref<!tpu.dma_semaphore, #tpu.memory_space<semaphore_mem>>
      tpu.enqueue_indirect_dma source(%dma_start3A_659 : memref<100x16xf32, #tpu.memory_space<vmem>>) target(%dma_start3A_665 : memref<100096x16xf32, #tpu.memory_space<vmem_shared>>) offsets(%dma_start3A_662 : memref<100xi32, #tpu.memory_space<vmem>>) semaphore(%dma_start3A_667 : memref<!tpu.dma_semaphore, #tpu.memory_space<semaphore_mem>>) {add = true}
      %add3A_668 = arith.constant 5 : i32
      %add3A_669 = arith.addi %sub3A_452, %add3A_668 : i32
      %ge3A_670 = arith.constant 20 : i32
      %ge3A_671 = arith.cmpi sge, %add3A_669, %ge3A_670 : i32
      %jit3A_672 = arith.constant 1 : i32
      %jit3A_673 = arith.constant 0 : i32
      %select_n3A_674 = arith.select %ge3A_671, %jit3A_672, %jit3A_673 : i32
      %add3A_675 = arith.addi %select_n3A, %select_n3A_674 : i32
      %rem3A_676 = arith.constant 2 : i32
      %rem3A_677 = arith.remsi %add3A_675, %rem3A_676 : i32
      %mul3A_678 = arith.constant 20 : i32
      %mul3A_679 = arith.muli %mul3A_678, %select_n3A_674 : i32
      %sub3A_680 = arith.subi %add3A_669, %mul3A_679 : i32
      %ge3A_681 = arith.constant 1 : i32
      %ge3A_682 = arith.cmpi sge, %scan3A_431, %ge3A_681 : i32
      %convert_element_type3A_683 = arith.extui %ge3A_682 : i1 to i32
      %cond3A_684 = arith.constant 0 : i32
      %cond3A_685 = arith.cmpi ne, %convert_element_type3A_683, %cond3A_684 : i32
      scf.if %cond3A_685 {
        %dma_wait3A_1037 = arith.constant 5 : i32
        %dma_wait3A_1038 = arith.constant 0 : i32
        %dma_wait3A_1039 = arith.constant 0 : i32
        %dma_wait3A_1040 = arith.constant 5 : i32
        %dma_wait3A_1041 = arith.constant 0 : i32
        %dma_wait3A_1042 = arith.constant 0 : i32
        %dma_wait3A_1043 = tpu.memref_slice %arg8[%dma_wait3A_1037, %dma_wait3A_1041, %dma_wait3A_1042] : memref<6x100x16xf32, #tpu.memory_space<vmem>> -> memref<1x100x16xf32, #tpu.memory_space<vmem>>
        %dma_wait3A_1044 = tpu.memref_squeeze %dma_wait3A_1043 : memref<1x100x16xf32, #tpu.memory_space<vmem>> -> memref<100x16xf32, #tpu.memory_space<vmem>>
        %dma_wait3A_1045 = arith.constant 0 : i32
        %dma_wait3A_1046 = tpu.memref_slice %arg7[%dma_wait3A_1038, %dma_wait3A_1039, %dma_wait3A_1045] : memref<2x20x100xi32, #tpu.memory_space<vmem>> -> memref<1x1x100xi32, #tpu.memory_space<vmem>>
        %dma_wait3A_1047 = tpu.memref_squeeze %dma_wait3A_1046 : memref<1x1x100xi32, #tpu.memory_space<vmem>> -> memref<100xi32, #tpu.memory_space<vmem>>
        %dma_wait3A_1048 = arith.constant 0 : i32
        %dma_wait3A_1049 = arith.constant 0 : i32
        %dma_wait3A_1050 = tpu.memref_slice %arg10[%dma_wait3A_1048, %dma_wait3A_1049] : memref<100096x16xf32, #tpu.memory_space<vmem_shared>> -> memref<100096x16xf32, #tpu.memory_space<vmem_shared>>
        %dma_wait3A_1051 = tpu.memref_slice %arg13[%dma_wait3A_1040] : memref<6x!tpu.dma_semaphore, #tpu.memory_space<semaphore_mem>> -> memref<1x!tpu.dma_semaphore, #tpu.memory_space<semaphore_mem>>
        %dma_wait3A_1052 = tpu.memref_squeeze %dma_wait3A_1051 : memref<1x!tpu.dma_semaphore, #tpu.memory_space<semaphore_mem>> -> memref<!tpu.dma_semaphore, #tpu.memory_space<semaphore_mem>>
        tpu.wait_indirect_dma semaphore(%dma_wait3A_1052 : memref<!tpu.dma_semaphore, #tpu.memory_space<semaphore_mem>>) src(%dma_wait3A_1044 : memref<100x16xf32, #tpu.memory_space<vmem>>) dst(%dma_wait3A_1050 : memref<100096x16xf32, #tpu.memory_space<vmem_shared>>)
        %dma_wait3A_1053 = arith.constant 5 : i32
        %dma_wait3A_1054 = arith.constant 0 : i32
        %dma_wait3A_1055 = arith.constant 0 : i32
        %dma_wait3A_1056 = arith.constant 5 : i32
        %dma_wait3A_1057 = arith.constant 0 : i32
        %dma_wait3A_1058 = arith.constant 0 : i32
        %dma_wait3A_1059 = tpu.memref_slice %arg9[%dma_wait3A_1053, %dma_wait3A_1057, %dma_wait3A_1058] : memref<6x100x16xf32, #tpu.memory_space<vmem>> -> memref<1x100x16xf32, #tpu.memory_space<vmem>>
        %dma_wait3A_1060 = tpu.memref_squeeze %dma_wait3A_1059 : memref<1x100x16xf32, #tpu.memory_space<vmem>> -> memref<100x16xf32, #tpu.memory_space<vmem>>
        %dma_wait3A_1061 = arith.constant 0 : i32
        %dma_wait3A_1062 = tpu.memref_slice %arg6[%dma_wait3A_1054, %dma_wait3A_1055, %dma_wait3A_1061] : memref<2x20x100xi32, #tpu.memory_space<vmem>> -> memref<1x1x100xi32, #tpu.memory_space<vmem>>
        %dma_wait3A_1063 = tpu.memref_squeeze %dma_wait3A_1062 : memref<1x1x100xi32, #tpu.memory_space<vmem>> -> memref<100xi32, #tpu.memory_space<vmem>>
        %dma_wait3A_1064 = arith.constant 0 : i32
        %dma_wait3A_1065 = arith.constant 0 : i32
        %dma_wait3A_1066 = tpu.memref_slice %arg10[%dma_wait3A_1064, %dma_wait3A_1065] : memref<100096x16xf32, #tpu.memory_space<vmem_shared>> -> memref<100096x16xf32, #tpu.memory_space<vmem_shared>>
        %dma_wait3A_1067 = tpu.memref_slice %arg14[%dma_wait3A_1056] : memref<6x!tpu.dma_semaphore, #tpu.memory_space<semaphore_mem>> -> memref<1x!tpu.dma_semaphore, #tpu.memory_space<semaphore_mem>>
        %dma_wait3A_1068 = tpu.memref_squeeze %dma_wait3A_1067 : memref<1x!tpu.dma_semaphore, #tpu.memory_space<semaphore_mem>> -> memref<!tpu.dma_semaphore, #tpu.memory_space<semaphore_mem>>
        tpu.wait_indirect_dma semaphore(%dma_wait3A_1068 : memref<!tpu.dma_semaphore, #tpu.memory_space<semaphore_mem>>) src(%dma_wait3A_1060 : memref<100x16xf32, #tpu.memory_space<vmem>>) dst(%dma_wait3A_1066 : memref<100096x16xf32, #tpu.memory_space<vmem_shared>>)
        %dma_start3A_1069 = arith.constant 5 : i32
        %dma_start3A_1070 = arith.constant 5 : i32
        %dma_start3A_1071 = arith.constant 0 : i32
        %dma_start3A_1072 = arith.constant 0 : i32
        %dma_start3A_1073 = tpu.memref_slice %arg8[%dma_start3A_1069, %dma_start3A_1071, %dma_start3A_1072] : memref<6x100x16xf32, #tpu.memory_space<vmem>> -> memref<1x100x16xf32, #tpu.memory_space<vmem>>
        %dma_start3A_1074 = tpu.memref_squeeze %dma_start3A_1073 : memref<1x100x16xf32, #tpu.memory_space<vmem>> -> memref<100x16xf32, #tpu.memory_space<vmem>>
        %dma_start3A_1075 = arith.constant 0 : i32
        %dma_start3A_1076 = tpu.memref_slice %arg6[%rem3A_677, %sub3A_680, %dma_start3A_1075] : memref<2x20x100xi32, #tpu.memory_space<vmem>> -> memref<1x1x100xi32, #tpu.memory_space<vmem>>
        %dma_start3A_1077 = tpu.memref_squeeze %dma_start3A_1076 : memref<1x1x100xi32, #tpu.memory_space<vmem>> -> memref<100xi32, #tpu.memory_space<vmem>>
        %dma_start3A_1078 = arith.constant 0 : i32
        %dma_start3A_1079 = arith.constant 0 : i32
        %dma_start3A_1080 = tpu.memref_slice %arg2[%dma_start3A_1078, %dma_start3A_1079] : memref<100096x16xf32, #tpu.memory_space<hbm>> -> memref<100096x16xf32, #tpu.memory_space<hbm>>
        %dma_start3A_1081 = tpu.memref_slice %arg11[%dma_start3A_1070] : memref<6x!tpu.dma_semaphore, #tpu.memory_space<semaphore_mem>> -> memref<1x!tpu.dma_semaphore, #tpu.memory_space<semaphore_mem>>
        %dma_start3A_1082 = tpu.memref_squeeze %dma_start3A_1081 : memref<1x!tpu.dma_semaphore, #tpu.memory_space<semaphore_mem>> -> memref<!tpu.dma_semaphore, #tpu.memory_space<semaphore_mem>>
        tpu.enqueue_indirect_dma source(%dma_start3A_1080 : memref<100096x16xf32, #tpu.memory_space<hbm>>) target(%dma_start3A_1074 : memref<100x16xf32, #tpu.memory_space<vmem>>) offsets(%dma_start3A_1077 : memref<100xi32, #tpu.memory_space<vmem>>) semaphore(%dma_start3A_1082 : memref<!tpu.dma_semaphore, #tpu.memory_space<semaphore_mem>>)
        %dma_start3A_1083 = arith.constant 5 : i32
        %dma_start3A_1084 = arith.constant 5 : i32
        %dma_start3A_1085 = arith.constant 0 : i32
        %dma_start3A_1086 = arith.constant 0 : i32
        %dma_start3A_1087 = tpu.memref_slice %arg9[%dma_start3A_1083, %dma_start3A_1085, %dma_start3A_1086] : memref<6x100x16xf32, #tpu.memory_space<vmem>> -> memref<1x100x16xf32, #tpu.memory_space<vmem>>
        %dma_start3A_1088 = tpu.memref_squeeze %dma_start3A_1087 : memref<1x100x16xf32, #tpu.memory_space<vmem>> -> memref<100x16xf32, #tpu.memory_space<vmem>>
        %dma_start3A_1089 = arith.constant 0 : i32
        %dma_start3A_1090 = tpu.memref_slice %arg7[%rem3A_677, %sub3A_680, %dma_start3A_1089] : memref<2x20x100xi32, #tpu.memory_space<vmem>> -> memref<1x1x100xi32, #tpu.memory_space<vmem>>
        %dma_start3A_1091 = tpu.memref_squeeze %dma_start3A_1090 : memref<1x1x100xi32, #tpu.memory_space<vmem>> -> memref<100xi32, #tpu.memory_space<vmem>>
        %dma_start3A_1092 = arith.constant 0 : i32
        %dma_start3A_1093 = arith.constant 0 : i32
        %dma_start3A_1094 = tpu.memref_slice %arg2[%dma_start3A_1092, %dma_start3A_1093] : memref<100096x16xf32, #tpu.memory_space<hbm>> -> memref<100096x16xf32, #tpu.memory_space<hbm>>
        %dma_start3A_1095 = tpu.memref_slice %arg12[%dma_start3A_1084] : memref<6x!tpu.dma_semaphore, #tpu.memory_space<semaphore_mem>> -> memref<1x!tpu.dma_semaphore, #tpu.memory_space<semaphore_mem>>
        %dma_start3A_1096 = tpu.memref_squeeze %dma_start3A_1095 : memref<1x!tpu.dma_semaphore, #tpu.memory_space<semaphore_mem>> -> memref<!tpu.dma_semaphore, #tpu.memory_space<semaphore_mem>>
        tpu.enqueue_indirect_dma source(%dma_start3A_1094 : memref<100096x16xf32, #tpu.memory_space<hbm>>) target(%dma_start3A_1088 : memref<100x16xf32, #tpu.memory_space<vmem>>) offsets(%dma_start3A_1091 : memref<100xi32, #tpu.memory_space<vmem>>) semaphore(%dma_start3A_1096 : memref<!tpu.dma_semaphore, #tpu.memory_space<semaphore_mem>>)
      } else {
      }
      %eq3A_686 = arith.constant 0 : i32
      %eq3A_687 = arith.cmpi eq, %scan3A_431, %eq3A_686 : i32
      %convert_element_type3A_688 = arith.extui %eq3A_687 : i1 to i32
      %cond3A_689 = arith.constant 0 : i32
      %cond3A_690 = arith.cmpi ne, %convert_element_type3A_688, %cond3A_689 : i32
      scf.if %cond3A_690 {
        %dma_start3A_1037 = arith.constant 5 : i32
        %dma_start3A_1038 = arith.constant 5 : i32
        %dma_start3A_1039 = arith.constant 0 : i32
        %dma_start3A_1040 = arith.constant 0 : i32
        %dma_start3A_1041 = tpu.memref_slice %arg8[%dma_start3A_1037, %dma_start3A_1039, %dma_start3A_1040] : memref<6x100x16xf32, #tpu.memory_space<vmem>> -> memref<1x100x16xf32, #tpu.memory_space<vmem>>
        %dma_start3A_1042 = tpu.memref_squeeze %dma_start3A_1041 : memref<1x100x16xf32, #tpu.memory_space<vmem>> -> memref<100x16xf32, #tpu.memory_space<vmem>>
        %dma_start3A_1043 = arith.constant 0 : i32
        %dma_start3A_1044 = tpu.memref_slice %arg6[%rem3A_677, %sub3A_680, %dma_start3A_1043] : memref<2x20x100xi32, #tpu.memory_space<vmem>> -> memref<1x1x100xi32, #tpu.memory_space<vmem>>
        %dma_start3A_1045 = tpu.memref_squeeze %dma_start3A_1044 : memref<1x1x100xi32, #tpu.memory_space<vmem>> -> memref<100xi32, #tpu.memory_space<vmem>>
        %dma_start3A_1046 = arith.constant 0 : i32
        %dma_start3A_1047 = arith.constant 0 : i32
        %dma_start3A_1048 = tpu.memref_slice %arg2[%dma_start3A_1046, %dma_start3A_1047] : memref<100096x16xf32, #tpu.memory_space<hbm>> -> memref<100096x16xf32, #tpu.memory_space<hbm>>
        %dma_start3A_1049 = tpu.memref_slice %arg11[%dma_start3A_1038] : memref<6x!tpu.dma_semaphore, #tpu.memory_space<semaphore_mem>> -> memref<1x!tpu.dma_semaphore, #tpu.memory_space<semaphore_mem>>
        %dma_start3A_1050 = tpu.memref_squeeze %dma_start3A_1049 : memref<1x!tpu.dma_semaphore, #tpu.memory_space<semaphore_mem>> -> memref<!tpu.dma_semaphore, #tpu.memory_space<semaphore_mem>>
        tpu.enqueue_indirect_dma source(%dma_start3A_1048 : memref<100096x16xf32, #tpu.memory_space<hbm>>) target(%dma_start3A_1042 : memref<100x16xf32, #tpu.memory_space<vmem>>) offsets(%dma_start3A_1045 : memref<100xi32, #tpu.memory_space<vmem>>) semaphore(%dma_start3A_1050 : memref<!tpu.dma_semaphore, #tpu.memory_space<semaphore_mem>>)
        %dma_start3A_1051 = arith.constant 5 : i32
        %dma_start3A_1052 = arith.constant 5 : i32
        %dma_start3A_1053 = arith.constant 0 : i32
        %dma_start3A_1054 = arith.constant 0 : i32
        %dma_start3A_1055 = tpu.memref_slice %arg9[%dma_start3A_1051, %dma_start3A_1053, %dma_start3A_1054] : memref<6x100x16xf32, #tpu.memory_space<vmem>> -> memref<1x100x16xf32, #tpu.memory_space<vmem>>
        %dma_start3A_1056 = tpu.memref_squeeze %dma_start3A_1055 : memref<1x100x16xf32, #tpu.memory_space<vmem>> -> memref<100x16xf32, #tpu.memory_space<vmem>>
        %dma_start3A_1057 = arith.constant 0 : i32
        %dma_start3A_1058 = tpu.memref_slice %arg7[%rem3A_677, %sub3A_680, %dma_start3A_1057] : memref<2x20x100xi32, #tpu.memory_space<vmem>> -> memref<1x1x100xi32, #tpu.memory_space<vmem>>
        %dma_start3A_1059 = tpu.memref_squeeze %dma_start3A_1058 : memref<1x1x100xi32, #tpu.memory_space<vmem>> -> memref<100xi32, #tpu.memory_space<vmem>>
        %dma_start3A_1060 = arith.constant 0 : i32
        %dma_start3A_1061 = arith.constant 0 : i32
        %dma_start3A_1062 = tpu.memref_slice %arg2[%dma_start3A_1060, %dma_start3A_1061] : memref<100096x16xf32, #tpu.memory_space<hbm>> -> memref<100096x16xf32, #tpu.memory_space<hbm>>
        %dma_start3A_1063 = tpu.memref_slice %arg12[%dma_start3A_1052] : memref<6x!tpu.dma_semaphore, #tpu.memory_space<semaphore_mem>> -> memref<1x!tpu.dma_semaphore, #tpu.memory_space<semaphore_mem>>
        %dma_start3A_1064 = tpu.memref_squeeze %dma_start3A_1063 : memref<1x!tpu.dma_semaphore, #tpu.memory_space<semaphore_mem>> -> memref<!tpu.dma_semaphore, #tpu.memory_space<semaphore_mem>>
        tpu.enqueue_indirect_dma source(%dma_start3A_1062 : memref<100096x16xf32, #tpu.memory_space<hbm>>) target(%dma_start3A_1056 : memref<100x16xf32, #tpu.memory_space<vmem>>) offsets(%dma_start3A_1059 : memref<100xi32, #tpu.memory_space<vmem>>) semaphore(%dma_start3A_1064 : memref<!tpu.dma_semaphore, #tpu.memory_space<semaphore_mem>>)
      } else {
      }
      %add3A_691 = arith.constant 2 : i32
      %add3A_692 = arith.addi %sub3A_452, %add3A_691 : i32
      %ge3A_693 = arith.constant 20 : i32
      %ge3A_694 = arith.cmpi sge, %add3A_692, %ge3A_693 : i32
      %jit3A_695 = arith.constant 1 : i32
      %jit3A_696 = arith.constant 0 : i32
      %select_n3A_697 = arith.select %ge3A_694, %jit3A_695, %jit3A_696 : i32
      %add3A_698 = arith.addi %select_n3A, %select_n3A_697 : i32
      %rem3A_699 = arith.constant 2 : i32
      %rem3A_700 = arith.remsi %add3A_698, %rem3A_699 : i32
      %mul3A_701 = arith.constant 20 : i32
      %mul3A_702 = arith.muli %mul3A_701, %select_n3A_697 : i32
      %sub3A_703 = arith.subi %add3A_692, %mul3A_702 : i32
      %dma_wait3A_704 = arith.constant 0 : i32
      %dma_wait3A_705 = arith.constant 0 : i32
      %dma_wait3A_706 = arith.constant 2 : i32
      %dma_wait3A_707 = arith.constant 2 : i32
      %dma_wait3A_708 = arith.constant 0 : i32
      %dma_wait3A_709 = arith.constant 0 : i32
      %dma_wait3A_710 = tpu.memref_slice %arg8[%dma_wait3A_706, %dma_wait3A_708, %dma_wait3A_709] : memref<6x100x16xf32, #tpu.memory_space<vmem>> -> memref<1x100x16xf32, #tpu.memory_space<vmem>>
      %dma_wait3A_711 = tpu.memref_squeeze %dma_wait3A_710 : memref<1x100x16xf32, #tpu.memory_space<vmem>> -> memref<100x16xf32, #tpu.memory_space<vmem>>
      %dma_wait3A_712 = arith.constant 0 : i32
      %dma_wait3A_713 = tpu.memref_slice %arg6[%dma_wait3A_704, %dma_wait3A_705, %dma_wait3A_712] : memref<2x20x100xi32, #tpu.memory_space<vmem>> -> memref<1x1x100xi32, #tpu.memory_space<vmem>>
      %dma_wait3A_714 = tpu.memref_squeeze %dma_wait3A_713 : memref<1x1x100xi32, #tpu.memory_space<vmem>> -> memref<100xi32, #tpu.memory_space<vmem>>
      %dma_wait3A_715 = arith.constant 0 : i32
      %dma_wait3A_716 = arith.constant 0 : i32
      %dma_wait3A_717 = tpu.memref_slice %arg2[%dma_wait3A_715, %dma_wait3A_716] : memref<100096x16xf32, #tpu.memory_space<hbm>> -> memref<100096x16xf32, #tpu.memory_space<hbm>>
      %dma_wait3A_718 = tpu.memref_slice %arg11[%dma_wait3A_707] : memref<6x!tpu.dma_semaphore, #tpu.memory_space<semaphore_mem>> -> memref<1x!tpu.dma_semaphore, #tpu.memory_space<semaphore_mem>>
      %dma_wait3A_719 = tpu.memref_squeeze %dma_wait3A_718 : memref<1x!tpu.dma_semaphore, #tpu.memory_space<semaphore_mem>> -> memref<!tpu.dma_semaphore, #tpu.memory_space<semaphore_mem>>
      tpu.wait_indirect_dma semaphore(%dma_wait3A_719 : memref<!tpu.dma_semaphore, #tpu.memory_space<semaphore_mem>>) src(%dma_wait3A_717 : memref<100096x16xf32, #tpu.memory_space<hbm>>) dst(%dma_wait3A_711 : memref<100x16xf32, #tpu.memory_space<vmem>>)
      %dma_wait3A_720 = arith.constant 0 : i32
      %dma_wait3A_721 = arith.constant 0 : i32
      %dma_wait3A_722 = arith.constant 2 : i32
      %dma_wait3A_723 = arith.constant 2 : i32
      %dma_wait3A_724 = arith.constant 0 : i32
      %dma_wait3A_725 = arith.constant 0 : i32
      %dma_wait3A_726 = tpu.memref_slice %arg9[%dma_wait3A_722, %dma_wait3A_724, %dma_wait3A_725] : memref<6x100x16xf32, #tpu.memory_space<vmem>> -> memref<1x100x16xf32, #tpu.memory_space<vmem>>
      %dma_wait3A_727 = tpu.memref_squeeze %dma_wait3A_726 : memref<1x100x16xf32, #tpu.memory_space<vmem>> -> memref<100x16xf32, #tpu.memory_space<vmem>>
      %dma_wait3A_728 = arith.constant 0 : i32
      %dma_wait3A_729 = tpu.memref_slice %arg7[%dma_wait3A_720, %dma_wait3A_721, %dma_wait3A_728] : memref<2x20x100xi32, #tpu.memory_space<vmem>> -> memref<1x1x100xi32, #tpu.memory_space<vmem>>
      %dma_wait3A_730 = tpu.memref_squeeze %dma_wait3A_729 : memref<1x1x100xi32, #tpu.memory_space<vmem>> -> memref<100xi32, #tpu.memory_space<vmem>>
      %dma_wait3A_731 = arith.constant 0 : i32
      %dma_wait3A_732 = arith.constant 0 : i32
      %dma_wait3A_733 = tpu.memref_slice %arg2[%dma_wait3A_731, %dma_wait3A_732] : memref<100096x16xf32, #tpu.memory_space<hbm>> -> memref<100096x16xf32, #tpu.memory_space<hbm>>
      %dma_wait3A_734 = tpu.memref_slice %arg12[%dma_wait3A_723] : memref<6x!tpu.dma_semaphore, #tpu.memory_space<semaphore_mem>> -> memref<1x!tpu.dma_semaphore, #tpu.memory_space<semaphore_mem>>
      %dma_wait3A_735 = tpu.memref_squeeze %dma_wait3A_734 : memref<1x!tpu.dma_semaphore, #tpu.memory_space<semaphore_mem>> -> memref<!tpu.dma_semaphore, #tpu.memory_space<semaphore_mem>>
      tpu.wait_indirect_dma semaphore(%dma_wait3A_735 : memref<!tpu.dma_semaphore, #tpu.memory_space<semaphore_mem>>) src(%dma_wait3A_733 : memref<100096x16xf32, #tpu.memory_space<hbm>>) dst(%dma_wait3A_727 : memref<100x16xf32, #tpu.memory_space<vmem>>)
      %dma_start3A_736 = arith.constant 2 : i32
      %dma_start3A_737 = arith.constant 2 : i32
      %dma_start3A_738 = arith.constant 0 : i32
      %dma_start3A_739 = arith.constant 0 : i32
      %dma_start3A_740 = tpu.memref_slice %arg8[%dma_start3A_736, %dma_start3A_738, %dma_start3A_739] : memref<6x100x16xf32, #tpu.memory_space<vmem>> -> memref<1x100x16xf32, #tpu.memory_space<vmem>>
      %dma_start3A_741 = tpu.memref_squeeze %dma_start3A_740 : memref<1x100x16xf32, #tpu.memory_space<vmem>> -> memref<100x16xf32, #tpu.memory_space<vmem>>
      %dma_start3A_742 = arith.constant 0 : i32
      %dma_start3A_743 = tpu.memref_slice %arg7[%rem3A_700, %sub3A_703, %dma_start3A_742] : memref<2x20x100xi32, #tpu.memory_space<vmem>> -> memref<1x1x100xi32, #tpu.memory_space<vmem>>
      %dma_start3A_744 = tpu.memref_squeeze %dma_start3A_743 : memref<1x1x100xi32, #tpu.memory_space<vmem>> -> memref<100xi32, #tpu.memory_space<vmem>>
      %dma_start3A_745 = arith.constant 0 : i32
      %dma_start3A_746 = arith.constant 0 : i32
      %dma_start3A_747 = tpu.memref_slice %arg10[%dma_start3A_745, %dma_start3A_746] : memref<100096x16xf32, #tpu.memory_space<vmem_shared>> -> memref<100096x16xf32, #tpu.memory_space<vmem_shared>>
      %dma_start3A_748 = tpu.memref_slice %arg13[%dma_start3A_737] : memref<6x!tpu.dma_semaphore, #tpu.memory_space<semaphore_mem>> -> memref<1x!tpu.dma_semaphore, #tpu.memory_space<semaphore_mem>>
      %dma_start3A_749 = tpu.memref_squeeze %dma_start3A_748 : memref<1x!tpu.dma_semaphore, #tpu.memory_space<semaphore_mem>> -> memref<!tpu.dma_semaphore, #tpu.memory_space<semaphore_mem>>
      tpu.enqueue_indirect_dma source(%dma_start3A_741 : memref<100x16xf32, #tpu.memory_space<vmem>>) target(%dma_start3A_747 : memref<100096x16xf32, #tpu.memory_space<vmem_shared>>) offsets(%dma_start3A_744 : memref<100xi32, #tpu.memory_space<vmem>>) semaphore(%dma_start3A_749 : memref<!tpu.dma_semaphore, #tpu.memory_space<semaphore_mem>>) {add = true}
      %dma_start3A_750 = arith.constant 2 : i32
      %dma_start3A_751 = arith.constant 2 : i32
      %dma_start3A_752 = arith.constant 0 : i32
      %dma_start3A_753 = arith.constant 0 : i32
      %dma_start3A_754 = tpu.memref_slice %arg9[%dma_start3A_750, %dma_start3A_752, %dma_start3A_753] : memref<6x100x16xf32, #tpu.memory_space<vmem>> -> memref<1x100x16xf32, #tpu.memory_space<vmem>>
      %dma_start3A_755 = tpu.memref_squeeze %dma_start3A_754 : memref<1x100x16xf32, #tpu.memory_space<vmem>> -> memref<100x16xf32, #tpu.memory_space<vmem>>
      %dma_start3A_756 = arith.constant 0 : i32
      %dma_start3A_757 = tpu.memref_slice %arg6[%rem3A_700, %sub3A_703, %dma_start3A_756] : memref<2x20x100xi32, #tpu.memory_space<vmem>> -> memref<1x1x100xi32, #tpu.memory_space<vmem>>
      %dma_start3A_758 = tpu.memref_squeeze %dma_start3A_757 : memref<1x1x100xi32, #tpu.memory_space<vmem>> -> memref<100xi32, #tpu.memory_space<vmem>>
      %dma_start3A_759 = arith.constant 0 : i32
      %dma_start3A_760 = arith.constant 0 : i32
      %dma_start3A_761 = tpu.memref_slice %arg10[%dma_start3A_759, %dma_start3A_760] : memref<100096x16xf32, #tpu.memory_space<vmem_shared>> -> memref<100096x16xf32, #tpu.memory_space<vmem_shared>>
      %dma_start3A_762 = tpu.memref_slice %arg14[%dma_start3A_751] : memref<6x!tpu.dma_semaphore, #tpu.memory_space<semaphore_mem>> -> memref<1x!tpu.dma_semaphore, #tpu.memory_space<semaphore_mem>>
      %dma_start3A_763 = tpu.memref_squeeze %dma_start3A_762 : memref<1x!tpu.dma_semaphore, #tpu.memory_space<semaphore_mem>> -> memref<!tpu.dma_semaphore, #tpu.memory_space<semaphore_mem>>
      tpu.enqueue_indirect_dma source(%dma_start3A_755 : memref<100x16xf32, #tpu.memory_space<vmem>>) target(%dma_start3A_761 : memref<100096x16xf32, #tpu.memory_space<vmem_shared>>) offsets(%dma_start3A_758 : memref<100xi32, #tpu.memory_space<vmem>>) semaphore(%dma_start3A_763 : memref<!tpu.dma_semaphore, #tpu.memory_space<semaphore_mem>>) {add = true}
      %add3A_764 = arith.constant 6 : i32
      %add3A_765 = arith.addi %sub3A_452, %add3A_764 : i32
      %ge3A_766 = arith.constant 20 : i32
      %ge3A_767 = arith.cmpi sge, %add3A_765, %ge3A_766 : i32
      %jit3A_768 = arith.constant 1 : i32
      %jit3A_769 = arith.constant 0 : i32
      %select_n3A_770 = arith.select %ge3A_767, %jit3A_768, %jit3A_769 : i32
      %add3A_771 = arith.addi %select_n3A, %select_n3A_770 : i32
      %rem3A_772 = arith.constant 2 : i32
      %rem3A_773 = arith.remsi %add3A_771, %rem3A_772 : i32
      %mul3A_774 = arith.constant 20 : i32
      %mul3A_775 = arith.muli %mul3A_774, %select_n3A_770 : i32
      %sub3A_776 = arith.subi %add3A_765, %mul3A_775 : i32
      %le3A_777 = arith.constant 164 : i32
      %le3A_778 = arith.cmpi sle, %scan3A_431, %le3A_777 : i32
      %convert_element_type3A_779 = arith.extui %le3A_778 : i1 to i32
      %cond3A_780 = arith.constant 0 : i32
      %cond3A_781 = arith.cmpi ne, %convert_element_type3A_779, %cond3A_780 : i32
      scf.if %cond3A_781 {
        %dma_wait3A_1037 = arith.constant 0 : i32
        %dma_wait3A_1038 = arith.constant 0 : i32
        %dma_wait3A_1039 = arith.constant 0 : i32
        %dma_wait3A_1040 = arith.constant 0 : i32
        %dma_wait3A_1041 = arith.constant 0 : i32
        %dma_wait3A_1042 = arith.constant 0 : i32
        %dma_wait3A_1043 = tpu.memref_slice %arg8[%dma_wait3A_1037, %dma_wait3A_1041, %dma_wait3A_1042] : memref<6x100x16xf32, #tpu.memory_space<vmem>> -> memref<1x100x16xf32, #tpu.memory_space<vmem>>
        %dma_wait3A_1044 = tpu.memref_squeeze %dma_wait3A_1043 : memref<1x100x16xf32, #tpu.memory_space<vmem>> -> memref<100x16xf32, #tpu.memory_space<vmem>>
        %dma_wait3A_1045 = arith.constant 0 : i32
        %dma_wait3A_1046 = tpu.memref_slice %arg7[%dma_wait3A_1038, %dma_wait3A_1039, %dma_wait3A_1045] : memref<2x20x100xi32, #tpu.memory_space<vmem>> -> memref<1x1x100xi32, #tpu.memory_space<vmem>>
        %dma_wait3A_1047 = tpu.memref_squeeze %dma_wait3A_1046 : memref<1x1x100xi32, #tpu.memory_space<vmem>> -> memref<100xi32, #tpu.memory_space<vmem>>
        %dma_wait3A_1048 = arith.constant 0 : i32
        %dma_wait3A_1049 = arith.constant 0 : i32
        %dma_wait3A_1050 = tpu.memref_slice %arg10[%dma_wait3A_1048, %dma_wait3A_1049] : memref<100096x16xf32, #tpu.memory_space<vmem_shared>> -> memref<100096x16xf32, #tpu.memory_space<vmem_shared>>
        %dma_wait3A_1051 = tpu.memref_slice %arg13[%dma_wait3A_1040] : memref<6x!tpu.dma_semaphore, #tpu.memory_space<semaphore_mem>> -> memref<1x!tpu.dma_semaphore, #tpu.memory_space<semaphore_mem>>
        %dma_wait3A_1052 = tpu.memref_squeeze %dma_wait3A_1051 : memref<1x!tpu.dma_semaphore, #tpu.memory_space<semaphore_mem>> -> memref<!tpu.dma_semaphore, #tpu.memory_space<semaphore_mem>>
        tpu.wait_indirect_dma semaphore(%dma_wait3A_1052 : memref<!tpu.dma_semaphore, #tpu.memory_space<semaphore_mem>>) src(%dma_wait3A_1044 : memref<100x16xf32, #tpu.memory_space<vmem>>) dst(%dma_wait3A_1050 : memref<100096x16xf32, #tpu.memory_space<vmem_shared>>)
        %dma_wait3A_1053 = arith.constant 0 : i32
        %dma_wait3A_1054 = arith.constant 0 : i32
        %dma_wait3A_1055 = arith.constant 0 : i32
        %dma_wait3A_1056 = arith.constant 0 : i32
        %dma_wait3A_1057 = arith.constant 0 : i32
        %dma_wait3A_1058 = arith.constant 0 : i32
        %dma_wait3A_1059 = tpu.memref_slice %arg9[%dma_wait3A_1053, %dma_wait3A_1057, %dma_wait3A_1058] : memref<6x100x16xf32, #tpu.memory_space<vmem>> -> memref<1x100x16xf32, #tpu.memory_space<vmem>>
        %dma_wait3A_1060 = tpu.memref_squeeze %dma_wait3A_1059 : memref<1x100x16xf32, #tpu.memory_space<vmem>> -> memref<100x16xf32, #tpu.memory_space<vmem>>
        %dma_wait3A_1061 = arith.constant 0 : i32
        %dma_wait3A_1062 = tpu.memref_slice %arg6[%dma_wait3A_1054, %dma_wait3A_1055, %dma_wait3A_1061] : memref<2x20x100xi32, #tpu.memory_space<vmem>> -> memref<1x1x100xi32, #tpu.memory_space<vmem>>
        %dma_wait3A_1063 = tpu.memref_squeeze %dma_wait3A_1062 : memref<1x1x100xi32, #tpu.memory_space<vmem>> -> memref<100xi32, #tpu.memory_space<vmem>>
        %dma_wait3A_1064 = arith.constant 0 : i32
        %dma_wait3A_1065 = arith.constant 0 : i32
        %dma_wait3A_1066 = tpu.memref_slice %arg10[%dma_wait3A_1064, %dma_wait3A_1065] : memref<100096x16xf32, #tpu.memory_space<vmem_shared>> -> memref<100096x16xf32, #tpu.memory_space<vmem_shared>>
        %dma_wait3A_1067 = tpu.memref_slice %arg14[%dma_wait3A_1056] : memref<6x!tpu.dma_semaphore, #tpu.memory_space<semaphore_mem>> -> memref<1x!tpu.dma_semaphore, #tpu.memory_space<semaphore_mem>>
        %dma_wait3A_1068 = tpu.memref_squeeze %dma_wait3A_1067 : memref<1x!tpu.dma_semaphore, #tpu.memory_space<semaphore_mem>> -> memref<!tpu.dma_semaphore, #tpu.memory_space<semaphore_mem>>
        tpu.wait_indirect_dma semaphore(%dma_wait3A_1068 : memref<!tpu.dma_semaphore, #tpu.memory_space<semaphore_mem>>) src(%dma_wait3A_1060 : memref<100x16xf32, #tpu.memory_space<vmem>>) dst(%dma_wait3A_1066 : memref<100096x16xf32, #tpu.memory_space<vmem_shared>>)
        %dma_start3A_1069 = arith.constant 0 : i32
        %dma_start3A_1070 = arith.constant 0 : i32
        %dma_start3A_1071 = arith.constant 0 : i32
        %dma_start3A_1072 = arith.constant 0 : i32
        %dma_start3A_1073 = tpu.memref_slice %arg8[%dma_start3A_1069, %dma_start3A_1071, %dma_start3A_1072] : memref<6x100x16xf32, #tpu.memory_space<vmem>> -> memref<1x100x16xf32, #tpu.memory_space<vmem>>
        %dma_start3A_1074 = tpu.memref_squeeze %dma_start3A_1073 : memref<1x100x16xf32, #tpu.memory_space<vmem>> -> memref<100x16xf32, #tpu.memory_space<vmem>>
        %dma_start3A_1075 = arith.constant 0 : i32
        %dma_start3A_1076 = tpu.memref_slice %arg6[%rem3A_773, %sub3A_776, %dma_start3A_1075] : memref<2x20x100xi32, #tpu.memory_space<vmem>> -> memref<1x1x100xi32, #tpu.memory_space<vmem>>
        %dma_start3A_1077 = tpu.memref_squeeze %dma_start3A_1076 : memref<1x1x100xi32, #tpu.memory_space<vmem>> -> memref<100xi32, #tpu.memory_space<vmem>>
        %dma_start3A_1078 = arith.constant 0 : i32
        %dma_start3A_1079 = arith.constant 0 : i32
        %dma_start3A_1080 = tpu.memref_slice %arg2[%dma_start3A_1078, %dma_start3A_1079] : memref<100096x16xf32, #tpu.memory_space<hbm>> -> memref<100096x16xf32, #tpu.memory_space<hbm>>
        %dma_start3A_1081 = tpu.memref_slice %arg11[%dma_start3A_1070] : memref<6x!tpu.dma_semaphore, #tpu.memory_space<semaphore_mem>> -> memref<1x!tpu.dma_semaphore, #tpu.memory_space<semaphore_mem>>
        %dma_start3A_1082 = tpu.memref_squeeze %dma_start3A_1081 : memref<1x!tpu.dma_semaphore, #tpu.memory_space<semaphore_mem>> -> memref<!tpu.dma_semaphore, #tpu.memory_space<semaphore_mem>>
        tpu.enqueue_indirect_dma source(%dma_start3A_1080 : memref<100096x16xf32, #tpu.memory_space<hbm>>) target(%dma_start3A_1074 : memref<100x16xf32, #tpu.memory_space<vmem>>) offsets(%dma_start3A_1077 : memref<100xi32, #tpu.memory_space<vmem>>) semaphore(%dma_start3A_1082 : memref<!tpu.dma_semaphore, #tpu.memory_space<semaphore_mem>>)
        %dma_start3A_1083 = arith.constant 0 : i32
        %dma_start3A_1084 = arith.constant 0 : i32
        %dma_start3A_1085 = arith.constant 0 : i32
        %dma_start3A_1086 = arith.constant 0 : i32
        %dma_start3A_1087 = tpu.memref_slice %arg9[%dma_start3A_1083, %dma_start3A_1085, %dma_start3A_1086] : memref<6x100x16xf32, #tpu.memory_space<vmem>> -> memref<1x100x16xf32, #tpu.memory_space<vmem>>
        %dma_start3A_1088 = tpu.memref_squeeze %dma_start3A_1087 : memref<1x100x16xf32, #tpu.memory_space<vmem>> -> memref<100x16xf32, #tpu.memory_space<vmem>>
        %dma_start3A_1089 = arith.constant 0 : i32
        %dma_start3A_1090 = tpu.memref_slice %arg7[%rem3A_773, %sub3A_776, %dma_start3A_1089] : memref<2x20x100xi32, #tpu.memory_space<vmem>> -> memref<1x1x100xi32, #tpu.memory_space<vmem>>
        %dma_start3A_1091 = tpu.memref_squeeze %dma_start3A_1090 : memref<1x1x100xi32, #tpu.memory_space<vmem>> -> memref<100xi32, #tpu.memory_space<vmem>>
        %dma_start3A_1092 = arith.constant 0 : i32
        %dma_start3A_1093 = arith.constant 0 : i32
        %dma_start3A_1094 = tpu.memref_slice %arg2[%dma_start3A_1092, %dma_start3A_1093] : memref<100096x16xf32, #tpu.memory_space<hbm>> -> memref<100096x16xf32, #tpu.memory_space<hbm>>
        %dma_start3A_1095 = tpu.memref_slice %arg12[%dma_start3A_1084] : memref<6x!tpu.dma_semaphore, #tpu.memory_space<semaphore_mem>> -> memref<1x!tpu.dma_semaphore, #tpu.memory_space<semaphore_mem>>
        %dma_start3A_1096 = tpu.memref_squeeze %dma_start3A_1095 : memref<1x!tpu.dma_semaphore, #tpu.memory_space<semaphore_mem>> -> memref<!tpu.dma_semaphore, #tpu.memory_space<semaphore_mem>>
        tpu.enqueue_indirect_dma source(%dma_start3A_1094 : memref<100096x16xf32, #tpu.memory_space<hbm>>) target(%dma_start3A_1088 : memref<100x16xf32, #tpu.memory_space<vmem>>) offsets(%dma_start3A_1091 : memref<100xi32, #tpu.memory_space<vmem>>) semaphore(%dma_start3A_1096 : memref<!tpu.dma_semaphore, #tpu.memory_space<semaphore_mem>>)
      } else {
      }
      %add3A_782 = arith.constant 3 : i32
      %add3A_783 = arith.addi %sub3A_452, %add3A_782 : i32
      %ge3A_784 = arith.constant 20 : i32
      %ge3A_785 = arith.cmpi sge, %add3A_783, %ge3A_784 : i32
      %jit3A_786 = arith.constant 1 : i32
      %jit3A_787 = arith.constant 0 : i32
      %select_n3A_788 = arith.select %ge3A_785, %jit3A_786, %jit3A_787 : i32
      %add3A_789 = arith.addi %select_n3A, %select_n3A_788 : i32
      %rem3A_790 = arith.constant 2 : i32
      %rem3A_791 = arith.remsi %add3A_789, %rem3A_790 : i32
      %mul3A_792 = arith.constant 20 : i32
      %mul3A_793 = arith.muli %mul3A_792, %select_n3A_788 : i32
      %sub3A_794 = arith.subi %add3A_783, %mul3A_793 : i32
      %dma_wait3A_795 = arith.constant 0 : i32
      %dma_wait3A_796 = arith.constant 0 : i32
      %dma_wait3A_797 = arith.constant 3 : i32
      %dma_wait3A_798 = arith.constant 3 : i32
      %dma_wait3A_799 = arith.constant 0 : i32
      %dma_wait3A_800 = arith.constant 0 : i32
      %dma_wait3A_801 = tpu.memref_slice %arg8[%dma_wait3A_797, %dma_wait3A_799, %dma_wait3A_800] : memref<6x100x16xf32, #tpu.memory_space<vmem>> -> memref<1x100x16xf32, #tpu.memory_space<vmem>>
      %dma_wait3A_802 = tpu.memref_squeeze %dma_wait3A_801 : memref<1x100x16xf32, #tpu.memory_space<vmem>> -> memref<100x16xf32, #tpu.memory_space<vmem>>
      %dma_wait3A_803 = arith.constant 0 : i32
      %dma_wait3A_804 = tpu.memref_slice %arg6[%dma_wait3A_795, %dma_wait3A_796, %dma_wait3A_803] : memref<2x20x100xi32, #tpu.memory_space<vmem>> -> memref<1x1x100xi32, #tpu.memory_space<vmem>>
      %dma_wait3A_805 = tpu.memref_squeeze %dma_wait3A_804 : memref<1x1x100xi32, #tpu.memory_space<vmem>> -> memref<100xi32, #tpu.memory_space<vmem>>
      %dma_wait3A_806 = arith.constant 0 : i32
      %dma_wait3A_807 = arith.constant 0 : i32
      %dma_wait3A_808 = tpu.memref_slice %arg2[%dma_wait3A_806, %dma_wait3A_807] : memref<100096x16xf32, #tpu.memory_space<hbm>> -> memref<100096x16xf32, #tpu.memory_space<hbm>>
      %dma_wait3A_809 = tpu.memref_slice %arg11[%dma_wait3A_798] : memref<6x!tpu.dma_semaphore, #tpu.memory_space<semaphore_mem>> -> memref<1x!tpu.dma_semaphore, #tpu.memory_space<semaphore_mem>>
      %dma_wait3A_810 = tpu.memref_squeeze %dma_wait3A_809 : memref<1x!tpu.dma_semaphore, #tpu.memory_space<semaphore_mem>> -> memref<!tpu.dma_semaphore, #tpu.memory_space<semaphore_mem>>
      tpu.wait_indirect_dma semaphore(%dma_wait3A_810 : memref<!tpu.dma_semaphore, #tpu.memory_space<semaphore_mem>>) src(%dma_wait3A_808 : memref<100096x16xf32, #tpu.memory_space<hbm>>) dst(%dma_wait3A_802 : memref<100x16xf32, #tpu.memory_space<vmem>>)
      %dma_wait3A_811 = arith.constant 0 : i32
      %dma_wait3A_812 = arith.constant 0 : i32
      %dma_wait3A_813 = arith.constant 3 : i32
      %dma_wait3A_814 = arith.constant 3 : i32
      %dma_wait3A_815 = arith.constant 0 : i32
      %dma_wait3A_816 = arith.constant 0 : i32
      %dma_wait3A_817 = tpu.memref_slice %arg9[%dma_wait3A_813, %dma_wait3A_815, %dma_wait3A_816] : memref<6x100x16xf32, #tpu.memory_space<vmem>> -> memref<1x100x16xf32, #tpu.memory_space<vmem>>
      %dma_wait3A_818 = tpu.memref_squeeze %dma_wait3A_817 : memref<1x100x16xf32, #tpu.memory_space<vmem>> -> memref<100x16xf32, #tpu.memory_space<vmem>>
      %dma_wait3A_819 = arith.constant 0 : i32
      %dma_wait3A_820 = tpu.memref_slice %arg7[%dma_wait3A_811, %dma_wait3A_812, %dma_wait3A_819] : memref<2x20x100xi32, #tpu.memory_space<vmem>> -> memref<1x1x100xi32, #tpu.memory_space<vmem>>
      %dma_wait3A_821 = tpu.memref_squeeze %dma_wait3A_820 : memref<1x1x100xi32, #tpu.memory_space<vmem>> -> memref<100xi32, #tpu.memory_space<vmem>>
      %dma_wait3A_822 = arith.constant 0 : i32
      %dma_wait3A_823 = arith.constant 0 : i32
      %dma_wait3A_824 = tpu.memref_slice %arg2[%dma_wait3A_822, %dma_wait3A_823] : memref<100096x16xf32, #tpu.memory_space<hbm>> -> memref<100096x16xf32, #tpu.memory_space<hbm>>
      %dma_wait3A_825 = tpu.memref_slice %arg12[%dma_wait3A_814] : memref<6x!tpu.dma_semaphore, #tpu.memory_space<semaphore_mem>> -> memref<1x!tpu.dma_semaphore, #tpu.memory_space<semaphore_mem>>
      %dma_wait3A_826 = tpu.memref_squeeze %dma_wait3A_825 : memref<1x!tpu.dma_semaphore, #tpu.memory_space<semaphore_mem>> -> memref<!tpu.dma_semaphore, #tpu.memory_space<semaphore_mem>>
      tpu.wait_indirect_dma semaphore(%dma_wait3A_826 : memref<!tpu.dma_semaphore, #tpu.memory_space<semaphore_mem>>) src(%dma_wait3A_824 : memref<100096x16xf32, #tpu.memory_space<hbm>>) dst(%dma_wait3A_818 : memref<100x16xf32, #tpu.memory_space<vmem>>)
      %dma_start3A_827 = arith.constant 3 : i32
      %dma_start3A_828 = arith.constant 3 : i32
      %dma_start3A_829 = arith.constant 0 : i32
      %dma_start3A_830 = arith.constant 0 : i32
      %dma_start3A_831 = tpu.memref_slice %arg8[%dma_start3A_827, %dma_start3A_829, %dma_start3A_830] : memref<6x100x16xf32, #tpu.memory_space<vmem>> -> memref<1x100x16xf32, #tpu.memory_space<vmem>>
      %dma_start3A_832 = tpu.memref_squeeze %dma_start3A_831 : memref<1x100x16xf32, #tpu.memory_space<vmem>> -> memref<100x16xf32, #tpu.memory_space<vmem>>
      %dma_start3A_833 = arith.constant 0 : i32
      %dma_start3A_834 = tpu.memref_slice %arg7[%rem3A_791, %sub3A_794, %dma_start3A_833] : memref<2x20x100xi32, #tpu.memory_space<vmem>> -> memref<1x1x100xi32, #tpu.memory_space<vmem>>
      %dma_start3A_835 = tpu.memref_squeeze %dma_start3A_834 : memref<1x1x100xi32, #tpu.memory_space<vmem>> -> memref<100xi32, #tpu.memory_space<vmem>>
      %dma_start3A_836 = arith.constant 0 : i32
      %dma_start3A_837 = arith.constant 0 : i32
      %dma_start3A_838 = tpu.memref_slice %arg10[%dma_start3A_836, %dma_start3A_837] : memref<100096x16xf32, #tpu.memory_space<vmem_shared>> -> memref<100096x16xf32, #tpu.memory_space<vmem_shared>>
      %dma_start3A_839 = tpu.memref_slice %arg13[%dma_start3A_828] : memref<6x!tpu.dma_semaphore, #tpu.memory_space<semaphore_mem>> -> memref<1x!tpu.dma_semaphore, #tpu.memory_space<semaphore_mem>>
      %dma_start3A_840 = tpu.memref_squeeze %dma_start3A_839 : memref<1x!tpu.dma_semaphore, #tpu.memory_space<semaphore_mem>> -> memref<!tpu.dma_semaphore, #tpu.memory_space<semaphore_mem>>
      tpu.enqueue_indirect_dma source(%dma_start3A_832 : memref<100x16xf32, #tpu.memory_space<vmem>>) target(%dma_start3A_838 : memref<100096x16xf32, #tpu.memory_space<vmem_shared>>) offsets(%dma_start3A_835 : memref<100xi32, #tpu.memory_space<vmem>>) semaphore(%dma_start3A_840 : memref<!tpu.dma_semaphore, #tpu.memory_space<semaphore_mem>>) {add = true}
      %dma_start3A_841 = arith.constant 3 : i32
      %dma_start3A_842 = arith.constant 3 : i32
      %dma_start3A_843 = arith.constant 0 : i32
      %dma_start3A_844 = arith.constant 0 : i32
      %dma_start3A_845 = tpu.memref_slice %arg9[%dma_start3A_841, %dma_start3A_843, %dma_start3A_844] : memref<6x100x16xf32, #tpu.memory_space<vmem>> -> memref<1x100x16xf32, #tpu.memory_space<vmem>>
      %dma_start3A_846 = tpu.memref_squeeze %dma_start3A_845 : memref<1x100x16xf32, #tpu.memory_space<vmem>> -> memref<100x16xf32, #tpu.memory_space<vmem>>
      %dma_start3A_847 = arith.constant 0 : i32
      %dma_start3A_848 = tpu.memref_slice %arg6[%rem3A_791, %sub3A_794, %dma_start3A_847] : memref<2x20x100xi32, #tpu.memory_space<vmem>> -> memref<1x1x100xi32, #tpu.memory_space<vmem>>
      %dma_start3A_849 = tpu.memref_squeeze %dma_start3A_848 : memref<1x1x100xi32, #tpu.memory_space<vmem>> -> memref<100xi32, #tpu.memory_space<vmem>>
      %dma_start3A_850 = arith.constant 0 : i32
      %dma_start3A_851 = arith.constant 0 : i32
      %dma_start3A_852 = tpu.memref_slice %arg10[%dma_start3A_850, %dma_start3A_851] : memref<100096x16xf32, #tpu.memory_space<vmem_shared>> -> memref<100096x16xf32, #tpu.memory_space<vmem_shared>>
      %dma_start3A_853 = tpu.memref_slice %arg14[%dma_start3A_842] : memref<6x!tpu.dma_semaphore, #tpu.memory_space<semaphore_mem>> -> memref<1x!tpu.dma_semaphore, #tpu.memory_space<semaphore_mem>>
      %dma_start3A_854 = tpu.memref_squeeze %dma_start3A_853 : memref<1x!tpu.dma_semaphore, #tpu.memory_space<semaphore_mem>> -> memref<!tpu.dma_semaphore, #tpu.memory_space<semaphore_mem>>
      tpu.enqueue_indirect_dma source(%dma_start3A_846 : memref<100x16xf32, #tpu.memory_space<vmem>>) target(%dma_start3A_852 : memref<100096x16xf32, #tpu.memory_space<vmem_shared>>) offsets(%dma_start3A_849 : memref<100xi32, #tpu.memory_space<vmem>>) semaphore(%dma_start3A_854 : memref<!tpu.dma_semaphore, #tpu.memory_space<semaphore_mem>>) {add = true}
      %add3A_855 = arith.constant 7 : i32
      %add3A_856 = arith.addi %sub3A_452, %add3A_855 : i32
      %ge3A_857 = arith.constant 20 : i32
      %ge3A_858 = arith.cmpi sge, %add3A_856, %ge3A_857 : i32
      %jit3A_859 = arith.constant 1 : i32
      %jit3A_860 = arith.constant 0 : i32
      %select_n3A_861 = arith.select %ge3A_858, %jit3A_859, %jit3A_860 : i32
      %add3A_862 = arith.addi %select_n3A, %select_n3A_861 : i32
      %rem3A_863 = arith.constant 2 : i32
      %rem3A_864 = arith.remsi %add3A_862, %rem3A_863 : i32
      %mul3A_865 = arith.constant 20 : i32
      %mul3A_866 = arith.muli %mul3A_865, %select_n3A_861 : i32
      %sub3A_867 = arith.subi %add3A_856, %mul3A_866 : i32
      %le3A_868 = arith.constant 164 : i32
      %le3A_869 = arith.cmpi sle, %scan3A_431, %le3A_868 : i32
      %convert_element_type3A_870 = arith.extui %le3A_869 : i1 to i32
      %cond3A_871 = arith.constant 0 : i32
      %cond3A_872 = arith.cmpi ne, %convert_element_type3A_870, %cond3A_871 : i32
      scf.if %cond3A_872 {
        %dma_wait3A_1037 = arith.constant 1 : i32
        %dma_wait3A_1038 = arith.constant 0 : i32
        %dma_wait3A_1039 = arith.constant 0 : i32
        %dma_wait3A_1040 = arith.constant 1 : i32
        %dma_wait3A_1041 = arith.constant 0 : i32
        %dma_wait3A_1042 = arith.constant 0 : i32
        %dma_wait3A_1043 = tpu.memref_slice %arg8[%dma_wait3A_1037, %dma_wait3A_1041, %dma_wait3A_1042] : memref<6x100x16xf32, #tpu.memory_space<vmem>> -> memref<1x100x16xf32, #tpu.memory_space<vmem>>
        %dma_wait3A_1044 = tpu.memref_squeeze %dma_wait3A_1043 : memref<1x100x16xf32, #tpu.memory_space<vmem>> -> memref<100x16xf32, #tpu.memory_space<vmem>>
        %dma_wait3A_1045 = arith.constant 0 : i32
        %dma_wait3A_1046 = tpu.memref_slice %arg7[%dma_wait3A_1038, %dma_wait3A_1039, %dma_wait3A_1045] : memref<2x20x100xi32, #tpu.memory_space<vmem>> -> memref<1x1x100xi32, #tpu.memory_space<vmem>>
        %dma_wait3A_1047 = tpu.memref_squeeze %dma_wait3A_1046 : memref<1x1x100xi32, #tpu.memory_space<vmem>> -> memref<100xi32, #tpu.memory_space<vmem>>
        %dma_wait3A_1048 = arith.constant 0 : i32
        %dma_wait3A_1049 = arith.constant 0 : i32
        %dma_wait3A_1050 = tpu.memref_slice %arg10[%dma_wait3A_1048, %dma_wait3A_1049] : memref<100096x16xf32, #tpu.memory_space<vmem_shared>> -> memref<100096x16xf32, #tpu.memory_space<vmem_shared>>
        %dma_wait3A_1051 = tpu.memref_slice %arg13[%dma_wait3A_1040] : memref<6x!tpu.dma_semaphore, #tpu.memory_space<semaphore_mem>> -> memref<1x!tpu.dma_semaphore, #tpu.memory_space<semaphore_mem>>
        %dma_wait3A_1052 = tpu.memref_squeeze %dma_wait3A_1051 : memref<1x!tpu.dma_semaphore, #tpu.memory_space<semaphore_mem>> -> memref<!tpu.dma_semaphore, #tpu.memory_space<semaphore_mem>>
        tpu.wait_indirect_dma semaphore(%dma_wait3A_1052 : memref<!tpu.dma_semaphore, #tpu.memory_space<semaphore_mem>>) src(%dma_wait3A_1044 : memref<100x16xf32, #tpu.memory_space<vmem>>) dst(%dma_wait3A_1050 : memref<100096x16xf32, #tpu.memory_space<vmem_shared>>)
        %dma_wait3A_1053 = arith.constant 1 : i32
        %dma_wait3A_1054 = arith.constant 0 : i32
        %dma_wait3A_1055 = arith.constant 0 : i32
        %dma_wait3A_1056 = arith.constant 1 : i32
        %dma_wait3A_1057 = arith.constant 0 : i32
        %dma_wait3A_1058 = arith.constant 0 : i32
        %dma_wait3A_1059 = tpu.memref_slice %arg9[%dma_wait3A_1053, %dma_wait3A_1057, %dma_wait3A_1058] : memref<6x100x16xf32, #tpu.memory_space<vmem>> -> memref<1x100x16xf32, #tpu.memory_space<vmem>>
        %dma_wait3A_1060 = tpu.memref_squeeze %dma_wait3A_1059 : memref<1x100x16xf32, #tpu.memory_space<vmem>> -> memref<100x16xf32, #tpu.memory_space<vmem>>
        %dma_wait3A_1061 = arith.constant 0 : i32
        %dma_wait3A_1062 = tpu.memref_slice %arg6[%dma_wait3A_1054, %dma_wait3A_1055, %dma_wait3A_1061] : memref<2x20x100xi32, #tpu.memory_space<vmem>> -> memref<1x1x100xi32, #tpu.memory_space<vmem>>
        %dma_wait3A_1063 = tpu.memref_squeeze %dma_wait3A_1062 : memref<1x1x100xi32, #tpu.memory_space<vmem>> -> memref<100xi32, #tpu.memory_space<vmem>>
        %dma_wait3A_1064 = arith.constant 0 : i32
        %dma_wait3A_1065 = arith.constant 0 : i32
        %dma_wait3A_1066 = tpu.memref_slice %arg10[%dma_wait3A_1064, %dma_wait3A_1065] : memref<100096x16xf32, #tpu.memory_space<vmem_shared>> -> memref<100096x16xf32, #tpu.memory_space<vmem_shared>>
        %dma_wait3A_1067 = tpu.memref_slice %arg14[%dma_wait3A_1056] : memref<6x!tpu.dma_semaphore, #tpu.memory_space<semaphore_mem>> -> memref<1x!tpu.dma_semaphore, #tpu.memory_space<semaphore_mem>>
        %dma_wait3A_1068 = tpu.memref_squeeze %dma_wait3A_1067 : memref<1x!tpu.dma_semaphore, #tpu.memory_space<semaphore_mem>> -> memref<!tpu.dma_semaphore, #tpu.memory_space<semaphore_mem>>
        tpu.wait_indirect_dma semaphore(%dma_wait3A_1068 : memref<!tpu.dma_semaphore, #tpu.memory_space<semaphore_mem>>) src(%dma_wait3A_1060 : memref<100x16xf32, #tpu.memory_space<vmem>>) dst(%dma_wait3A_1066 : memref<100096x16xf32, #tpu.memory_space<vmem_shared>>)
        %dma_start3A_1069 = arith.constant 1 : i32
        %dma_start3A_1070 = arith.constant 1 : i32
        %dma_start3A_1071 = arith.constant 0 : i32
        %dma_start3A_1072 = arith.constant 0 : i32
        %dma_start3A_1073 = tpu.memref_slice %arg8[%dma_start3A_1069, %dma_start3A_1071, %dma_start3A_1072] : memref<6x100x16xf32, #tpu.memory_space<vmem>> -> memref<1x100x16xf32, #tpu.memory_space<vmem>>
        %dma_start3A_1074 = tpu.memref_squeeze %dma_start3A_1073 : memref<1x100x16xf32, #tpu.memory_space<vmem>> -> memref<100x16xf32, #tpu.memory_space<vmem>>
        %dma_start3A_1075 = arith.constant 0 : i32
        %dma_start3A_1076 = tpu.memref_slice %arg6[%rem3A_864, %sub3A_867, %dma_start3A_1075] : memref<2x20x100xi32, #tpu.memory_space<vmem>> -> memref<1x1x100xi32, #tpu.memory_space<vmem>>
        %dma_start3A_1077 = tpu.memref_squeeze %dma_start3A_1076 : memref<1x1x100xi32, #tpu.memory_space<vmem>> -> memref<100xi32, #tpu.memory_space<vmem>>
        %dma_start3A_1078 = arith.constant 0 : i32
        %dma_start3A_1079 = arith.constant 0 : i32
        %dma_start3A_1080 = tpu.memref_slice %arg2[%dma_start3A_1078, %dma_start3A_1079] : memref<100096x16xf32, #tpu.memory_space<hbm>> -> memref<100096x16xf32, #tpu.memory_space<hbm>>
        %dma_start3A_1081 = tpu.memref_slice %arg11[%dma_start3A_1070] : memref<6x!tpu.dma_semaphore, #tpu.memory_space<semaphore_mem>> -> memref<1x!tpu.dma_semaphore, #tpu.memory_space<semaphore_mem>>
        %dma_start3A_1082 = tpu.memref_squeeze %dma_start3A_1081 : memref<1x!tpu.dma_semaphore, #tpu.memory_space<semaphore_mem>> -> memref<!tpu.dma_semaphore, #tpu.memory_space<semaphore_mem>>
        tpu.enqueue_indirect_dma source(%dma_start3A_1080 : memref<100096x16xf32, #tpu.memory_space<hbm>>) target(%dma_start3A_1074 : memref<100x16xf32, #tpu.memory_space<vmem>>) offsets(%dma_start3A_1077 : memref<100xi32, #tpu.memory_space<vmem>>) semaphore(%dma_start3A_1082 : memref<!tpu.dma_semaphore, #tpu.memory_space<semaphore_mem>>)
        %dma_start3A_1083 = arith.constant 1 : i32
        %dma_start3A_1084 = arith.constant 1 : i32
        %dma_start3A_1085 = arith.constant 0 : i32
        %dma_start3A_1086 = arith.constant 0 : i32
        %dma_start3A_1087 = tpu.memref_slice %arg9[%dma_start3A_1083, %dma_start3A_1085, %dma_start3A_1086] : memref<6x100x16xf32, #tpu.memory_space<vmem>> -> memref<1x100x16xf32, #tpu.memory_space<vmem>>
        %dma_start3A_1088 = tpu.memref_squeeze %dma_start3A_1087 : memref<1x100x16xf32, #tpu.memory_space<vmem>> -> memref<100x16xf32, #tpu.memory_space<vmem>>
        %dma_start3A_1089 = arith.constant 0 : i32
        %dma_start3A_1090 = tpu.memref_slice %arg7[%rem3A_864, %sub3A_867, %dma_start3A_1089] : memref<2x20x100xi32, #tpu.memory_space<vmem>> -> memref<1x1x100xi32, #tpu.memory_space<vmem>>
        %dma_start3A_1091 = tpu.memref_squeeze %dma_start3A_1090 : memref<1x1x100xi32, #tpu.memory_space<vmem>> -> memref<100xi32, #tpu.memory_space<vmem>>
        %dma_start3A_1092 = arith.constant 0 : i32
        %dma_start3A_1093 = arith.constant 0 : i32
        %dma_start3A_1094 = tpu.memref_slice %arg2[%dma_start3A_1092, %dma_start3A_1093] : memref<100096x16xf32, #tpu.memory_space<hbm>> -> memref<100096x16xf32, #tpu.memory_space<hbm>>
        %dma_start3A_1095 = tpu.memref_slice %arg12[%dma_start3A_1084] : memref<6x!tpu.dma_semaphore, #tpu.memory_space<semaphore_mem>> -> memref<1x!tpu.dma_semaphore, #tpu.memory_space<semaphore_mem>>
        %dma_start3A_1096 = tpu.memref_squeeze %dma_start3A_1095 : memref<1x!tpu.dma_semaphore, #tpu.memory_space<semaphore_mem>> -> memref<!tpu.dma_semaphore, #tpu.memory_space<semaphore_mem>>
        tpu.enqueue_indirect_dma source(%dma_start3A_1094 : memref<100096x16xf32, #tpu.memory_space<hbm>>) target(%dma_start3A_1088 : memref<100x16xf32, #tpu.memory_space<vmem>>) offsets(%dma_start3A_1091 : memref<100xi32, #tpu.memory_space<vmem>>) semaphore(%dma_start3A_1096 : memref<!tpu.dma_semaphore, #tpu.memory_space<semaphore_mem>>)
      } else {
      }
      %add3A_873 = arith.constant 4 : i32
      %add3A_874 = arith.addi %sub3A_452, %add3A_873 : i32
      %ge3A_875 = arith.constant 20 : i32
      %ge3A_876 = arith.cmpi sge, %add3A_874, %ge3A_875 : i32
      %jit3A_877 = arith.constant 1 : i32
      %jit3A_878 = arith.constant 0 : i32
      %select_n3A_879 = arith.select %ge3A_876, %jit3A_877, %jit3A_878 : i32
      %add3A_880 = arith.addi %select_n3A, %select_n3A_879 : i32
      %rem3A_881 = arith.constant 2 : i32
      %rem3A_882 = arith.remsi %add3A_880, %rem3A_881 : i32
      %mul3A_883 = arith.constant 20 : i32
      %mul3A_884 = arith.muli %mul3A_883, %select_n3A_879 : i32
      %sub3A_885 = arith.subi %add3A_874, %mul3A_884 : i32
      %dma_wait3A_886 = arith.constant 0 : i32
      %dma_wait3A_887 = arith.constant 0 : i32
      %dma_wait3A_888 = arith.constant 4 : i32
      %dma_wait3A_889 = arith.constant 4 : i32
      %dma_wait3A_890 = arith.constant 0 : i32
      %dma_wait3A_891 = arith.constant 0 : i32
      %dma_wait3A_892 = tpu.memref_slice %arg8[%dma_wait3A_888, %dma_wait3A_890, %dma_wait3A_891] : memref<6x100x16xf32, #tpu.memory_space<vmem>> -> memref<1x100x16xf32, #tpu.memory_space<vmem>>
      %dma_wait3A_893 = tpu.memref_squeeze %dma_wait3A_892 : memref<1x100x16xf32, #tpu.memory_space<vmem>> -> memref<100x16xf32, #tpu.memory_space<vmem>>
      %dma_wait3A_894 = arith.constant 0 : i32
      %dma_wait3A_895 = tpu.memref_slice %arg6[%dma_wait3A_886, %dma_wait3A_887, %dma_wait3A_894] : memref<2x20x100xi32, #tpu.memory_space<vmem>> -> memref<1x1x100xi32, #tpu.memory_space<vmem>>
      %dma_wait3A_896 = tpu.memref_squeeze %dma_wait3A_895 : memref<1x1x100xi32, #tpu.memory_space<vmem>> -> memref<100xi32, #tpu.memory_space<vmem>>
      %dma_wait3A_897 = arith.constant 0 : i32
      %dma_wait3A_898 = arith.constant 0 : i32
      %dma_wait3A_899 = tpu.memref_slice %arg2[%dma_wait3A_897, %dma_wait3A_898] : memref<100096x16xf32, #tpu.memory_space<hbm>> -> memref<100096x16xf32, #tpu.memory_space<hbm>>
      %dma_wait3A_900 = tpu.memref_slice %arg11[%dma_wait3A_889] : memref<6x!tpu.dma_semaphore, #tpu.memory_space<semaphore_mem>> -> memref<1x!tpu.dma_semaphore, #tpu.memory_space<semaphore_mem>>
      %dma_wait3A_901 = tpu.memref_squeeze %dma_wait3A_900 : memref<1x!tpu.dma_semaphore, #tpu.memory_space<semaphore_mem>> -> memref<!tpu.dma_semaphore, #tpu.memory_space<semaphore_mem>>
      tpu.wait_indirect_dma semaphore(%dma_wait3A_901 : memref<!tpu.dma_semaphore, #tpu.memory_space<semaphore_mem>>) src(%dma_wait3A_899 : memref<100096x16xf32, #tpu.memory_space<hbm>>) dst(%dma_wait3A_893 : memref<100x16xf32, #tpu.memory_space<vmem>>)
      %dma_wait3A_902 = arith.constant 0 : i32
      %dma_wait3A_903 = arith.constant 0 : i32
      %dma_wait3A_904 = arith.constant 4 : i32
      %dma_wait3A_905 = arith.constant 4 : i32
      %dma_wait3A_906 = arith.constant 0 : i32
      %dma_wait3A_907 = arith.constant 0 : i32
      %dma_wait3A_908 = tpu.memref_slice %arg9[%dma_wait3A_904, %dma_wait3A_906, %dma_wait3A_907] : memref<6x100x16xf32, #tpu.memory_space<vmem>> -> memref<1x100x16xf32, #tpu.memory_space<vmem>>
      %dma_wait3A_909 = tpu.memref_squeeze %dma_wait3A_908 : memref<1x100x16xf32, #tpu.memory_space<vmem>> -> memref<100x16xf32, #tpu.memory_space<vmem>>
      %dma_wait3A_910 = arith.constant 0 : i32
      %dma_wait3A_911 = tpu.memref_slice %arg7[%dma_wait3A_902, %dma_wait3A_903, %dma_wait3A_910] : memref<2x20x100xi32, #tpu.memory_space<vmem>> -> memref<1x1x100xi32, #tpu.memory_space<vmem>>
      %dma_wait3A_912 = tpu.memref_squeeze %dma_wait3A_911 : memref<1x1x100xi32, #tpu.memory_space<vmem>> -> memref<100xi32, #tpu.memory_space<vmem>>
      %dma_wait3A_913 = arith.constant 0 : i32
      %dma_wait3A_914 = arith.constant 0 : i32
      %dma_wait3A_915 = tpu.memref_slice %arg2[%dma_wait3A_913, %dma_wait3A_914] : memref<100096x16xf32, #tpu.memory_space<hbm>> -> memref<100096x16xf32, #tpu.memory_space<hbm>>
      %dma_wait3A_916 = tpu.memref_slice %arg12[%dma_wait3A_905] : memref<6x!tpu.dma_semaphore, #tpu.memory_space<semaphore_mem>> -> memref<1x!tpu.dma_semaphore, #tpu.memory_space<semaphore_mem>>
      %dma_wait3A_917 = tpu.memref_squeeze %dma_wait3A_916 : memref<1x!tpu.dma_semaphore, #tpu.memory_space<semaphore_mem>> -> memref<!tpu.dma_semaphore, #tpu.memory_space<semaphore_mem>>
      tpu.wait_indirect_dma semaphore(%dma_wait3A_917 : memref<!tpu.dma_semaphore, #tpu.memory_space<semaphore_mem>>) src(%dma_wait3A_915 : memref<100096x16xf32, #tpu.memory_space<hbm>>) dst(%dma_wait3A_909 : memref<100x16xf32, #tpu.memory_space<vmem>>)
      %dma_start3A_918 = arith.constant 4 : i32
      %dma_start3A_919 = arith.constant 4 : i32
      %dma_start3A_920 = arith.constant 0 : i32
      %dma_start3A_921 = arith.constant 0 : i32
      %dma_start3A_922 = tpu.memref_slice %arg8[%dma_start3A_918, %dma_start3A_920, %dma_start3A_921] : memref<6x100x16xf32, #tpu.memory_space<vmem>> -> memref<1x100x16xf32, #tpu.memory_space<vmem>>
      %dma_start3A_923 = tpu.memref_squeeze %dma_start3A_922 : memref<1x100x16xf32, #tpu.memory_space<vmem>> -> memref<100x16xf32, #tpu.memory_space<vmem>>
      %dma_start3A_924 = arith.constant 0 : i32
      %dma_start3A_925 = tpu.memref_slice %arg7[%rem3A_882, %sub3A_885, %dma_start3A_924] : memref<2x20x100xi32, #tpu.memory_space<vmem>> -> memref<1x1x100xi32, #tpu.memory_space<vmem>>
      %dma_start3A_926 = tpu.memref_squeeze %dma_start3A_925 : memref<1x1x100xi32, #tpu.memory_space<vmem>> -> memref<100xi32, #tpu.memory_space<vmem>>
      %dma_start3A_927 = arith.constant 0 : i32
      %dma_start3A_928 = arith.constant 0 : i32
      %dma_start3A_929 = tpu.memref_slice %arg10[%dma_start3A_927, %dma_start3A_928] : memref<100096x16xf32, #tpu.memory_space<vmem_shared>> -> memref<100096x16xf32, #tpu.memory_space<vmem_shared>>
      %dma_start3A_930 = tpu.memref_slice %arg13[%dma_start3A_919] : memref<6x!tpu.dma_semaphore, #tpu.memory_space<semaphore_mem>> -> memref<1x!tpu.dma_semaphore, #tpu.memory_space<semaphore_mem>>
      %dma_start3A_931 = tpu.memref_squeeze %dma_start3A_930 : memref<1x!tpu.dma_semaphore, #tpu.memory_space<semaphore_mem>> -> memref<!tpu.dma_semaphore, #tpu.memory_space<semaphore_mem>>
      tpu.enqueue_indirect_dma source(%dma_start3A_923 : memref<100x16xf32, #tpu.memory_space<vmem>>) target(%dma_start3A_929 : memref<100096x16xf32, #tpu.memory_space<vmem_shared>>) offsets(%dma_start3A_926 : memref<100xi32, #tpu.memory_space<vmem>>) semaphore(%dma_start3A_931 : memref<!tpu.dma_semaphore, #tpu.memory_space<semaphore_mem>>) {add = true}
      %dma_start3A_932 = arith.constant 4 : i32
      %dma_start3A_933 = arith.constant 4 : i32
      %dma_start3A_934 = arith.constant 0 : i32
      %dma_start3A_935 = arith.constant 0 : i32
      %dma_start3A_936 = tpu.memref_slice %arg9[%dma_start3A_932, %dma_start3A_934, %dma_start3A_935] : memref<6x100x16xf32, #tpu.memory_space<vmem>> -> memref<1x100x16xf32, #tpu.memory_space<vmem>>
      %dma_start3A_937 = tpu.memref_squeeze %dma_start3A_936 : memref<1x100x16xf32, #tpu.memory_space<vmem>> -> memref<100x16xf32, #tpu.memory_space<vmem>>
      %dma_start3A_938 = arith.constant 0 : i32
      %dma_start3A_939 = tpu.memref_slice %arg6[%rem3A_882, %sub3A_885, %dma_start3A_938] : memref<2x20x100xi32, #tpu.memory_space<vmem>> -> memref<1x1x100xi32, #tpu.memory_space<vmem>>
      %dma_start3A_940 = tpu.memref_squeeze %dma_start3A_939 : memref<1x1x100xi32, #tpu.memory_space<vmem>> -> memref<100xi32, #tpu.memory_space<vmem>>
      %dma_start3A_941 = arith.constant 0 : i32
      %dma_start3A_942 = arith.constant 0 : i32
      %dma_start3A_943 = tpu.memref_slice %arg10[%dma_start3A_941, %dma_start3A_942] : memref<100096x16xf32, #tpu.memory_space<vmem_shared>> -> memref<100096x16xf32, #tpu.memory_space<vmem_shared>>
      %dma_start3A_944 = tpu.memref_slice %arg14[%dma_start3A_933] : memref<6x!tpu.dma_semaphore, #tpu.memory_space<semaphore_mem>> -> memref<1x!tpu.dma_semaphore, #tpu.memory_space<semaphore_mem>>
      %dma_start3A_945 = tpu.memref_squeeze %dma_start3A_944 : memref<1x!tpu.dma_semaphore, #tpu.memory_space<semaphore_mem>> -> memref<!tpu.dma_semaphore, #tpu.memory_space<semaphore_mem>>
      tpu.enqueue_indirect_dma source(%dma_start3A_937 : memref<100x16xf32, #tpu.memory_space<vmem>>) target(%dma_start3A_943 : memref<100096x16xf32, #tpu.memory_space<vmem_shared>>) offsets(%dma_start3A_940 : memref<100xi32, #tpu.memory_space<vmem>>) semaphore(%dma_start3A_945 : memref<!tpu.dma_semaphore, #tpu.memory_space<semaphore_mem>>) {add = true}
      %add3A_946 = arith.constant 8 : i32
      %add3A_947 = arith.addi %sub3A_452, %add3A_946 : i32
      %ge3A_948 = arith.constant 20 : i32
      %ge3A_949 = arith.cmpi sge, %add3A_947, %ge3A_948 : i32
      %jit3A_950 = arith.constant 1 : i32
      %jit3A_951 = arith.constant 0 : i32
      %select_n3A_952 = arith.select %ge3A_949, %jit3A_950, %jit3A_951 : i32
      %add3A_953 = arith.addi %select_n3A, %select_n3A_952 : i32
      %rem3A_954 = arith.constant 2 : i32
      %rem3A_955 = arith.remsi %add3A_953, %rem3A_954 : i32
      %mul3A_956 = arith.constant 20 : i32
      %mul3A_957 = arith.muli %mul3A_956, %select_n3A_952 : i32
      %sub3A_958 = arith.subi %add3A_947, %mul3A_957 : i32
      %le3A_959 = arith.constant 164 : i32
      %le3A_960 = arith.cmpi sle, %scan3A_431, %le3A_959 : i32
      %convert_element_type3A_961 = arith.extui %le3A_960 : i1 to i32
      %cond3A_962 = arith.constant 0 : i32
      %cond3A_963 = arith.cmpi ne, %convert_element_type3A_961, %cond3A_962 : i32
      scf.if %cond3A_963 {
        %dma_wait3A_1037 = arith.constant 2 : i32
        %dma_wait3A_1038 = arith.constant 0 : i32
        %dma_wait3A_1039 = arith.constant 0 : i32
        %dma_wait3A_1040 = arith.constant 2 : i32
        %dma_wait3A_1041 = arith.constant 0 : i32
        %dma_wait3A_1042 = arith.constant 0 : i32
        %dma_wait3A_1043 = tpu.memref_slice %arg8[%dma_wait3A_1037, %dma_wait3A_1041, %dma_wait3A_1042] : memref<6x100x16xf32, #tpu.memory_space<vmem>> -> memref<1x100x16xf32, #tpu.memory_space<vmem>>
        %dma_wait3A_1044 = tpu.memref_squeeze %dma_wait3A_1043 : memref<1x100x16xf32, #tpu.memory_space<vmem>> -> memref<100x16xf32, #tpu.memory_space<vmem>>
        %dma_wait3A_1045 = arith.constant 0 : i32
        %dma_wait3A_1046 = tpu.memref_slice %arg7[%dma_wait3A_1038, %dma_wait3A_1039, %dma_wait3A_1045] : memref<2x20x100xi32, #tpu.memory_space<vmem>> -> memref<1x1x100xi32, #tpu.memory_space<vmem>>
        %dma_wait3A_1047 = tpu.memref_squeeze %dma_wait3A_1046 : memref<1x1x100xi32, #tpu.memory_space<vmem>> -> memref<100xi32, #tpu.memory_space<vmem>>
        %dma_wait3A_1048 = arith.constant 0 : i32
        %dma_wait3A_1049 = arith.constant 0 : i32
        %dma_wait3A_1050 = tpu.memref_slice %arg10[%dma_wait3A_1048, %dma_wait3A_1049] : memref<100096x16xf32, #tpu.memory_space<vmem_shared>> -> memref<100096x16xf32, #tpu.memory_space<vmem_shared>>
        %dma_wait3A_1051 = tpu.memref_slice %arg13[%dma_wait3A_1040] : memref<6x!tpu.dma_semaphore, #tpu.memory_space<semaphore_mem>> -> memref<1x!tpu.dma_semaphore, #tpu.memory_space<semaphore_mem>>
        %dma_wait3A_1052 = tpu.memref_squeeze %dma_wait3A_1051 : memref<1x!tpu.dma_semaphore, #tpu.memory_space<semaphore_mem>> -> memref<!tpu.dma_semaphore, #tpu.memory_space<semaphore_mem>>
        tpu.wait_indirect_dma semaphore(%dma_wait3A_1052 : memref<!tpu.dma_semaphore, #tpu.memory_space<semaphore_mem>>) src(%dma_wait3A_1044 : memref<100x16xf32, #tpu.memory_space<vmem>>) dst(%dma_wait3A_1050 : memref<100096x16xf32, #tpu.memory_space<vmem_shared>>)
        %dma_wait3A_1053 = arith.constant 2 : i32
        %dma_wait3A_1054 = arith.constant 0 : i32
        %dma_wait3A_1055 = arith.constant 0 : i32
        %dma_wait3A_1056 = arith.constant 2 : i32
        %dma_wait3A_1057 = arith.constant 0 : i32
        %dma_wait3A_1058 = arith.constant 0 : i32
        %dma_wait3A_1059 = tpu.memref_slice %arg9[%dma_wait3A_1053, %dma_wait3A_1057, %dma_wait3A_1058] : memref<6x100x16xf32, #tpu.memory_space<vmem>> -> memref<1x100x16xf32, #tpu.memory_space<vmem>>
        %dma_wait3A_1060 = tpu.memref_squeeze %dma_wait3A_1059 : memref<1x100x16xf32, #tpu.memory_space<vmem>> -> memref<100x16xf32, #tpu.memory_space<vmem>>
        %dma_wait3A_1061 = arith.constant 0 : i32
        %dma_wait3A_1062 = tpu.memref_slice %arg6[%dma_wait3A_1054, %dma_wait3A_1055, %dma_wait3A_1061] : memref<2x20x100xi32, #tpu.memory_space<vmem>> -> memref<1x1x100xi32, #tpu.memory_space<vmem>>
        %dma_wait3A_1063 = tpu.memref_squeeze %dma_wait3A_1062 : memref<1x1x100xi32, #tpu.memory_space<vmem>> -> memref<100xi32, #tpu.memory_space<vmem>>
        %dma_wait3A_1064 = arith.constant 0 : i32
        %dma_wait3A_1065 = arith.constant 0 : i32
        %dma_wait3A_1066 = tpu.memref_slice %arg10[%dma_wait3A_1064, %dma_wait3A_1065] : memref<100096x16xf32, #tpu.memory_space<vmem_shared>> -> memref<100096x16xf32, #tpu.memory_space<vmem_shared>>
        %dma_wait3A_1067 = tpu.memref_slice %arg14[%dma_wait3A_1056] : memref<6x!tpu.dma_semaphore, #tpu.memory_space<semaphore_mem>> -> memref<1x!tpu.dma_semaphore, #tpu.memory_space<semaphore_mem>>
        %dma_wait3A_1068 = tpu.memref_squeeze %dma_wait3A_1067 : memref<1x!tpu.dma_semaphore, #tpu.memory_space<semaphore_mem>> -> memref<!tpu.dma_semaphore, #tpu.memory_space<semaphore_mem>>
        tpu.wait_indirect_dma semaphore(%dma_wait3A_1068 : memref<!tpu.dma_semaphore, #tpu.memory_space<semaphore_mem>>) src(%dma_wait3A_1060 : memref<100x16xf32, #tpu.memory_space<vmem>>) dst(%dma_wait3A_1066 : memref<100096x16xf32, #tpu.memory_space<vmem_shared>>)
        %dma_start3A_1069 = arith.constant 2 : i32
        %dma_start3A_1070 = arith.constant 2 : i32
        %dma_start3A_1071 = arith.constant 0 : i32
        %dma_start3A_1072 = arith.constant 0 : i32
        %dma_start3A_1073 = tpu.memref_slice %arg8[%dma_start3A_1069, %dma_start3A_1071, %dma_start3A_1072] : memref<6x100x16xf32, #tpu.memory_space<vmem>> -> memref<1x100x16xf32, #tpu.memory_space<vmem>>
        %dma_start3A_1074 = tpu.memref_squeeze %dma_start3A_1073 : memref<1x100x16xf32, #tpu.memory_space<vmem>> -> memref<100x16xf32, #tpu.memory_space<vmem>>
        %dma_start3A_1075 = arith.constant 0 : i32
        %dma_start3A_1076 = tpu.memref_slice %arg6[%rem3A_955, %sub3A_958, %dma_start3A_1075] : memref<2x20x100xi32, #tpu.memory_space<vmem>> -> memref<1x1x100xi32, #tpu.memory_space<vmem>>
        %dma_start3A_1077 = tpu.memref_squeeze %dma_start3A_1076 : memref<1x1x100xi32, #tpu.memory_space<vmem>> -> memref<100xi32, #tpu.memory_space<vmem>>
        %dma_start3A_1078 = arith.constant 0 : i32
        %dma_start3A_1079 = arith.constant 0 : i32
        %dma_start3A_1080 = tpu.memref_slice %arg2[%dma_start3A_1078, %dma_start3A_1079] : memref<100096x16xf32, #tpu.memory_space<hbm>> -> memref<100096x16xf32, #tpu.memory_space<hbm>>
        %dma_start3A_1081 = tpu.memref_slice %arg11[%dma_start3A_1070] : memref<6x!tpu.dma_semaphore, #tpu.memory_space<semaphore_mem>> -> memref<1x!tpu.dma_semaphore, #tpu.memory_space<semaphore_mem>>
        %dma_start3A_1082 = tpu.memref_squeeze %dma_start3A_1081 : memref<1x!tpu.dma_semaphore, #tpu.memory_space<semaphore_mem>> -> memref<!tpu.dma_semaphore, #tpu.memory_space<semaphore_mem>>
        tpu.enqueue_indirect_dma source(%dma_start3A_1080 : memref<100096x16xf32, #tpu.memory_space<hbm>>) target(%dma_start3A_1074 : memref<100x16xf32, #tpu.memory_space<vmem>>) offsets(%dma_start3A_1077 : memref<100xi32, #tpu.memory_space<vmem>>) semaphore(%dma_start3A_1082 : memref<!tpu.dma_semaphore, #tpu.memory_space<semaphore_mem>>)
        %dma_start3A_1083 = arith.constant 2 : i32
        %dma_start3A_1084 = arith.constant 2 : i32
        %dma_start3A_1085 = arith.constant 0 : i32
        %dma_start3A_1086 = arith.constant 0 : i32
        %dma_start3A_1087 = tpu.memref_slice %arg9[%dma_start3A_1083, %dma_start3A_1085, %dma_start3A_1086] : memref<6x100x16xf32, #tpu.memory_space<vmem>> -> memref<1x100x16xf32, #tpu.memory_space<vmem>>
        %dma_start3A_1088 = tpu.memref_squeeze %dma_start3A_1087 : memref<1x100x16xf32, #tpu.memory_space<vmem>> -> memref<100x16xf32, #tpu.memory_space<vmem>>
        %dma_start3A_1089 = arith.constant 0 : i32
        %dma_start3A_1090 = tpu.memref_slice %arg7[%rem3A_955, %sub3A_958, %dma_start3A_1089] : memref<2x20x100xi32, #tpu.memory_space<vmem>> -> memref<1x1x100xi32, #tpu.memory_space<vmem>>
        %dma_start3A_1091 = tpu.memref_squeeze %dma_start3A_1090 : memref<1x1x100xi32, #tpu.memory_space<vmem>> -> memref<100xi32, #tpu.memory_space<vmem>>
        %dma_start3A_1092 = arith.constant 0 : i32
        %dma_start3A_1093 = arith.constant 0 : i32
        %dma_start3A_1094 = tpu.memref_slice %arg2[%dma_start3A_1092, %dma_start3A_1093] : memref<100096x16xf32, #tpu.memory_space<hbm>> -> memref<100096x16xf32, #tpu.memory_space<hbm>>
        %dma_start3A_1095 = tpu.memref_slice %arg12[%dma_start3A_1084] : memref<6x!tpu.dma_semaphore, #tpu.memory_space<semaphore_mem>> -> memref<1x!tpu.dma_semaphore, #tpu.memory_space<semaphore_mem>>
        %dma_start3A_1096 = tpu.memref_squeeze %dma_start3A_1095 : memref<1x!tpu.dma_semaphore, #tpu.memory_space<semaphore_mem>> -> memref<!tpu.dma_semaphore, #tpu.memory_space<semaphore_mem>>
        tpu.enqueue_indirect_dma source(%dma_start3A_1094 : memref<100096x16xf32, #tpu.memory_space<hbm>>) target(%dma_start3A_1088 : memref<100x16xf32, #tpu.memory_space<vmem>>) offsets(%dma_start3A_1091 : memref<100xi32, #tpu.memory_space<vmem>>) semaphore(%dma_start3A_1096 : memref<!tpu.dma_semaphore, #tpu.memory_space<semaphore_mem>>)
      } else {
      }
      %add3A_964 = arith.constant 5 : i32
      %add3A_965 = arith.addi %sub3A_452, %add3A_964 : i32
      %ge3A_966 = arith.constant 20 : i32
      %ge3A_967 = arith.cmpi sge, %add3A_965, %ge3A_966 : i32
      %jit3A_968 = arith.constant 1 : i32
      %jit3A_969 = arith.constant 0 : i32
      %select_n3A_970 = arith.select %ge3A_967, %jit3A_968, %jit3A_969 : i32
      %add3A_971 = arith.addi %select_n3A, %select_n3A_970 : i32
      %rem3A_972 = arith.constant 2 : i32
      %rem3A_973 = arith.remsi %add3A_971, %rem3A_972 : i32
      %mul3A_974 = arith.constant 20 : i32
      %mul3A_975 = arith.muli %mul3A_974, %select_n3A_970 : i32
      %sub3A_976 = arith.subi %add3A_965, %mul3A_975 : i32
      %dma_wait3A_977 = arith.constant 0 : i32
      %dma_wait3A_978 = arith.constant 0 : i32
      %dma_wait3A_979 = arith.constant 5 : i32
      %dma_wait3A_980 = arith.constant 5 : i32
      %dma_wait3A_981 = arith.constant 0 : i32
      %dma_wait3A_982 = arith.constant 0 : i32
      %dma_wait3A_983 = tpu.memref_slice %arg8[%dma_wait3A_979, %dma_wait3A_981, %dma_wait3A_982] : memref<6x100x16xf32, #tpu.memory_space<vmem>> -> memref<1x100x16xf32, #tpu.memory_space<vmem>>
      %dma_wait3A_984 = tpu.memref_squeeze %dma_wait3A_983 : memref<1x100x16xf32, #tpu.memory_space<vmem>> -> memref<100x16xf32, #tpu.memory_space<vmem>>
      %dma_wait3A_985 = arith.constant 0 : i32
      %dma_wait3A_986 = tpu.memref_slice %arg6[%dma_wait3A_977, %dma_wait3A_978, %dma_wait3A_985] : memref<2x20x100xi32, #tpu.memory_space<vmem>> -> memref<1x1x100xi32, #tpu.memory_space<vmem>>
      %dma_wait3A_987 = tpu.memref_squeeze %dma_wait3A_986 : memref<1x1x100xi32, #tpu.memory_space<vmem>> -> memref<100xi32, #tpu.memory_space<vmem>>
      %dma_wait3A_988 = arith.constant 0 : i32
      %dma_wait3A_989 = arith.constant 0 : i32
      %dma_wait3A_990 = tpu.memref_slice %arg2[%dma_wait3A_988, %dma_wait3A_989] : memref<100096x16xf32, #tpu.memory_space<hbm>> -> memref<100096x16xf32, #tpu.memory_space<hbm>>
      %dma_wait3A_991 = tpu.memref_slice %arg11[%dma_wait3A_980] : memref<6x!tpu.dma_semaphore, #tpu.memory_space<semaphore_mem>> -> memref<1x!tpu.dma_semaphore, #tpu.memory_space<semaphore_mem>>
      %dma_wait3A_992 = tpu.memref_squeeze %dma_wait3A_991 : memref<1x!tpu.dma_semaphore, #tpu.memory_space<semaphore_mem>> -> memref<!tpu.dma_semaphore, #tpu.memory_space<semaphore_mem>>
      tpu.wait_indirect_dma semaphore(%dma_wait3A_992 : memref<!tpu.dma_semaphore, #tpu.memory_space<semaphore_mem>>) src(%dma_wait3A_990 : memref<100096x16xf32, #tpu.memory_space<hbm>>) dst(%dma_wait3A_984 : memref<100x16xf32, #tpu.memory_space<vmem>>)
      %dma_wait3A_993 = arith.constant 0 : i32
      %dma_wait3A_994 = arith.constant 0 : i32
      %dma_wait3A_995 = arith.constant 5 : i32
      %dma_wait3A_996 = arith.constant 5 : i32
      %dma_wait3A_997 = arith.constant 0 : i32
      %dma_wait3A_998 = arith.constant 0 : i32
      %dma_wait3A_999 = tpu.memref_slice %arg9[%dma_wait3A_995, %dma_wait3A_997, %dma_wait3A_998] : memref<6x100x16xf32, #tpu.memory_space<vmem>> -> memref<1x100x16xf32, #tpu.memory_space<vmem>>
      %dma_wait3A_1000 = tpu.memref_squeeze %dma_wait3A_999 : memref<1x100x16xf32, #tpu.memory_space<vmem>> -> memref<100x16xf32, #tpu.memory_space<vmem>>
      %dma_wait3A_1001 = arith.constant 0 : i32
      %dma_wait3A_1002 = tpu.memref_slice %arg7[%dma_wait3A_993, %dma_wait3A_994, %dma_wait3A_1001] : memref<2x20x100xi32, #tpu.memory_space<vmem>> -> memref<1x1x100xi32, #tpu.memory_space<vmem>>
      %dma_wait3A_1003 = tpu.memref_squeeze %dma_wait3A_1002 : memref<1x1x100xi32, #tpu.memory_space<vmem>> -> memref<100xi32, #tpu.memory_space<vmem>>
      %dma_wait3A_1004 = arith.constant 0 : i32
      %dma_wait3A_1005 = arith.constant 0 : i32
      %dma_wait3A_1006 = tpu.memref_slice %arg2[%dma_wait3A_1004, %dma_wait3A_1005] : memref<100096x16xf32, #tpu.memory_space<hbm>> -> memref<100096x16xf32, #tpu.memory_space<hbm>>
      %dma_wait3A_1007 = tpu.memref_slice %arg12[%dma_wait3A_996] : memref<6x!tpu.dma_semaphore, #tpu.memory_space<semaphore_mem>> -> memref<1x!tpu.dma_semaphore, #tpu.memory_space<semaphore_mem>>
      %dma_wait3A_1008 = tpu.memref_squeeze %dma_wait3A_1007 : memref<1x!tpu.dma_semaphore, #tpu.memory_space<semaphore_mem>> -> memref<!tpu.dma_semaphore, #tpu.memory_space<semaphore_mem>>
      tpu.wait_indirect_dma semaphore(%dma_wait3A_1008 : memref<!tpu.dma_semaphore, #tpu.memory_space<semaphore_mem>>) src(%dma_wait3A_1006 : memref<100096x16xf32, #tpu.memory_space<hbm>>) dst(%dma_wait3A_1000 : memref<100x16xf32, #tpu.memory_space<vmem>>)
      %dma_start3A_1009 = arith.constant 5 : i32
      %dma_start3A_1010 = arith.constant 5 : i32
      %dma_start3A_1011 = arith.constant 0 : i32
      %dma_start3A_1012 = arith.constant 0 : i32
      %dma_start3A_1013 = tpu.memref_slice %arg8[%dma_start3A_1009, %dma_start3A_1011, %dma_start3A_1012] : memref<6x100x16xf32, #tpu.memory_space<vmem>> -> memref<1x100x16xf32, #tpu.memory_space<vmem>>
      %dma_start3A_1014 = tpu.memref_squeeze %dma_start3A_1013 : memref<1x100x16xf32, #tpu.memory_space<vmem>> -> memref<100x16xf32, #tpu.memory_space<vmem>>
      %dma_start3A_1015 = arith.constant 0 : i32
      %dma_start3A_1016 = tpu.memref_slice %arg7[%rem3A_973, %sub3A_976, %dma_start3A_1015] : memref<2x20x100xi32, #tpu.memory_space<vmem>> -> memref<1x1x100xi32, #tpu.memory_space<vmem>>
      %dma_start3A_1017 = tpu.memref_squeeze %dma_start3A_1016 : memref<1x1x100xi32, #tpu.memory_space<vmem>> -> memref<100xi32, #tpu.memory_space<vmem>>
      %dma_start3A_1018 = arith.constant 0 : i32
      %dma_start3A_1019 = arith.constant 0 : i32
      %dma_start3A_1020 = tpu.memref_slice %arg10[%dma_start3A_1018, %dma_start3A_1019] : memref<100096x16xf32, #tpu.memory_space<vmem_shared>> -> memref<100096x16xf32, #tpu.memory_space<vmem_shared>>
      %dma_start3A_1021 = tpu.memref_slice %arg13[%dma_start3A_1010] : memref<6x!tpu.dma_semaphore, #tpu.memory_space<semaphore_mem>> -> memref<1x!tpu.dma_semaphore, #tpu.memory_space<semaphore_mem>>
      %dma_start3A_1022 = tpu.memref_squeeze %dma_start3A_1021 : memref<1x!tpu.dma_semaphore, #tpu.memory_space<semaphore_mem>> -> memref<!tpu.dma_semaphore, #tpu.memory_space<semaphore_mem>>
      tpu.enqueue_indirect_dma source(%dma_start3A_1014 : memref<100x16xf32, #tpu.memory_space<vmem>>) target(%dma_start3A_1020 : memref<100096x16xf32, #tpu.memory_space<vmem_shared>>) offsets(%dma_start3A_1017 : memref<100xi32, #tpu.memory_space<vmem>>) semaphore(%dma_start3A_1022 : memref<!tpu.dma_semaphore, #tpu.memory_space<semaphore_mem>>) {add = true}
      %dma_start3A_1023 = arith.constant 5 : i32
      %dma_start3A_1024 = arith.constant 5 : i32
      %dma_start3A_1025 = arith.constant 0 : i32
      %dma_start3A_1026 = arith.constant 0 : i32
      %dma_start3A_1027 = tpu.memref_slice %arg9[%dma_start3A_1023, %dma_start3A_1025, %dma_start3A_1026] : memref<6x100x16xf32, #tpu.memory_space<vmem>> -> memref<1x100x16xf32, #tpu.memory_space<vmem>>
      %dma_start3A_1028 = tpu.memref_squeeze %dma_start3A_1027 : memref<1x100x16xf32, #tpu.memory_space<vmem>> -> memref<100x16xf32, #tpu.memory_space<vmem>>
      %dma_start3A_1029 = arith.constant 0 : i32
      %dma_start3A_1030 = tpu.memref_slice %arg6[%rem3A_973, %sub3A_976, %dma_start3A_1029] : memref<2x20x100xi32, #tpu.memory_space<vmem>> -> memref<1x1x100xi32, #tpu.memory_space<vmem>>
      %dma_start3A_1031 = tpu.memref_squeeze %dma_start3A_1030 : memref<1x1x100xi32, #tpu.memory_space<vmem>> -> memref<100xi32, #tpu.memory_space<vmem>>
      %dma_start3A_1032 = arith.constant 0 : i32
      %dma_start3A_1033 = arith.constant 0 : i32
      %dma_start3A_1034 = tpu.memref_slice %arg10[%dma_start3A_1032, %dma_start3A_1033] : memref<100096x16xf32, #tpu.memory_space<vmem_shared>> -> memref<100096x16xf32, #tpu.memory_space<vmem_shared>>
      %dma_start3A_1035 = tpu.memref_slice %arg14[%dma_start3A_1024] : memref<6x!tpu.dma_semaphore, #tpu.memory_space<semaphore_mem>> -> memref<1x!tpu.dma_semaphore, #tpu.memory_space<semaphore_mem>>
      %dma_start3A_1036 = tpu.memref_squeeze %dma_start3A_1035 : memref<1x!tpu.dma_semaphore, #tpu.memory_space<semaphore_mem>> -> memref<!tpu.dma_semaphore, #tpu.memory_space<semaphore_mem>>
      tpu.enqueue_indirect_dma source(%dma_start3A_1028 : memref<100x16xf32, #tpu.memory_space<vmem>>) target(%dma_start3A_1034 : memref<100096x16xf32, #tpu.memory_space<vmem_shared>>) offsets(%dma_start3A_1031 : memref<100xi32, #tpu.memory_space<vmem>>) semaphore(%dma_start3A_1036 : memref<!tpu.dma_semaphore, #tpu.memory_space<semaphore_mem>>) {add = true}
    }
    %scan3A_227 = arith.constant 166 : i32
    %dma_wait3A_228 = arith.constant 0 : i32
    %dma_wait3A_229 = arith.constant 0 : i32
    %dma_wait3A_230 = arith.constant 0 : i32
    %dma_wait3A_231 = arith.constant 0 : i32
    %dma_wait3A_232 = arith.constant 0 : i32
    %dma_wait3A_233 = arith.constant 0 : i32
    %dma_wait3A_234 = tpu.memref_slice %arg8[%dma_wait3A_228, %dma_wait3A_232, %dma_wait3A_233] : memref<6x100x16xf32, #tpu.memory_space<vmem>> -> memref<1x100x16xf32, #tpu.memory_space<vmem>>
    %dma_wait3A_235 = tpu.memref_squeeze %dma_wait3A_234 : memref<1x100x16xf32, #tpu.memory_space<vmem>> -> memref<100x16xf32, #tpu.memory_space<vmem>>
    %dma_wait3A_236 = arith.constant 0 : i32
    %dma_wait3A_237 = tpu.memref_slice %arg7[%dma_wait3A_229, %dma_wait3A_230, %dma_wait3A_236] : memref<2x20x100xi32, #tpu.memory_space<vmem>> -> memref<1x1x100xi32, #tpu.memory_space<vmem>>
    %dma_wait3A_238 = tpu.memref_squeeze %dma_wait3A_237 : memref<1x1x100xi32, #tpu.memory_space<vmem>> -> memref<100xi32, #tpu.memory_space<vmem>>
    %dma_wait3A_239 = arith.constant 0 : i32
    %dma_wait3A_240 = arith.constant 0 : i32
    %dma_wait3A_241 = tpu.memref_slice %arg10[%dma_wait3A_239, %dma_wait3A_240] : memref<100096x16xf32, #tpu.memory_space<vmem_shared>> -> memref<100096x16xf32, #tpu.memory_space<vmem_shared>>
    %dma_wait3A_242 = tpu.memref_slice %arg13[%dma_wait3A_231] : memref<6x!tpu.dma_semaphore, #tpu.memory_space<semaphore_mem>> -> memref<1x!tpu.dma_semaphore, #tpu.memory_space<semaphore_mem>>
    %dma_wait3A_243 = tpu.memref_squeeze %dma_wait3A_242 : memref<1x!tpu.dma_semaphore, #tpu.memory_space<semaphore_mem>> -> memref<!tpu.dma_semaphore, #tpu.memory_space<semaphore_mem>>
    tpu.wait_indirect_dma semaphore(%dma_wait3A_243 : memref<!tpu.dma_semaphore, #tpu.memory_space<semaphore_mem>>) src(%dma_wait3A_235 : memref<100x16xf32, #tpu.memory_space<vmem>>) dst(%dma_wait3A_241 : memref<100096x16xf32, #tpu.memory_space<vmem_shared>>)
    %dma_wait3A_244 = arith.constant 0 : i32
    %dma_wait3A_245 = arith.constant 0 : i32
    %dma_wait3A_246 = arith.constant 0 : i32
    %dma_wait3A_247 = arith.constant 0 : i32
    %dma_wait3A_248 = arith.constant 0 : i32
    %dma_wait3A_249 = arith.constant 0 : i32
    %dma_wait3A_250 = tpu.memref_slice %arg9[%dma_wait3A_244, %dma_wait3A_248, %dma_wait3A_249] : memref<6x100x16xf32, #tpu.memory_space<vmem>> -> memref<1x100x16xf32, #tpu.memory_space<vmem>>
    %dma_wait3A_251 = tpu.memref_squeeze %dma_wait3A_250 : memref<1x100x16xf32, #tpu.memory_space<vmem>> -> memref<100x16xf32, #tpu.memory_space<vmem>>
    %dma_wait3A_252 = arith.constant 0 : i32
    %dma_wait3A_253 = tpu.memref_slice %arg6[%dma_wait3A_245, %dma_wait3A_246, %dma_wait3A_252] : memref<2x20x100xi32, #tpu.memory_space<vmem>> -> memref<1x1x100xi32, #tpu.memory_space<vmem>>
    %dma_wait3A_254 = tpu.memref_squeeze %dma_wait3A_253 : memref<1x1x100xi32, #tpu.memory_space<vmem>> -> memref<100xi32, #tpu.memory_space<vmem>>
    %dma_wait3A_255 = arith.constant 0 : i32
    %dma_wait3A_256 = arith.constant 0 : i32
    %dma_wait3A_257 = tpu.memref_slice %arg10[%dma_wait3A_255, %dma_wait3A_256] : memref<100096x16xf32, #tpu.memory_space<vmem_shared>> -> memref<100096x16xf32, #tpu.memory_space<vmem_shared>>
    %dma_wait3A_258 = tpu.memref_slice %arg14[%dma_wait3A_247] : memref<6x!tpu.dma_semaphore, #tpu.memory_space<semaphore_mem>> -> memref<1x!tpu.dma_semaphore, #tpu.memory_space<semaphore_mem>>
    %dma_wait3A_259 = tpu.memref_squeeze %dma_wait3A_258 : memref<1x!tpu.dma_semaphore, #tpu.memory_space<semaphore_mem>> -> memref<!tpu.dma_semaphore, #tpu.memory_space<semaphore_mem>>
    tpu.wait_indirect_dma semaphore(%dma_wait3A_259 : memref<!tpu.dma_semaphore, #tpu.memory_space<semaphore_mem>>) src(%dma_wait3A_251 : memref<100x16xf32, #tpu.memory_space<vmem>>) dst(%dma_wait3A_257 : memref<100096x16xf32, #tpu.memory_space<vmem_shared>>)
    %dma_wait3A_260 = arith.constant 1 : i32
    %dma_wait3A_261 = arith.constant 0 : i32
    %dma_wait3A_262 = arith.constant 0 : i32
    %dma_wait3A_263 = arith.constant 1 : i32
    %dma_wait3A_264 = arith.constant 0 : i32
    %dma_wait3A_265 = arith.constant 0 : i32
    %dma_wait3A_266 = tpu.memref_slice %arg8[%dma_wait3A_260, %dma_wait3A_264, %dma_wait3A_265] : memref<6x100x16xf32, #tpu.memory_space<vmem>> -> memref<1x100x16xf32, #tpu.memory_space<vmem>>
    %dma_wait3A_267 = tpu.memref_squeeze %dma_wait3A_266 : memref<1x100x16xf32, #tpu.memory_space<vmem>> -> memref<100x16xf32, #tpu.memory_space<vmem>>
    %dma_wait3A_268 = arith.constant 0 : i32
    %dma_wait3A_269 = tpu.memref_slice %arg7[%dma_wait3A_261, %dma_wait3A_262, %dma_wait3A_268] : memref<2x20x100xi32, #tpu.memory_space<vmem>> -> memref<1x1x100xi32, #tpu.memory_space<vmem>>
    %dma_wait3A_270 = tpu.memref_squeeze %dma_wait3A_269 : memref<1x1x100xi32, #tpu.memory_space<vmem>> -> memref<100xi32, #tpu.memory_space<vmem>>
    %dma_wait3A_271 = arith.constant 0 : i32
    %dma_wait3A_272 = arith.constant 0 : i32
    %dma_wait3A_273 = tpu.memref_slice %arg10[%dma_wait3A_271, %dma_wait3A_272] : memref<100096x16xf32, #tpu.memory_space<vmem_shared>> -> memref<100096x16xf32, #tpu.memory_space<vmem_shared>>
    %dma_wait3A_274 = tpu.memref_slice %arg13[%dma_wait3A_263] : memref<6x!tpu.dma_semaphore, #tpu.memory_space<semaphore_mem>> -> memref<1x!tpu.dma_semaphore, #tpu.memory_space<semaphore_mem>>
    %dma_wait3A_275 = tpu.memref_squeeze %dma_wait3A_274 : memref<1x!tpu.dma_semaphore, #tpu.memory_space<semaphore_mem>> -> memref<!tpu.dma_semaphore, #tpu.memory_space<semaphore_mem>>
    tpu.wait_indirect_dma semaphore(%dma_wait3A_275 : memref<!tpu.dma_semaphore, #tpu.memory_space<semaphore_mem>>) src(%dma_wait3A_267 : memref<100x16xf32, #tpu.memory_space<vmem>>) dst(%dma_wait3A_273 : memref<100096x16xf32, #tpu.memory_space<vmem_shared>>)
    %dma_wait3A_276 = arith.constant 1 : i32
    %dma_wait3A_277 = arith.constant 0 : i32
    %dma_wait3A_278 = arith.constant 0 : i32
    %dma_wait3A_279 = arith.constant 1 : i32
    %dma_wait3A_280 = arith.constant 0 : i32
    %dma_wait3A_281 = arith.constant 0 : i32
    %dma_wait3A_282 = tpu.memref_slice %arg9[%dma_wait3A_276, %dma_wait3A_280, %dma_wait3A_281] : memref<6x100x16xf32, #tpu.memory_space<vmem>> -> memref<1x100x16xf32, #tpu.memory_space<vmem>>
    %dma_wait3A_283 = tpu.memref_squeeze %dma_wait3A_282 : memref<1x100x16xf32, #tpu.memory_space<vmem>> -> memref<100x16xf32, #tpu.memory_space<vmem>>
    %dma_wait3A_284 = arith.constant 0 : i32
    %dma_wait3A_285 = tpu.memref_slice %arg6[%dma_wait3A_277, %dma_wait3A_278, %dma_wait3A_284] : memref<2x20x100xi32, #tpu.memory_space<vmem>> -> memref<1x1x100xi32, #tpu.memory_space<vmem>>
    %dma_wait3A_286 = tpu.memref_squeeze %dma_wait3A_285 : memref<1x1x100xi32, #tpu.memory_space<vmem>> -> memref<100xi32, #tpu.memory_space<vmem>>
    %dma_wait3A_287 = arith.constant 0 : i32
    %dma_wait3A_288 = arith.constant 0 : i32
    %dma_wait3A_289 = tpu.memref_slice %arg10[%dma_wait3A_287, %dma_wait3A_288] : memref<100096x16xf32, #tpu.memory_space<vmem_shared>> -> memref<100096x16xf32, #tpu.memory_space<vmem_shared>>
    %dma_wait3A_290 = tpu.memref_slice %arg14[%dma_wait3A_279] : memref<6x!tpu.dma_semaphore, #tpu.memory_space<semaphore_mem>> -> memref<1x!tpu.dma_semaphore, #tpu.memory_space<semaphore_mem>>
    %dma_wait3A_291 = tpu.memref_squeeze %dma_wait3A_290 : memref<1x!tpu.dma_semaphore, #tpu.memory_space<semaphore_mem>> -> memref<!tpu.dma_semaphore, #tpu.memory_space<semaphore_mem>>
    tpu.wait_indirect_dma semaphore(%dma_wait3A_291 : memref<!tpu.dma_semaphore, #tpu.memory_space<semaphore_mem>>) src(%dma_wait3A_283 : memref<100x16xf32, #tpu.memory_space<vmem>>) dst(%dma_wait3A_289 : memref<100096x16xf32, #tpu.memory_space<vmem_shared>>)
    %dma_wait3A_292 = arith.constant 2 : i32
    %dma_wait3A_293 = arith.constant 0 : i32
    %dma_wait3A_294 = arith.constant 0 : i32
    %dma_wait3A_295 = arith.constant 2 : i32
    %dma_wait3A_296 = arith.constant 0 : i32
    %dma_wait3A_297 = arith.constant 0 : i32
    %dma_wait3A_298 = tpu.memref_slice %arg8[%dma_wait3A_292, %dma_wait3A_296, %dma_wait3A_297] : memref<6x100x16xf32, #tpu.memory_space<vmem>> -> memref<1x100x16xf32, #tpu.memory_space<vmem>>
    %dma_wait3A_299 = tpu.memref_squeeze %dma_wait3A_298 : memref<1x100x16xf32, #tpu.memory_space<vmem>> -> memref<100x16xf32, #tpu.memory_space<vmem>>
    %dma_wait3A_300 = arith.constant 0 : i32
    %dma_wait3A_301 = tpu.memref_slice %arg7[%dma_wait3A_293, %dma_wait3A_294, %dma_wait3A_300] : memref<2x20x100xi32, #tpu.memory_space<vmem>> -> memref<1x1x100xi32, #tpu.memory_space<vmem>>
    %dma_wait3A_302 = tpu.memref_squeeze %dma_wait3A_301 : memref<1x1x100xi32, #tpu.memory_space<vmem>> -> memref<100xi32, #tpu.memory_space<vmem>>
    %dma_wait3A_303 = arith.constant 0 : i32
    %dma_wait3A_304 = arith.constant 0 : i32
    %dma_wait3A_305 = tpu.memref_slice %arg10[%dma_wait3A_303, %dma_wait3A_304] : memref<100096x16xf32, #tpu.memory_space<vmem_shared>> -> memref<100096x16xf32, #tpu.memory_space<vmem_shared>>
    %dma_wait3A_306 = tpu.memref_slice %arg13[%dma_wait3A_295] : memref<6x!tpu.dma_semaphore, #tpu.memory_space<semaphore_mem>> -> memref<1x!tpu.dma_semaphore, #tpu.memory_space<semaphore_mem>>
    %dma_wait3A_307 = tpu.memref_squeeze %dma_wait3A_306 : memref<1x!tpu.dma_semaphore, #tpu.memory_space<semaphore_mem>> -> memref<!tpu.dma_semaphore, #tpu.memory_space<semaphore_mem>>
    tpu.wait_indirect_dma semaphore(%dma_wait3A_307 : memref<!tpu.dma_semaphore, #tpu.memory_space<semaphore_mem>>) src(%dma_wait3A_299 : memref<100x16xf32, #tpu.memory_space<vmem>>) dst(%dma_wait3A_305 : memref<100096x16xf32, #tpu.memory_space<vmem_shared>>)
    %dma_wait3A_308 = arith.constant 2 : i32
    %dma_wait3A_309 = arith.constant 0 : i32
    %dma_wait3A_310 = arith.constant 0 : i32
    %dma_wait3A_311 = arith.constant 2 : i32
    %dma_wait3A_312 = arith.constant 0 : i32
    %dma_wait3A_313 = arith.constant 0 : i32
    %dma_wait3A_314 = tpu.memref_slice %arg9[%dma_wait3A_308, %dma_wait3A_312, %dma_wait3A_313] : memref<6x100x16xf32, #tpu.memory_space<vmem>> -> memref<1x100x16xf32, #tpu.memory_space<vmem>>
    %dma_wait3A_315 = tpu.memref_squeeze %dma_wait3A_314 : memref<1x100x16xf32, #tpu.memory_space<vmem>> -> memref<100x16xf32, #tpu.memory_space<vmem>>
    %dma_wait3A_316 = arith.constant 0 : i32
    %dma_wait3A_317 = tpu.memref_slice %arg6[%dma_wait3A_309, %dma_wait3A_310, %dma_wait3A_316] : memref<2x20x100xi32, #tpu.memory_space<vmem>> -> memref<1x1x100xi32, #tpu.memory_space<vmem>>
    %dma_wait3A_318 = tpu.memref_squeeze %dma_wait3A_317 : memref<1x1x100xi32, #tpu.memory_space<vmem>> -> memref<100xi32, #tpu.memory_space<vmem>>
    %dma_wait3A_319 = arith.constant 0 : i32
    %dma_wait3A_320 = arith.constant 0 : i32
    %dma_wait3A_321 = tpu.memref_slice %arg10[%dma_wait3A_319, %dma_wait3A_320] : memref<100096x16xf32, #tpu.memory_space<vmem_shared>> -> memref<100096x16xf32, #tpu.memory_space<vmem_shared>>
    %dma_wait3A_322 = tpu.memref_slice %arg14[%dma_wait3A_311] : memref<6x!tpu.dma_semaphore, #tpu.memory_space<semaphore_mem>> -> memref<1x!tpu.dma_semaphore, #tpu.memory_space<semaphore_mem>>
    %dma_wait3A_323 = tpu.memref_squeeze %dma_wait3A_322 : memref<1x!tpu.dma_semaphore, #tpu.memory_space<semaphore_mem>> -> memref<!tpu.dma_semaphore, #tpu.memory_space<semaphore_mem>>
    tpu.wait_indirect_dma semaphore(%dma_wait3A_323 : memref<!tpu.dma_semaphore, #tpu.memory_space<semaphore_mem>>) src(%dma_wait3A_315 : memref<100x16xf32, #tpu.memory_space<vmem>>) dst(%dma_wait3A_321 : memref<100096x16xf32, #tpu.memory_space<vmem_shared>>)
    %dma_wait3A_324 = arith.constant 3 : i32
    %dma_wait3A_325 = arith.constant 0 : i32
    %dma_wait3A_326 = arith.constant 0 : i32
    %dma_wait3A_327 = arith.constant 3 : i32
    %dma_wait3A_328 = arith.constant 0 : i32
    %dma_wait3A_329 = arith.constant 0 : i32
    %dma_wait3A_330 = tpu.memref_slice %arg8[%dma_wait3A_324, %dma_wait3A_328, %dma_wait3A_329] : memref<6x100x16xf32, #tpu.memory_space<vmem>> -> memref<1x100x16xf32, #tpu.memory_space<vmem>>
    %dma_wait3A_331 = tpu.memref_squeeze %dma_wait3A_330 : memref<1x100x16xf32, #tpu.memory_space<vmem>> -> memref<100x16xf32, #tpu.memory_space<vmem>>
    %dma_wait3A_332 = arith.constant 0 : i32
    %dma_wait3A_333 = tpu.memref_slice %arg7[%dma_wait3A_325, %dma_wait3A_326, %dma_wait3A_332] : memref<2x20x100xi32, #tpu.memory_space<vmem>> -> memref<1x1x100xi32, #tpu.memory_space<vmem>>
    %dma_wait3A_334 = tpu.memref_squeeze %dma_wait3A_333 : memref<1x1x100xi32, #tpu.memory_space<vmem>> -> memref<100xi32, #tpu.memory_space<vmem>>
    %dma_wait3A_335 = arith.constant 0 : i32
    %dma_wait3A_336 = arith.constant 0 : i32
    %dma_wait3A_337 = tpu.memref_slice %arg10[%dma_wait3A_335, %dma_wait3A_336] : memref<100096x16xf32, #tpu.memory_space<vmem_shared>> -> memref<100096x16xf32, #tpu.memory_space<vmem_shared>>
    %dma_wait3A_338 = tpu.memref_slice %arg13[%dma_wait3A_327] : memref<6x!tpu.dma_semaphore, #tpu.memory_space<semaphore_mem>> -> memref<1x!tpu.dma_semaphore, #tpu.memory_space<semaphore_mem>>
    %dma_wait3A_339 = tpu.memref_squeeze %dma_wait3A_338 : memref<1x!tpu.dma_semaphore, #tpu.memory_space<semaphore_mem>> -> memref<!tpu.dma_semaphore, #tpu.memory_space<semaphore_mem>>
    tpu.wait_indirect_dma semaphore(%dma_wait3A_339 : memref<!tpu.dma_semaphore, #tpu.memory_space<semaphore_mem>>) src(%dma_wait3A_331 : memref<100x16xf32, #tpu.memory_space<vmem>>) dst(%dma_wait3A_337 : memref<100096x16xf32, #tpu.memory_space<vmem_shared>>)
    %dma_wait3A_340 = arith.constant 3 : i32
    %dma_wait3A_341 = arith.constant 0 : i32
    %dma_wait3A_342 = arith.constant 0 : i32
    %dma_wait3A_343 = arith.constant 3 : i32
    %dma_wait3A_344 = arith.constant 0 : i32
    %dma_wait3A_345 = arith.constant 0 : i32
    %dma_wait3A_346 = tpu.memref_slice %arg9[%dma_wait3A_340, %dma_wait3A_344, %dma_wait3A_345] : memref<6x100x16xf32, #tpu.memory_space<vmem>> -> memref<1x100x16xf32, #tpu.memory_space<vmem>>
    %dma_wait3A_347 = tpu.memref_squeeze %dma_wait3A_346 : memref<1x100x16xf32, #tpu.memory_space<vmem>> -> memref<100x16xf32, #tpu.memory_space<vmem>>
    %dma_wait3A_348 = arith.constant 0 : i32
    %dma_wait3A_349 = tpu.memref_slice %arg6[%dma_wait3A_341, %dma_wait3A_342, %dma_wait3A_348] : memref<2x20x100xi32, #tpu.memory_space<vmem>> -> memref<1x1x100xi32, #tpu.memory_space<vmem>>
    %dma_wait3A_350 = tpu.memref_squeeze %dma_wait3A_349 : memref<1x1x100xi32, #tpu.memory_space<vmem>> -> memref<100xi32, #tpu.memory_space<vmem>>
    %dma_wait3A_351 = arith.constant 0 : i32
    %dma_wait3A_352 = arith.constant 0 : i32
    %dma_wait3A_353 = tpu.memref_slice %arg10[%dma_wait3A_351, %dma_wait3A_352] : memref<100096x16xf32, #tpu.memory_space<vmem_shared>> -> memref<100096x16xf32, #tpu.memory_space<vmem_shared>>
    %dma_wait3A_354 = tpu.memref_slice %arg14[%dma_wait3A_343] : memref<6x!tpu.dma_semaphore, #tpu.memory_space<semaphore_mem>> -> memref<1x!tpu.dma_semaphore, #tpu.memory_space<semaphore_mem>>
    %dma_wait3A_355 = tpu.memref_squeeze %dma_wait3A_354 : memref<1x!tpu.dma_semaphore, #tpu.memory_space<semaphore_mem>> -> memref<!tpu.dma_semaphore, #tpu.memory_space<semaphore_mem>>
    tpu.wait_indirect_dma semaphore(%dma_wait3A_355 : memref<!tpu.dma_semaphore, #tpu.memory_space<semaphore_mem>>) src(%dma_wait3A_347 : memref<100x16xf32, #tpu.memory_space<vmem>>) dst(%dma_wait3A_353 : memref<100096x16xf32, #tpu.memory_space<vmem_shared>>)
    %dma_wait3A_356 = arith.constant 4 : i32
    %dma_wait3A_357 = arith.constant 0 : i32
    %dma_wait3A_358 = arith.constant 0 : i32
    %dma_wait3A_359 = arith.constant 4 : i32
    %dma_wait3A_360 = arith.constant 0 : i32
    %dma_wait3A_361 = arith.constant 0 : i32
    %dma_wait3A_362 = tpu.memref_slice %arg8[%dma_wait3A_356, %dma_wait3A_360, %dma_wait3A_361] : memref<6x100x16xf32, #tpu.memory_space<vmem>> -> memref<1x100x16xf32, #tpu.memory_space<vmem>>
    %dma_wait3A_363 = tpu.memref_squeeze %dma_wait3A_362 : memref<1x100x16xf32, #tpu.memory_space<vmem>> -> memref<100x16xf32, #tpu.memory_space<vmem>>
    %dma_wait3A_364 = arith.constant 0 : i32
    %dma_wait3A_365 = tpu.memref_slice %arg7[%dma_wait3A_357, %dma_wait3A_358, %dma_wait3A_364] : memref<2x20x100xi32, #tpu.memory_space<vmem>> -> memref<1x1x100xi32, #tpu.memory_space<vmem>>
    %dma_wait3A_366 = tpu.memref_squeeze %dma_wait3A_365 : memref<1x1x100xi32, #tpu.memory_space<vmem>> -> memref<100xi32, #tpu.memory_space<vmem>>
    %dma_wait3A_367 = arith.constant 0 : i32
    %dma_wait3A_368 = arith.constant 0 : i32
    %dma_wait3A_369 = tpu.memref_slice %arg10[%dma_wait3A_367, %dma_wait3A_368] : memref<100096x16xf32, #tpu.memory_space<vmem_shared>> -> memref<100096x16xf32, #tpu.memory_space<vmem_shared>>
    %dma_wait3A_370 = tpu.memref_slice %arg13[%dma_wait3A_359] : memref<6x!tpu.dma_semaphore, #tpu.memory_space<semaphore_mem>> -> memref<1x!tpu.dma_semaphore, #tpu.memory_space<semaphore_mem>>
    %dma_wait3A_371 = tpu.memref_squeeze %dma_wait3A_370 : memref<1x!tpu.dma_semaphore, #tpu.memory_space<semaphore_mem>> -> memref<!tpu.dma_semaphore, #tpu.memory_space<semaphore_mem>>
    tpu.wait_indirect_dma semaphore(%dma_wait3A_371 : memref<!tpu.dma_semaphore, #tpu.memory_space<semaphore_mem>>) src(%dma_wait3A_363 : memref<100x16xf32, #tpu.memory_space<vmem>>) dst(%dma_wait3A_369 : memref<100096x16xf32, #tpu.memory_space<vmem_shared>>)
    %dma_wait3A_372 = arith.constant 4 : i32
    %dma_wait3A_373 = arith.constant 0 : i32
    %dma_wait3A_374 = arith.constant 0 : i32
    %dma_wait3A_375 = arith.constant 4 : i32
    %dma_wait3A_376 = arith.constant 0 : i32
    %dma_wait3A_377 = arith.constant 0 : i32
    %dma_wait3A_378 = tpu.memref_slice %arg9[%dma_wait3A_372, %dma_wait3A_376, %dma_wait3A_377] : memref<6x100x16xf32, #tpu.memory_space<vmem>> -> memref<1x100x16xf32, #tpu.memory_space<vmem>>
    %dma_wait3A_379 = tpu.memref_squeeze %dma_wait3A_378 : memref<1x100x16xf32, #tpu.memory_space<vmem>> -> memref<100x16xf32, #tpu.memory_space<vmem>>
    %dma_wait3A_380 = arith.constant 0 : i32
    %dma_wait3A_381 = tpu.memref_slice %arg6[%dma_wait3A_373, %dma_wait3A_374, %dma_wait3A_380] : memref<2x20x100xi32, #tpu.memory_space<vmem>> -> memref<1x1x100xi32, #tpu.memory_space<vmem>>
    %dma_wait3A_382 = tpu.memref_squeeze %dma_wait3A_381 : memref<1x1x100xi32, #tpu.memory_space<vmem>> -> memref<100xi32, #tpu.memory_space<vmem>>
    %dma_wait3A_383 = arith.constant 0 : i32
    %dma_wait3A_384 = arith.constant 0 : i32
    %dma_wait3A_385 = tpu.memref_slice %arg10[%dma_wait3A_383, %dma_wait3A_384] : memref<100096x16xf32, #tpu.memory_space<vmem_shared>> -> memref<100096x16xf32, #tpu.memory_space<vmem_shared>>
    %dma_wait3A_386 = tpu.memref_slice %arg14[%dma_wait3A_375] : memref<6x!tpu.dma_semaphore, #tpu.memory_space<semaphore_mem>> -> memref<1x!tpu.dma_semaphore, #tpu.memory_space<semaphore_mem>>
    %dma_wait3A_387 = tpu.memref_squeeze %dma_wait3A_386 : memref<1x!tpu.dma_semaphore, #tpu.memory_space<semaphore_mem>> -> memref<!tpu.dma_semaphore, #tpu.memory_space<semaphore_mem>>
    tpu.wait_indirect_dma semaphore(%dma_wait3A_387 : memref<!tpu.dma_semaphore, #tpu.memory_space<semaphore_mem>>) src(%dma_wait3A_379 : memref<100x16xf32, #tpu.memory_space<vmem>>) dst(%dma_wait3A_385 : memref<100096x16xf32, #tpu.memory_space<vmem_shared>>)
    %dma_wait3A_388 = arith.constant 5 : i32
    %dma_wait3A_389 = arith.constant 0 : i32
    %dma_wait3A_390 = arith.constant 0 : i32
    %dma_wait3A_391 = arith.constant 5 : i32
    %dma_wait3A_392 = arith.constant 0 : i32
    %dma_wait3A_393 = arith.constant 0 : i32
    %dma_wait3A_394 = tpu.memref_slice %arg8[%dma_wait3A_388, %dma_wait3A_392, %dma_wait3A_393] : memref<6x100x16xf32, #tpu.memory_space<vmem>> -> memref<1x100x16xf32, #tpu.memory_space<vmem>>
    %dma_wait3A_395 = tpu.memref_squeeze %dma_wait3A_394 : memref<1x100x16xf32, #tpu.memory_space<vmem>> -> memref<100x16xf32, #tpu.memory_space<vmem>>
    %dma_wait3A_396 = arith.constant 0 : i32
    %dma_wait3A_397 = tpu.memref_slice %arg7[%dma_wait3A_389, %dma_wait3A_390, %dma_wait3A_396] : memref<2x20x100xi32, #tpu.memory_space<vmem>> -> memref<1x1x100xi32, #tpu.memory_space<vmem>>
    %dma_wait3A_398 = tpu.memref_squeeze %dma_wait3A_397 : memref<1x1x100xi32, #tpu.memory_space<vmem>> -> memref<100xi32, #tpu.memory_space<vmem>>
    %dma_wait3A_399 = arith.constant 0 : i32
    %dma_wait3A_400 = arith.constant 0 : i32
    %dma_wait3A_401 = tpu.memref_slice %arg10[%dma_wait3A_399, %dma_wait3A_400] : memref<100096x16xf32, #tpu.memory_space<vmem_shared>> -> memref<100096x16xf32, #tpu.memory_space<vmem_shared>>
    %dma_wait3A_402 = tpu.memref_slice %arg13[%dma_wait3A_391] : memref<6x!tpu.dma_semaphore, #tpu.memory_space<semaphore_mem>> -> memref<1x!tpu.dma_semaphore, #tpu.memory_space<semaphore_mem>>
    %dma_wait3A_403 = tpu.memref_squeeze %dma_wait3A_402 : memref<1x!tpu.dma_semaphore, #tpu.memory_space<semaphore_mem>> -> memref<!tpu.dma_semaphore, #tpu.memory_space<semaphore_mem>>
    tpu.wait_indirect_dma semaphore(%dma_wait3A_403 : memref<!tpu.dma_semaphore, #tpu.memory_space<semaphore_mem>>) src(%dma_wait3A_395 : memref<100x16xf32, #tpu.memory_space<vmem>>) dst(%dma_wait3A_401 : memref<100096x16xf32, #tpu.memory_space<vmem_shared>>)
    %dma_wait3A_404 = arith.constant 5 : i32
    %dma_wait3A_405 = arith.constant 0 : i32
    %dma_wait3A_406 = arith.constant 0 : i32
    %dma_wait3A_407 = arith.constant 5 : i32
    %dma_wait3A_408 = arith.constant 0 : i32
    %dma_wait3A_409 = arith.constant 0 : i32
    %dma_wait3A_410 = tpu.memref_slice %arg9[%dma_wait3A_404, %dma_wait3A_408, %dma_wait3A_409] : memref<6x100x16xf32, #tpu.memory_space<vmem>> -> memref<1x100x16xf32, #tpu.memory_space<vmem>>
    %dma_wait3A_411 = tpu.memref_squeeze %dma_wait3A_410 : memref<1x100x16xf32, #tpu.memory_space<vmem>> -> memref<100x16xf32, #tpu.memory_space<vmem>>
    %dma_wait3A_412 = arith.constant 0 : i32
    %dma_wait3A_413 = tpu.memref_slice %arg6[%dma_wait3A_405, %dma_wait3A_406, %dma_wait3A_412] : memref<2x20x100xi32, #tpu.memory_space<vmem>> -> memref<1x1x100xi32, #tpu.memory_space<vmem>>
    %dma_wait3A_414 = tpu.memref_squeeze %dma_wait3A_413 : memref<1x1x100xi32, #tpu.memory_space<vmem>> -> memref<100xi32, #tpu.memory_space<vmem>>
    %dma_wait3A_415 = arith.constant 0 : i32
    %dma_wait3A_416 = arith.constant 0 : i32
    %dma_wait3A_417 = tpu.memref_slice %arg10[%dma_wait3A_415, %dma_wait3A_416] : memref<100096x16xf32, #tpu.memory_space<vmem_shared>> -> memref<100096x16xf32, #tpu.memory_space<vmem_shared>>
    %dma_wait3A_418 = tpu.memref_slice %arg14[%dma_wait3A_407] : memref<6x!tpu.dma_semaphore, #tpu.memory_space<semaphore_mem>> -> memref<1x!tpu.dma_semaphore, #tpu.memory_space<semaphore_mem>>
    %dma_wait3A_419 = tpu.memref_squeeze %dma_wait3A_418 : memref<1x!tpu.dma_semaphore, #tpu.memory_space<semaphore_mem>> -> memref<!tpu.dma_semaphore, #tpu.memory_space<semaphore_mem>>
    tpu.wait_indirect_dma semaphore(%dma_wait3A_419 : memref<!tpu.dma_semaphore, #tpu.memory_space<semaphore_mem>>) src(%dma_wait3A_411 : memref<100x16xf32, #tpu.memory_space<vmem>>) dst(%dma_wait3A_417 : memref<100096x16xf32, #tpu.memory_space<vmem_shared>>)
    %scan3A_420 = arith.constant 0 : i32
    %scan3A_421 = arith.constant 0 : i32
    %scan3A_422 = arith.constant 4 : i32
    %scan3A_423 = arith.addi %scan3A_421, %scan3A_422 : i32
    %scan3A_424 = arith.constant 1 : i32
    scf.for %scan3A_431 = %scan3A_421 to %scan3A_423 step %scan3A_424  : i32 {
      %add3A_432 = arith.constant 16 : i32
      %add3A_433 = arith.addi %add3A_432, %scan3A_431 : i32
      %dma_start3A_434 = arith.constant 1 : i32
      %dma_start3A_435 = arith.constant 0 : i32
      %dma_start3A_436 = arith.constant 0 : i32
      %dma_start3A_437 = arith.constant 0 : i32
      %dma_start3A_438 = arith.constant 0 : i32
      %dma_start3A_439 = tpu.memref_slice %arg8[%dma_start3A_435, %dma_start3A_437, %dma_start3A_438] : memref<6x100x16xf32, #tpu.memory_space<vmem>> -> memref<1x100x16xf32, #tpu.memory_space<vmem>>
      %dma_start3A_440 = tpu.memref_squeeze %dma_start3A_439 : memref<1x100x16xf32, #tpu.memory_space<vmem>> -> memref<100x16xf32, #tpu.memory_space<vmem>>
      %dma_start3A_441 = arith.constant 0 : i32
      %dma_start3A_442 = tpu.memref_slice %arg6[%dma_start3A_434, %add3A_433, %dma_start3A_441] : memref<2x20x100xi32, #tpu.memory_space<vmem>> -> memref<1x1x100xi32, #tpu.memory_space<vmem>>
      %dma_start3A_443 = tpu.memref_squeeze %dma_start3A_442 : memref<1x1x100xi32, #tpu.memory_space<vmem>> -> memref<100xi32, #tpu.memory_space<vmem>>
      %dma_start3A_444 = arith.constant 0 : i32
      %dma_start3A_445 = arith.constant 0 : i32
      %dma_start3A_446 = tpu.memref_slice %arg2[%dma_start3A_444, %dma_start3A_445] : memref<100096x16xf32, #tpu.memory_space<hbm>> -> memref<100096x16xf32, #tpu.memory_space<hbm>>
      %dma_start3A_447 = tpu.memref_slice %arg11[%dma_start3A_436] : memref<6x!tpu.dma_semaphore, #tpu.memory_space<semaphore_mem>> -> memref<1x!tpu.dma_semaphore, #tpu.memory_space<semaphore_mem>>
      %dma_start3A_448 = tpu.memref_squeeze %dma_start3A_447 : memref<1x!tpu.dma_semaphore, #tpu.memory_space<semaphore_mem>> -> memref<!tpu.dma_semaphore, #tpu.memory_space<semaphore_mem>>
      tpu.enqueue_indirect_dma source(%dma_start3A_446 : memref<100096x16xf32, #tpu.memory_space<hbm>>) target(%dma_start3A_440 : memref<100x16xf32, #tpu.memory_space<vmem>>) offsets(%dma_start3A_443 : memref<100xi32, #tpu.memory_space<vmem>>) semaphore(%dma_start3A_448 : memref<!tpu.dma_semaphore, #tpu.memory_space<semaphore_mem>>)
      %dma_start3A_449 = arith.constant 1 : i32
      %dma_start3A_450 = arith.constant 0 : i32
      %dma_start3A_451 = arith.constant 0 : i32
      %dma_start3A_452 = arith.constant 0 : i32
      %dma_start3A_453 = arith.constant 0 : i32
      %dma_start3A_454 = tpu.memref_slice %arg9[%dma_start3A_450, %dma_start3A_452, %dma_start3A_453] : memref<6x100x16xf32, #tpu.memory_space<vmem>> -> memref<1x100x16xf32, #tpu.memory_space<vmem>>
      %dma_start3A_455 = tpu.memref_squeeze %dma_start3A_454 : memref<1x100x16xf32, #tpu.memory_space<vmem>> -> memref<100x16xf32, #tpu.memory_space<vmem>>
      %dma_start3A_456 = arith.constant 0 : i32
      %dma_start3A_457 = tpu.memref_slice %arg7[%dma_start3A_449, %add3A_433, %dma_start3A_456] : memref<2x20x100xi32, #tpu.memory_space<vmem>> -> memref<1x1x100xi32, #tpu.memory_space<vmem>>
      %dma_start3A_458 = tpu.memref_squeeze %dma_start3A_457 : memref<1x1x100xi32, #tpu.memory_space<vmem>> -> memref<100xi32, #tpu.memory_space<vmem>>
      %dma_start3A_459 = arith.constant 0 : i32
      %dma_start3A_460 = arith.constant 0 : i32
      %dma_start3A_461 = tpu.memref_slice %arg2[%dma_start3A_459, %dma_start3A_460] : memref<100096x16xf32, #tpu.memory_space<hbm>> -> memref<100096x16xf32, #tpu.memory_space<hbm>>
      %dma_start3A_462 = tpu.memref_slice %arg12[%dma_start3A_451] : memref<6x!tpu.dma_semaphore, #tpu.memory_space<semaphore_mem>> -> memref<1x!tpu.dma_semaphore, #tpu.memory_space<semaphore_mem>>
      %dma_start3A_463 = tpu.memref_squeeze %dma_start3A_462 : memref<1x!tpu.dma_semaphore, #tpu.memory_space<semaphore_mem>> -> memref<!tpu.dma_semaphore, #tpu.memory_space<semaphore_mem>>
      tpu.enqueue_indirect_dma source(%dma_start3A_461 : memref<100096x16xf32, #tpu.memory_space<hbm>>) target(%dma_start3A_455 : memref<100x16xf32, #tpu.memory_space<vmem>>) offsets(%dma_start3A_458 : memref<100xi32, #tpu.memory_space<vmem>>) semaphore(%dma_start3A_463 : memref<!tpu.dma_semaphore, #tpu.memory_space<semaphore_mem>>)
      %dma_wait3A_464 = arith.constant 0 : i32
      %dma_wait3A_465 = arith.constant 0 : i32
      %dma_wait3A_466 = arith.constant 0 : i32
      %dma_wait3A_467 = arith.constant 0 : i32
      %dma_wait3A_468 = arith.constant 0 : i32
      %dma_wait3A_469 = arith.constant 0 : i32
      %dma_wait3A_470 = tpu.memref_slice %arg8[%dma_wait3A_466, %dma_wait3A_468, %dma_wait3A_469] : memref<6x100x16xf32, #tpu.memory_space<vmem>> -> memref<1x100x16xf32, #tpu.memory_space<vmem>>
      %dma_wait3A_471 = tpu.memref_squeeze %dma_wait3A_470 : memref<1x100x16xf32, #tpu.memory_space<vmem>> -> memref<100x16xf32, #tpu.memory_space<vmem>>
      %dma_wait3A_472 = arith.constant 0 : i32
      %dma_wait3A_473 = tpu.memref_slice %arg6[%dma_wait3A_464, %dma_wait3A_465, %dma_wait3A_472] : memref<2x20x100xi32, #tpu.memory_space<vmem>> -> memref<1x1x100xi32, #tpu.memory_space<vmem>>
      %dma_wait3A_474 = tpu.memref_squeeze %dma_wait3A_473 : memref<1x1x100xi32, #tpu.memory_space<vmem>> -> memref<100xi32, #tpu.memory_space<vmem>>
      %dma_wait3A_475 = arith.constant 0 : i32
      %dma_wait3A_476 = arith.constant 0 : i32
      %dma_wait3A_477 = tpu.memref_slice %arg2[%dma_wait3A_475, %dma_wait3A_476] : memref<100096x16xf32, #tpu.memory_space<hbm>> -> memref<100096x16xf32, #tpu.memory_space<hbm>>
      %dma_wait3A_478 = tpu.memref_slice %arg11[%dma_wait3A_467] : memref<6x!tpu.dma_semaphore, #tpu.memory_space<semaphore_mem>> -> memref<1x!tpu.dma_semaphore, #tpu.memory_space<semaphore_mem>>
      %dma_wait3A_479 = tpu.memref_squeeze %dma_wait3A_478 : memref<1x!tpu.dma_semaphore, #tpu.memory_space<semaphore_mem>> -> memref<!tpu.dma_semaphore, #tpu.memory_space<semaphore_mem>>
      tpu.wait_indirect_dma semaphore(%dma_wait3A_479 : memref<!tpu.dma_semaphore, #tpu.memory_space<semaphore_mem>>) src(%dma_wait3A_477 : memref<100096x16xf32, #tpu.memory_space<hbm>>) dst(%dma_wait3A_471 : memref<100x16xf32, #tpu.memory_space<vmem>>)
      %dma_wait3A_480 = arith.constant 0 : i32
      %dma_wait3A_481 = arith.constant 0 : i32
      %dma_wait3A_482 = arith.constant 0 : i32
      %dma_wait3A_483 = arith.constant 0 : i32
      %dma_wait3A_484 = arith.constant 0 : i32
      %dma_wait3A_485 = arith.constant 0 : i32
      %dma_wait3A_486 = tpu.memref_slice %arg9[%dma_wait3A_482, %dma_wait3A_484, %dma_wait3A_485] : memref<6x100x16xf32, #tpu.memory_space<vmem>> -> memref<1x100x16xf32, #tpu.memory_space<vmem>>
      %dma_wait3A_487 = tpu.memref_squeeze %dma_wait3A_486 : memref<1x100x16xf32, #tpu.memory_space<vmem>> -> memref<100x16xf32, #tpu.memory_space<vmem>>
      %dma_wait3A_488 = arith.constant 0 : i32
      %dma_wait3A_489 = tpu.memref_slice %arg7[%dma_wait3A_480, %dma_wait3A_481, %dma_wait3A_488] : memref<2x20x100xi32, #tpu.memory_space<vmem>> -> memref<1x1x100xi32, #tpu.memory_space<vmem>>
      %dma_wait3A_490 = tpu.memref_squeeze %dma_wait3A_489 : memref<1x1x100xi32, #tpu.memory_space<vmem>> -> memref<100xi32, #tpu.memory_space<vmem>>
      %dma_wait3A_491 = arith.constant 0 : i32
      %dma_wait3A_492 = arith.constant 0 : i32
      %dma_wait3A_493 = tpu.memref_slice %arg2[%dma_wait3A_491, %dma_wait3A_492] : memref<100096x16xf32, #tpu.memory_space<hbm>> -> memref<100096x16xf32, #tpu.memory_space<hbm>>
      %dma_wait3A_494 = tpu.memref_slice %arg12[%dma_wait3A_483] : memref<6x!tpu.dma_semaphore, #tpu.memory_space<semaphore_mem>> -> memref<1x!tpu.dma_semaphore, #tpu.memory_space<semaphore_mem>>
      %dma_wait3A_495 = tpu.memref_squeeze %dma_wait3A_494 : memref<1x!tpu.dma_semaphore, #tpu.memory_space<semaphore_mem>> -> memref<!tpu.dma_semaphore, #tpu.memory_space<semaphore_mem>>
      tpu.wait_indirect_dma semaphore(%dma_wait3A_495 : memref<!tpu.dma_semaphore, #tpu.memory_space<semaphore_mem>>) src(%dma_wait3A_493 : memref<100096x16xf32, #tpu.memory_space<hbm>>) dst(%dma_wait3A_487 : memref<100x16xf32, #tpu.memory_space<vmem>>)
      %add3A_496 = arith.constant 16 : i32
      %add3A_497 = arith.addi %add3A_496, %scan3A_431 : i32
      %dma_start3A_498 = arith.constant 0 : i32
      %dma_start3A_499 = arith.constant 1 : i32
      %dma_start3A_500 = arith.constant 0 : i32
      %dma_start3A_501 = arith.constant 0 : i32
      %dma_start3A_502 = arith.constant 0 : i32
      %dma_start3A_503 = tpu.memref_slice %arg8[%dma_start3A_498, %dma_start3A_501, %dma_start3A_502] : memref<6x100x16xf32, #tpu.memory_space<vmem>> -> memref<1x100x16xf32, #tpu.memory_space<vmem>>
      %dma_start3A_504 = tpu.memref_squeeze %dma_start3A_503 : memref<1x100x16xf32, #tpu.memory_space<vmem>> -> memref<100x16xf32, #tpu.memory_space<vmem>>
      %dma_start3A_505 = arith.constant 0 : i32
      %dma_start3A_506 = tpu.memref_slice %arg7[%dma_start3A_499, %add3A_497, %dma_start3A_505] : memref<2x20x100xi32, #tpu.memory_space<vmem>> -> memref<1x1x100xi32, #tpu.memory_space<vmem>>
      %dma_start3A_507 = tpu.memref_squeeze %dma_start3A_506 : memref<1x1x100xi32, #tpu.memory_space<vmem>> -> memref<100xi32, #tpu.memory_space<vmem>>
      %dma_start3A_508 = arith.constant 0 : i32
      %dma_start3A_509 = arith.constant 0 : i32
      %dma_start3A_510 = tpu.memref_slice %arg10[%dma_start3A_508, %dma_start3A_509] : memref<100096x16xf32, #tpu.memory_space<vmem_shared>> -> memref<100096x16xf32, #tpu.memory_space<vmem_shared>>
      %dma_start3A_511 = tpu.memref_slice %arg13[%dma_start3A_500] : memref<6x!tpu.dma_semaphore, #tpu.memory_space<semaphore_mem>> -> memref<1x!tpu.dma_semaphore, #tpu.memory_space<semaphore_mem>>
      %dma_start3A_512 = tpu.memref_squeeze %dma_start3A_511 : memref<1x!tpu.dma_semaphore, #tpu.memory_space<semaphore_mem>> -> memref<!tpu.dma_semaphore, #tpu.memory_space<semaphore_mem>>
      tpu.enqueue_indirect_dma source(%dma_start3A_504 : memref<100x16xf32, #tpu.memory_space<vmem>>) target(%dma_start3A_510 : memref<100096x16xf32, #tpu.memory_space<vmem_shared>>) offsets(%dma_start3A_507 : memref<100xi32, #tpu.memory_space<vmem>>) semaphore(%dma_start3A_512 : memref<!tpu.dma_semaphore, #tpu.memory_space<semaphore_mem>>) {add = true}
      %dma_start3A_513 = arith.constant 0 : i32
      %dma_start3A_514 = arith.constant 1 : i32
      %dma_start3A_515 = arith.constant 0 : i32
      %dma_start3A_516 = arith.constant 0 : i32
      %dma_start3A_517 = arith.constant 0 : i32
      %dma_start3A_518 = tpu.memref_slice %arg9[%dma_start3A_513, %dma_start3A_516, %dma_start3A_517] : memref<6x100x16xf32, #tpu.memory_space<vmem>> -> memref<1x100x16xf32, #tpu.memory_space<vmem>>
      %dma_start3A_519 = tpu.memref_squeeze %dma_start3A_518 : memref<1x100x16xf32, #tpu.memory_space<vmem>> -> memref<100x16xf32, #tpu.memory_space<vmem>>
      %dma_start3A_520 = arith.constant 0 : i32
      %dma_start3A_521 = tpu.memref_slice %arg6[%dma_start3A_514, %add3A_497, %dma_start3A_520] : memref<2x20x100xi32, #tpu.memory_space<vmem>> -> memref<1x1x100xi32, #tpu.memory_space<vmem>>
      %dma_start3A_522 = tpu.memref_squeeze %dma_start3A_521 : memref<1x1x100xi32, #tpu.memory_space<vmem>> -> memref<100xi32, #tpu.memory_space<vmem>>
      %dma_start3A_523 = arith.constant 0 : i32
      %dma_start3A_524 = arith.constant 0 : i32
      %dma_start3A_525 = tpu.memref_slice %arg10[%dma_start3A_523, %dma_start3A_524] : memref<100096x16xf32, #tpu.memory_space<vmem_shared>> -> memref<100096x16xf32, #tpu.memory_space<vmem_shared>>
      %dma_start3A_526 = tpu.memref_slice %arg14[%dma_start3A_515] : memref<6x!tpu.dma_semaphore, #tpu.memory_space<semaphore_mem>> -> memref<1x!tpu.dma_semaphore, #tpu.memory_space<semaphore_mem>>
      %dma_start3A_527 = tpu.memref_squeeze %dma_start3A_526 : memref<1x!tpu.dma_semaphore, #tpu.memory_space<semaphore_mem>> -> memref<!tpu.dma_semaphore, #tpu.memory_space<semaphore_mem>>
      tpu.enqueue_indirect_dma source(%dma_start3A_519 : memref<100x16xf32, #tpu.memory_space<vmem>>) target(%dma_start3A_525 : memref<100096x16xf32, #tpu.memory_space<vmem_shared>>) offsets(%dma_start3A_522 : memref<100xi32, #tpu.memory_space<vmem>>) semaphore(%dma_start3A_527 : memref<!tpu.dma_semaphore, #tpu.memory_space<semaphore_mem>>) {add = true}
      %dma_wait3A_528 = arith.constant 0 : i32
      %dma_wait3A_529 = arith.constant 0 : i32
      %dma_wait3A_530 = arith.constant 0 : i32
      %dma_wait3A_531 = arith.constant 0 : i32
      %dma_wait3A_532 = arith.constant 0 : i32
      %dma_wait3A_533 = arith.constant 0 : i32
      %dma_wait3A_534 = tpu.memref_slice %arg8[%dma_wait3A_528, %dma_wait3A_532, %dma_wait3A_533] : memref<6x100x16xf32, #tpu.memory_space<vmem>> -> memref<1x100x16xf32, #tpu.memory_space<vmem>>
      %dma_wait3A_535 = tpu.memref_squeeze %dma_wait3A_534 : memref<1x100x16xf32, #tpu.memory_space<vmem>> -> memref<100x16xf32, #tpu.memory_space<vmem>>
      %dma_wait3A_536 = arith.constant 0 : i32
      %dma_wait3A_537 = tpu.memref_slice %arg7[%dma_wait3A_529, %dma_wait3A_530, %dma_wait3A_536] : memref<2x20x100xi32, #tpu.memory_space<vmem>> -> memref<1x1x100xi32, #tpu.memory_space<vmem>>
      %dma_wait3A_538 = tpu.memref_squeeze %dma_wait3A_537 : memref<1x1x100xi32, #tpu.memory_space<vmem>> -> memref<100xi32, #tpu.memory_space<vmem>>
      %dma_wait3A_539 = arith.constant 0 : i32
      %dma_wait3A_540 = arith.constant 0 : i32
      %dma_wait3A_541 = tpu.memref_slice %arg10[%dma_wait3A_539, %dma_wait3A_540] : memref<100096x16xf32, #tpu.memory_space<vmem_shared>> -> memref<100096x16xf32, #tpu.memory_space<vmem_shared>>
      %dma_wait3A_542 = tpu.memref_slice %arg13[%dma_wait3A_531] : memref<6x!tpu.dma_semaphore, #tpu.memory_space<semaphore_mem>> -> memref<1x!tpu.dma_semaphore, #tpu.memory_space<semaphore_mem>>
      %dma_wait3A_543 = tpu.memref_squeeze %dma_wait3A_542 : memref<1x!tpu.dma_semaphore, #tpu.memory_space<semaphore_mem>> -> memref<!tpu.dma_semaphore, #tpu.memory_space<semaphore_mem>>
      tpu.wait_indirect_dma semaphore(%dma_wait3A_543 : memref<!tpu.dma_semaphore, #tpu.memory_space<semaphore_mem>>) src(%dma_wait3A_535 : memref<100x16xf32, #tpu.memory_space<vmem>>) dst(%dma_wait3A_541 : memref<100096x16xf32, #tpu.memory_space<vmem_shared>>)
      %dma_wait3A_544 = arith.constant 0 : i32
      %dma_wait3A_545 = arith.constant 0 : i32
      %dma_wait3A_546 = arith.constant 0 : i32
      %dma_wait3A_547 = arith.constant 0 : i32
      %dma_wait3A_548 = arith.constant 0 : i32
      %dma_wait3A_549 = arith.constant 0 : i32
      %dma_wait3A_550 = tpu.memref_slice %arg9[%dma_wait3A_544, %dma_wait3A_548, %dma_wait3A_549] : memref<6x100x16xf32, #tpu.memory_space<vmem>> -> memref<1x100x16xf32, #tpu.memory_space<vmem>>
      %dma_wait3A_551 = tpu.memref_squeeze %dma_wait3A_550 : memref<1x100x16xf32, #tpu.memory_space<vmem>> -> memref<100x16xf32, #tpu.memory_space<vmem>>
      %dma_wait3A_552 = arith.constant 0 : i32
      %dma_wait3A_553 = tpu.memref_slice %arg6[%dma_wait3A_545, %dma_wait3A_546, %dma_wait3A_552] : memref<2x20x100xi32, #tpu.memory_space<vmem>> -> memref<1x1x100xi32, #tpu.memory_space<vmem>>
      %dma_wait3A_554 = tpu.memref_squeeze %dma_wait3A_553 : memref<1x1x100xi32, #tpu.memory_space<vmem>> -> memref<100xi32, #tpu.memory_space<vmem>>
      %dma_wait3A_555 = arith.constant 0 : i32
      %dma_wait3A_556 = arith.constant 0 : i32
      %dma_wait3A_557 = tpu.memref_slice %arg10[%dma_wait3A_555, %dma_wait3A_556] : memref<100096x16xf32, #tpu.memory_space<vmem_shared>> -> memref<100096x16xf32, #tpu.memory_space<vmem_shared>>
      %dma_wait3A_558 = tpu.memref_slice %arg14[%dma_wait3A_547] : memref<6x!tpu.dma_semaphore, #tpu.memory_space<semaphore_mem>> -> memref<1x!tpu.dma_semaphore, #tpu.memory_space<semaphore_mem>>
      %dma_wait3A_559 = tpu.memref_squeeze %dma_wait3A_558 : memref<1x!tpu.dma_semaphore, #tpu.memory_space<semaphore_mem>> -> memref<!tpu.dma_semaphore, #tpu.memory_space<semaphore_mem>>
      tpu.wait_indirect_dma semaphore(%dma_wait3A_559 : memref<!tpu.dma_semaphore, #tpu.memory_space<semaphore_mem>>) src(%dma_wait3A_551 : memref<100x16xf32, #tpu.memory_space<vmem>>) dst(%dma_wait3A_557 : memref<100096x16xf32, #tpu.memory_space<vmem_shared>>)
    }
    %scan3A_425 = arith.constant 4 : i32
    %barrier3A_426 = arith.constant 0 : index
    tpu.barrier barrier_id(%barrier3A_426)
    %mul3A_427 = arith.constant 6256 : i32
    %mul3A_428 = arith.muli %arg1, %mul3A_427 : i32
    %mul3A_429 = arith.constant 6256 : i32
    %mul3A_430 = arith.muli %arg1, %mul3A_429 : i32
    "tpu.region"() ({
      %run_scoped3A = tpu.sem_alloc : memref<!tpu.dma_semaphore, #tpu.memory_space<semaphore_mem>>
      %dma_start3A_431 = arith.constant 0 : i32
      %dma_start3A_432 = tpu.memref_slice %arg5[%arg0, %mul3A_430, %dma_start3A_431] : memref<2x100096x16xf32, #tpu.memory_space<hbm>> -> memref<1x6256x16xf32, #tpu.memory_space<hbm>>
      %dma_start3A_433 = tpu.memref_squeeze %dma_start3A_432 : memref<1x6256x16xf32, #tpu.memory_space<hbm>> -> memref<6256x16xf32, #tpu.memory_space<hbm>>
      %dma_start3A_434 = arith.constant 0 : i32
      %dma_start3A_435 = tpu.memref_slice %arg10[%mul3A_428, %dma_start3A_434] : memref<100096x16xf32, #tpu.memory_space<vmem_shared>> -> memref<6256x16xf32, #tpu.memory_space<vmem_shared>>
      tpu.enqueue_dma source(%dma_start3A_435 : memref<6256x16xf32, #tpu.memory_space<vmem_shared>>) target(%dma_start3A_433 : memref<6256x16xf32, #tpu.memory_space<hbm>>) target_semaphore(%run_scoped3A : memref<!tpu.dma_semaphore, #tpu.memory_space<semaphore_mem>>)
      %dma_wait3A_436 = arith.constant 0 : i32
      %dma_wait3A_437 = tpu.memref_slice %arg5[%arg0, %mul3A_430, %dma_wait3A_436] : memref<2x100096x16xf32, #tpu.memory_space<hbm>> -> memref<1x6256x16xf32, #tpu.memory_space<hbm>>
      %dma_wait3A_438 = tpu.memref_squeeze %dma_wait3A_437 : memref<1x6256x16xf32, #tpu.memory_space<hbm>> -> memref<6256x16xf32, #tpu.memory_space<hbm>>
      %dma_wait3A_439 = arith.constant 0 : i32
      %dma_wait3A_440 = tpu.memref_slice %arg10[%mul3A_428, %dma_wait3A_439] : memref<100096x16xf32, #tpu.memory_space<vmem_shared>> -> memref<6256x16xf32, #tpu.memory_space<vmem_shared>>
      tpu.wait_dma2 semaphore(%run_scoped3A : memref<!tpu.dma_semaphore, #tpu.memory_space<semaphore_mem>>) src(%dma_wait3A_440 : memref<6256x16xf32, #tpu.memory_space<vmem_shared>>) dst(%dma_wait3A_438 : memref<6256x16xf32, #tpu.memory_space<hbm>>)
      tpu.yield
    }) : () -> ()
    return
  }
}

#map = affine_map<(d0, d1) -> (0, 0)>
#map1 = affine_map<(d0, d1) -> (0, 0, 0)>
module attributes {stable_mosaic.version = 14 : i64} {
  func.func @_sc_aggregate(%arg0: i32, %arg1: i32, %arg2: memref<100096x16xf32, #tpu.memory_space<hbm>>, %arg3: memref<2x32000x100xi32, #tpu.memory_space<hbm>>, %arg4: memref<100096x16xf32, #tpu.memory_space<hbm>>, %arg5: memref<2x100096x16xf32, #tpu.memory_space<hbm>>, %arg6: memref<2x20x100xi32, #tpu.memory_space<vmem>>, %arg7: memref<2x20x100xi32, #tpu.memory_space<vmem>>, %arg8: memref<6x100x16xf32, #tpu.memory_space<vmem>>, %arg9: memref<6x100x16xf32, #tpu.memory_space<vmem>>, %arg10: memref<100096x16xf32, #tpu.memory_space<vmem_shared>>, %arg11: memref<6x!tpu.dma_semaphore, #tpu.memory_space<semaphore_mem>>, %arg12: memref<6x!tpu.dma_semaphore, #tpu.memory_space<semaphore_mem>>, %arg13: memref<6x!tpu.dma_semaphore, #tpu.memory_space<semaphore_mem>>, %arg14: memref<6x!tpu.dma_semaphore, #tpu.memory_space<semaphore_mem>>, %arg15: memref<2x!tpu.dma_semaphore, #tpu.memory_space<semaphore_mem>>) attributes {dimension_semantics = [#tpu.dimension_semantics<core_parallel>, #tpu.dimension_semantics<subcore_parallel>], iteration_bounds = array<i64: 2, 16>, scalar_prefetch = 0 : i64, scratch_operands = 10 : i64, tpu.core_type = #tpu.core_type<sc_vector_subcore>, window_params = [{transform_indices = #map}, {transform_indices = #map1}, {transform_indices = #map}, {transform_indices = #map1}]} {
    %mul3A = arith.constant 16 : i32
    %mul3A_0 = arith.muli %arg0, %mul3A : i32
    %add3A = arith.addi %mul3A_0, %arg1 : i32
    %mul3A_1 = arith.constant 6256 : i32
    %mul3A_2 = arith.muli %arg1, %mul3A_1 : i32
    %mul3A_3 = arith.constant 6256 : i32
    %mul3A_4 = arith.muli %arg1, %mul3A_3 : i32
    "tpu.region"() ({
      %run_scoped3A = tpu.sem_alloc : memref<!tpu.dma_semaphore, #tpu.memory_space<semaphore_mem>>
      %dma_start3A_431 = arith.constant 0 : i32
      %dma_start3A_432 = tpu.memref_slice %arg10[%mul3A_4, %dma_start3A_431] : memref<100096x16xf32, #tpu.memory_space<vmem_shared>> -> memref<6256x16xf32, #tpu.memory_space<vmem_shared>>
      %dma_start3A_433 = arith.constant 0 : i32
      %dma_start3A_434 = tpu.memref_slice %arg4[%mul3A_2, %dma_start3A_433] : memref<100096x16xf32, #tpu.memory_space<hbm>> -> memref<6256x16xf32, #tpu.memory_space<hbm>>
      tpu.enqueue_dma source(%dma_start3A_434 : memref<6256x16xf32, #tpu.memory_space<hbm>>) target(%dma_start3A_432 : memref<6256x16xf32, #tpu.memory_space<vmem_shared>>) target_semaphore(%run_scoped3A : memref<!tpu.dma_semaphore, #tpu.memory_space<semaphore_mem>>)
      %dma_wait3A_435 = arith.constant 0 : i32
      %dma_wait3A_436 = tpu.memref_slice %arg10[%mul3A_4, %dma_wait3A_435] : memref<100096x16xf32, #tpu.memory_space<vmem_shared>> -> memref<6256x16xf32, #tpu.memory_space<vmem_shared>>
      %dma_wait3A_437 = arith.constant 0 : i32
      %dma_wait3A_438 = tpu.memref_slice %arg4[%mul3A_2, %dma_wait3A_437] : memref<100096x16xf32, #tpu.memory_space<hbm>> -> memref<6256x16xf32, #tpu.memory_space<hbm>>
      tpu.wait_dma2 semaphore(%run_scoped3A : memref<!tpu.dma_semaphore, #tpu.memory_space<semaphore_mem>>) src(%dma_wait3A_438 : memref<6256x16xf32, #tpu.memory_space<hbm>>) dst(%dma_wait3A_436 : memref<6256x16xf32, #tpu.memory_space<vmem_shared>>)
      tpu.yield
    }) : () -> ()
    %barrier3A = arith.constant 0 : index
    tpu.barrier barrier_id(%barrier3A)
    %mul3A_5 = arith.constant 1000 : i32
    %mul3A_6 = arith.muli %add3A, %mul3A_5 : i32
    %add3A_7 = arith.constant 0 : i32
    %add3A_8 = arith.addi %mul3A_6, %add3A_7 : i32
    %dma_start3A = arith.constant 0 : i32
    %dma_start3A_9 = arith.constant 0 : i32
    %dma_start3A_10 = arith.constant 0 : i32
    %dma_start3A_11 = arith.constant 0 : i32
    %dma_start3A_12 = arith.constant 0 : i32
    %dma_start3A_13 = tpu.memref_slice %arg6[%dma_start3A_9, %dma_start3A_11, %dma_start3A_12] : memref<2x20x100xi32, #tpu.memory_space<vmem>> -> memref<1x20x100xi32, #tpu.memory_space<vmem>>
    %dma_start3A_14 = tpu.memref_squeeze %dma_start3A_13 : memref<1x20x100xi32, #tpu.memory_space<vmem>> -> memref<20x100xi32, #tpu.memory_space<vmem>>
    %dma_start3A_15 = arith.constant 0 : i32
    %dma_start3A_16 = tpu.memref_slice %arg3[%dma_start3A, %add3A_8, %dma_start3A_15] : memref<2x32000x100xi32, #tpu.memory_space<hbm>> -> memref<1x20x100xi32, #tpu.memory_space<hbm>>
    %dma_start3A_17 = tpu.memref_squeeze %dma_start3A_16 : memref<1x20x100xi32, #tpu.memory_space<hbm>> -> memref<20x100xi32, #tpu.memory_space<hbm>>
    %dma_start3A_18 = tpu.memref_slice %arg15[%dma_start3A_10] : memref<2x!tpu.dma_semaphore, #tpu.memory_space<semaphore_mem>> -> memref<1x!tpu.dma_semaphore, #tpu.memory_space<semaphore_mem>>
    %dma_start3A_19 = tpu.memref_squeeze %dma_start3A_18 : memref<1x!tpu.dma_semaphore, #tpu.memory_space<semaphore_mem>> -> memref<!tpu.dma_semaphore, #tpu.memory_space<semaphore_mem>>
    %dma_start3A_20 = arith.constant 0 : i32
    %dma_start3A_21 = arith.constant 0 : i32
    %dma_start3A_22 = tpu.memref_slice %arg6[%dma_start3A_9, %dma_start3A_20, %dma_start3A_21] : memref<2x20x100xi32, #tpu.memory_space<vmem>> -> memref<1x20x100xi32, #tpu.memory_space<vmem>>
    %dma_start3A_23 = tpu.memref_squeeze %dma_start3A_22 : memref<1x20x100xi32, #tpu.memory_space<vmem>> -> memref<20x100xi32, #tpu.memory_space<vmem>>
    %dma_start3A_24 = arith.constant 0 : i32
    %dma_start3A_25 = tpu.memref_slice %arg3[%dma_start3A, %add3A_8, %dma_start3A_24] : memref<2x32000x100xi32, #tpu.memory_space<hbm>> -> memref<1x20x100xi32, #tpu.memory_space<hbm>>
    %dma_start3A_26 = tpu.memref_squeeze %dma_start3A_25 : memref<1x20x100xi32, #tpu.memory_space<hbm>> -> memref<20x100xi32, #tpu.memory_space<hbm>>
    tpu.enqueue_dma source(%dma_start3A_26 : memref<20x100xi32, #tpu.memory_space<hbm>>) target(%dma_start3A_23 : memref<20x100xi32, #tpu.memory_space<vmem>>) target_semaphore(%dma_start3A_19 : memref<!tpu.dma_semaphore, #tpu.memory_space<semaphore_mem>>)
    %dma_start3A_27 = arith.constant 1 : i32
    %dma_start3A_28 = arith.constant 0 : i32
    %dma_start3A_29 = arith.constant 0 : i32
    %dma_start3A_30 = arith.constant 0 : i32
    %dma_start3A_31 = arith.constant 0 : i32
    %dma_start3A_32 = tpu.memref_slice %arg7[%dma_start3A_28, %dma_start3A_30, %dma_start3A_31] : memref<2x20x100xi32, #tpu.memory_space<vmem>> -> memref<1x20x100xi32, #tpu.memory_space<vmem>>
    %dma_start3A_33 = tpu.memref_squeeze %dma_start3A_32 : memref<1x20x100xi32, #tpu.memory_space<vmem>> -> memref<20x100xi32, #tpu.memory_space<vmem>>
    %dma_start3A_34 = arith.constant 0 : i32
    %dma_start3A_35 = tpu.memref_slice %arg3[%dma_start3A_27, %add3A_8, %dma_start3A_34] : memref<2x32000x100xi32, #tpu.memory_space<hbm>> -> memref<1x20x100xi32, #tpu.memory_space<hbm>>
    %dma_start3A_36 = tpu.memref_squeeze %dma_start3A_35 : memref<1x20x100xi32, #tpu.memory_space<hbm>> -> memref<20x100xi32, #tpu.memory_space<hbm>>
    %dma_start3A_37 = tpu.memref_slice %arg15[%dma_start3A_29] : memref<2x!tpu.dma_semaphore, #tpu.memory_space<semaphore_mem>> -> memref<1x!tpu.dma_semaphore, #tpu.memory_space<semaphore_mem>>
    %dma_start3A_38 = tpu.memref_squeeze %dma_start3A_37 : memref<1x!tpu.dma_semaphore, #tpu.memory_space<semaphore_mem>> -> memref<!tpu.dma_semaphore, #tpu.memory_space<semaphore_mem>>
    %dma_start3A_39 = arith.constant 0 : i32
    %dma_start3A_40 = arith.constant 0 : i32
    %dma_start3A_41 = tpu.memref_slice %arg7[%dma_start3A_28, %dma_start3A_39, %dma_start3A_40] : memref<2x20x100xi32, #tpu.memory_space<vmem>> -> memref<1x20x100xi32, #tpu.memory_space<vmem>>
    %dma_start3A_42 = tpu.memref_squeeze %dma_start3A_41 : memref<1x20x100xi32, #tpu.memory_space<vmem>> -> memref<20x100xi32, #tpu.memory_space<vmem>>
    %dma_start3A_43 = arith.constant 0 : i32
    %dma_start3A_44 = tpu.memref_slice %arg3[%dma_start3A_27, %add3A_8, %dma_start3A_43] : memref<2x32000x100xi32, #tpu.memory_space<hbm>> -> memref<1x20x100xi32, #tpu.memory_space<hbm>>
    %dma_start3A_45 = tpu.memref_squeeze %dma_start3A_44 : memref<1x20x100xi32, #tpu.memory_space<hbm>> -> memref<20x100xi32, #tpu.memory_space<hbm>>
    tpu.enqueue_dma source(%dma_start3A_45 : memref<20x100xi32, #tpu.memory_space<hbm>>) target(%dma_start3A_42 : memref<20x100xi32, #tpu.memory_space<vmem>>) target_semaphore(%dma_start3A_38 : memref<!tpu.dma_semaphore, #tpu.memory_space<semaphore_mem>>)
    %add3A_46 = arith.constant 20 : i32
    %add3A_47 = arith.addi %mul3A_6, %add3A_46 : i32
    %dma_start3A_48 = arith.constant 0 : i32
    %dma_start3A_49 = arith.constant 1 : i32
    %dma_start3A_50 = arith.constant 1 : i32
    %dma_start3A_51 = arith.constant 0 : i32
    %dma_start3A_52 = arith.constant 0 : i32
    %dma_start3A_53 = tpu.memref_slice %arg6[%dma_start3A_49, %dma_start3A_51, %dma_start3A_52] : memref<2x20x100xi32, #tpu.memory_space<vmem>> -> memref<1x20x100xi32, #tpu.memory_space<vmem>>
    %dma_start3A_54 = tpu.memref_squeeze %dma_start3A_53 : memref<1x20x100xi32, #tpu.memory_space<vmem>> -> memref<20x100xi32, #tpu.memory_space<vmem>>
    %dma_start3A_55 = arith.constant 0 : i32
    %dma_start3A_56 = tpu.memref_slice %arg3[%dma_start3A_48, %add3A_47, %dma_start3A_55] : memref<2x32000x100xi32, #tpu.memory_space<hbm>> -> memref<1x20x100xi32, #tpu.memory_space<hbm>>
    %dma_start3A_57 = tpu.memref_squeeze %dma_start3A_56 : memref<1x20x100xi32, #tpu.memory_space<hbm>> -> memref<20x100xi32, #tpu.memory_space<hbm>>
    %dma_start3A_58 = tpu.memref_slice %arg15[%dma_start3A_50] : memref<2x!tpu.dma_semaphore, #tpu.memory_space<semaphore_mem>> -> memref<1x!tpu.dma_semaphore, #tpu.memory_space<semaphore_mem>>
    %dma_start3A_59 = tpu.memref_squeeze %dma_start3A_58 : memref<1x!tpu.dma_semaphore, #tpu.memory_space<semaphore_mem>> -> memref<!tpu.dma_semaphore, #tpu.memory_space<semaphore_mem>>
    %dma_start3A_60 = arith.constant 0 : i32
    %dma_start3A_61 = arith.constant 0 : i32
    %dma_start3A_62 = tpu.memref_slice %arg6[%dma_start3A_49, %dma_start3A_60, %dma_start3A_61] : memref<2x20x100xi32, #tpu.memory_space<vmem>> -> memref<1x20x100xi32, #tpu.memory_space<vmem>>
    %dma_start3A_63 = tpu.memref_squeeze %dma_start3A_62 : memref<1x20x100xi32, #tpu.memory_space<vmem>> -> memref<20x100xi32, #tpu.memory_space<vmem>>
    %dma_start3A_64 = arith.constant 0 : i32
    %dma_start3A_65 = tpu.memref_slice %arg3[%dma_start3A_48, %add3A_47, %dma_start3A_64] : memref<2x32000x100xi32, #tpu.memory_space<hbm>> -> memref<1x20x100xi32, #tpu.memory_space<hbm>>
    %dma_start3A_66 = tpu.memref_squeeze %dma_start3A_65 : memref<1x20x100xi32, #tpu.memory_space<hbm>> -> memref<20x100xi32, #tpu.memory_space<hbm>>
    tpu.enqueue_dma source(%dma_start3A_66 : memref<20x100xi32, #tpu.memory_space<hbm>>) target(%dma_start3A_63 : memref<20x100xi32, #tpu.memory_space<vmem>>) target_semaphore(%dma_start3A_59 : memref<!tpu.dma_semaphore, #tpu.memory_space<semaphore_mem>>)
    %dma_start3A_67 = arith.constant 1 : i32
    %dma_start3A_68 = arith.constant 1 : i32
    %dma_start3A_69 = arith.constant 1 : i32
    %dma_start3A_70 = arith.constant 0 : i32
    %dma_start3A_71 = arith.constant 0 : i32
    %dma_start3A_72 = tpu.memref_slice %arg7[%dma_start3A_68, %dma_start3A_70, %dma_start3A_71] : memref<2x20x100xi32, #tpu.memory_space<vmem>> -> memref<1x20x100xi32, #tpu.memory_space<vmem>>
    %dma_start3A_73 = tpu.memref_squeeze %dma_start3A_72 : memref<1x20x100xi32, #tpu.memory_space<vmem>> -> memref<20x100xi32, #tpu.memory_space<vmem>>
    %dma_start3A_74 = arith.constant 0 : i32
    %dma_start3A_75 = tpu.memref_slice %arg3[%dma_start3A_67, %add3A_47, %dma_start3A_74] : memref<2x32000x100xi32, #tpu.memory_space<hbm>> -> memref<1x20x100xi32, #tpu.memory_space<hbm>>
    %dma_start3A_76 = tpu.memref_squeeze %dma_start3A_75 : memref<1x20x100xi32, #tpu.memory_space<hbm>> -> memref<20x100xi32, #tpu.memory_space<hbm>>
    %dma_start3A_77 = tpu.memref_slice %arg15[%dma_start3A_69] : memref<2x!tpu.dma_semaphore, #tpu.memory_space<semaphore_mem>> -> memref<1x!tpu.dma_semaphore, #tpu.memory_space<semaphore_mem>>
    %dma_start3A_78 = tpu.memref_squeeze %dma_start3A_77 : memref<1x!tpu.dma_semaphore, #tpu.memory_space<semaphore_mem>> -> memref<!tpu.dma_semaphore, #tpu.memory_space<semaphore_mem>>
    %dma_start3A_79 = arith.constant 0 : i32
    %dma_start3A_80 = arith.constant 0 : i32
    %dma_start3A_81 = tpu.memref_slice %arg7[%dma_start3A_68, %dma_start3A_79, %dma_start3A_80] : memref<2x20x100xi32, #tpu.memory_space<vmem>> -> memref<1x20x100xi32, #tpu.memory_space<vmem>>
    %dma_start3A_82 = tpu.memref_squeeze %dma_start3A_81 : memref<1x20x100xi32, #tpu.memory_space<vmem>> -> memref<20x100xi32, #tpu.memory_space<vmem>>
    %dma_start3A_83 = arith.constant 0 : i32
    %dma_start3A_84 = tpu.memref_slice %arg3[%dma_start3A_67, %add3A_47, %dma_start3A_83] : memref<2x32000x100xi32, #tpu.memory_space<hbm>> -> memref<1x20x100xi32, #tpu.memory_space<hbm>>
    %dma_start3A_85 = tpu.memref_squeeze %dma_start3A_84 : memref<1x20x100xi32, #tpu.memory_space<hbm>> -> memref<20x100xi32, #tpu.memory_space<hbm>>
    tpu.enqueue_dma source(%dma_start3A_85 : memref<20x100xi32, #tpu.memory_space<hbm>>) target(%dma_start3A_82 : memref<20x100xi32, #tpu.memory_space<vmem>>) target_semaphore(%dma_start3A_78 : memref<!tpu.dma_semaphore, #tpu.memory_space<semaphore_mem>>)
    %dma_wait3A = arith.constant 0 : i32
    %dma_wait3A_86 = arith.constant 0 : i32
    %dma_wait3A_87 = arith.constant 0 : i32
    %dma_wait3A_88 = arith.constant 0 : i32
    %dma_wait3A_89 = arith.constant 0 : i32
    %dma_wait3A_90 = tpu.memref_slice %arg6[%dma_wait3A_86, %dma_wait3A_88, %dma_wait3A_89] : memref<2x20x100xi32, #tpu.memory_space<vmem>> -> memref<1x20x100xi32, #tpu.memory_space<vmem>>
    %dma_wait3A_91 = tpu.memref_squeeze %dma_wait3A_90 : memref<1x20x100xi32, #tpu.memory_space<vmem>> -> memref<20x100xi32, #tpu.memory_space<vmem>>
    %dma_wait3A_92 = arith.constant 0 : i32
    %dma_wait3A_93 = arith.constant 0 : i32
    %dma_wait3A_94 = tpu.memref_slice %arg3[%dma_wait3A, %dma_wait3A_92, %dma_wait3A_93] : memref<2x32000x100xi32, #tpu.memory_space<hbm>> -> memref<1x20x100xi32, #tpu.memory_space<hbm>>
    %dma_wait3A_95 = tpu.memref_squeeze %dma_wait3A_94 : memref<1x20x100xi32, #tpu.memory_space<hbm>> -> memref<20x100xi32, #tpu.memory_space<hbm>>
    %dma_wait3A_96 = tpu.memref_slice %arg15[%dma_wait3A_87] : memref<2x!tpu.dma_semaphore, #tpu.memory_space<semaphore_mem>> -> memref<1x!tpu.dma_semaphore, #tpu.memory_space<semaphore_mem>>
    %dma_wait3A_97 = tpu.memref_squeeze %dma_wait3A_96 : memref<1x!tpu.dma_semaphore, #tpu.memory_space<semaphore_mem>> -> memref<!tpu.dma_semaphore, #tpu.memory_space<semaphore_mem>>
    %dma_wait3A_98 = arith.constant 0 : i32
    %dma_wait3A_99 = arith.constant 0 : i32
    %dma_wait3A_100 = tpu.memref_slice %arg6[%dma_wait3A_86, %dma_wait3A_98, %dma_wait3A_99] : memref<2x20x100xi32, #tpu.memory_space<vmem>> -> memref<1x20x100xi32, #tpu.memory_space<vmem>>
    %dma_wait3A_101 = tpu.memref_squeeze %dma_wait3A_100 : memref<1x20x100xi32, #tpu.memory_space<vmem>> -> memref<20x100xi32, #tpu.memory_space<vmem>>
    %dma_wait3A_102 = arith.constant 0 : i32
    %dma_wait3A_103 = arith.constant 0 : i32
    %dma_wait3A_104 = tpu.memref_slice %arg3[%dma_wait3A, %dma_wait3A_102, %dma_wait3A_103] : memref<2x32000x100xi32, #tpu.memory_space<hbm>> -> memref<1x20x100xi32, #tpu.memory_space<hbm>>
    %dma_wait3A_105 = tpu.memref_squeeze %dma_wait3A_104 : memref<1x20x100xi32, #tpu.memory_space<hbm>> -> memref<20x100xi32, #tpu.memory_space<hbm>>
    tpu.wait_dma2 semaphore(%dma_wait3A_97 : memref<!tpu.dma_semaphore, #tpu.memory_space<semaphore_mem>>) src(%dma_wait3A_105 : memref<20x100xi32, #tpu.memory_space<hbm>>) dst(%dma_wait3A_101 : memref<20x100xi32, #tpu.memory_space<vmem>>)
    %dma_wait3A_106 = arith.constant 1 : i32
    %dma_wait3A_107 = arith.constant 0 : i32
    %dma_wait3A_108 = arith.constant 0 : i32
    %dma_wait3A_109 = arith.constant 0 : i32
    %dma_wait3A_110 = arith.constant 0 : i32
    %dma_wait3A_111 = tpu.memref_slice %arg7[%dma_wait3A_107, %dma_wait3A_109, %dma_wait3A_110] : memref<2x20x100xi32, #tpu.memory_space<vmem>> -> memref<1x20x100xi32, #tpu.memory_space<vmem>>
    %dma_wait3A_112 = tpu.memref_squeeze %dma_wait3A_111 : memref<1x20x100xi32, #tpu.memory_space<vmem>> -> memref<20x100xi32, #tpu.memory_space<vmem>>
    %dma_wait3A_113 = arith.constant 0 : i32
    %dma_wait3A_114 = arith.constant 0 : i32
    %dma_wait3A_115 = tpu.memref_slice %arg3[%dma_wait3A_106, %dma_wait3A_113, %dma_wait3A_114] : memref<2x32000x100xi32, #tpu.memory_space<hbm>> -> memref<1x20x100xi32, #tpu.memory_space<hbm>>
    %dma_wait3A_116 = tpu.memref_squeeze %dma_wait3A_115 : memref<1x20x100xi32, #tpu.memory_space<hbm>> -> memref<20x100xi32, #tpu.memory_space<hbm>>
    %dma_wait3A_117 = tpu.memref_slice %arg15[%dma_wait3A_108] : memref<2x!tpu.dma_semaphore, #tpu.memory_space<semaphore_mem>> -> memref<1x!tpu.dma_semaphore, #tpu.memory_space<semaphore_mem>>
    %dma_wait3A_118 = tpu.memref_squeeze %dma_wait3A_117 : memref<1x!tpu.dma_semaphore, #tpu.memory_space<semaphore_mem>> -> memref<!tpu.dma_semaphore, #tpu.memory_space<semaphore_mem>>
    %dma_wait3A_119 = arith.constant 0 : i32
    %dma_wait3A_120 = arith.constant 0 : i32
    %dma_wait3A_121 = tpu.memref_slice %arg7[%dma_wait3A_107, %dma_wait3A_119, %dma_wait3A_120] : memref<2x20x100xi32, #tpu.memory_space<vmem>> -> memref<1x20x100xi32, #tpu.memory_space<vmem>>
    %dma_wait3A_122 = tpu.memref_squeeze %dma_wait3A_121 : memref<1x20x100xi32, #tpu.memory_space<vmem>> -> memref<20x100xi32, #tpu.memory_space<vmem>>
    %dma_wait3A_123 = arith.constant 0 : i32
    %dma_wait3A_124 = arith.constant 0 : i32
    %dma_wait3A_125 = tpu.memref_slice %arg3[%dma_wait3A_106, %dma_wait3A_123, %dma_wait3A_124] : memref<2x32000x100xi32, #tpu.memory_space<hbm>> -> memref<1x20x100xi32, #tpu.memory_space<hbm>>
    %dma_wait3A_126 = tpu.memref_squeeze %dma_wait3A_125 : memref<1x20x100xi32, #tpu.memory_space<hbm>> -> memref<20x100xi32, #tpu.memory_space<hbm>>
    tpu.wait_dma2 semaphore(%dma_wait3A_118 : memref<!tpu.dma_semaphore, #tpu.memory_space<semaphore_mem>>) src(%dma_wait3A_126 : memref<20x100xi32, #tpu.memory_space<hbm>>) dst(%dma_wait3A_122 : memref<20x100xi32, #tpu.memory_space<vmem>>)
    %dma_start3A_127 = arith.constant 0 : i32
    %dma_start3A_128 = arith.constant 0 : i32
    %dma_start3A_129 = arith.constant 0 : i32
    %dma_start3A_130 = arith.constant 0 : i32
    %dma_start3A_131 = arith.constant 0 : i32
    %dma_start3A_132 = arith.constant 0 : i32
    %dma_start3A_133 = tpu.memref_slice %arg8[%dma_start3A_129, %dma_start3A_131, %dma_start3A_132] : memref<6x100x16xf32, #tpu.memory_space<vmem>> -> memref<1x100x16xf32, #tpu.memory_space<vmem>>
    %dma_start3A_134 = tpu.memref_squeeze %dma_start3A_133 : memref<1x100x16xf32, #tpu.memory_space<vmem>> -> memref<100x16xf32, #tpu.memory_space<vmem>>
    %dma_start3A_135 = arith.constant 0 : i32
    %dma_start3A_136 = tpu.memref_slice %arg6[%dma_start3A_127, %dma_start3A_128, %dma_start3A_135] : memref<2x20x100xi32, #tpu.memory_space<vmem>> -> memref<1x1x100xi32, #tpu.memory_space<vmem>>
    %dma_start3A_137 = tpu.memref_squeeze %dma_start3A_136 : memref<1x1x100xi32, #tpu.memory_space<vmem>> -> memref<100xi32, #tpu.memory_space<vmem>>
    %dma_start3A_138 = arith.constant 0 : i32
    %dma_start3A_139 = arith.constant 0 : i32
    %dma_start3A_140 = tpu.memref_slice %arg2[%dma_start3A_138, %dma_start3A_139] : memref<100096x16xf32, #tpu.memory_space<hbm>> -> memref<100096x16xf32, #tpu.memory_space<hbm>>
    %dma_start3A_141 = tpu.memref_slice %arg11[%dma_start3A_130] : memref<6x!tpu.dma_semaphore, #tpu.memory_space<semaphore_mem>> -> memref<1x!tpu.dma_semaphore, #tpu.memory_space<semaphore_mem>>
    %dma_start3A_142 = tpu.memref_squeeze %dma_start3A_141 : memref<1x!tpu.dma_semaphore, #tpu.memory_space<semaphore_mem>> -> memref<!tpu.dma_semaphore, #tpu.memory_space<semaphore_mem>>
    tpu.enqueue_indirect_dma source(%dma_start3A_140 : memref<100096x16xf32, #tpu.memory_space<hbm>>) target(%dma_start3A_134 : memref<100x16xf32, #tpu.memory_space<vmem>>) offsets(%dma_start3A_137 : memref<100xi32, #tpu.memory_space<vmem>>) semaphore(%dma_start3A_142 : memref<!tpu.dma_semaphore, #tpu.memory_space<semaphore_mem>>)
    %dma_start3A_143 = arith.constant 0 : i32
    %dma_start3A_144 = arith.constant 0 : i32
    %dma_start3A_145 = arith.constant 0 : i32
    %dma_start3A_146 = arith.constant 0 : i32
    %dma_start3A_147 = arith.constant 0 : i32
    %dma_start3A_148 = arith.constant 0 : i32
    %dma_start3A_149 = tpu.memref_slice %arg9[%dma_start3A_145, %dma_start3A_147, %dma_start3A_148] : memref<6x100x16xf32, #tpu.memory_space<vmem>> -> memref<1x100x16xf32, #tpu.memory_space<vmem>>
    %dma_start3A_150 = tpu.memref_squeeze %dma_start3A_149 : memref<1x100x16xf32, #tpu.memory_space<vmem>> -> memref<100x16xf32, #tpu.memory_space<vmem>>
    %dma_start3A_151 = arith.constant 0 : i32
    %dma_start3A_152 = tpu.memref_slice %arg7[%dma_start3A_143, %dma_start3A_144, %dma_start3A_151] : memref<2x20x100xi32, #tpu.memory_space<vmem>> -> memref<1x1x100xi32, #tpu.memory_space<vmem>>
    %dma_start3A_153 = tpu.memref_squeeze %dma_start3A_152 : memref<1x1x100xi32, #tpu.memory_space<vmem>> -> memref<100xi32, #tpu.memory_space<vmem>>
    %dma_start3A_154 = arith.constant 0 : i32
    %dma_start3A_155 = arith.constant 0 : i32
    %dma_start3A_156 = tpu.memref_slice %arg2[%dma_start3A_154, %dma_start3A_155] : memref<100096x16xf32, #tpu.memory_space<hbm>> -> memref<100096x16xf32, #tpu.memory_space<hbm>>
    %dma_start3A_157 = tpu.memref_slice %arg12[%dma_start3A_146] : memref<6x!tpu.dma_semaphore, #tpu.memory_space<semaphore_mem>> -> memref<1x!tpu.dma_semaphore, #tpu.memory_space<semaphore_mem>>
    %dma_start3A_158 = tpu.memref_squeeze %dma_start3A_157 : memref<1x!tpu.dma_semaphore, #tpu.memory_space<semaphore_mem>> -> memref<!tpu.dma_semaphore, #tpu.memory_space<semaphore_mem>>
    tpu.enqueue_indirect_dma source(%dma_start3A_156 : memref<100096x16xf32, #tpu.memory_space<hbm>>) target(%dma_start3A_150 : memref<100x16xf32, #tpu.memory_space<vmem>>) offsets(%dma_start3A_153 : memref<100xi32, #tpu.memory_space<vmem>>) semaphore(%dma_start3A_158 : memref<!tpu.dma_semaphore, #tpu.memory_space<semaphore_mem>>)
    %dma_start3A_159 = arith.constant 0 : i32
    %dma_start3A_160 = arith.constant 1 : i32
    %dma_start3A_161 = arith.constant 1 : i32
    %dma_start3A_162 = arith.constant 1 : i32
    %dma_start3A_163 = arith.constant 0 : i32
    %dma_start3A_164 = arith.constant 0 : i32
    %dma_start3A_165 = tpu.memref_slice %arg8[%dma_start3A_161, %dma_start3A_163, %dma_start3A_164] : memref<6x100x16xf32, #tpu.memory_space<vmem>> -> memref<1x100x16xf32, #tpu.memory_space<vmem>>
    %dma_start3A_166 = tpu.memref_squeeze %dma_start3A_165 : memref<1x100x16xf32, #tpu.memory_space<vmem>> -> memref<100x16xf32, #tpu.memory_space<vmem>>
    %dma_start3A_167 = arith.constant 0 : i32
    %dma_start3A_168 = tpu.memref_slice %arg6[%dma_start3A_159, %dma_start3A_160, %dma_start3A_167] : memref<2x20x100xi32, #tpu.memory_space<vmem>> -> memref<1x1x100xi32, #tpu.memory_space<vmem>>
    %dma_start3A_169 = tpu.memref_squeeze %dma_start3A_168 : memref<1x1x100xi32, #tpu.memory_space<vmem>> -> memref<100xi32, #tpu.memory_space<vmem>>
    %dma_start3A_170 = arith.constant 0 : i32
    %dma_start3A_171 = arith.constant 0 : i32
    %dma_start3A_172 = tpu.memref_slice %arg2[%dma_start3A_170, %dma_start3A_171] : memref<100096x16xf32, #tpu.memory_space<hbm>> -> memref<100096x16xf32, #tpu.memory_space<hbm>>
    %dma_start3A_173 = tpu.memref_slice %arg11[%dma_start3A_162] : memref<6x!tpu.dma_semaphore, #tpu.memory_space<semaphore_mem>> -> memref<1x!tpu.dma_semaphore, #tpu.memory_space<semaphore_mem>>
    %dma_start3A_174 = tpu.memref_squeeze %dma_start3A_173 : memref<1x!tpu.dma_semaphore, #tpu.memory_space<semaphore_mem>> -> memref<!tpu.dma_semaphore, #tpu.memory_space<semaphore_mem>>
    tpu.enqueue_indirect_dma source(%dma_start3A_172 : memref<100096x16xf32, #tpu.memory_space<hbm>>) target(%dma_start3A_166 : memref<100x16xf32, #tpu.memory_space<vmem>>) offsets(%dma_start3A_169 : memref<100xi32, #tpu.memory_space<vmem>>) semaphore(%dma_start3A_174 : memref<!tpu.dma_semaphore, #tpu.memory_space<semaphore_mem>>)
    %dma_start3A_175 = arith.constant 0 : i32
    %dma_start3A_176 = arith.constant 1 : i32
    %dma_start3A_177 = arith.constant 1 : i32
    %dma_start3A_178 = arith.constant 1 : i32
    %dma_start3A_179 = arith.constant 0 : i32
    %dma_start3A_180 = arith.constant 0 : i32
    %dma_start3A_181 = tpu.memref_slice %arg9[%dma_start3A_177, %dma_start3A_179, %dma_start3A_180] : memref<6x100x16xf32, #tpu.memory_space<vmem>> -> memref<1x100x16xf32, #tpu.memory_space<vmem>>
    %dma_start3A_182 = tpu.memref_squeeze %dma_start3A_181 : memref<1x100x16xf32, #tpu.memory_space<vmem>> -> memref<100x16xf32, #tpu.memory_space<vmem>>
    %dma_start3A_183 = arith.constant 0 : i32
    %dma_start3A_184 = tpu.memref_slice %arg7[%dma_start3A_175, %dma_start3A_176, %dma_start3A_183] : memref<2x20x100xi32, #tpu.memory_space<vmem>> -> memref<1x1x100xi32, #tpu.memory_space<vmem>>
    %dma_start3A_185 = tpu.memref_squeeze %dma_start3A_184 : memref<1x1x100xi32, #tpu.memory_space<vmem>> -> memref<100xi32, #tpu.memory_space<vmem>>
    %dma_start3A_186 = arith.constant 0 : i32
    %dma_start3A_187 = arith.constant 0 : i32
    %dma_start3A_188 = tpu.memref_slice %arg2[%dma_start3A_186, %dma_start3A_187] : memref<100096x16xf32, #tpu.memory_space<hbm>> -> memref<100096x16xf32, #tpu.memory_space<hbm>>
    %dma_start3A_189 = tpu.memref_slice %arg12[%dma_start3A_178] : memref<6x!tpu.dma_semaphore, #tpu.memory_space<semaphore_mem>> -> memref<1x!tpu.dma_semaphore, #tpu.memory_space<semaphore_mem>>
    %dma_start3A_190 = tpu.memref_squeeze %dma_start3A_189 : memref<1x!tpu.dma_semaphore, #tpu.memory_space<semaphore_mem>> -> memref<!tpu.dma_semaphore, #tpu.memory_space<semaphore_mem>>
    tpu.enqueue_indirect_dma source(%dma_start3A_188 : memref<100096x16xf32, #tpu.memory_space<hbm>>) target(%dma_start3A_182 : memref<100x16xf32, #tpu.memory_space<vmem>>) offsets(%dma_start3A_185 : memref<100xi32, #tpu.memory_space<vmem>>) semaphore(%dma_start3A_190 : memref<!tpu.dma_semaphore, #tpu.memory_space<semaphore_mem>>)
    %dma_start3A_191 = arith.constant 0 : i32
    %dma_start3A_192 = arith.constant 2 : i32
    %dma_start3A_193 = arith.constant 2 : i32
    %dma_start3A_194 = arith.constant 2 : i32
    %dma_start3A_195 = arith.constant 0 : i32
    %dma_start3A_196 = arith.constant 0 : i32
    %dma_start3A_197 = tpu.memref_slice %arg8[%dma_start3A_193, %dma_start3A_195, %dma_start3A_196] : memref<6x100x16xf32, #tpu.memory_space<vmem>> -> memref<1x100x16xf32, #tpu.memory_space<vmem>>
    %dma_start3A_198 = tpu.memref_squeeze %dma_start3A_197 : memref<1x100x16xf32, #tpu.memory_space<vmem>> -> memref<100x16xf32, #tpu.memory_space<vmem>>
    %dma_start3A_199 = arith.constant 0 : i32
    %dma_start3A_200 = tpu.memref_slice %arg6[%dma_start3A_191, %dma_start3A_192, %dma_start3A_199] : memref<2x20x100xi32, #tpu.memory_space<vmem>> -> memref<1x1x100xi32, #tpu.memory_space<vmem>>
    %dma_start3A_201 = tpu.memref_squeeze %dma_start3A_200 : memref<1x1x100xi32, #tpu.memory_space<vmem>> -> memref<100xi32, #tpu.memory_space<vmem>>
    %dma_start3A_202 = arith.constant 0 : i32
    %dma_start3A_203 = arith.constant 0 : i32
    %dma_start3A_204 = tpu.memref_slice %arg2[%dma_start3A_202, %dma_start3A_203] : memref<100096x16xf32, #tpu.memory_space<hbm>> -> memref<100096x16xf32, #tpu.memory_space<hbm>>
    %dma_start3A_205 = tpu.memref_slice %arg11[%dma_start3A_194] : memref<6x!tpu.dma_semaphore, #tpu.memory_space<semaphore_mem>> -> memref<1x!tpu.dma_semaphore, #tpu.memory_space<semaphore_mem>>
    %dma_start3A_206 = tpu.memref_squeeze %dma_start3A_205 : memref<1x!tpu.dma_semaphore, #tpu.memory_space<semaphore_mem>> -> memref<!tpu.dma_semaphore, #tpu.memory_space<semaphore_mem>>
    tpu.enqueue_indirect_dma source(%dma_start3A_204 : memref<100096x16xf32, #tpu.memory_space<hbm>>) target(%dma_start3A_198 : memref<100x16xf32, #tpu.memory_space<vmem>>) offsets(%dma_start3A_201 : memref<100xi32, #tpu.memory_space<vmem>>) semaphore(%dma_start3A_206 : memref<!tpu.dma_semaphore, #tpu.memory_space<semaphore_mem>>)
    %dma_start3A_207 = arith.constant 0 : i32
    %dma_start3A_208 = arith.constant 2 : i32
    %dma_start3A_209 = arith.constant 2 : i32
    %dma_start3A_210 = arith.constant 2 : i32
    %dma_start3A_211 = arith.constant 0 : i32
    %dma_start3A_212 = arith.constant 0 : i32
    %dma_start3A_213 = tpu.memref_slice %arg9[%dma_start3A_209, %dma_start3A_211, %dma_start3A_212] : memref<6x100x16xf32, #tpu.memory_space<vmem>> -> memref<1x100x16xf32, #tpu.memory_space<vmem>>
    %dma_start3A_214 = tpu.memref_squeeze %dma_start3A_213 : memref<1x100x16xf32, #tpu.memory_space<vmem>> -> memref<100x16xf32, #tpu.memory_space<vmem>>
    %dma_start3A_215 = arith.constant 0 : i32
    %dma_start3A_216 = tpu.memref_slice %arg7[%dma_start3A_207, %dma_start3A_208, %dma_start3A_215] : memref<2x20x100xi32, #tpu.memory_space<vmem>> -> memref<1x1x100xi32, #tpu.memory_space<vmem>>
    %dma_start3A_217 = tpu.memref_squeeze %dma_start3A_216 : memref<1x1x100xi32, #tpu.memory_space<vmem>> -> memref<100xi32, #tpu.memory_space<vmem>>
    %dma_start3A_218 = arith.constant 0 : i32
    %dma_start3A_219 = arith.constant 0 : i32
    %dma_start3A_220 = tpu.memref_slice %arg2[%dma_start3A_218, %dma_start3A_219] : memref<100096x16xf32, #tpu.memory_space<hbm>> -> memref<100096x16xf32, #tpu.memory_space<hbm>>
    %dma_start3A_221 = tpu.memref_slice %arg12[%dma_start3A_210] : memref<6x!tpu.dma_semaphore, #tpu.memory_space<semaphore_mem>> -> memref<1x!tpu.dma_semaphore, #tpu.memory_space<semaphore_mem>>
    %dma_start3A_222 = tpu.memref_squeeze %dma_start3A_221 : memref<1x!tpu.dma_semaphore, #tpu.memory_space<semaphore_mem>> -> memref<!tpu.dma_semaphore, #tpu.memory_space<semaphore_mem>>
    tpu.enqueue_indirect_dma source(%dma_start3A_220 : memref<100096x16xf32, #tpu.memory_space<hbm>>) target(%dma_start3A_214 : memref<100x16xf32, #tpu.memory_space<vmem>>) offsets(%dma_start3A_217 : memref<100xi32, #tpu.memory_space<vmem>>) semaphore(%dma_start3A_222 : memref<!tpu.dma_semaphore, #tpu.memory_space<semaphore_mem>>)
    %scan3A = arith.constant 0 : i32
    %scan3A_223 = arith.constant 0 : i32
    %scan3A_224 = arith.constant 166 : i32
    %scan3A_225 = arith.addi %scan3A_223, %scan3A_224 : i32
    %scan3A_226 = arith.constant 1 : i32
    scf.for %scan3A_431 = %scan3A_223 to %scan3A_225 step %scan3A_226  : i32 {
      %mul3A_432 = arith.constant 6 : i32
      %mul3A_433 = arith.muli %mul3A_432, %scan3A_431 : i32
      %jit3A = arith.constant 20 : i32
      %div3A = arith.divsi %mul3A_433, %jit3A : i32
      %sign3A = arith.constant 0 : i32
      %sign3A_434 = arith.cmpi sgt, %mul3A_433, %sign3A : i32
      %sign3A_435 = arith.extui %sign3A_434 : i1 to i32
      %sign3A_436 = arith.constant 0 : i32
      %sign3A_437 = arith.cmpi slt, %mul3A_433, %sign3A_436 : i32
      %sign3A_438 = arith.extui %sign3A_437 : i1 to i32
      %sign3A_439 = arith.subi %sign3A_435, %sign3A_438 : i32
      %sign3A_440 = arith.constant 0 : i32
      %sign3A_441 = arith.cmpi sgt, %jit3A, %sign3A_440 : i32
      %sign3A_442 = arith.extui %sign3A_441 : i1 to i32
      %sign3A_443 = arith.constant 0 : i32
      %sign3A_444 = arith.cmpi slt, %jit3A, %sign3A_443 : i32
      %sign3A_445 = arith.extui %sign3A_444 : i1 to i32
      %sign3A_446 = arith.subi %sign3A_442, %sign3A_445 : i32
      %ne3A = arith.cmpi ne, %sign3A_439, %sign3A_446 : i32
      %rem3A = arith.remsi %mul3A_433, %jit3A : i32
      %ne3A_447 = arith.constant 0 : i32
      %ne3A_448 = arith.cmpi ne, %rem3A, %ne3A_447 : i32
      %and3A = arith.andi %ne3A, %ne3A_448 : i1
      %sub3A = arith.constant 1 : i32
      %sub3A_449 = arith.subi %div3A, %sub3A : i32
      %select_n3A = arith.select %and3A, %sub3A_449, %div3A : i32
      %mul3A_450 = arith.constant 20 : i32
      %mul3A_451 = arith.muli %select_n3A, %mul3A_450 : i32
      %sub3A_452 = arith.subi %mul3A_433, %mul3A_451 : i32
      %ge3A = arith.constant 4 : i32
      %ge3A_453 = arith.cmpi sge, %sub3A_452, %ge3A : i32
      %le3A = arith.constant 9 : i32
      %le3A_454 = arith.cmpi sle, %sub3A_452, %le3A : i32
      %and3A_455 = arith.andi %ge3A_453, %le3A_454 : i1
      %ge3A_456 = arith.constant 1 : i32
      %ge3A_457 = arith.cmpi sge, %select_n3A, %ge3A_456 : i32
      %and3A_458 = arith.andi %and3A_455, %ge3A_457 : i1
      %add3A_459 = arith.constant 1 : i32
      %add3A_460 = arith.addi %select_n3A, %add3A_459 : i32
      %lt3A = arith.constant 50 : i32
      %lt3A_461 = arith.cmpi slt, %add3A_460, %lt3A : i32
      %and3A_462 = arith.andi %and3A_458, %lt3A_461 : i1
      %convert_element_type3A = arith.extui %and3A_462 : i1 to i32
      %cond3A = arith.constant 0 : i32
      %cond3A_463 = arith.cmpi ne, %convert_element_type3A, %cond3A : i32
      scf.if %cond3A_463 {
        %add3A_1037 = arith.constant 1 : i32
        %add3A_1038 = arith.addi %select_n3A, %add3A_1037 : i32
        %add3A_1039 = arith.constant 1 : i32
        %add3A_1040 = arith.addi %select_n3A, %add3A_1039 : i32
        %rem3A_1041 = arith.constant 2 : i32
        %rem3A_1042 = arith.remsi %add3A_1040, %rem3A_1041 : i32
        %mul3A_1043 = arith.constant 20 : i32
        %mul3A_1044 = arith.muli %add3A_1038, %mul3A_1043 : i32
        %add3A_1045 = arith.addi %mul3A_6, %mul3A_1044 : i32
        %dma_start3A_1046 = arith.constant 0 : i32
        %dma_start3A_1047 = arith.constant 0 : i32
        %dma_start3A_1048 = arith.constant 0 : i32
        %dma_start3A_1049 = tpu.memref_slice %arg6[%rem3A_1042, %dma_start3A_1047, %dma_start3A_1048] : memref<2x20x100xi32, #tpu.memory_space<vmem>> -> memref<1x20x100xi32, #tpu.memory_space<vmem>>
        %dma_start3A_1050 = tpu.memref_squeeze %dma_start3A_1049 : memref<1x20x100xi32, #tpu.memory_space<vmem>> -> memref<20x100xi32, #tpu.memory_space<vmem>>
        %dma_start3A_1051 = arith.constant 0 : i32
        %dma_start3A_1052 = tpu.memref_slice %arg3[%dma_start3A_1046, %add3A_1045, %dma_start3A_1051] : memref<2x32000x100xi32, #tpu.memory_space<hbm>> -> memref<1x20x100xi32, #tpu.memory_space<hbm>>
        %dma_start3A_1053 = tpu.memref_squeeze %dma_start3A_1052 : memref<1x20x100xi32, #tpu.memory_space<hbm>> -> memref<20x100xi32, #tpu.memory_space<hbm>>
        %dma_start3A_1054 = tpu.memref_slice %arg15[%rem3A_1042] : memref<2x!tpu.dma_semaphore, #tpu.memory_space<semaphore_mem>> -> memref<1x!tpu.dma_semaphore, #tpu.memory_space<semaphore_mem>>
        %dma_start3A_1055 = tpu.memref_squeeze %dma_start3A_1054 : memref<1x!tpu.dma_semaphore, #tpu.memory_space<semaphore_mem>> -> memref<!tpu.dma_semaphore, #tpu.memory_space<semaphore_mem>>
        %dma_start3A_1056 = arith.constant 0 : i32
        %dma_start3A_1057 = arith.constant 0 : i32
        %dma_start3A_1058 = tpu.memref_slice %arg6[%rem3A_1042, %dma_start3A_1056, %dma_start3A_1057] : memref<2x20x100xi32, #tpu.memory_space<vmem>> -> memref<1x20x100xi32, #tpu.memory_space<vmem>>
        %dma_start3A_1059 = tpu.memref_squeeze %dma_start3A_1058 : memref<1x20x100xi32, #tpu.memory_space<vmem>> -> memref<20x100xi32, #tpu.memory_space<vmem>>
        %dma_start3A_1060 = arith.constant 0 : i32
        %dma_start3A_1061 = tpu.memref_slice %arg3[%dma_start3A_1046, %add3A_1045, %dma_start3A_1060] : memref<2x32000x100xi32, #tpu.memory_space<hbm>> -> memref<1x20x100xi32, #tpu.memory_space<hbm>>
        %dma_start3A_1062 = tpu.memref_squeeze %dma_start3A_1061 : memref<1x20x100xi32, #tpu.memory_space<hbm>> -> memref<20x100xi32, #tpu.memory_space<hbm>>
        tpu.enqueue_dma source(%dma_start3A_1062 : memref<20x100xi32, #tpu.memory_space<hbm>>) target(%dma_start3A_1059 : memref<20x100xi32, #tpu.memory_space<vmem>>) target_semaphore(%dma_start3A_1055 : memref<!tpu.dma_semaphore, #tpu.memory_space<semaphore_mem>>)
        %dma_start3A_1063 = arith.constant 1 : i32
        %dma_start3A_1064 = arith.constant 0 : i32
        %dma_start3A_1065 = arith.constant 0 : i32
        %dma_start3A_1066 = tpu.memref_slice %arg7[%rem3A_1042, %dma_start3A_1064, %dma_start3A_1065] : memref<2x20x100xi32, #tpu.memory_space<vmem>> -> memref<1x20x100xi32, #tpu.memory_space<vmem>>
        %dma_start3A_1067 = tpu.memref_squeeze %dma_start3A_1066 : memref<1x20x100xi32, #tpu.memory_space<vmem>> -> memref<20x100xi32, #tpu.memory_space<vmem>>
        %dma_start3A_1068 = arith.constant 0 : i32
        %dma_start3A_1069 = tpu.memref_slice %arg3[%dma_start3A_1063, %add3A_1045, %dma_start3A_1068] : memref<2x32000x100xi32, #tpu.memory_space<hbm>> -> memref<1x20x100xi32, #tpu.memory_space<hbm>>
        %dma_start3A_1070 = tpu.memref_squeeze %dma_start3A_1069 : memref<1x20x100xi32, #tpu.memory_space<hbm>> -> memref<20x100xi32, #tpu.memory_space<hbm>>
        %dma_start3A_1071 = tpu.memref_slice %arg15[%rem3A_1042] : memref<2x!tpu.dma_semaphore, #tpu.memory_space<semaphore_mem>> -> memref<1x!tpu.dma_semaphore, #tpu.memory_space<semaphore_mem>>
        %dma_start3A_1072 = tpu.memref_squeeze %dma_start3A_1071 : memref<1x!tpu.dma_semaphore, #tpu.memory_space<semaphore_mem>> -> memref<!tpu.dma_semaphore, #tpu.memory_space<semaphore_mem>>
        %dma_start3A_1073 = arith.constant 0 : i32
        %dma_start3A_1074 = arith.constant 0 : i32
        %dma_start3A_1075 = tpu.memref_slice %arg7[%rem3A_1042, %dma_start3A_1073, %dma_start3A_1074] : memref<2x20x100xi32, #tpu.memory_space<vmem>> -> memref<1x20x100xi32, #tpu.memory_space<vmem>>
        %dma_start3A_1076 = tpu.memref_squeeze %dma_start3A_1075 : memref<1x20x100xi32, #tpu.memory_space<vmem>> -> memref<20x100xi32, #tpu.memory_space<vmem>>
        %dma_start3A_1077 = arith.constant 0 : i32
        %dma_start3A_1078 = tpu.memref_slice %arg3[%dma_start3A_1063, %add3A_1045, %dma_start3A_1077] : memref<2x32000x100xi32, #tpu.memory_space<hbm>> -> memref<1x20x100xi32, #tpu.memory_space<hbm>>
        %dma_start3A_1079 = tpu.memref_squeeze %dma_start3A_1078 : memref<1x20x100xi32, #tpu.memory_space<hbm>> -> memref<20x100xi32, #tpu.memory_space<hbm>>
        tpu.enqueue_dma source(%dma_start3A_1079 : memref<20x100xi32, #tpu.memory_space<hbm>>) target(%dma_start3A_1076 : memref<20x100xi32, #tpu.memory_space<vmem>>) target_semaphore(%dma_start3A_1072 : memref<!tpu.dma_semaphore, #tpu.memory_space<semaphore_mem>>)
      } else {
      }
      %ge3A_464 = arith.constant 12 : i32
      %ge3A_465 = arith.cmpi sge, %sub3A_452, %ge3A_464 : i32
      %le3A_466 = arith.constant 17 : i32
      %le3A_467 = arith.cmpi sle, %sub3A_452, %le3A_466 : i32
      %and3A_468 = arith.andi %ge3A_465, %le3A_467 : i1
      %add3A_469 = arith.constant 1 : i32
      %add3A_470 = arith.addi %select_n3A, %add3A_469 : i32
      %lt3A_471 = arith.constant 50 : i32
      %lt3A_472 = arith.cmpi slt, %add3A_470, %lt3A_471 : i32
      %and3A_473 = arith.andi %and3A_468, %lt3A_472 : i1
      %convert_element_type3A_474 = arith.extui %and3A_473 : i1 to i32
      %cond3A_475 = arith.constant 0 : i32
      %cond3A_476 = arith.cmpi ne, %convert_element_type3A_474, %cond3A_475 : i32
      scf.if %cond3A_476 {
        %add3A_1037 = arith.constant 1 : i32
        %add3A_1038 = arith.addi %select_n3A, %add3A_1037 : i32
        %rem3A_1039 = arith.constant 2 : i32
        %rem3A_1040 = arith.remsi %add3A_1038, %rem3A_1039 : i32
        %dma_wait3A_1041 = arith.constant 0 : i32
        %dma_wait3A_1042 = arith.constant 0 : i32
        %dma_wait3A_1043 = arith.constant 0 : i32
        %dma_wait3A_1044 = tpu.memref_slice %arg6[%rem3A_1040, %dma_wait3A_1042, %dma_wait3A_1043] : memref<2x20x100xi32, #tpu.memory_space<vmem>> -> memref<1x20x100xi32, #tpu.memory_space<vmem>>
        %dma_wait3A_1045 = tpu.memref_squeeze %dma_wait3A_1044 : memref<1x20x100xi32, #tpu.memory_space<vmem>> -> memref<20x100xi32, #tpu.memory_space<vmem>>
        %dma_wait3A_1046 = arith.constant 0 : i32
        %dma_wait3A_1047 = arith.constant 0 : i32
        %dma_wait3A_1048 = tpu.memref_slice %arg3[%dma_wait3A_1041, %dma_wait3A_1046, %dma_wait3A_1047] : memref<2x32000x100xi32, #tpu.memory_space<hbm>> -> memref<1x20x100xi32, #tpu.memory_space<hbm>>
        %dma_wait3A_1049 = tpu.memref_squeeze %dma_wait3A_1048 : memref<1x20x100xi32, #tpu.memory_space<hbm>> -> memref<20x100xi32, #tpu.memory_space<hbm>>
        %dma_wait3A_1050 = tpu.memref_slice %arg15[%rem3A_1040] : memref<2x!tpu.dma_semaphore, #tpu.memory_space<semaphore_mem>> -> memref<1x!tpu.dma_semaphore, #tpu.memory_space<semaphore_mem>>
        %dma_wait3A_1051 = tpu.memref_squeeze %dma_wait3A_1050 : memref<1x!tpu.dma_semaphore, #tpu.memory_space<semaphore_mem>> -> memref<!tpu.dma_semaphore, #tpu.memory_space<semaphore_mem>>
        %dma_wait3A_1052 = arith.constant 0 : i32
        %dma_wait3A_1053 = arith.constant 0 : i32
        %dma_wait3A_1054 = tpu.memref_slice %arg6[%rem3A_1040, %dma_wait3A_1052, %dma_wait3A_1053] : memref<2x20x100xi32, #tpu.memory_space<vmem>> -> memref<1x20x100xi32, #tpu.memory_space<vmem>>
        %dma_wait3A_1055 = tpu.memref_squeeze %dma_wait3A_1054 : memref<1x20x100xi32, #tpu.memory_space<vmem>> -> memref<20x100xi32, #tpu.memory_space<vmem>>
        %dma_wait3A_1056 = arith.constant 0 : i32
        %dma_wait3A_1057 = arith.constant 0 : i32
        %dma_wait3A_1058 = tpu.memref_slice %arg3[%dma_wait3A_1041, %dma_wait3A_1056, %dma_wait3A_1057] : memref<2x32000x100xi32, #tpu.memory_space<hbm>> -> memref<1x20x100xi32, #tpu.memory_space<hbm>>
        %dma_wait3A_1059 = tpu.memref_squeeze %dma_wait3A_1058 : memref<1x20x100xi32, #tpu.memory_space<hbm>> -> memref<20x100xi32, #tpu.memory_space<hbm>>
        tpu.wait_dma2 semaphore(%dma_wait3A_1051 : memref<!tpu.dma_semaphore, #tpu.memory_space<semaphore_mem>>) src(%dma_wait3A_1059 : memref<20x100xi32, #tpu.memory_space<hbm>>) dst(%dma_wait3A_1055 : memref<20x100xi32, #tpu.memory_space<vmem>>)
        %dma_wait3A_1060 = arith.constant 1 : i32
        %dma_wait3A_1061 = arith.constant 0 : i32
        %dma_wait3A_1062 = arith.constant 0 : i32
        %dma_wait3A_1063 = tpu.memref_slice %arg7[%rem3A_1040, %dma_wait3A_1061, %dma_wait3A_1062] : memref<2x20x100xi32, #tpu.memory_space<vmem>> -> memref<1x20x100xi32, #tpu.memory_space<vmem>>
        %dma_wait3A_1064 = tpu.memref_squeeze %dma_wait3A_1063 : memref<1x20x100xi32, #tpu.memory_space<vmem>> -> memref<20x100xi32, #tpu.memory_space<vmem>>
        %dma_wait3A_1065 = arith.constant 0 : i32
        %dma_wait3A_1066 = arith.constant 0 : i32
        %dma_wait3A_1067 = tpu.memref_slice %arg3[%dma_wait3A_1060, %dma_wait3A_1065, %dma_wait3A_1066] : memref<2x32000x100xi32, #tpu.memory_space<hbm>> -> memref<1x20x100xi32, #tpu.memory_space<hbm>>
        %dma_wait3A_1068 = tpu.memref_squeeze %dma_wait3A_1067 : memref<1x20x100xi32, #tpu.memory_space<hbm>> -> memref<20x100xi32, #tpu.memory_space<hbm>>
        %dma_wait3A_1069 = tpu.memref_slice %arg15[%rem3A_1040] : memref<2x!tpu.dma_semaphore, #tpu.memory_space<semaphore_mem>> -> memref<1x!tpu.dma_semaphore, #tpu.memory_space<semaphore_mem>>
        %dma_wait3A_1070 = tpu.memref_squeeze %dma_wait3A_1069 : memref<1x!tpu.dma_semaphore, #tpu.memory_space<semaphore_mem>> -> memref<!tpu.dma_semaphore, #tpu.memory_space<semaphore_mem>>
        %dma_wait3A_1071 = arith.constant 0 : i32
        %dma_wait3A_1072 = arith.constant 0 : i32
        %dma_wait3A_1073 = tpu.memref_slice %arg7[%rem3A_1040, %dma_wait3A_1071, %dma_wait3A_1072] : memref<2x20x100xi32, #tpu.memory_space<vmem>> -> memref<1x20x100xi32, #tpu.memory_space<vmem>>
        %dma_wait3A_1074 = tpu.memref_squeeze %dma_wait3A_1073 : memref<1x20x100xi32, #tpu.memory_space<vmem>> -> memref<20x100xi32, #tpu.memory_space<vmem>>
        %dma_wait3A_1075 = arith.constant 0 : i32
        %dma_wait3A_1076 = arith.constant 0 : i32
        %dma_wait3A_1077 = tpu.memref_slice %arg3[%dma_wait3A_1060, %dma_wait3A_1075, %dma_wait3A_1076] : memref<2x32000x100xi32, #tpu.memory_space<hbm>> -> memref<1x20x100xi32, #tpu.memory_space<hbm>>
        %dma_wait3A_1078 = tpu.memref_squeeze %dma_wait3A_1077 : memref<1x20x100xi32, #tpu.memory_space<hbm>> -> memref<20x100xi32, #tpu.memory_space<hbm>>
        tpu.wait_dma2 semaphore(%dma_wait3A_1070 : memref<!tpu.dma_semaphore, #tpu.memory_space<semaphore_mem>>) src(%dma_wait3A_1078 : memref<20x100xi32, #tpu.memory_space<hbm>>) dst(%dma_wait3A_1074 : memref<20x100xi32, #tpu.memory_space<vmem>>)
      } else {
      }
      %add3A_477 = arith.constant 3 : i32
      %add3A_478 = arith.addi %sub3A_452, %add3A_477 : i32
      %ge3A_479 = arith.constant 20 : i32
      %ge3A_480 = arith.cmpi sge, %add3A_478, %ge3A_479 : i32
      %jit3A_481 = arith.constant 1 : i32
      %jit3A_482 = arith.constant 0 : i32
      %select_n3A_483 = arith.select %ge3A_480, %jit3A_481, %jit3A_482 : i32
      %add3A_484 = arith.addi %select_n3A, %select_n3A_483 : i32
      %rem3A_485 = arith.constant 2 : i32
      %rem3A_486 = arith.remsi %add3A_484, %rem3A_485 : i32
      %mul3A_487 = arith.constant 20 : i32
      %mul3A_488 = arith.muli %mul3A_487, %select_n3A_483 : i32
      %sub3A_489 = arith.subi %add3A_478, %mul3A_488 : i32
      %ge3A_490 = arith.constant 1 : i32
      %ge3A_491 = arith.cmpi sge, %scan3A_431, %ge3A_490 : i32
      %convert_element_type3A_492 = arith.extui %ge3A_491 : i1 to i32
      %cond3A_493 = arith.constant 0 : i32
      %cond3A_494 = arith.cmpi ne, %convert_element_type3A_492, %cond3A_493 : i32
      scf.if %cond3A_494 {
        %dma_wait3A_1037 = arith.constant 3 : i32
        %dma_wait3A_1038 = arith.constant 0 : i32
        %dma_wait3A_1039 = arith.constant 0 : i32
        %dma_wait3A_1040 = arith.constant 3 : i32
        %dma_wait3A_1041 = arith.constant 0 : i32
        %dma_wait3A_1042 = arith.constant 0 : i32
        %dma_wait3A_1043 = tpu.memref_slice %arg8[%dma_wait3A_1037, %dma_wait3A_1041, %dma_wait3A_1042] : memref<6x100x16xf32, #tpu.memory_space<vmem>> -> memref<1x100x16xf32, #tpu.memory_space<vmem>>
        %dma_wait3A_1044 = tpu.memref_squeeze %dma_wait3A_1043 : memref<1x100x16xf32, #tpu.memory_space<vmem>> -> memref<100x16xf32, #tpu.memory_space<vmem>>
        %dma_wait3A_1045 = arith.constant 0 : i32
        %dma_wait3A_1046 = tpu.memref_slice %arg7[%dma_wait3A_1038, %dma_wait3A_1039, %dma_wait3A_1045] : memref<2x20x100xi32, #tpu.memory_space<vmem>> -> memref<1x1x100xi32, #tpu.memory_space<vmem>>
        %dma_wait3A_1047 = tpu.memref_squeeze %dma_wait3A_1046 : memref<1x1x100xi32, #tpu.memory_space<vmem>> -> memref<100xi32, #tpu.memory_space<vmem>>
        %dma_wait3A_1048 = arith.constant 0 : i32
        %dma_wait3A_1049 = arith.constant 0 : i32
        %dma_wait3A_1050 = tpu.memref_slice %arg10[%dma_wait3A_1048, %dma_wait3A_1049] : memref<100096x16xf32, #tpu.memory_space<vmem_shared>> -> memref<100096x16xf32, #tpu.memory_space<vmem_shared>>
        %dma_wait3A_1051 = tpu.memref_slice %arg13[%dma_wait3A_1040] : memref<6x!tpu.dma_semaphore, #tpu.memory_space<semaphore_mem>> -> memref<1x!tpu.dma_semaphore, #tpu.memory_space<semaphore_mem>>
        %dma_wait3A_1052 = tpu.memref_squeeze %dma_wait3A_1051 : memref<1x!tpu.dma_semaphore, #tpu.memory_space<semaphore_mem>> -> memref<!tpu.dma_semaphore, #tpu.memory_space<semaphore_mem>>
        tpu.wait_indirect_dma semaphore(%dma_wait3A_1052 : memref<!tpu.dma_semaphore, #tpu.memory_space<semaphore_mem>>) src(%dma_wait3A_1044 : memref<100x16xf32, #tpu.memory_space<vmem>>) dst(%dma_wait3A_1050 : memref<100096x16xf32, #tpu.memory_space<vmem_shared>>)
        %dma_wait3A_1053 = arith.constant 3 : i32
        %dma_wait3A_1054 = arith.constant 0 : i32
        %dma_wait3A_1055 = arith.constant 0 : i32
        %dma_wait3A_1056 = arith.constant 3 : i32
        %dma_wait3A_1057 = arith.constant 0 : i32
        %dma_wait3A_1058 = arith.constant 0 : i32
        %dma_wait3A_1059 = tpu.memref_slice %arg9[%dma_wait3A_1053, %dma_wait3A_1057, %dma_wait3A_1058] : memref<6x100x16xf32, #tpu.memory_space<vmem>> -> memref<1x100x16xf32, #tpu.memory_space<vmem>>
        %dma_wait3A_1060 = tpu.memref_squeeze %dma_wait3A_1059 : memref<1x100x16xf32, #tpu.memory_space<vmem>> -> memref<100x16xf32, #tpu.memory_space<vmem>>
        %dma_wait3A_1061 = arith.constant 0 : i32
        %dma_wait3A_1062 = tpu.memref_slice %arg6[%dma_wait3A_1054, %dma_wait3A_1055, %dma_wait3A_1061] : memref<2x20x100xi32, #tpu.memory_space<vmem>> -> memref<1x1x100xi32, #tpu.memory_space<vmem>>
        %dma_wait3A_1063 = tpu.memref_squeeze %dma_wait3A_1062 : memref<1x1x100xi32, #tpu.memory_space<vmem>> -> memref<100xi32, #tpu.memory_space<vmem>>
        %dma_wait3A_1064 = arith.constant 0 : i32
        %dma_wait3A_1065 = arith.constant 0 : i32
        %dma_wait3A_1066 = tpu.memref_slice %arg10[%dma_wait3A_1064, %dma_wait3A_1065] : memref<100096x16xf32, #tpu.memory_space<vmem_shared>> -> memref<100096x16xf32, #tpu.memory_space<vmem_shared>>
        %dma_wait3A_1067 = tpu.memref_slice %arg14[%dma_wait3A_1056] : memref<6x!tpu.dma_semaphore, #tpu.memory_space<semaphore_mem>> -> memref<1x!tpu.dma_semaphore, #tpu.memory_space<semaphore_mem>>
        %dma_wait3A_1068 = tpu.memref_squeeze %dma_wait3A_1067 : memref<1x!tpu.dma_semaphore, #tpu.memory_space<semaphore_mem>> -> memref<!tpu.dma_semaphore, #tpu.memory_space<semaphore_mem>>
        tpu.wait_indirect_dma semaphore(%dma_wait3A_1068 : memref<!tpu.dma_semaphore, #tpu.memory_space<semaphore_mem>>) src(%dma_wait3A_1060 : memref<100x16xf32, #tpu.memory_space<vmem>>) dst(%dma_wait3A_1066 : memref<100096x16xf32, #tpu.memory_space<vmem_shared>>)
        %dma_start3A_1069 = arith.constant 3 : i32
        %dma_start3A_1070 = arith.constant 3 : i32
        %dma_start3A_1071 = arith.constant 0 : i32
        %dma_start3A_1072 = arith.constant 0 : i32
        %dma_start3A_1073 = tpu.memref_slice %arg8[%dma_start3A_1069, %dma_start3A_1071, %dma_start3A_1072] : memref<6x100x16xf32, #tpu.memory_space<vmem>> -> memref<1x100x16xf32, #tpu.memory_space<vmem>>
        %dma_start3A_1074 = tpu.memref_squeeze %dma_start3A_1073 : memref<1x100x16xf32, #tpu.memory_space<vmem>> -> memref<100x16xf32, #tpu.memory_space<vmem>>
        %dma_start3A_1075 = arith.constant 0 : i32
        %dma_start3A_1076 = tpu.memref_slice %arg6[%rem3A_486, %sub3A_489, %dma_start3A_1075] : memref<2x20x100xi32, #tpu.memory_space<vmem>> -> memref<1x1x100xi32, #tpu.memory_space<vmem>>
        %dma_start3A_1077 = tpu.memref_squeeze %dma_start3A_1076 : memref<1x1x100xi32, #tpu.memory_space<vmem>> -> memref<100xi32, #tpu.memory_space<vmem>>
        %dma_start3A_1078 = arith.constant 0 : i32
        %dma_start3A_1079 = arith.constant 0 : i32
        %dma_start3A_1080 = tpu.memref_slice %arg2[%dma_start3A_1078, %dma_start3A_1079] : memref<100096x16xf32, #tpu.memory_space<hbm>> -> memref<100096x16xf32, #tpu.memory_space<hbm>>
        %dma_start3A_1081 = tpu.memref_slice %arg11[%dma_start3A_1070] : memref<6x!tpu.dma_semaphore, #tpu.memory_space<semaphore_mem>> -> memref<1x!tpu.dma_semaphore, #tpu.memory_space<semaphore_mem>>
        %dma_start3A_1082 = tpu.memref_squeeze %dma_start3A_1081 : memref<1x!tpu.dma_semaphore, #tpu.memory_space<semaphore_mem>> -> memref<!tpu.dma_semaphore, #tpu.memory_space<semaphore_mem>>
        tpu.enqueue_indirect_dma source(%dma_start3A_1080 : memref<100096x16xf32, #tpu.memory_space<hbm>>) target(%dma_start3A_1074 : memref<100x16xf32, #tpu.memory_space<vmem>>) offsets(%dma_start3A_1077 : memref<100xi32, #tpu.memory_space<vmem>>) semaphore(%dma_start3A_1082 : memref<!tpu.dma_semaphore, #tpu.memory_space<semaphore_mem>>)
        %dma_start3A_1083 = arith.constant 3 : i32
        %dma_start3A_1084 = arith.constant 3 : i32
        %dma_start3A_1085 = arith.constant 0 : i32
        %dma_start3A_1086 = arith.constant 0 : i32
        %dma_start3A_1087 = tpu.memref_slice %arg9[%dma_start3A_1083, %dma_start3A_1085, %dma_start3A_1086] : memref<6x100x16xf32, #tpu.memory_space<vmem>> -> memref<1x100x16xf32, #tpu.memory_space<vmem>>
        %dma_start3A_1088 = tpu.memref_squeeze %dma_start3A_1087 : memref<1x100x16xf32, #tpu.memory_space<vmem>> -> memref<100x16xf32, #tpu.memory_space<vmem>>
        %dma_start3A_1089 = arith.constant 0 : i32
        %dma_start3A_1090 = tpu.memref_slice %arg7[%rem3A_486, %sub3A_489, %dma_start3A_1089] : memref<2x20x100xi32, #tpu.memory_space<vmem>> -> memref<1x1x100xi32, #tpu.memory_space<vmem>>
        %dma_start3A_1091 = tpu.memref_squeeze %dma_start3A_1090 : memref<1x1x100xi32, #tpu.memory_space<vmem>> -> memref<100xi32, #tpu.memory_space<vmem>>
        %dma_start3A_1092 = arith.constant 0 : i32
        %dma_start3A_1093 = arith.constant 0 : i32
        %dma_start3A_1094 = tpu.memref_slice %arg2[%dma_start3A_1092, %dma_start3A_1093] : memref<100096x16xf32, #tpu.memory_space<hbm>> -> memref<100096x16xf32, #tpu.memory_space<hbm>>
        %dma_start3A_1095 = tpu.memref_slice %arg12[%dma_start3A_1084] : memref<6x!tpu.dma_semaphore, #tpu.memory_space<semaphore_mem>> -> memref<1x!tpu.dma_semaphore, #tpu.memory_space<semaphore_mem>>
        %dma_start3A_1096 = tpu.memref_squeeze %dma_start3A_1095 : memref<1x!tpu.dma_semaphore, #tpu.memory_space<semaphore_mem>> -> memref<!tpu.dma_semaphore, #tpu.memory_space<semaphore_mem>>
        tpu.enqueue_indirect_dma source(%dma_start3A_1094 : memref<100096x16xf32, #tpu.memory_space<hbm>>) target(%dma_start3A_1088 : memref<100x16xf32, #tpu.memory_space<vmem>>) offsets(%dma_start3A_1091 : memref<100xi32, #tpu.memory_space<vmem>>) semaphore(%dma_start3A_1096 : memref<!tpu.dma_semaphore, #tpu.memory_space<semaphore_mem>>)
      } else {
      }
      %eq3A = arith.constant 0 : i32
      %eq3A_495 = arith.cmpi eq, %scan3A_431, %eq3A : i32
      %convert_element_type3A_496 = arith.extui %eq3A_495 : i1 to i32
      %cond3A_497 = arith.constant 0 : i32
      %cond3A_498 = arith.cmpi ne, %convert_element_type3A_496, %cond3A_497 : i32
      scf.if %cond3A_498 {
        %dma_start3A_1037 = arith.constant 3 : i32
        %dma_start3A_1038 = arith.constant 3 : i32
        %dma_start3A_1039 = arith.constant 0 : i32
        %dma_start3A_1040 = arith.constant 0 : i32
        %dma_start3A_1041 = tpu.memref_slice %arg8[%dma_start3A_1037, %dma_start3A_1039, %dma_start3A_1040] : memref<6x100x16xf32, #tpu.memory_space<vmem>> -> memref<1x100x16xf32, #tpu.memory_space<vmem>>
        %dma_start3A_1042 = tpu.memref_squeeze %dma_start3A_1041 : memref<1x100x16xf32, #tpu.memory_space<vmem>> -> memref<100x16xf32, #tpu.memory_space<vmem>>
        %dma_start3A_1043 = arith.constant 0 : i32
        %dma_start3A_1044 = tpu.memref_slice %arg6[%rem3A_486, %sub3A_489, %dma_start3A_1043] : memref<2x20x100xi32, #tpu.memory_space<vmem>> -> memref<1x1x100xi32, #tpu.memory_space<vmem>>
        %dma_start3A_1045 = tpu.memref_squeeze %dma_start3A_1044 : memref<1x1x100xi32, #tpu.memory_space<vmem>> -> memref<100xi32, #tpu.memory_space<vmem>>
        %dma_start3A_1046 = arith.constant 0 : i32
        %dma_start3A_1047 = arith.constant 0 : i32
        %dma_start3A_1048 = tpu.memref_slice %arg2[%dma_start3A_1046, %dma_start3A_1047] : memref<100096x16xf32, #tpu.memory_space<hbm>> -> memref<100096x16xf32, #tpu.memory_space<hbm>>
        %dma_start3A_1049 = tpu.memref_slice %arg11[%dma_start3A_1038] : memref<6x!tpu.dma_semaphore, #tpu.memory_space<semaphore_mem>> -> memref<1x!tpu.dma_semaphore, #tpu.memory_space<semaphore_mem>>
        %dma_start3A_1050 = tpu.memref_squeeze %dma_start3A_1049 : memref<1x!tpu.dma_semaphore, #tpu.memory_space<semaphore_mem>> -> memref<!tpu.dma_semaphore, #tpu.memory_space<semaphore_mem>>
        tpu.enqueue_indirect_dma source(%dma_start3A_1048 : memref<100096x16xf32, #tpu.memory_space<hbm>>) target(%dma_start3A_1042 : memref<100x16xf32, #tpu.memory_space<vmem>>) offsets(%dma_start3A_1045 : memref<100xi32, #tpu.memory_space<vmem>>) semaphore(%dma_start3A_1050 : memref<!tpu.dma_semaphore, #tpu.memory_space<semaphore_mem>>)
        %dma_start3A_1051 = arith.constant 3 : i32
        %dma_start3A_1052 = arith.constant 3 : i32
        %dma_start3A_1053 = arith.constant 0 : i32
        %dma_start3A_1054 = arith.constant 0 : i32
        %dma_start3A_1055 = tpu.memref_slice %arg9[%dma_start3A_1051, %dma_start3A_1053, %dma_start3A_1054] : memref<6x100x16xf32, #tpu.memory_space<vmem>> -> memref<1x100x16xf32, #tpu.memory_space<vmem>>
        %dma_start3A_1056 = tpu.memref_squeeze %dma_start3A_1055 : memref<1x100x16xf32, #tpu.memory_space<vmem>> -> memref<100x16xf32, #tpu.memory_space<vmem>>
        %dma_start3A_1057 = arith.constant 0 : i32
        %dma_start3A_1058 = tpu.memref_slice %arg7[%rem3A_486, %sub3A_489, %dma_start3A_1057] : memref<2x20x100xi32, #tpu.memory_space<vmem>> -> memref<1x1x100xi32, #tpu.memory_space<vmem>>
        %dma_start3A_1059 = tpu.memref_squeeze %dma_start3A_1058 : memref<1x1x100xi32, #tpu.memory_space<vmem>> -> memref<100xi32, #tpu.memory_space<vmem>>
        %dma_start3A_1060 = arith.constant 0 : i32
        %dma_start3A_1061 = arith.constant 0 : i32
        %dma_start3A_1062 = tpu.memref_slice %arg2[%dma_start3A_1060, %dma_start3A_1061] : memref<100096x16xf32, #tpu.memory_space<hbm>> -> memref<100096x16xf32, #tpu.memory_space<hbm>>
        %dma_start3A_1063 = tpu.memref_slice %arg12[%dma_start3A_1052] : memref<6x!tpu.dma_semaphore, #tpu.memory_space<semaphore_mem>> -> memref<1x!tpu.dma_semaphore, #tpu.memory_space<semaphore_mem>>
        %dma_start3A_1064 = tpu.memref_squeeze %dma_start3A_1063 : memref<1x!tpu.dma_semaphore, #tpu.memory_space<semaphore_mem>> -> memref<!tpu.dma_semaphore, #tpu.memory_space<semaphore_mem>>
        tpu.enqueue_indirect_dma source(%dma_start3A_1062 : memref<100096x16xf32, #tpu.memory_space<hbm>>) target(%dma_start3A_1056 : memref<100x16xf32, #tpu.memory_space<vmem>>) offsets(%dma_start3A_1059 : memref<100xi32, #tpu.memory_space<vmem>>) semaphore(%dma_start3A_1064 : memref<!tpu.dma_semaphore, #tpu.memory_space<semaphore_mem>>)
      } else {
      }
      %add3A_499 = arith.constant 0 : i32
      %add3A_500 = arith.addi %sub3A_452, %add3A_499 : i32
      %ge3A_501 = arith.constant 20 : i32
      %ge3A_502 = arith.cmpi sge, %add3A_500, %ge3A_501 : i32
      %jit3A_503 = arith.constant 1 : i32
      %jit3A_504 = arith.constant 0 : i32
      %select_n3A_505 = arith.select %ge3A_502, %jit3A_503, %jit3A_504 : i32
      %add3A_506 = arith.addi %select_n3A, %select_n3A_505 : i32
      %rem3A_507 = arith.constant 2 : i32
      %rem3A_508 = arith.remsi %add3A_506, %rem3A_507 : i32
      %mul3A_509 = arith.constant 20 : i32
      %mul3A_510 = arith.muli %mul3A_509, %select_n3A_505 : i32
      %sub3A_511 = arith.subi %add3A_500, %mul3A_510 : i32
      %dma_wait3A_512 = arith.constant 0 : i32
      %dma_wait3A_513 = arith.constant 0 : i32
      %dma_wait3A_514 = arith.constant 0 : i32
      %dma_wait3A_515 = arith.constant 0 : i32
      %dma_wait3A_516 = arith.constant 0 : i32
      %dma_wait3A_517 = arith.constant 0 : i32
      %dma_wait3A_518 = tpu.memref_slice %arg8[%dma_wait3A_514, %dma_wait3A_516, %dma_wait3A_517] : memref<6x100x16xf32, #tpu.memory_space<vmem>> -> memref<1x100x16xf32, #tpu.memory_space<vmem>>
      %dma_wait3A_519 = tpu.memref_squeeze %dma_wait3A_518 : memref<1x100x16xf32, #tpu.memory_space<vmem>> -> memref<100x16xf32, #tpu.memory_space<vmem>>
      %dma_wait3A_520 = arith.constant 0 : i32
      %dma_wait3A_521 = tpu.memref_slice %arg6[%dma_wait3A_512, %dma_wait3A_513, %dma_wait3A_520] : memref<2x20x100xi32, #tpu.memory_space<vmem>> -> memref<1x1x100xi32, #tpu.memory_space<vmem>>
      %dma_wait3A_522 = tpu.memref_squeeze %dma_wait3A_521 : memref<1x1x100xi32, #tpu.memory_space<vmem>> -> memref<100xi32, #tpu.memory_space<vmem>>
      %dma_wait3A_523 = arith.constant 0 : i32
      %dma_wait3A_524 = arith.constant 0 : i32
      %dma_wait3A_525 = tpu.memref_slice %arg2[%dma_wait3A_523, %dma_wait3A_524] : memref<100096x16xf32, #tpu.memory_space<hbm>> -> memref<100096x16xf32, #tpu.memory_space<hbm>>
      %dma_wait3A_526 = tpu.memref_slice %arg11[%dma_wait3A_515] : memref<6x!tpu.dma_semaphore, #tpu.memory_space<semaphore_mem>> -> memref<1x!tpu.dma_semaphore, #tpu.memory_space<semaphore_mem>>
      %dma_wait3A_527 = tpu.memref_squeeze %dma_wait3A_526 : memref<1x!tpu.dma_semaphore, #tpu.memory_space<semaphore_mem>> -> memref<!tpu.dma_semaphore, #tpu.memory_space<semaphore_mem>>
      tpu.wait_indirect_dma semaphore(%dma_wait3A_527 : memref<!tpu.dma_semaphore, #tpu.memory_space<semaphore_mem>>) src(%dma_wait3A_525 : memref<100096x16xf32, #tpu.memory_space<hbm>>) dst(%dma_wait3A_519 : memref<100x16xf32, #tpu.memory_space<vmem>>)
      %dma_wait3A_528 = arith.constant 0 : i32
      %dma_wait3A_529 = arith.constant 0 : i32
      %dma_wait3A_530 = arith.constant 0 : i32
      %dma_wait3A_531 = arith.constant 0 : i32
      %dma_wait3A_532 = arith.constant 0 : i32
      %dma_wait3A_533 = arith.constant 0 : i32
      %dma_wait3A_534 = tpu.memref_slice %arg9[%dma_wait3A_530, %dma_wait3A_532, %dma_wait3A_533] : memref<6x100x16xf32, #tpu.memory_space<vmem>> -> memref<1x100x16xf32, #tpu.memory_space<vmem>>
      %dma_wait3A_535 = tpu.memref_squeeze %dma_wait3A_534 : memref<1x100x16xf32, #tpu.memory_space<vmem>> -> memref<100x16xf32, #tpu.memory_space<vmem>>
      %dma_wait3A_536 = arith.constant 0 : i32
      %dma_wait3A_537 = tpu.memref_slice %arg7[%dma_wait3A_528, %dma_wait3A_529, %dma_wait3A_536] : memref<2x20x100xi32, #tpu.memory_space<vmem>> -> memref<1x1x100xi32, #tpu.memory_space<vmem>>
      %dma_wait3A_538 = tpu.memref_squeeze %dma_wait3A_537 : memref<1x1x100xi32, #tpu.memory_space<vmem>> -> memref<100xi32, #tpu.memory_space<vmem>>
      %dma_wait3A_539 = arith.constant 0 : i32
      %dma_wait3A_540 = arith.constant 0 : i32
      %dma_wait3A_541 = tpu.memref_slice %arg2[%dma_wait3A_539, %dma_wait3A_540] : memref<100096x16xf32, #tpu.memory_space<hbm>> -> memref<100096x16xf32, #tpu.memory_space<hbm>>
      %dma_wait3A_542 = tpu.memref_slice %arg12[%dma_wait3A_531] : memref<6x!tpu.dma_semaphore, #tpu.memory_space<semaphore_mem>> -> memref<1x!tpu.dma_semaphore, #tpu.memory_space<semaphore_mem>>
      %dma_wait3A_543 = tpu.memref_squeeze %dma_wait3A_542 : memref<1x!tpu.dma_semaphore, #tpu.memory_space<semaphore_mem>> -> memref<!tpu.dma_semaphore, #tpu.memory_space<semaphore_mem>>
      tpu.wait_indirect_dma semaphore(%dma_wait3A_543 : memref<!tpu.dma_semaphore, #tpu.memory_space<semaphore_mem>>) src(%dma_wait3A_541 : memref<100096x16xf32, #tpu.memory_space<hbm>>) dst(%dma_wait3A_535 : memref<100x16xf32, #tpu.memory_space<vmem>>)
      %dma_start3A_544 = arith.constant 0 : i32
      %dma_start3A_545 = arith.constant 0 : i32
      %dma_start3A_546 = arith.constant 0 : i32
      %dma_start3A_547 = arith.constant 0 : i32
      %dma_start3A_548 = tpu.memref_slice %arg8[%dma_start3A_544, %dma_start3A_546, %dma_start3A_547] : memref<6x100x16xf32, #tpu.memory_space<vmem>> -> memref<1x100x16xf32, #tpu.memory_space<vmem>>
      %dma_start3A_549 = tpu.memref_squeeze %dma_start3A_548 : memref<1x100x16xf32, #tpu.memory_space<vmem>> -> memref<100x16xf32, #tpu.memory_space<vmem>>
      %dma_start3A_550 = arith.constant 0 : i32
      %dma_start3A_551 = tpu.memref_slice %arg7[%rem3A_508, %sub3A_511, %dma_start3A_550] : memref<2x20x100xi32, #tpu.memory_space<vmem>> -> memref<1x1x100xi32, #tpu.memory_space<vmem>>
      %dma_start3A_552 = tpu.memref_squeeze %dma_start3A_551 : memref<1x1x100xi32, #tpu.memory_space<vmem>> -> memref<100xi32, #tpu.memory_space<vmem>>
      %dma_start3A_553 = arith.constant 0 : i32
      %dma_start3A_554 = arith.constant 0 : i32
      %dma_start3A_555 = tpu.memref_slice %arg10[%dma_start3A_553, %dma_start3A_554] : memref<100096x16xf32, #tpu.memory_space<vmem_shared>> -> memref<100096x16xf32, #tpu.memory_space<vmem_shared>>
      %dma_start3A_556 = tpu.memref_slice %arg13[%dma_start3A_545] : memref<6x!tpu.dma_semaphore, #tpu.memory_space<semaphore_mem>> -> memref<1x!tpu.dma_semaphore, #tpu.memory_space<semaphore_mem>>
      %dma_start3A_557 = tpu.memref_squeeze %dma_start3A_556 : memref<1x!tpu.dma_semaphore, #tpu.memory_space<semaphore_mem>> -> memref<!tpu.dma_semaphore, #tpu.memory_space<semaphore_mem>>
      tpu.enqueue_indirect_dma source(%dma_start3A_549 : memref<100x16xf32, #tpu.memory_space<vmem>>) target(%dma_start3A_555 : memref<100096x16xf32, #tpu.memory_space<vmem_shared>>) offsets(%dma_start3A_552 : memref<100xi32, #tpu.memory_space<vmem>>) semaphore(%dma_start3A_557 : memref<!tpu.dma_semaphore, #tpu.memory_space<semaphore_mem>>) {add = true}
      %dma_start3A_558 = arith.constant 0 : i32
      %dma_start3A_559 = arith.constant 0 : i32
      %dma_start3A_560 = arith.constant 0 : i32
      %dma_start3A_561 = arith.constant 0 : i32
      %dma_start3A_562 = tpu.memref_slice %arg9[%dma_start3A_558, %dma_start3A_560, %dma_start3A_561] : memref<6x100x16xf32, #tpu.memory_space<vmem>> -> memref<1x100x16xf32, #tpu.memory_space<vmem>>
      %dma_start3A_563 = tpu.memref_squeeze %dma_start3A_562 : memref<1x100x16xf32, #tpu.memory_space<vmem>> -> memref<100x16xf32, #tpu.memory_space<vmem>>
      %dma_start3A_564 = arith.constant 0 : i32
      %dma_start3A_565 = tpu.memref_slice %arg6[%rem3A_508, %sub3A_511, %dma_start3A_564] : memref<2x20x100xi32, #tpu.memory_space<vmem>> -> memref<1x1x100xi32, #tpu.memory_space<vmem>>
      %dma_start3A_566 = tpu.memref_squeeze %dma_start3A_565 : memref<1x1x100xi32, #tpu.memory_space<vmem>> -> memref<100xi32, #tpu.memory_space<vmem>>
      %dma_start3A_567 = arith.constant 0 : i32
      %dma_start3A_568 = arith.constant 0 : i32
      %dma_start3A_569 = tpu.memref_slice %arg10[%dma_start3A_567, %dma_start3A_568] : memref<100096x16xf32, #tpu.memory_space<vmem_shared>> -> memref<100096x16xf32, #tpu.memory_space<vmem_shared>>
      %dma_start3A_570 = tpu.memref_slice %arg14[%dma_start3A_559] : memref<6x!tpu.dma_semaphore, #tpu.memory_space<semaphore_mem>> -> memref<1x!tpu.dma_semaphore, #tpu.memory_space<semaphore_mem>>
      %dma_start3A_571 = tpu.memref_squeeze %dma_start3A_570 : memref<1x!tpu.dma_semaphore, #tpu.memory_space<semaphore_mem>> -> memref<!tpu.dma_semaphore, #tpu.memory_space<semaphore_mem>>
      tpu.enqueue_indirect_dma source(%dma_start3A_563 : memref<100x16xf32, #tpu.memory_space<vmem>>) target(%dma_start3A_569 : memref<100096x16xf32, #tpu.memory_space<vmem_shared>>) offsets(%dma_start3A_566 : memref<100xi32, #tpu.memory_space<vmem>>) semaphore(%dma_start3A_571 : memref<!tpu.dma_semaphore, #tpu.memory_space<semaphore_mem>>) {add = true}
      %add3A_572 = arith.constant 4 : i32
      %add3A_573 = arith.addi %sub3A_452, %add3A_572 : i32
      %ge3A_574 = arith.constant 20 : i32
      %ge3A_575 = arith.cmpi sge, %add3A_573, %ge3A_574 : i32
      %jit3A_576 = arith.constant 1 : i32
      %jit3A_577 = arith.constant 0 : i32
      %select_n3A_578 = arith.select %ge3A_575, %jit3A_576, %jit3A_577 : i32
      %add3A_579 = arith.addi %select_n3A, %select_n3A_578 : i32
      %rem3A_580 = arith.constant 2 : i32
      %rem3A_581 = arith.remsi %add3A_579, %rem3A_580 : i32
      %mul3A_582 = arith.constant 20 : i32
      %mul3A_583 = arith.muli %mul3A_582, %select_n3A_578 : i32
      %sub3A_584 = arith.subi %add3A_573, %mul3A_583 : i32
      %ge3A_585 = arith.constant 1 : i32
      %ge3A_586 = arith.cmpi sge, %scan3A_431, %ge3A_585 : i32
      %convert_element_type3A_587 = arith.extui %ge3A_586 : i1 to i32
      %cond3A_588 = arith.constant 0 : i32
      %cond3A_589 = arith.cmpi ne, %convert_element_type3A_587, %cond3A_588 : i32
      scf.if %cond3A_589 {
        %dma_wait3A_1037 = arith.constant 4 : i32
        %dma_wait3A_1038 = arith.constant 0 : i32
        %dma_wait3A_1039 = arith.constant 0 : i32
        %dma_wait3A_1040 = arith.constant 4 : i32
        %dma_wait3A_1041 = arith.constant 0 : i32
        %dma_wait3A_1042 = arith.constant 0 : i32
        %dma_wait3A_1043 = tpu.memref_slice %arg8[%dma_wait3A_1037, %dma_wait3A_1041, %dma_wait3A_1042] : memref<6x100x16xf32, #tpu.memory_space<vmem>> -> memref<1x100x16xf32, #tpu.memory_space<vmem>>
        %dma_wait3A_1044 = tpu.memref_squeeze %dma_wait3A_1043 : memref<1x100x16xf32, #tpu.memory_space<vmem>> -> memref<100x16xf32, #tpu.memory_space<vmem>>
        %dma_wait3A_1045 = arith.constant 0 : i32
        %dma_wait3A_1046 = tpu.memref_slice %arg7[%dma_wait3A_1038, %dma_wait3A_1039, %dma_wait3A_1045] : memref<2x20x100xi32, #tpu.memory_space<vmem>> -> memref<1x1x100xi32, #tpu.memory_space<vmem>>
        %dma_wait3A_1047 = tpu.memref_squeeze %dma_wait3A_1046 : memref<1x1x100xi32, #tpu.memory_space<vmem>> -> memref<100xi32, #tpu.memory_space<vmem>>
        %dma_wait3A_1048 = arith.constant 0 : i32
        %dma_wait3A_1049 = arith.constant 0 : i32
        %dma_wait3A_1050 = tpu.memref_slice %arg10[%dma_wait3A_1048, %dma_wait3A_1049] : memref<100096x16xf32, #tpu.memory_space<vmem_shared>> -> memref<100096x16xf32, #tpu.memory_space<vmem_shared>>
        %dma_wait3A_1051 = tpu.memref_slice %arg13[%dma_wait3A_1040] : memref<6x!tpu.dma_semaphore, #tpu.memory_space<semaphore_mem>> -> memref<1x!tpu.dma_semaphore, #tpu.memory_space<semaphore_mem>>
        %dma_wait3A_1052 = tpu.memref_squeeze %dma_wait3A_1051 : memref<1x!tpu.dma_semaphore, #tpu.memory_space<semaphore_mem>> -> memref<!tpu.dma_semaphore, #tpu.memory_space<semaphore_mem>>
        tpu.wait_indirect_dma semaphore(%dma_wait3A_1052 : memref<!tpu.dma_semaphore, #tpu.memory_space<semaphore_mem>>) src(%dma_wait3A_1044 : memref<100x16xf32, #tpu.memory_space<vmem>>) dst(%dma_wait3A_1050 : memref<100096x16xf32, #tpu.memory_space<vmem_shared>>)
        %dma_wait3A_1053 = arith.constant 4 : i32
        %dma_wait3A_1054 = arith.constant 0 : i32
        %dma_wait3A_1055 = arith.constant 0 : i32
        %dma_wait3A_1056 = arith.constant 4 : i32
        %dma_wait3A_1057 = arith.constant 0 : i32
        %dma_wait3A_1058 = arith.constant 0 : i32
        %dma_wait3A_1059 = tpu.memref_slice %arg9[%dma_wait3A_1053, %dma_wait3A_1057, %dma_wait3A_1058] : memref<6x100x16xf32, #tpu.memory_space<vmem>> -> memref<1x100x16xf32, #tpu.memory_space<vmem>>
        %dma_wait3A_1060 = tpu.memref_squeeze %dma_wait3A_1059 : memref<1x100x16xf32, #tpu.memory_space<vmem>> -> memref<100x16xf32, #tpu.memory_space<vmem>>
        %dma_wait3A_1061 = arith.constant 0 : i32
        %dma_wait3A_1062 = tpu.memref_slice %arg6[%dma_wait3A_1054, %dma_wait3A_1055, %dma_wait3A_1061] : memref<2x20x100xi32, #tpu.memory_space<vmem>> -> memref<1x1x100xi32, #tpu.memory_space<vmem>>
        %dma_wait3A_1063 = tpu.memref_squeeze %dma_wait3A_1062 : memref<1x1x100xi32, #tpu.memory_space<vmem>> -> memref<100xi32, #tpu.memory_space<vmem>>
        %dma_wait3A_1064 = arith.constant 0 : i32
        %dma_wait3A_1065 = arith.constant 0 : i32
        %dma_wait3A_1066 = tpu.memref_slice %arg10[%dma_wait3A_1064, %dma_wait3A_1065] : memref<100096x16xf32, #tpu.memory_space<vmem_shared>> -> memref<100096x16xf32, #tpu.memory_space<vmem_shared>>
        %dma_wait3A_1067 = tpu.memref_slice %arg14[%dma_wait3A_1056] : memref<6x!tpu.dma_semaphore, #tpu.memory_space<semaphore_mem>> -> memref<1x!tpu.dma_semaphore, #tpu.memory_space<semaphore_mem>>
        %dma_wait3A_1068 = tpu.memref_squeeze %dma_wait3A_1067 : memref<1x!tpu.dma_semaphore, #tpu.memory_space<semaphore_mem>> -> memref<!tpu.dma_semaphore, #tpu.memory_space<semaphore_mem>>
        tpu.wait_indirect_dma semaphore(%dma_wait3A_1068 : memref<!tpu.dma_semaphore, #tpu.memory_space<semaphore_mem>>) src(%dma_wait3A_1060 : memref<100x16xf32, #tpu.memory_space<vmem>>) dst(%dma_wait3A_1066 : memref<100096x16xf32, #tpu.memory_space<vmem_shared>>)
        %dma_start3A_1069 = arith.constant 4 : i32
        %dma_start3A_1070 = arith.constant 4 : i32
        %dma_start3A_1071 = arith.constant 0 : i32
        %dma_start3A_1072 = arith.constant 0 : i32
        %dma_start3A_1073 = tpu.memref_slice %arg8[%dma_start3A_1069, %dma_start3A_1071, %dma_start3A_1072] : memref<6x100x16xf32, #tpu.memory_space<vmem>> -> memref<1x100x16xf32, #tpu.memory_space<vmem>>
        %dma_start3A_1074 = tpu.memref_squeeze %dma_start3A_1073 : memref<1x100x16xf32, #tpu.memory_space<vmem>> -> memref<100x16xf32, #tpu.memory_space<vmem>>
        %dma_start3A_1075 = arith.constant 0 : i32
        %dma_start3A_1076 = tpu.memref_slice %arg6[%rem3A_581, %sub3A_584, %dma_start3A_1075] : memref<2x20x100xi32, #tpu.memory_space<vmem>> -> memref<1x1x100xi32, #tpu.memory_space<vmem>>
        %dma_start3A_1077 = tpu.memref_squeeze %dma_start3A_1076 : memref<1x1x100xi32, #tpu.memory_space<vmem>> -> memref<100xi32, #tpu.memory_space<vmem>>
        %dma_start3A_1078 = arith.constant 0 : i32
        %dma_start3A_1079 = arith.constant 0 : i32
        %dma_start3A_1080 = tpu.memref_slice %arg2[%dma_start3A_1078, %dma_start3A_1079] : memref<100096x16xf32, #tpu.memory_space<hbm>> -> memref<100096x16xf32, #tpu.memory_space<hbm>>
        %dma_start3A_1081 = tpu.memref_slice %arg11[%dma_start3A_1070] : memref<6x!tpu.dma_semaphore, #tpu.memory_space<semaphore_mem>> -> memref<1x!tpu.dma_semaphore, #tpu.memory_space<semaphore_mem>>
        %dma_start3A_1082 = tpu.memref_squeeze %dma_start3A_1081 : memref<1x!tpu.dma_semaphore, #tpu.memory_space<semaphore_mem>> -> memref<!tpu.dma_semaphore, #tpu.memory_space<semaphore_mem>>
        tpu.enqueue_indirect_dma source(%dma_start3A_1080 : memref<100096x16xf32, #tpu.memory_space<hbm>>) target(%dma_start3A_1074 : memref<100x16xf32, #tpu.memory_space<vmem>>) offsets(%dma_start3A_1077 : memref<100xi32, #tpu.memory_space<vmem>>) semaphore(%dma_start3A_1082 : memref<!tpu.dma_semaphore, #tpu.memory_space<semaphore_mem>>)
        %dma_start3A_1083 = arith.constant 4 : i32
        %dma_start3A_1084 = arith.constant 4 : i32
        %dma_start3A_1085 = arith.constant 0 : i32
        %dma_start3A_1086 = arith.constant 0 : i32
        %dma_start3A_1087 = tpu.memref_slice %arg9[%dma_start3A_1083, %dma_start3A_1085, %dma_start3A_1086] : memref<6x100x16xf32, #tpu.memory_space<vmem>> -> memref<1x100x16xf32, #tpu.memory_space<vmem>>
        %dma_start3A_1088 = tpu.memref_squeeze %dma_start3A_1087 : memref<1x100x16xf32, #tpu.memory_space<vmem>> -> memref<100x16xf32, #tpu.memory_space<vmem>>
        %dma_start3A_1089 = arith.constant 0 : i32
        %dma_start3A_1090 = tpu.memref_slice %arg7[%rem3A_581, %sub3A_584, %dma_start3A_1089] : memref<2x20x100xi32, #tpu.memory_space<vmem>> -> memref<1x1x100xi32, #tpu.memory_space<vmem>>
        %dma_start3A_1091 = tpu.memref_squeeze %dma_start3A_1090 : memref<1x1x100xi32, #tpu.memory_space<vmem>> -> memref<100xi32, #tpu.memory_space<vmem>>
        %dma_start3A_1092 = arith.constant 0 : i32
        %dma_start3A_1093 = arith.constant 0 : i32
        %dma_start3A_1094 = tpu.memref_slice %arg2[%dma_start3A_1092, %dma_start3A_1093] : memref<100096x16xf32, #tpu.memory_space<hbm>> -> memref<100096x16xf32, #tpu.memory_space<hbm>>
        %dma_start3A_1095 = tpu.memref_slice %arg12[%dma_start3A_1084] : memref<6x!tpu.dma_semaphore, #tpu.memory_space<semaphore_mem>> -> memref<1x!tpu.dma_semaphore, #tpu.memory_space<semaphore_mem>>
        %dma_start3A_1096 = tpu.memref_squeeze %dma_start3A_1095 : memref<1x!tpu.dma_semaphore, #tpu.memory_space<semaphore_mem>> -> memref<!tpu.dma_semaphore, #tpu.memory_space<semaphore_mem>>
        tpu.enqueue_indirect_dma source(%dma_start3A_1094 : memref<100096x16xf32, #tpu.memory_space<hbm>>) target(%dma_start3A_1088 : memref<100x16xf32, #tpu.memory_space<vmem>>) offsets(%dma_start3A_1091 : memref<100xi32, #tpu.memory_space<vmem>>) semaphore(%dma_start3A_1096 : memref<!tpu.dma_semaphore, #tpu.memory_space<semaphore_mem>>)
      } else {
      }
      %eq3A_590 = arith.constant 0 : i32
      %eq3A_591 = arith.cmpi eq, %scan3A_431, %eq3A_590 : i32
      %convert_element_type3A_592 = arith.extui %eq3A_591 : i1 to i32
      %cond3A_593 = arith.constant 0 : i32
      %cond3A_594 = arith.cmpi ne, %convert_element_type3A_592, %cond3A_593 : i32
      scf.if %cond3A_594 {
        %dma_start3A_1037 = arith.constant 4 : i32
        %dma_start3A_1038 = arith.constant 4 : i32
        %dma_start3A_1039 = arith.constant 0 : i32
        %dma_start3A_1040 = arith.constant 0 : i32
        %dma_start3A_1041 = tpu.memref_slice %arg8[%dma_start3A_1037, %dma_start3A_1039, %dma_start3A_1040] : memref<6x100x16xf32, #tpu.memory_space<vmem>> -> memref<1x100x16xf32, #tpu.memory_space<vmem>>
        %dma_start3A_1042 = tpu.memref_squeeze %dma_start3A_1041 : memref<1x100x16xf32, #tpu.memory_space<vmem>> -> memref<100x16xf32, #tpu.memory_space<vmem>>
        %dma_start3A_1043 = arith.constant 0 : i32
        %dma_start3A_1044 = tpu.memref_slice %arg6[%rem3A_581, %sub3A_584, %dma_start3A_1043] : memref<2x20x100xi32, #tpu.memory_space<vmem>> -> memref<1x1x100xi32, #tpu.memory_space<vmem>>
        %dma_start3A_1045 = tpu.memref_squeeze %dma_start3A_1044 : memref<1x1x100xi32, #tpu.memory_space<vmem>> -> memref<100xi32, #tpu.memory_space<vmem>>
        %dma_start3A_1046 = arith.constant 0 : i32
        %dma_start3A_1047 = arith.constant 0 : i32
        %dma_start3A_1048 = tpu.memref_slice %arg2[%dma_start3A_1046, %dma_start3A_1047] : memref<100096x16xf32, #tpu.memory_space<hbm>> -> memref<100096x16xf32, #tpu.memory_space<hbm>>
        %dma_start3A_1049 = tpu.memref_slice %arg11[%dma_start3A_1038] : memref<6x!tpu.dma_semaphore, #tpu.memory_space<semaphore_mem>> -> memref<1x!tpu.dma_semaphore, #tpu.memory_space<semaphore_mem>>
        %dma_start3A_1050 = tpu.memref_squeeze %dma_start3A_1049 : memref<1x!tpu.dma_semaphore, #tpu.memory_space<semaphore_mem>> -> memref<!tpu.dma_semaphore, #tpu.memory_space<semaphore_mem>>
        tpu.enqueue_indirect_dma source(%dma_start3A_1048 : memref<100096x16xf32, #tpu.memory_space<hbm>>) target(%dma_start3A_1042 : memref<100x16xf32, #tpu.memory_space<vmem>>) offsets(%dma_start3A_1045 : memref<100xi32, #tpu.memory_space<vmem>>) semaphore(%dma_start3A_1050 : memref<!tpu.dma_semaphore, #tpu.memory_space<semaphore_mem>>)
        %dma_start3A_1051 = arith.constant 4 : i32
        %dma_start3A_1052 = arith.constant 4 : i32
        %dma_start3A_1053 = arith.constant 0 : i32
        %dma_start3A_1054 = arith.constant 0 : i32
        %dma_start3A_1055 = tpu.memref_slice %arg9[%dma_start3A_1051, %dma_start3A_1053, %dma_start3A_1054] : memref<6x100x16xf32, #tpu.memory_space<vmem>> -> memref<1x100x16xf32, #tpu.memory_space<vmem>>
        %dma_start3A_1056 = tpu.memref_squeeze %dma_start3A_1055 : memref<1x100x16xf32, #tpu.memory_space<vmem>> -> memref<100x16xf32, #tpu.memory_space<vmem>>
        %dma_start3A_1057 = arith.constant 0 : i32
        %dma_start3A_1058 = tpu.memref_slice %arg7[%rem3A_581, %sub3A_584, %dma_start3A_1057] : memref<2x20x100xi32, #tpu.memory_space<vmem>> -> memref<1x1x100xi32, #tpu.memory_space<vmem>>
        %dma_start3A_1059 = tpu.memref_squeeze %dma_start3A_1058 : memref<1x1x100xi32, #tpu.memory_space<vmem>> -> memref<100xi32, #tpu.memory_space<vmem>>
        %dma_start3A_1060 = arith.constant 0 : i32
        %dma_start3A_1061 = arith.constant 0 : i32
        %dma_start3A_1062 = tpu.memref_slice %arg2[%dma_start3A_1060, %dma_start3A_1061] : memref<100096x16xf32, #tpu.memory_space<hbm>> -> memref<100096x16xf32, #tpu.memory_space<hbm>>
        %dma_start3A_1063 = tpu.memref_slice %arg12[%dma_start3A_1052] : memref<6x!tpu.dma_semaphore, #tpu.memory_space<semaphore_mem>> -> memref<1x!tpu.dma_semaphore, #tpu.memory_space<semaphore_mem>>
        %dma_start3A_1064 = tpu.memref_squeeze %dma_start3A_1063 : memref<1x!tpu.dma_semaphore, #tpu.memory_space<semaphore_mem>> -> memref<!tpu.dma_semaphore, #tpu.memory_space<semaphore_mem>>
        tpu.enqueue_indirect_dma source(%dma_start3A_1062 : memref<100096x16xf32, #tpu.memory_space<hbm>>) target(%dma_start3A_1056 : memref<100x16xf32, #tpu.memory_space<vmem>>) offsets(%dma_start3A_1059 : memref<100xi32, #tpu.memory_space<vmem>>) semaphore(%dma_start3A_1064 : memref<!tpu.dma_semaphore, #tpu.memory_space<semaphore_mem>>)
      } else {
      }
      %add3A_595 = arith.constant 1 : i32
      %add3A_596 = arith.addi %sub3A_452, %add3A_595 : i32
      %ge3A_597 = arith.constant 20 : i32
      %ge3A_598 = arith.cmpi sge, %add3A_596, %ge3A_597 : i32
      %jit3A_599 = arith.constant 1 : i32
      %jit3A_600 = arith.constant 0 : i32
      %select_n3A_601 = arith.select %ge3A_598, %jit3A_599, %jit3A_600 : i32
      %add3A_602 = arith.addi %select_n3A, %select_n3A_601 : i32
      %rem3A_603 = arith.constant 2 : i32
      %rem3A_604 = arith.remsi %add3A_602, %rem3A_603 : i32
      %mul3A_605 = arith.constant 20 : i32
      %mul3A_606 = arith.muli %mul3A_605, %select_n3A_601 : i32
      %sub3A_607 = arith.subi %add3A_596, %mul3A_606 : i32
      %dma_wait3A_608 = arith.constant 0 : i32
      %dma_wait3A_609 = arith.constant 0 : i32
      %dma_wait3A_610 = arith.constant 1 : i32
      %dma_wait3A_611 = arith.constant 1 : i32
      %dma_wait3A_612 = arith.constant 0 : i32
      %dma_wait3A_613 = arith.constant 0 : i32
      %dma_wait3A_614 = tpu.memref_slice %arg8[%dma_wait3A_610, %dma_wait3A_612, %dma_wait3A_613] : memref<6x100x16xf32, #tpu.memory_space<vmem>> -> memref<1x100x16xf32, #tpu.memory_space<vmem>>
      %dma_wait3A_615 = tpu.memref_squeeze %dma_wait3A_614 : memref<1x100x16xf32, #tpu.memory_space<vmem>> -> memref<100x16xf32, #tpu.memory_space<vmem>>
      %dma_wait3A_616 = arith.constant 0 : i32
      %dma_wait3A_617 = tpu.memref_slice %arg6[%dma_wait3A_608, %dma_wait3A_609, %dma_wait3A_616] : memref<2x20x100xi32, #tpu.memory_space<vmem>> -> memref<1x1x100xi32, #tpu.memory_space<vmem>>
      %dma_wait3A_618 = tpu.memref_squeeze %dma_wait3A_617 : memref<1x1x100xi32, #tpu.memory_space<vmem>> -> memref<100xi32, #tpu.memory_space<vmem>>
      %dma_wait3A_619 = arith.constant 0 : i32
      %dma_wait3A_620 = arith.constant 0 : i32
      %dma_wait3A_621 = tpu.memref_slice %arg2[%dma_wait3A_619, %dma_wait3A_620] : memref<100096x16xf32, #tpu.memory_space<hbm>> -> memref<100096x16xf32, #tpu.memory_space<hbm>>
      %dma_wait3A_622 = tpu.memref_slice %arg11[%dma_wait3A_611] : memref<6x!tpu.dma_semaphore, #tpu.memory_space<semaphore_mem>> -> memref<1x!tpu.dma_semaphore, #tpu.memory_space<semaphore_mem>>
      %dma_wait3A_623 = tpu.memref_squeeze %dma_wait3A_622 : memref<1x!tpu.dma_semaphore, #tpu.memory_space<semaphore_mem>> -> memref<!tpu.dma_semaphore, #tpu.memory_space<semaphore_mem>>
      tpu.wait_indirect_dma semaphore(%dma_wait3A_623 : memref<!tpu.dma_semaphore, #tpu.memory_space<semaphore_mem>>) src(%dma_wait3A_621 : memref<100096x16xf32, #tpu.memory_space<hbm>>) dst(%dma_wait3A_615 : memref<100x16xf32, #tpu.memory_space<vmem>>)
      %dma_wait3A_624 = arith.constant 0 : i32
      %dma_wait3A_625 = arith.constant 0 : i32
      %dma_wait3A_626 = arith.constant 1 : i32
      %dma_wait3A_627 = arith.constant 1 : i32
      %dma_wait3A_628 = arith.constant 0 : i32
      %dma_wait3A_629 = arith.constant 0 : i32
      %dma_wait3A_630 = tpu.memref_slice %arg9[%dma_wait3A_626, %dma_wait3A_628, %dma_wait3A_629] : memref<6x100x16xf32, #tpu.memory_space<vmem>> -> memref<1x100x16xf32, #tpu.memory_space<vmem>>
      %dma_wait3A_631 = tpu.memref_squeeze %dma_wait3A_630 : memref<1x100x16xf32, #tpu.memory_space<vmem>> -> memref<100x16xf32, #tpu.memory_space<vmem>>
      %dma_wait3A_632 = arith.constant 0 : i32
      %dma_wait3A_633 = tpu.memref_slice %arg7[%dma_wait3A_624, %dma_wait3A_625, %dma_wait3A_632] : memref<2x20x100xi32, #tpu.memory_space<vmem>> -> memref<1x1x100xi32, #tpu.memory_space<vmem>>
      %dma_wait3A_634 = tpu.memref_squeeze %dma_wait3A_633 : memref<1x1x100xi32, #tpu.memory_space<vmem>> -> memref<100xi32, #tpu.memory_space<vmem>>
      %dma_wait3A_635 = arith.constant 0 : i32
      %dma_wait3A_636 = arith.constant 0 : i32
      %dma_wait3A_637 = tpu.memref_slice %arg2[%dma_wait3A_635, %dma_wait3A_636] : memref<100096x16xf32, #tpu.memory_space<hbm>> -> memref<100096x16xf32, #tpu.memory_space<hbm>>
      %dma_wait3A_638 = tpu.memref_slice %arg12[%dma_wait3A_627] : memref<6x!tpu.dma_semaphore, #tpu.memory_space<semaphore_mem>> -> memref<1x!tpu.dma_semaphore, #tpu.memory_space<semaphore_mem>>
      %dma_wait3A_639 = tpu.memref_squeeze %dma_wait3A_638 : memref<1x!tpu.dma_semaphore, #tpu.memory_space<semaphore_mem>> -> memref<!tpu.dma_semaphore, #tpu.memory_space<semaphore_mem>>
      tpu.wait_indirect_dma semaphore(%dma_wait3A_639 : memref<!tpu.dma_semaphore, #tpu.memory_space<semaphore_mem>>) src(%dma_wait3A_637 : memref<100096x16xf32, #tpu.memory_space<hbm>>) dst(%dma_wait3A_631 : memref<100x16xf32, #tpu.memory_space<vmem>>)
      %dma_start3A_640 = arith.constant 1 : i32
      %dma_start3A_641 = arith.constant 1 : i32
      %dma_start3A_642 = arith.constant 0 : i32
      %dma_start3A_643 = arith.constant 0 : i32
      %dma_start3A_644 = tpu.memref_slice %arg8[%dma_start3A_640, %dma_start3A_642, %dma_start3A_643] : memref<6x100x16xf32, #tpu.memory_space<vmem>> -> memref<1x100x16xf32, #tpu.memory_space<vmem>>
      %dma_start3A_645 = tpu.memref_squeeze %dma_start3A_644 : memref<1x100x16xf32, #tpu.memory_space<vmem>> -> memref<100x16xf32, #tpu.memory_space<vmem>>
      %dma_start3A_646 = arith.constant 0 : i32
      %dma_start3A_647 = tpu.memref_slice %arg7[%rem3A_604, %sub3A_607, %dma_start3A_646] : memref<2x20x100xi32, #tpu.memory_space<vmem>> -> memref<1x1x100xi32, #tpu.memory_space<vmem>>
      %dma_start3A_648 = tpu.memref_squeeze %dma_start3A_647 : memref<1x1x100xi32, #tpu.memory_space<vmem>> -> memref<100xi32, #tpu.memory_space<vmem>>
      %dma_start3A_649 = arith.constant 0 : i32
      %dma_start3A_650 = arith.constant 0 : i32
      %dma_start3A_651 = tpu.memref_slice %arg10[%dma_start3A_649, %dma_start3A_650] : memref<100096x16xf32, #tpu.memory_space<vmem_shared>> -> memref<100096x16xf32, #tpu.memory_space<vmem_shared>>
      %dma_start3A_652 = tpu.memref_slice %arg13[%dma_start3A_641] : memref<6x!tpu.dma_semaphore, #tpu.memory_space<semaphore_mem>> -> memref<1x!tpu.dma_semaphore, #tpu.memory_space<semaphore_mem>>
      %dma_start3A_653 = tpu.memref_squeeze %dma_start3A_652 : memref<1x!tpu.dma_semaphore, #tpu.memory_space<semaphore_mem>> -> memref<!tpu.dma_semaphore, #tpu.memory_space<semaphore_mem>>
      tpu.enqueue_indirect_dma source(%dma_start3A_645 : memref<100x16xf32, #tpu.memory_space<vmem>>) target(%dma_start3A_651 : memref<100096x16xf32, #tpu.memory_space<vmem_shared>>) offsets(%dma_start3A_648 : memref<100xi32, #tpu.memory_space<vmem>>) semaphore(%dma_start3A_653 : memref<!tpu.dma_semaphore, #tpu.memory_space<semaphore_mem>>) {add = true}
      %dma_start3A_654 = arith.constant 1 : i32
      %dma_start3A_655 = arith.constant 1 : i32
      %dma_start3A_656 = arith.constant 0 : i32
      %dma_start3A_657 = arith.constant 0 : i32
      %dma_start3A_658 = tpu.memref_slice %arg9[%dma_start3A_654, %dma_start3A_656, %dma_start3A_657] : memref<6x100x16xf32, #tpu.memory_space<vmem>> -> memref<1x100x16xf32, #tpu.memory_space<vmem>>
      %dma_start3A_659 = tpu.memref_squeeze %dma_start3A_658 : memref<1x100x16xf32, #tpu.memory_space<vmem>> -> memref<100x16xf32, #tpu.memory_space<vmem>>
      %dma_start3A_660 = arith.constant 0 : i32
      %dma_start3A_661 = tpu.memref_slice %arg6[%rem3A_604, %sub3A_607, %dma_start3A_660] : memref<2x20x100xi32, #tpu.memory_space<vmem>> -> memref<1x1x100xi32, #tpu.memory_space<vmem>>
      %dma_start3A_662 = tpu.memref_squeeze %dma_start3A_661 : memref<1x1x100xi32, #tpu.memory_space<vmem>> -> memref<100xi32, #tpu.memory_space<vmem>>
      %dma_start3A_663 = arith.constant 0 : i32
      %dma_start3A_664 = arith.constant 0 : i32
      %dma_start3A_665 = tpu.memref_slice %arg10[%dma_start3A_663, %dma_start3A_664] : memref<100096x16xf32, #tpu.memory_space<vmem_shared>> -> memref<100096x16xf32, #tpu.memory_space<vmem_shared>>
      %dma_start3A_666 = tpu.memref_slice %arg14[%dma_start3A_655] : memref<6x!tpu.dma_semaphore, #tpu.memory_space<semaphore_mem>> -> memref<1x!tpu.dma_semaphore, #tpu.memory_space<semaphore_mem>>
      %dma_start3A_667 = tpu.memref_squeeze %dma_start3A_666 : memref<1x!tpu.dma_semaphore, #tpu.memory_space<semaphore_mem>> -> memref<!tpu.dma_semaphore, #tpu.memory_space<semaphore_mem>>
      tpu.enqueue_indirect_dma source(%dma_start3A_659 : memref<100x16xf32, #tpu.memory_space<vmem>>) target(%dma_start3A_665 : memref<100096x16xf32, #tpu.memory_space<vmem_shared>>) offsets(%dma_start3A_662 : memref<100xi32, #tpu.memory_space<vmem>>) semaphore(%dma_start3A_667 : memref<!tpu.dma_semaphore, #tpu.memory_space<semaphore_mem>>) {add = true}
      %add3A_668 = arith.constant 5 : i32
      %add3A_669 = arith.addi %sub3A_452, %add3A_668 : i32
      %ge3A_670 = arith.constant 20 : i32
      %ge3A_671 = arith.cmpi sge, %add3A_669, %ge3A_670 : i32
      %jit3A_672 = arith.constant 1 : i32
      %jit3A_673 = arith.constant 0 : i32
      %select_n3A_674 = arith.select %ge3A_671, %jit3A_672, %jit3A_673 : i32
      %add3A_675 = arith.addi %select_n3A, %select_n3A_674 : i32
      %rem3A_676 = arith.constant 2 : i32
      %rem3A_677 = arith.remsi %add3A_675, %rem3A_676 : i32
      %mul3A_678 = arith.constant 20 : i32
      %mul3A_679 = arith.muli %mul3A_678, %select_n3A_674 : i32
      %sub3A_680 = arith.subi %add3A_669, %mul3A_679 : i32
      %ge3A_681 = arith.constant 1 : i32
      %ge3A_682 = arith.cmpi sge, %scan3A_431, %ge3A_681 : i32
      %convert_element_type3A_683 = arith.extui %ge3A_682 : i1 to i32
      %cond3A_684 = arith.constant 0 : i32
      %cond3A_685 = arith.cmpi ne, %convert_element_type3A_683, %cond3A_684 : i32
      scf.if %cond3A_685 {
        %dma_wait3A_1037 = arith.constant 5 : i32
        %dma_wait3A_1038 = arith.constant 0 : i32
        %dma_wait3A_1039 = arith.constant 0 : i32
        %dma_wait3A_1040 = arith.constant 5 : i32
        %dma_wait3A_1041 = arith.constant 0 : i32
        %dma_wait3A_1042 = arith.constant 0 : i32
        %dma_wait3A_1043 = tpu.memref_slice %arg8[%dma_wait3A_1037, %dma_wait3A_1041, %dma_wait3A_1042] : memref<6x100x16xf32, #tpu.memory_space<vmem>> -> memref<1x100x16xf32, #tpu.memory_space<vmem>>
        %dma_wait3A_1044 = tpu.memref_squeeze %dma_wait3A_1043 : memref<1x100x16xf32, #tpu.memory_space<vmem>> -> memref<100x16xf32, #tpu.memory_space<vmem>>
        %dma_wait3A_1045 = arith.constant 0 : i32
        %dma_wait3A_1046 = tpu.memref_slice %arg7[%dma_wait3A_1038, %dma_wait3A_1039, %dma_wait3A_1045] : memref<2x20x100xi32, #tpu.memory_space<vmem>> -> memref<1x1x100xi32, #tpu.memory_space<vmem>>
        %dma_wait3A_1047 = tpu.memref_squeeze %dma_wait3A_1046 : memref<1x1x100xi32, #tpu.memory_space<vmem>> -> memref<100xi32, #tpu.memory_space<vmem>>
        %dma_wait3A_1048 = arith.constant 0 : i32
        %dma_wait3A_1049 = arith.constant 0 : i32
        %dma_wait3A_1050 = tpu.memref_slice %arg10[%dma_wait3A_1048, %dma_wait3A_1049] : memref<100096x16xf32, #tpu.memory_space<vmem_shared>> -> memref<100096x16xf32, #tpu.memory_space<vmem_shared>>
        %dma_wait3A_1051 = tpu.memref_slice %arg13[%dma_wait3A_1040] : memref<6x!tpu.dma_semaphore, #tpu.memory_space<semaphore_mem>> -> memref<1x!tpu.dma_semaphore, #tpu.memory_space<semaphore_mem>>
        %dma_wait3A_1052 = tpu.memref_squeeze %dma_wait3A_1051 : memref<1x!tpu.dma_semaphore, #tpu.memory_space<semaphore_mem>> -> memref<!tpu.dma_semaphore, #tpu.memory_space<semaphore_mem>>
        tpu.wait_indirect_dma semaphore(%dma_wait3A_1052 : memref<!tpu.dma_semaphore, #tpu.memory_space<semaphore_mem>>) src(%dma_wait3A_1044 : memref<100x16xf32, #tpu.memory_space<vmem>>) dst(%dma_wait3A_1050 : memref<100096x16xf32, #tpu.memory_space<vmem_shared>>)
        %dma_wait3A_1053 = arith.constant 5 : i32
        %dma_wait3A_1054 = arith.constant 0 : i32
        %dma_wait3A_1055 = arith.constant 0 : i32
        %dma_wait3A_1056 = arith.constant 5 : i32
        %dma_wait3A_1057 = arith.constant 0 : i32
        %dma_wait3A_1058 = arith.constant 0 : i32
        %dma_wait3A_1059 = tpu.memref_slice %arg9[%dma_wait3A_1053, %dma_wait3A_1057, %dma_wait3A_1058] : memref<6x100x16xf32, #tpu.memory_space<vmem>> -> memref<1x100x16xf32, #tpu.memory_space<vmem>>
        %dma_wait3A_1060 = tpu.memref_squeeze %dma_wait3A_1059 : memref<1x100x16xf32, #tpu.memory_space<vmem>> -> memref<100x16xf32, #tpu.memory_space<vmem>>
        %dma_wait3A_1061 = arith.constant 0 : i32
        %dma_wait3A_1062 = tpu.memref_slice %arg6[%dma_wait3A_1054, %dma_wait3A_1055, %dma_wait3A_1061] : memref<2x20x100xi32, #tpu.memory_space<vmem>> -> memref<1x1x100xi32, #tpu.memory_space<vmem>>
        %dma_wait3A_1063 = tpu.memref_squeeze %dma_wait3A_1062 : memref<1x1x100xi32, #tpu.memory_space<vmem>> -> memref<100xi32, #tpu.memory_space<vmem>>
        %dma_wait3A_1064 = arith.constant 0 : i32
        %dma_wait3A_1065 = arith.constant 0 : i32
        %dma_wait3A_1066 = tpu.memref_slice %arg10[%dma_wait3A_1064, %dma_wait3A_1065] : memref<100096x16xf32, #tpu.memory_space<vmem_shared>> -> memref<100096x16xf32, #tpu.memory_space<vmem_shared>>
        %dma_wait3A_1067 = tpu.memref_slice %arg14[%dma_wait3A_1056] : memref<6x!tpu.dma_semaphore, #tpu.memory_space<semaphore_mem>> -> memref<1x!tpu.dma_semaphore, #tpu.memory_space<semaphore_mem>>
        %dma_wait3A_1068 = tpu.memref_squeeze %dma_wait3A_1067 : memref<1x!tpu.dma_semaphore, #tpu.memory_space<semaphore_mem>> -> memref<!tpu.dma_semaphore, #tpu.memory_space<semaphore_mem>>
        tpu.wait_indirect_dma semaphore(%dma_wait3A_1068 : memref<!tpu.dma_semaphore, #tpu.memory_space<semaphore_mem>>) src(%dma_wait3A_1060 : memref<100x16xf32, #tpu.memory_space<vmem>>) dst(%dma_wait3A_1066 : memref<100096x16xf32, #tpu.memory_space<vmem_shared>>)
        %dma_start3A_1069 = arith.constant 5 : i32
        %dma_start3A_1070 = arith.constant 5 : i32
        %dma_start3A_1071 = arith.constant 0 : i32
        %dma_start3A_1072 = arith.constant 0 : i32
        %dma_start3A_1073 = tpu.memref_slice %arg8[%dma_start3A_1069, %dma_start3A_1071, %dma_start3A_1072] : memref<6x100x16xf32, #tpu.memory_space<vmem>> -> memref<1x100x16xf32, #tpu.memory_space<vmem>>
        %dma_start3A_1074 = tpu.memref_squeeze %dma_start3A_1073 : memref<1x100x16xf32, #tpu.memory_space<vmem>> -> memref<100x16xf32, #tpu.memory_space<vmem>>
        %dma_start3A_1075 = arith.constant 0 : i32
        %dma_start3A_1076 = tpu.memref_slice %arg6[%rem3A_677, %sub3A_680, %dma_start3A_1075] : memref<2x20x100xi32, #tpu.memory_space<vmem>> -> memref<1x1x100xi32, #tpu.memory_space<vmem>>
        %dma_start3A_1077 = tpu.memref_squeeze %dma_start3A_1076 : memref<1x1x100xi32, #tpu.memory_space<vmem>> -> memref<100xi32, #tpu.memory_space<vmem>>
        %dma_start3A_1078 = arith.constant 0 : i32
        %dma_start3A_1079 = arith.constant 0 : i32
        %dma_start3A_1080 = tpu.memref_slice %arg2[%dma_start3A_1078, %dma_start3A_1079] : memref<100096x16xf32, #tpu.memory_space<hbm>> -> memref<100096x16xf32, #tpu.memory_space<hbm>>
        %dma_start3A_1081 = tpu.memref_slice %arg11[%dma_start3A_1070] : memref<6x!tpu.dma_semaphore, #tpu.memory_space<semaphore_mem>> -> memref<1x!tpu.dma_semaphore, #tpu.memory_space<semaphore_mem>>
        %dma_start3A_1082 = tpu.memref_squeeze %dma_start3A_1081 : memref<1x!tpu.dma_semaphore, #tpu.memory_space<semaphore_mem>> -> memref<!tpu.dma_semaphore, #tpu.memory_space<semaphore_mem>>
        tpu.enqueue_indirect_dma source(%dma_start3A_1080 : memref<100096x16xf32, #tpu.memory_space<hbm>>) target(%dma_start3A_1074 : memref<100x16xf32, #tpu.memory_space<vmem>>) offsets(%dma_start3A_1077 : memref<100xi32, #tpu.memory_space<vmem>>) semaphore(%dma_start3A_1082 : memref<!tpu.dma_semaphore, #tpu.memory_space<semaphore_mem>>)
        %dma_start3A_1083 = arith.constant 5 : i32
        %dma_start3A_1084 = arith.constant 5 : i32
        %dma_start3A_1085 = arith.constant 0 : i32
        %dma_start3A_1086 = arith.constant 0 : i32
        %dma_start3A_1087 = tpu.memref_slice %arg9[%dma_start3A_1083, %dma_start3A_1085, %dma_start3A_1086] : memref<6x100x16xf32, #tpu.memory_space<vmem>> -> memref<1x100x16xf32, #tpu.memory_space<vmem>>
        %dma_start3A_1088 = tpu.memref_squeeze %dma_start3A_1087 : memref<1x100x16xf32, #tpu.memory_space<vmem>> -> memref<100x16xf32, #tpu.memory_space<vmem>>
        %dma_start3A_1089 = arith.constant 0 : i32
        %dma_start3A_1090 = tpu.memref_slice %arg7[%rem3A_677, %sub3A_680, %dma_start3A_1089] : memref<2x20x100xi32, #tpu.memory_space<vmem>> -> memref<1x1x100xi32, #tpu.memory_space<vmem>>
        %dma_start3A_1091 = tpu.memref_squeeze %dma_start3A_1090 : memref<1x1x100xi32, #tpu.memory_space<vmem>> -> memref<100xi32, #tpu.memory_space<vmem>>
        %dma_start3A_1092 = arith.constant 0 : i32
        %dma_start3A_1093 = arith.constant 0 : i32
        %dma_start3A_1094 = tpu.memref_slice %arg2[%dma_start3A_1092, %dma_start3A_1093] : memref<100096x16xf32, #tpu.memory_space<hbm>> -> memref<100096x16xf32, #tpu.memory_space<hbm>>
        %dma_start3A_1095 = tpu.memref_slice %arg12[%dma_start3A_1084] : memref<6x!tpu.dma_semaphore, #tpu.memory_space<semaphore_mem>> -> memref<1x!tpu.dma_semaphore, #tpu.memory_space<semaphore_mem>>
        %dma_start3A_1096 = tpu.memref_squeeze %dma_start3A_1095 : memref<1x!tpu.dma_semaphore, #tpu.memory_space<semaphore_mem>> -> memref<!tpu.dma_semaphore, #tpu.memory_space<semaphore_mem>>
        tpu.enqueue_indirect_dma source(%dma_start3A_1094 : memref<100096x16xf32, #tpu.memory_space<hbm>>) target(%dma_start3A_1088 : memref<100x16xf32, #tpu.memory_space<vmem>>) offsets(%dma_start3A_1091 : memref<100xi32, #tpu.memory_space<vmem>>) semaphore(%dma_start3A_1096 : memref<!tpu.dma_semaphore, #tpu.memory_space<semaphore_mem>>)
      } else {
      }
      %eq3A_686 = arith.constant 0 : i32
      %eq3A_687 = arith.cmpi eq, %scan3A_431, %eq3A_686 : i32
      %convert_element_type3A_688 = arith.extui %eq3A_687 : i1 to i32
      %cond3A_689 = arith.constant 0 : i32
      %cond3A_690 = arith.cmpi ne, %convert_element_type3A_688, %cond3A_689 : i32
      scf.if %cond3A_690 {
        %dma_start3A_1037 = arith.constant 5 : i32
        %dma_start3A_1038 = arith.constant 5 : i32
        %dma_start3A_1039 = arith.constant 0 : i32
        %dma_start3A_1040 = arith.constant 0 : i32
        %dma_start3A_1041 = tpu.memref_slice %arg8[%dma_start3A_1037, %dma_start3A_1039, %dma_start3A_1040] : memref<6x100x16xf32, #tpu.memory_space<vmem>> -> memref<1x100x16xf32, #tpu.memory_space<vmem>>
        %dma_start3A_1042 = tpu.memref_squeeze %dma_start3A_1041 : memref<1x100x16xf32, #tpu.memory_space<vmem>> -> memref<100x16xf32, #tpu.memory_space<vmem>>
        %dma_start3A_1043 = arith.constant 0 : i32
        %dma_start3A_1044 = tpu.memref_slice %arg6[%rem3A_677, %sub3A_680, %dma_start3A_1043] : memref<2x20x100xi32, #tpu.memory_space<vmem>> -> memref<1x1x100xi32, #tpu.memory_space<vmem>>
        %dma_start3A_1045 = tpu.memref_squeeze %dma_start3A_1044 : memref<1x1x100xi32, #tpu.memory_space<vmem>> -> memref<100xi32, #tpu.memory_space<vmem>>
        %dma_start3A_1046 = arith.constant 0 : i32
        %dma_start3A_1047 = arith.constant 0 : i32
        %dma_start3A_1048 = tpu.memref_slice %arg2[%dma_start3A_1046, %dma_start3A_1047] : memref<100096x16xf32, #tpu.memory_space<hbm>> -> memref<100096x16xf32, #tpu.memory_space<hbm>>
        %dma_start3A_1049 = tpu.memref_slice %arg11[%dma_start3A_1038] : memref<6x!tpu.dma_semaphore, #tpu.memory_space<semaphore_mem>> -> memref<1x!tpu.dma_semaphore, #tpu.memory_space<semaphore_mem>>
        %dma_start3A_1050 = tpu.memref_squeeze %dma_start3A_1049 : memref<1x!tpu.dma_semaphore, #tpu.memory_space<semaphore_mem>> -> memref<!tpu.dma_semaphore, #tpu.memory_space<semaphore_mem>>
        tpu.enqueue_indirect_dma source(%dma_start3A_1048 : memref<100096x16xf32, #tpu.memory_space<hbm>>) target(%dma_start3A_1042 : memref<100x16xf32, #tpu.memory_space<vmem>>) offsets(%dma_start3A_1045 : memref<100xi32, #tpu.memory_space<vmem>>) semaphore(%dma_start3A_1050 : memref<!tpu.dma_semaphore, #tpu.memory_space<semaphore_mem>>)
        %dma_start3A_1051 = arith.constant 5 : i32
        %dma_start3A_1052 = arith.constant 5 : i32
        %dma_start3A_1053 = arith.constant 0 : i32
        %dma_start3A_1054 = arith.constant 0 : i32
        %dma_start3A_1055 = tpu.memref_slice %arg9[%dma_start3A_1051, %dma_start3A_1053, %dma_start3A_1054] : memref<6x100x16xf32, #tpu.memory_space<vmem>> -> memref<1x100x16xf32, #tpu.memory_space<vmem>>
        %dma_start3A_1056 = tpu.memref_squeeze %dma_start3A_1055 : memref<1x100x16xf32, #tpu.memory_space<vmem>> -> memref<100x16xf32, #tpu.memory_space<vmem>>
        %dma_start3A_1057 = arith.constant 0 : i32
        %dma_start3A_1058 = tpu.memref_slice %arg7[%rem3A_677, %sub3A_680, %dma_start3A_1057] : memref<2x20x100xi32, #tpu.memory_space<vmem>> -> memref<1x1x100xi32, #tpu.memory_space<vmem>>
        %dma_start3A_1059 = tpu.memref_squeeze %dma_start3A_1058 : memref<1x1x100xi32, #tpu.memory_space<vmem>> -> memref<100xi32, #tpu.memory_space<vmem>>
        %dma_start3A_1060 = arith.constant 0 : i32
        %dma_start3A_1061 = arith.constant 0 : i32
        %dma_start3A_1062 = tpu.memref_slice %arg2[%dma_start3A_1060, %dma_start3A_1061] : memref<100096x16xf32, #tpu.memory_space<hbm>> -> memref<100096x16xf32, #tpu.memory_space<hbm>>
        %dma_start3A_1063 = tpu.memref_slice %arg12[%dma_start3A_1052] : memref<6x!tpu.dma_semaphore, #tpu.memory_space<semaphore_mem>> -> memref<1x!tpu.dma_semaphore, #tpu.memory_space<semaphore_mem>>
        %dma_start3A_1064 = tpu.memref_squeeze %dma_start3A_1063 : memref<1x!tpu.dma_semaphore, #tpu.memory_space<semaphore_mem>> -> memref<!tpu.dma_semaphore, #tpu.memory_space<semaphore_mem>>
        tpu.enqueue_indirect_dma source(%dma_start3A_1062 : memref<100096x16xf32, #tpu.memory_space<hbm>>) target(%dma_start3A_1056 : memref<100x16xf32, #tpu.memory_space<vmem>>) offsets(%dma_start3A_1059 : memref<100xi32, #tpu.memory_space<vmem>>) semaphore(%dma_start3A_1064 : memref<!tpu.dma_semaphore, #tpu.memory_space<semaphore_mem>>)
      } else {
      }
      %add3A_691 = arith.constant 2 : i32
      %add3A_692 = arith.addi %sub3A_452, %add3A_691 : i32
      %ge3A_693 = arith.constant 20 : i32
      %ge3A_694 = arith.cmpi sge, %add3A_692, %ge3A_693 : i32
      %jit3A_695 = arith.constant 1 : i32
      %jit3A_696 = arith.constant 0 : i32
      %select_n3A_697 = arith.select %ge3A_694, %jit3A_695, %jit3A_696 : i32
      %add3A_698 = arith.addi %select_n3A, %select_n3A_697 : i32
      %rem3A_699 = arith.constant 2 : i32
      %rem3A_700 = arith.remsi %add3A_698, %rem3A_699 : i32
      %mul3A_701 = arith.constant 20 : i32
      %mul3A_702 = arith.muli %mul3A_701, %select_n3A_697 : i32
      %sub3A_703 = arith.subi %add3A_692, %mul3A_702 : i32
      %dma_wait3A_704 = arith.constant 0 : i32
      %dma_wait3A_705 = arith.constant 0 : i32
      %dma_wait3A_706 = arith.constant 2 : i32
      %dma_wait3A_707 = arith.constant 2 : i32
      %dma_wait3A_708 = arith.constant 0 : i32
      %dma_wait3A_709 = arith.constant 0 : i32
      %dma_wait3A_710 = tpu.memref_slice %arg8[%dma_wait3A_706, %dma_wait3A_708, %dma_wait3A_709] : memref<6x100x16xf32, #tpu.memory_space<vmem>> -> memref<1x100x16xf32, #tpu.memory_space<vmem>>
      %dma_wait3A_711 = tpu.memref_squeeze %dma_wait3A_710 : memref<1x100x16xf32, #tpu.memory_space<vmem>> -> memref<100x16xf32, #tpu.memory_space<vmem>>
      %dma_wait3A_712 = arith.constant 0 : i32
      %dma_wait3A_713 = tpu.memref_slice %arg6[%dma_wait3A_704, %dma_wait3A_705, %dma_wait3A_712] : memref<2x20x100xi32, #tpu.memory_space<vmem>> -> memref<1x1x100xi32, #tpu.memory_space<vmem>>
      %dma_wait3A_714 = tpu.memref_squeeze %dma_wait3A_713 : memref<1x1x100xi32, #tpu.memory_space<vmem>> -> memref<100xi32, #tpu.memory_space<vmem>>
      %dma_wait3A_715 = arith.constant 0 : i32
      %dma_wait3A_716 = arith.constant 0 : i32
      %dma_wait3A_717 = tpu.memref_slice %arg2[%dma_wait3A_715, %dma_wait3A_716] : memref<100096x16xf32, #tpu.memory_space<hbm>> -> memref<100096x16xf32, #tpu.memory_space<hbm>>
      %dma_wait3A_718 = tpu.memref_slice %arg11[%dma_wait3A_707] : memref<6x!tpu.dma_semaphore, #tpu.memory_space<semaphore_mem>> -> memref<1x!tpu.dma_semaphore, #tpu.memory_space<semaphore_mem>>
      %dma_wait3A_719 = tpu.memref_squeeze %dma_wait3A_718 : memref<1x!tpu.dma_semaphore, #tpu.memory_space<semaphore_mem>> -> memref<!tpu.dma_semaphore, #tpu.memory_space<semaphore_mem>>
      tpu.wait_indirect_dma semaphore(%dma_wait3A_719 : memref<!tpu.dma_semaphore, #tpu.memory_space<semaphore_mem>>) src(%dma_wait3A_717 : memref<100096x16xf32, #tpu.memory_space<hbm>>) dst(%dma_wait3A_711 : memref<100x16xf32, #tpu.memory_space<vmem>>)
      %dma_wait3A_720 = arith.constant 0 : i32
      %dma_wait3A_721 = arith.constant 0 : i32
      %dma_wait3A_722 = arith.constant 2 : i32
      %dma_wait3A_723 = arith.constant 2 : i32
      %dma_wait3A_724 = arith.constant 0 : i32
      %dma_wait3A_725 = arith.constant 0 : i32
      %dma_wait3A_726 = tpu.memref_slice %arg9[%dma_wait3A_722, %dma_wait3A_724, %dma_wait3A_725] : memref<6x100x16xf32, #tpu.memory_space<vmem>> -> memref<1x100x16xf32, #tpu.memory_space<vmem>>
      %dma_wait3A_727 = tpu.memref_squeeze %dma_wait3A_726 : memref<1x100x16xf32, #tpu.memory_space<vmem>> -> memref<100x16xf32, #tpu.memory_space<vmem>>
      %dma_wait3A_728 = arith.constant 0 : i32
      %dma_wait3A_729 = tpu.memref_slice %arg7[%dma_wait3A_720, %dma_wait3A_721, %dma_wait3A_728] : memref<2x20x100xi32, #tpu.memory_space<vmem>> -> memref<1x1x100xi32, #tpu.memory_space<vmem>>
      %dma_wait3A_730 = tpu.memref_squeeze %dma_wait3A_729 : memref<1x1x100xi32, #tpu.memory_space<vmem>> -> memref<100xi32, #tpu.memory_space<vmem>>
      %dma_wait3A_731 = arith.constant 0 : i32
      %dma_wait3A_732 = arith.constant 0 : i32
      %dma_wait3A_733 = tpu.memref_slice %arg2[%dma_wait3A_731, %dma_wait3A_732] : memref<100096x16xf32, #tpu.memory_space<hbm>> -> memref<100096x16xf32, #tpu.memory_space<hbm>>
      %dma_wait3A_734 = tpu.memref_slice %arg12[%dma_wait3A_723] : memref<6x!tpu.dma_semaphore, #tpu.memory_space<semaphore_mem>> -> memref<1x!tpu.dma_semaphore, #tpu.memory_space<semaphore_mem>>
      %dma_wait3A_735 = tpu.memref_squeeze %dma_wait3A_734 : memref<1x!tpu.dma_semaphore, #tpu.memory_space<semaphore_mem>> -> memref<!tpu.dma_semaphore, #tpu.memory_space<semaphore_mem>>
      tpu.wait_indirect_dma semaphore(%dma_wait3A_735 : memref<!tpu.dma_semaphore, #tpu.memory_space<semaphore_mem>>) src(%dma_wait3A_733 : memref<100096x16xf32, #tpu.memory_space<hbm>>) dst(%dma_wait3A_727 : memref<100x16xf32, #tpu.memory_space<vmem>>)
      %dma_start3A_736 = arith.constant 2 : i32
      %dma_start3A_737 = arith.constant 2 : i32
      %dma_start3A_738 = arith.constant 0 : i32
      %dma_start3A_739 = arith.constant 0 : i32
      %dma_start3A_740 = tpu.memref_slice %arg8[%dma_start3A_736, %dma_start3A_738, %dma_start3A_739] : memref<6x100x16xf32, #tpu.memory_space<vmem>> -> memref<1x100x16xf32, #tpu.memory_space<vmem>>
      %dma_start3A_741 = tpu.memref_squeeze %dma_start3A_740 : memref<1x100x16xf32, #tpu.memory_space<vmem>> -> memref<100x16xf32, #tpu.memory_space<vmem>>
      %dma_start3A_742 = arith.constant 0 : i32
      %dma_start3A_743 = tpu.memref_slice %arg7[%rem3A_700, %sub3A_703, %dma_start3A_742] : memref<2x20x100xi32, #tpu.memory_space<vmem>> -> memref<1x1x100xi32, #tpu.memory_space<vmem>>
      %dma_start3A_744 = tpu.memref_squeeze %dma_start3A_743 : memref<1x1x100xi32, #tpu.memory_space<vmem>> -> memref<100xi32, #tpu.memory_space<vmem>>
      %dma_start3A_745 = arith.constant 0 : i32
      %dma_start3A_746 = arith.constant 0 : i32
      %dma_start3A_747 = tpu.memref_slice %arg10[%dma_start3A_745, %dma_start3A_746] : memref<100096x16xf32, #tpu.memory_space<vmem_shared>> -> memref<100096x16xf32, #tpu.memory_space<vmem_shared>>
      %dma_start3A_748 = tpu.memref_slice %arg13[%dma_start3A_737] : memref<6x!tpu.dma_semaphore, #tpu.memory_space<semaphore_mem>> -> memref<1x!tpu.dma_semaphore, #tpu.memory_space<semaphore_mem>>
      %dma_start3A_749 = tpu.memref_squeeze %dma_start3A_748 : memref<1x!tpu.dma_semaphore, #tpu.memory_space<semaphore_mem>> -> memref<!tpu.dma_semaphore, #tpu.memory_space<semaphore_mem>>
      tpu.enqueue_indirect_dma source(%dma_start3A_741 : memref<100x16xf32, #tpu.memory_space<vmem>>) target(%dma_start3A_747 : memref<100096x16xf32, #tpu.memory_space<vmem_shared>>) offsets(%dma_start3A_744 : memref<100xi32, #tpu.memory_space<vmem>>) semaphore(%dma_start3A_749 : memref<!tpu.dma_semaphore, #tpu.memory_space<semaphore_mem>>) {add = true}
      %dma_start3A_750 = arith.constant 2 : i32
      %dma_start3A_751 = arith.constant 2 : i32
      %dma_start3A_752 = arith.constant 0 : i32
      %dma_start3A_753 = arith.constant 0 : i32
      %dma_start3A_754 = tpu.memref_slice %arg9[%dma_start3A_750, %dma_start3A_752, %dma_start3A_753] : memref<6x100x16xf32, #tpu.memory_space<vmem>> -> memref<1x100x16xf32, #tpu.memory_space<vmem>>
      %dma_start3A_755 = tpu.memref_squeeze %dma_start3A_754 : memref<1x100x16xf32, #tpu.memory_space<vmem>> -> memref<100x16xf32, #tpu.memory_space<vmem>>
      %dma_start3A_756 = arith.constant 0 : i32
      %dma_start3A_757 = tpu.memref_slice %arg6[%rem3A_700, %sub3A_703, %dma_start3A_756] : memref<2x20x100xi32, #tpu.memory_space<vmem>> -> memref<1x1x100xi32, #tpu.memory_space<vmem>>
      %dma_start3A_758 = tpu.memref_squeeze %dma_start3A_757 : memref<1x1x100xi32, #tpu.memory_space<vmem>> -> memref<100xi32, #tpu.memory_space<vmem>>
      %dma_start3A_759 = arith.constant 0 : i32
      %dma_start3A_760 = arith.constant 0 : i32
      %dma_start3A_761 = tpu.memref_slice %arg10[%dma_start3A_759, %dma_start3A_760] : memref<100096x16xf32, #tpu.memory_space<vmem_shared>> -> memref<100096x16xf32, #tpu.memory_space<vmem_shared>>
      %dma_start3A_762 = tpu.memref_slice %arg14[%dma_start3A_751] : memref<6x!tpu.dma_semaphore, #tpu.memory_space<semaphore_mem>> -> memref<1x!tpu.dma_semaphore, #tpu.memory_space<semaphore_mem>>
      %dma_start3A_763 = tpu.memref_squeeze %dma_start3A_762 : memref<1x!tpu.dma_semaphore, #tpu.memory_space<semaphore_mem>> -> memref<!tpu.dma_semaphore, #tpu.memory_space<semaphore_mem>>
      tpu.enqueue_indirect_dma source(%dma_start3A_755 : memref<100x16xf32, #tpu.memory_space<vmem>>) target(%dma_start3A_761 : memref<100096x16xf32, #tpu.memory_space<vmem_shared>>) offsets(%dma_start3A_758 : memref<100xi32, #tpu.memory_space<vmem>>) semaphore(%dma_start3A_763 : memref<!tpu.dma_semaphore, #tpu.memory_space<semaphore_mem>>) {add = true}
      %add3A_764 = arith.constant 6 : i32
      %add3A_765 = arith.addi %sub3A_452, %add3A_764 : i32
      %ge3A_766 = arith.constant 20 : i32
      %ge3A_767 = arith.cmpi sge, %add3A_765, %ge3A_766 : i32
      %jit3A_768 = arith.constant 1 : i32
      %jit3A_769 = arith.constant 0 : i32
      %select_n3A_770 = arith.select %ge3A_767, %jit3A_768, %jit3A_769 : i32
      %add3A_771 = arith.addi %select_n3A, %select_n3A_770 : i32
      %rem3A_772 = arith.constant 2 : i32
      %rem3A_773 = arith.remsi %add3A_771, %rem3A_772 : i32
      %mul3A_774 = arith.constant 20 : i32
      %mul3A_775 = arith.muli %mul3A_774, %select_n3A_770 : i32
      %sub3A_776 = arith.subi %add3A_765, %mul3A_775 : i32
      %le3A_777 = arith.constant 164 : i32
      %le3A_778 = arith.cmpi sle, %scan3A_431, %le3A_777 : i32
      %convert_element_type3A_779 = arith.extui %le3A_778 : i1 to i32
      %cond3A_780 = arith.constant 0 : i32
      %cond3A_781 = arith.cmpi ne, %convert_element_type3A_779, %cond3A_780 : i32
      scf.if %cond3A_781 {
        %dma_wait3A_1037 = arith.constant 0 : i32
        %dma_wait3A_1038 = arith.constant 0 : i32
        %dma_wait3A_1039 = arith.constant 0 : i32
        %dma_wait3A_1040 = arith.constant 0 : i32
        %dma_wait3A_1041 = arith.constant 0 : i32
        %dma_wait3A_1042 = arith.constant 0 : i32
        %dma_wait3A_1043 = tpu.memref_slice %arg8[%dma_wait3A_1037, %dma_wait3A_1041, %dma_wait3A_1042] : memref<6x100x16xf32, #tpu.memory_space<vmem>> -> memref<1x100x16xf32, #tpu.memory_space<vmem>>
        %dma_wait3A_1044 = tpu.memref_squeeze %dma_wait3A_1043 : memref<1x100x16xf32, #tpu.memory_space<vmem>> -> memref<100x16xf32, #tpu.memory_space<vmem>>
        %dma_wait3A_1045 = arith.constant 0 : i32
        %dma_wait3A_1046 = tpu.memref_slice %arg7[%dma_wait3A_1038, %dma_wait3A_1039, %dma_wait3A_1045] : memref<2x20x100xi32, #tpu.memory_space<vmem>> -> memref<1x1x100xi32, #tpu.memory_space<vmem>>
        %dma_wait3A_1047 = tpu.memref_squeeze %dma_wait3A_1046 : memref<1x1x100xi32, #tpu.memory_space<vmem>> -> memref<100xi32, #tpu.memory_space<vmem>>
        %dma_wait3A_1048 = arith.constant 0 : i32
        %dma_wait3A_1049 = arith.constant 0 : i32
        %dma_wait3A_1050 = tpu.memref_slice %arg10[%dma_wait3A_1048, %dma_wait3A_1049] : memref<100096x16xf32, #tpu.memory_space<vmem_shared>> -> memref<100096x16xf32, #tpu.memory_space<vmem_shared>>
        %dma_wait3A_1051 = tpu.memref_slice %arg13[%dma_wait3A_1040] : memref<6x!tpu.dma_semaphore, #tpu.memory_space<semaphore_mem>> -> memref<1x!tpu.dma_semaphore, #tpu.memory_space<semaphore_mem>>
        %dma_wait3A_1052 = tpu.memref_squeeze %dma_wait3A_1051 : memref<1x!tpu.dma_semaphore, #tpu.memory_space<semaphore_mem>> -> memref<!tpu.dma_semaphore, #tpu.memory_space<semaphore_mem>>
        tpu.wait_indirect_dma semaphore(%dma_wait3A_1052 : memref<!tpu.dma_semaphore, #tpu.memory_space<semaphore_mem>>) src(%dma_wait3A_1044 : memref<100x16xf32, #tpu.memory_space<vmem>>) dst(%dma_wait3A_1050 : memref<100096x16xf32, #tpu.memory_space<vmem_shared>>)
        %dma_wait3A_1053 = arith.constant 0 : i32
        %dma_wait3A_1054 = arith.constant 0 : i32
        %dma_wait3A_1055 = arith.constant 0 : i32
        %dma_wait3A_1056 = arith.constant 0 : i32
        %dma_wait3A_1057 = arith.constant 0 : i32
        %dma_wait3A_1058 = arith.constant 0 : i32
        %dma_wait3A_1059 = tpu.memref_slice %arg9[%dma_wait3A_1053, %dma_wait3A_1057, %dma_wait3A_1058] : memref<6x100x16xf32, #tpu.memory_space<vmem>> -> memref<1x100x16xf32, #tpu.memory_space<vmem>>
        %dma_wait3A_1060 = tpu.memref_squeeze %dma_wait3A_1059 : memref<1x100x16xf32, #tpu.memory_space<vmem>> -> memref<100x16xf32, #tpu.memory_space<vmem>>
        %dma_wait3A_1061 = arith.constant 0 : i32
        %dma_wait3A_1062 = tpu.memref_slice %arg6[%dma_wait3A_1054, %dma_wait3A_1055, %dma_wait3A_1061] : memref<2x20x100xi32, #tpu.memory_space<vmem>> -> memref<1x1x100xi32, #tpu.memory_space<vmem>>
        %dma_wait3A_1063 = tpu.memref_squeeze %dma_wait3A_1062 : memref<1x1x100xi32, #tpu.memory_space<vmem>> -> memref<100xi32, #tpu.memory_space<vmem>>
        %dma_wait3A_1064 = arith.constant 0 : i32
        %dma_wait3A_1065 = arith.constant 0 : i32
        %dma_wait3A_1066 = tpu.memref_slice %arg10[%dma_wait3A_1064, %dma_wait3A_1065] : memref<100096x16xf32, #tpu.memory_space<vmem_shared>> -> memref<100096x16xf32, #tpu.memory_space<vmem_shared>>
        %dma_wait3A_1067 = tpu.memref_slice %arg14[%dma_wait3A_1056] : memref<6x!tpu.dma_semaphore, #tpu.memory_space<semaphore_mem>> -> memref<1x!tpu.dma_semaphore, #tpu.memory_space<semaphore_mem>>
        %dma_wait3A_1068 = tpu.memref_squeeze %dma_wait3A_1067 : memref<1x!tpu.dma_semaphore, #tpu.memory_space<semaphore_mem>> -> memref<!tpu.dma_semaphore, #tpu.memory_space<semaphore_mem>>
        tpu.wait_indirect_dma semaphore(%dma_wait3A_1068 : memref<!tpu.dma_semaphore, #tpu.memory_space<semaphore_mem>>) src(%dma_wait3A_1060 : memref<100x16xf32, #tpu.memory_space<vmem>>) dst(%dma_wait3A_1066 : memref<100096x16xf32, #tpu.memory_space<vmem_shared>>)
        %dma_start3A_1069 = arith.constant 0 : i32
        %dma_start3A_1070 = arith.constant 0 : i32
        %dma_start3A_1071 = arith.constant 0 : i32
        %dma_start3A_1072 = arith.constant 0 : i32
        %dma_start3A_1073 = tpu.memref_slice %arg8[%dma_start3A_1069, %dma_start3A_1071, %dma_start3A_1072] : memref<6x100x16xf32, #tpu.memory_space<vmem>> -> memref<1x100x16xf32, #tpu.memory_space<vmem>>
        %dma_start3A_1074 = tpu.memref_squeeze %dma_start3A_1073 : memref<1x100x16xf32, #tpu.memory_space<vmem>> -> memref<100x16xf32, #tpu.memory_space<vmem>>
        %dma_start3A_1075 = arith.constant 0 : i32
        %dma_start3A_1076 = tpu.memref_slice %arg6[%rem3A_773, %sub3A_776, %dma_start3A_1075] : memref<2x20x100xi32, #tpu.memory_space<vmem>> -> memref<1x1x100xi32, #tpu.memory_space<vmem>>
        %dma_start3A_1077 = tpu.memref_squeeze %dma_start3A_1076 : memref<1x1x100xi32, #tpu.memory_space<vmem>> -> memref<100xi32, #tpu.memory_space<vmem>>
        %dma_start3A_1078 = arith.constant 0 : i32
        %dma_start3A_1079 = arith.constant 0 : i32
        %dma_start3A_1080 = tpu.memref_slice %arg2[%dma_start3A_1078, %dma_start3A_1079] : memref<100096x16xf32, #tpu.memory_space<hbm>> -> memref<100096x16xf32, #tpu.memory_space<hbm>>
        %dma_start3A_1081 = tpu.memref_slice %arg11[%dma_start3A_1070] : memref<6x!tpu.dma_semaphore, #tpu.memory_space<semaphore_mem>> -> memref<1x!tpu.dma_semaphore, #tpu.memory_space<semaphore_mem>>
        %dma_start3A_1082 = tpu.memref_squeeze %dma_start3A_1081 : memref<1x!tpu.dma_semaphore, #tpu.memory_space<semaphore_mem>> -> memref<!tpu.dma_semaphore, #tpu.memory_space<semaphore_mem>>
        tpu.enqueue_indirect_dma source(%dma_start3A_1080 : memref<100096x16xf32, #tpu.memory_space<hbm>>) target(%dma_start3A_1074 : memref<100x16xf32, #tpu.memory_space<vmem>>) offsets(%dma_start3A_1077 : memref<100xi32, #tpu.memory_space<vmem>>) semaphore(%dma_start3A_1082 : memref<!tpu.dma_semaphore, #tpu.memory_space<semaphore_mem>>)
        %dma_start3A_1083 = arith.constant 0 : i32
        %dma_start3A_1084 = arith.constant 0 : i32
        %dma_start3A_1085 = arith.constant 0 : i32
        %dma_start3A_1086 = arith.constant 0 : i32
        %dma_start3A_1087 = tpu.memref_slice %arg9[%dma_start3A_1083, %dma_start3A_1085, %dma_start3A_1086] : memref<6x100x16xf32, #tpu.memory_space<vmem>> -> memref<1x100x16xf32, #tpu.memory_space<vmem>>
        %dma_start3A_1088 = tpu.memref_squeeze %dma_start3A_1087 : memref<1x100x16xf32, #tpu.memory_space<vmem>> -> memref<100x16xf32, #tpu.memory_space<vmem>>
        %dma_start3A_1089 = arith.constant 0 : i32
        %dma_start3A_1090 = tpu.memref_slice %arg7[%rem3A_773, %sub3A_776, %dma_start3A_1089] : memref<2x20x100xi32, #tpu.memory_space<vmem>> -> memref<1x1x100xi32, #tpu.memory_space<vmem>>
        %dma_start3A_1091 = tpu.memref_squeeze %dma_start3A_1090 : memref<1x1x100xi32, #tpu.memory_space<vmem>> -> memref<100xi32, #tpu.memory_space<vmem>>
        %dma_start3A_1092 = arith.constant 0 : i32
        %dma_start3A_1093 = arith.constant 0 : i32
        %dma_start3A_1094 = tpu.memref_slice %arg2[%dma_start3A_1092, %dma_start3A_1093] : memref<100096x16xf32, #tpu.memory_space<hbm>> -> memref<100096x16xf32, #tpu.memory_space<hbm>>
        %dma_start3A_1095 = tpu.memref_slice %arg12[%dma_start3A_1084] : memref<6x!tpu.dma_semaphore, #tpu.memory_space<semaphore_mem>> -> memref<1x!tpu.dma_semaphore, #tpu.memory_space<semaphore_mem>>
        %dma_start3A_1096 = tpu.memref_squeeze %dma_start3A_1095 : memref<1x!tpu.dma_semaphore, #tpu.memory_space<semaphore_mem>> -> memref<!tpu.dma_semaphore, #tpu.memory_space<semaphore_mem>>
        tpu.enqueue_indirect_dma source(%dma_start3A_1094 : memref<100096x16xf32, #tpu.memory_space<hbm>>) target(%dma_start3A_1088 : memref<100x16xf32, #tpu.memory_space<vmem>>) offsets(%dma_start3A_1091 : memref<100xi32, #tpu.memory_space<vmem>>) semaphore(%dma_start3A_1096 : memref<!tpu.dma_semaphore, #tpu.memory_space<semaphore_mem>>)
      } else {
      }
      %add3A_782 = arith.constant 3 : i32
      %add3A_783 = arith.addi %sub3A_452, %add3A_782 : i32
      %ge3A_784 = arith.constant 20 : i32
      %ge3A_785 = arith.cmpi sge, %add3A_783, %ge3A_784 : i32
      %jit3A_786 = arith.constant 1 : i32
      %jit3A_787 = arith.constant 0 : i32
      %select_n3A_788 = arith.select %ge3A_785, %jit3A_786, %jit3A_787 : i32
      %add3A_789 = arith.addi %select_n3A, %select_n3A_788 : i32
      %rem3A_790 = arith.constant 2 : i32
      %rem3A_791 = arith.remsi %add3A_789, %rem3A_790 : i32
      %mul3A_792 = arith.constant 20 : i32
      %mul3A_793 = arith.muli %mul3A_792, %select_n3A_788 : i32
      %sub3A_794 = arith.subi %add3A_783, %mul3A_793 : i32
      %dma_wait3A_795 = arith.constant 0 : i32
      %dma_wait3A_796 = arith.constant 0 : i32
      %dma_wait3A_797 = arith.constant 3 : i32
      %dma_wait3A_798 = arith.constant 3 : i32
      %dma_wait3A_799 = arith.constant 0 : i32
      %dma_wait3A_800 = arith.constant 0 : i32
      %dma_wait3A_801 = tpu.memref_slice %arg8[%dma_wait3A_797, %dma_wait3A_799, %dma_wait3A_800] : memref<6x100x16xf32, #tpu.memory_space<vmem>> -> memref<1x100x16xf32, #tpu.memory_space<vmem>>
      %dma_wait3A_802 = tpu.memref_squeeze %dma_wait3A_801 : memref<1x100x16xf32, #tpu.memory_space<vmem>> -> memref<100x16xf32, #tpu.memory_space<vmem>>
      %dma_wait3A_803 = arith.constant 0 : i32
      %dma_wait3A_804 = tpu.memref_slice %arg6[%dma_wait3A_795, %dma_wait3A_796, %dma_wait3A_803] : memref<2x20x100xi32, #tpu.memory_space<vmem>> -> memref<1x1x100xi32, #tpu.memory_space<vmem>>
      %dma_wait3A_805 = tpu.memref_squeeze %dma_wait3A_804 : memref<1x1x100xi32, #tpu.memory_space<vmem>> -> memref<100xi32, #tpu.memory_space<vmem>>
      %dma_wait3A_806 = arith.constant 0 : i32
      %dma_wait3A_807 = arith.constant 0 : i32
      %dma_wait3A_808 = tpu.memref_slice %arg2[%dma_wait3A_806, %dma_wait3A_807] : memref<100096x16xf32, #tpu.memory_space<hbm>> -> memref<100096x16xf32, #tpu.memory_space<hbm>>
      %dma_wait3A_809 = tpu.memref_slice %arg11[%dma_wait3A_798] : memref<6x!tpu.dma_semaphore, #tpu.memory_space<semaphore_mem>> -> memref<1x!tpu.dma_semaphore, #tpu.memory_space<semaphore_mem>>
      %dma_wait3A_810 = tpu.memref_squeeze %dma_wait3A_809 : memref<1x!tpu.dma_semaphore, #tpu.memory_space<semaphore_mem>> -> memref<!tpu.dma_semaphore, #tpu.memory_space<semaphore_mem>>
      tpu.wait_indirect_dma semaphore(%dma_wait3A_810 : memref<!tpu.dma_semaphore, #tpu.memory_space<semaphore_mem>>) src(%dma_wait3A_808 : memref<100096x16xf32, #tpu.memory_space<hbm>>) dst(%dma_wait3A_802 : memref<100x16xf32, #tpu.memory_space<vmem>>)
      %dma_wait3A_811 = arith.constant 0 : i32
      %dma_wait3A_812 = arith.constant 0 : i32
      %dma_wait3A_813 = arith.constant 3 : i32
      %dma_wait3A_814 = arith.constant 3 : i32
      %dma_wait3A_815 = arith.constant 0 : i32
      %dma_wait3A_816 = arith.constant 0 : i32
      %dma_wait3A_817 = tpu.memref_slice %arg9[%dma_wait3A_813, %dma_wait3A_815, %dma_wait3A_816] : memref<6x100x16xf32, #tpu.memory_space<vmem>> -> memref<1x100x16xf32, #tpu.memory_space<vmem>>
      %dma_wait3A_818 = tpu.memref_squeeze %dma_wait3A_817 : memref<1x100x16xf32, #tpu.memory_space<vmem>> -> memref<100x16xf32, #tpu.memory_space<vmem>>
      %dma_wait3A_819 = arith.constant 0 : i32
      %dma_wait3A_820 = tpu.memref_slice %arg7[%dma_wait3A_811, %dma_wait3A_812, %dma_wait3A_819] : memref<2x20x100xi32, #tpu.memory_space<vmem>> -> memref<1x1x100xi32, #tpu.memory_space<vmem>>
      %dma_wait3A_821 = tpu.memref_squeeze %dma_wait3A_820 : memref<1x1x100xi32, #tpu.memory_space<vmem>> -> memref<100xi32, #tpu.memory_space<vmem>>
      %dma_wait3A_822 = arith.constant 0 : i32
      %dma_wait3A_823 = arith.constant 0 : i32
      %dma_wait3A_824 = tpu.memref_slice %arg2[%dma_wait3A_822, %dma_wait3A_823] : memref<100096x16xf32, #tpu.memory_space<hbm>> -> memref<100096x16xf32, #tpu.memory_space<hbm>>
      %dma_wait3A_825 = tpu.memref_slice %arg12[%dma_wait3A_814] : memref<6x!tpu.dma_semaphore, #tpu.memory_space<semaphore_mem>> -> memref<1x!tpu.dma_semaphore, #tpu.memory_space<semaphore_mem>>
      %dma_wait3A_826 = tpu.memref_squeeze %dma_wait3A_825 : memref<1x!tpu.dma_semaphore, #tpu.memory_space<semaphore_mem>> -> memref<!tpu.dma_semaphore, #tpu.memory_space<semaphore_mem>>
      tpu.wait_indirect_dma semaphore(%dma_wait3A_826 : memref<!tpu.dma_semaphore, #tpu.memory_space<semaphore_mem>>) src(%dma_wait3A_824 : memref<100096x16xf32, #tpu.memory_space<hbm>>) dst(%dma_wait3A_818 : memref<100x16xf32, #tpu.memory_space<vmem>>)
      %dma_start3A_827 = arith.constant 3 : i32
      %dma_start3A_828 = arith.constant 3 : i32
      %dma_start3A_829 = arith.constant 0 : i32
      %dma_start3A_830 = arith.constant 0 : i32
      %dma_start3A_831 = tpu.memref_slice %arg8[%dma_start3A_827, %dma_start3A_829, %dma_start3A_830] : memref<6x100x16xf32, #tpu.memory_space<vmem>> -> memref<1x100x16xf32, #tpu.memory_space<vmem>>
      %dma_start3A_832 = tpu.memref_squeeze %dma_start3A_831 : memref<1x100x16xf32, #tpu.memory_space<vmem>> -> memref<100x16xf32, #tpu.memory_space<vmem>>
      %dma_start3A_833 = arith.constant 0 : i32
      %dma_start3A_834 = tpu.memref_slice %arg7[%rem3A_791, %sub3A_794, %dma_start3A_833] : memref<2x20x100xi32, #tpu.memory_space<vmem>> -> memref<1x1x100xi32, #tpu.memory_space<vmem>>
      %dma_start3A_835 = tpu.memref_squeeze %dma_start3A_834 : memref<1x1x100xi32, #tpu.memory_space<vmem>> -> memref<100xi32, #tpu.memory_space<vmem>>
      %dma_start3A_836 = arith.constant 0 : i32
      %dma_start3A_837 = arith.constant 0 : i32
      %dma_start3A_838 = tpu.memref_slice %arg10[%dma_start3A_836, %dma_start3A_837] : memref<100096x16xf32, #tpu.memory_space<vmem_shared>> -> memref<100096x16xf32, #tpu.memory_space<vmem_shared>>
      %dma_start3A_839 = tpu.memref_slice %arg13[%dma_start3A_828] : memref<6x!tpu.dma_semaphore, #tpu.memory_space<semaphore_mem>> -> memref<1x!tpu.dma_semaphore, #tpu.memory_space<semaphore_mem>>
      %dma_start3A_840 = tpu.memref_squeeze %dma_start3A_839 : memref<1x!tpu.dma_semaphore, #tpu.memory_space<semaphore_mem>> -> memref<!tpu.dma_semaphore, #tpu.memory_space<semaphore_mem>>
      tpu.enqueue_indirect_dma source(%dma_start3A_832 : memref<100x16xf32, #tpu.memory_space<vmem>>) target(%dma_start3A_838 : memref<100096x16xf32, #tpu.memory_space<vmem_shared>>) offsets(%dma_start3A_835 : memref<100xi32, #tpu.memory_space<vmem>>) semaphore(%dma_start3A_840 : memref<!tpu.dma_semaphore, #tpu.memory_space<semaphore_mem>>) {add = true}
      %dma_start3A_841 = arith.constant 3 : i32
      %dma_start3A_842 = arith.constant 3 : i32
      %dma_start3A_843 = arith.constant 0 : i32
      %dma_start3A_844 = arith.constant 0 : i32
      %dma_start3A_845 = tpu.memref_slice %arg9[%dma_start3A_841, %dma_start3A_843, %dma_start3A_844] : memref<6x100x16xf32, #tpu.memory_space<vmem>> -> memref<1x100x16xf32, #tpu.memory_space<vmem>>
      %dma_start3A_846 = tpu.memref_squeeze %dma_start3A_845 : memref<1x100x16xf32, #tpu.memory_space<vmem>> -> memref<100x16xf32, #tpu.memory_space<vmem>>
      %dma_start3A_847 = arith.constant 0 : i32
      %dma_start3A_848 = tpu.memref_slice %arg6[%rem3A_791, %sub3A_794, %dma_start3A_847] : memref<2x20x100xi32, #tpu.memory_space<vmem>> -> memref<1x1x100xi32, #tpu.memory_space<vmem>>
      %dma_start3A_849 = tpu.memref_squeeze %dma_start3A_848 : memref<1x1x100xi32, #tpu.memory_space<vmem>> -> memref<100xi32, #tpu.memory_space<vmem>>
      %dma_start3A_850 = arith.constant 0 : i32
      %dma_start3A_851 = arith.constant 0 : i32
      %dma_start3A_852 = tpu.memref_slice %arg10[%dma_start3A_850, %dma_start3A_851] : memref<100096x16xf32, #tpu.memory_space<vmem_shared>> -> memref<100096x16xf32, #tpu.memory_space<vmem_shared>>
      %dma_start3A_853 = tpu.memref_slice %arg14[%dma_start3A_842] : memref<6x!tpu.dma_semaphore, #tpu.memory_space<semaphore_mem>> -> memref<1x!tpu.dma_semaphore, #tpu.memory_space<semaphore_mem>>
      %dma_start3A_854 = tpu.memref_squeeze %dma_start3A_853 : memref<1x!tpu.dma_semaphore, #tpu.memory_space<semaphore_mem>> -> memref<!tpu.dma_semaphore, #tpu.memory_space<semaphore_mem>>
      tpu.enqueue_indirect_dma source(%dma_start3A_846 : memref<100x16xf32, #tpu.memory_space<vmem>>) target(%dma_start3A_852 : memref<100096x16xf32, #tpu.memory_space<vmem_shared>>) offsets(%dma_start3A_849 : memref<100xi32, #tpu.memory_space<vmem>>) semaphore(%dma_start3A_854 : memref<!tpu.dma_semaphore, #tpu.memory_space<semaphore_mem>>) {add = true}
      %add3A_855 = arith.constant 7 : i32
      %add3A_856 = arith.addi %sub3A_452, %add3A_855 : i32
      %ge3A_857 = arith.constant 20 : i32
      %ge3A_858 = arith.cmpi sge, %add3A_856, %ge3A_857 : i32
      %jit3A_859 = arith.constant 1 : i32
      %jit3A_860 = arith.constant 0 : i32
      %select_n3A_861 = arith.select %ge3A_858, %jit3A_859, %jit3A_860 : i32
      %add3A_862 = arith.addi %select_n3A, %select_n3A_861 : i32
      %rem3A_863 = arith.constant 2 : i32
      %rem3A_864 = arith.remsi %add3A_862, %rem3A_863 : i32
      %mul3A_865 = arith.constant 20 : i32
      %mul3A_866 = arith.muli %mul3A_865, %select_n3A_861 : i32
      %sub3A_867 = arith.subi %add3A_856, %mul3A_866 : i32
      %le3A_868 = arith.constant 164 : i32
      %le3A_869 = arith.cmpi sle, %scan3A_431, %le3A_868 : i32
      %convert_element_type3A_870 = arith.extui %le3A_869 : i1 to i32
      %cond3A_871 = arith.constant 0 : i32
      %cond3A_872 = arith.cmpi ne, %convert_element_type3A_870, %cond3A_871 : i32
      scf.if %cond3A_872 {
        %dma_wait3A_1037 = arith.constant 1 : i32
        %dma_wait3A_1038 = arith.constant 0 : i32
        %dma_wait3A_1039 = arith.constant 0 : i32
        %dma_wait3A_1040 = arith.constant 1 : i32
        %dma_wait3A_1041 = arith.constant 0 : i32
        %dma_wait3A_1042 = arith.constant 0 : i32
        %dma_wait3A_1043 = tpu.memref_slice %arg8[%dma_wait3A_1037, %dma_wait3A_1041, %dma_wait3A_1042] : memref<6x100x16xf32, #tpu.memory_space<vmem>> -> memref<1x100x16xf32, #tpu.memory_space<vmem>>
        %dma_wait3A_1044 = tpu.memref_squeeze %dma_wait3A_1043 : memref<1x100x16xf32, #tpu.memory_space<vmem>> -> memref<100x16xf32, #tpu.memory_space<vmem>>
        %dma_wait3A_1045 = arith.constant 0 : i32
        %dma_wait3A_1046 = tpu.memref_slice %arg7[%dma_wait3A_1038, %dma_wait3A_1039, %dma_wait3A_1045] : memref<2x20x100xi32, #tpu.memory_space<vmem>> -> memref<1x1x100xi32, #tpu.memory_space<vmem>>
        %dma_wait3A_1047 = tpu.memref_squeeze %dma_wait3A_1046 : memref<1x1x100xi32, #tpu.memory_space<vmem>> -> memref<100xi32, #tpu.memory_space<vmem>>
        %dma_wait3A_1048 = arith.constant 0 : i32
        %dma_wait3A_1049 = arith.constant 0 : i32
        %dma_wait3A_1050 = tpu.memref_slice %arg10[%dma_wait3A_1048, %dma_wait3A_1049] : memref<100096x16xf32, #tpu.memory_space<vmem_shared>> -> memref<100096x16xf32, #tpu.memory_space<vmem_shared>>
        %dma_wait3A_1051 = tpu.memref_slice %arg13[%dma_wait3A_1040] : memref<6x!tpu.dma_semaphore, #tpu.memory_space<semaphore_mem>> -> memref<1x!tpu.dma_semaphore, #tpu.memory_space<semaphore_mem>>
        %dma_wait3A_1052 = tpu.memref_squeeze %dma_wait3A_1051 : memref<1x!tpu.dma_semaphore, #tpu.memory_space<semaphore_mem>> -> memref<!tpu.dma_semaphore, #tpu.memory_space<semaphore_mem>>
        tpu.wait_indirect_dma semaphore(%dma_wait3A_1052 : memref<!tpu.dma_semaphore, #tpu.memory_space<semaphore_mem>>) src(%dma_wait3A_1044 : memref<100x16xf32, #tpu.memory_space<vmem>>) dst(%dma_wait3A_1050 : memref<100096x16xf32, #tpu.memory_space<vmem_shared>>)
        %dma_wait3A_1053 = arith.constant 1 : i32
        %dma_wait3A_1054 = arith.constant 0 : i32
        %dma_wait3A_1055 = arith.constant 0 : i32
        %dma_wait3A_1056 = arith.constant 1 : i32
        %dma_wait3A_1057 = arith.constant 0 : i32
        %dma_wait3A_1058 = arith.constant 0 : i32
        %dma_wait3A_1059 = tpu.memref_slice %arg9[%dma_wait3A_1053, %dma_wait3A_1057, %dma_wait3A_1058] : memref<6x100x16xf32, #tpu.memory_space<vmem>> -> memref<1x100x16xf32, #tpu.memory_space<vmem>>
        %dma_wait3A_1060 = tpu.memref_squeeze %dma_wait3A_1059 : memref<1x100x16xf32, #tpu.memory_space<vmem>> -> memref<100x16xf32, #tpu.memory_space<vmem>>
        %dma_wait3A_1061 = arith.constant 0 : i32
        %dma_wait3A_1062 = tpu.memref_slice %arg6[%dma_wait3A_1054, %dma_wait3A_1055, %dma_wait3A_1061] : memref<2x20x100xi32, #tpu.memory_space<vmem>> -> memref<1x1x100xi32, #tpu.memory_space<vmem>>
        %dma_wait3A_1063 = tpu.memref_squeeze %dma_wait3A_1062 : memref<1x1x100xi32, #tpu.memory_space<vmem>> -> memref<100xi32, #tpu.memory_space<vmem>>
        %dma_wait3A_1064 = arith.constant 0 : i32
        %dma_wait3A_1065 = arith.constant 0 : i32
        %dma_wait3A_1066 = tpu.memref_slice %arg10[%dma_wait3A_1064, %dma_wait3A_1065] : memref<100096x16xf32, #tpu.memory_space<vmem_shared>> -> memref<100096x16xf32, #tpu.memory_space<vmem_shared>>
        %dma_wait3A_1067 = tpu.memref_slice %arg14[%dma_wait3A_1056] : memref<6x!tpu.dma_semaphore, #tpu.memory_space<semaphore_mem>> -> memref<1x!tpu.dma_semaphore, #tpu.memory_space<semaphore_mem>>
        %dma_wait3A_1068 = tpu.memref_squeeze %dma_wait3A_1067 : memref<1x!tpu.dma_semaphore, #tpu.memory_space<semaphore_mem>> -> memref<!tpu.dma_semaphore, #tpu.memory_space<semaphore_mem>>
        tpu.wait_indirect_dma semaphore(%dma_wait3A_1068 : memref<!tpu.dma_semaphore, #tpu.memory_space<semaphore_mem>>) src(%dma_wait3A_1060 : memref<100x16xf32, #tpu.memory_space<vmem>>) dst(%dma_wait3A_1066 : memref<100096x16xf32, #tpu.memory_space<vmem_shared>>)
        %dma_start3A_1069 = arith.constant 1 : i32
        %dma_start3A_1070 = arith.constant 1 : i32
        %dma_start3A_1071 = arith.constant 0 : i32
        %dma_start3A_1072 = arith.constant 0 : i32
        %dma_start3A_1073 = tpu.memref_slice %arg8[%dma_start3A_1069, %dma_start3A_1071, %dma_start3A_1072] : memref<6x100x16xf32, #tpu.memory_space<vmem>> -> memref<1x100x16xf32, #tpu.memory_space<vmem>>
        %dma_start3A_1074 = tpu.memref_squeeze %dma_start3A_1073 : memref<1x100x16xf32, #tpu.memory_space<vmem>> -> memref<100x16xf32, #tpu.memory_space<vmem>>
        %dma_start3A_1075 = arith.constant 0 : i32
        %dma_start3A_1076 = tpu.memref_slice %arg6[%rem3A_864, %sub3A_867, %dma_start3A_1075] : memref<2x20x100xi32, #tpu.memory_space<vmem>> -> memref<1x1x100xi32, #tpu.memory_space<vmem>>
        %dma_start3A_1077 = tpu.memref_squeeze %dma_start3A_1076 : memref<1x1x100xi32, #tpu.memory_space<vmem>> -> memref<100xi32, #tpu.memory_space<vmem>>
        %dma_start3A_1078 = arith.constant 0 : i32
        %dma_start3A_1079 = arith.constant 0 : i32
        %dma_start3A_1080 = tpu.memref_slice %arg2[%dma_start3A_1078, %dma_start3A_1079] : memref<100096x16xf32, #tpu.memory_space<hbm>> -> memref<100096x16xf32, #tpu.memory_space<hbm>>
        %dma_start3A_1081 = tpu.memref_slice %arg11[%dma_start3A_1070] : memref<6x!tpu.dma_semaphore, #tpu.memory_space<semaphore_mem>> -> memref<1x!tpu.dma_semaphore, #tpu.memory_space<semaphore_mem>>
        %dma_start3A_1082 = tpu.memref_squeeze %dma_start3A_1081 : memref<1x!tpu.dma_semaphore, #tpu.memory_space<semaphore_mem>> -> memref<!tpu.dma_semaphore, #tpu.memory_space<semaphore_mem>>
        tpu.enqueue_indirect_dma source(%dma_start3A_1080 : memref<100096x16xf32, #tpu.memory_space<hbm>>) target(%dma_start3A_1074 : memref<100x16xf32, #tpu.memory_space<vmem>>) offsets(%dma_start3A_1077 : memref<100xi32, #tpu.memory_space<vmem>>) semaphore(%dma_start3A_1082 : memref<!tpu.dma_semaphore, #tpu.memory_space<semaphore_mem>>)
        %dma_start3A_1083 = arith.constant 1 : i32
        %dma_start3A_1084 = arith.constant 1 : i32
        %dma_start3A_1085 = arith.constant 0 : i32
        %dma_start3A_1086 = arith.constant 0 : i32
        %dma_start3A_1087 = tpu.memref_slice %arg9[%dma_start3A_1083, %dma_start3A_1085, %dma_start3A_1086] : memref<6x100x16xf32, #tpu.memory_space<vmem>> -> memref<1x100x16xf32, #tpu.memory_space<vmem>>
        %dma_start3A_1088 = tpu.memref_squeeze %dma_start3A_1087 : memref<1x100x16xf32, #tpu.memory_space<vmem>> -> memref<100x16xf32, #tpu.memory_space<vmem>>
        %dma_start3A_1089 = arith.constant 0 : i32
        %dma_start3A_1090 = tpu.memref_slice %arg7[%rem3A_864, %sub3A_867, %dma_start3A_1089] : memref<2x20x100xi32, #tpu.memory_space<vmem>> -> memref<1x1x100xi32, #tpu.memory_space<vmem>>
        %dma_start3A_1091 = tpu.memref_squeeze %dma_start3A_1090 : memref<1x1x100xi32, #tpu.memory_space<vmem>> -> memref<100xi32, #tpu.memory_space<vmem>>
        %dma_start3A_1092 = arith.constant 0 : i32
        %dma_start3A_1093 = arith.constant 0 : i32
        %dma_start3A_1094 = tpu.memref_slice %arg2[%dma_start3A_1092, %dma_start3A_1093] : memref<100096x16xf32, #tpu.memory_space<hbm>> -> memref<100096x16xf32, #tpu.memory_space<hbm>>
        %dma_start3A_1095 = tpu.memref_slice %arg12[%dma_start3A_1084] : memref<6x!tpu.dma_semaphore, #tpu.memory_space<semaphore_mem>> -> memref<1x!tpu.dma_semaphore, #tpu.memory_space<semaphore_mem>>
        %dma_start3A_1096 = tpu.memref_squeeze %dma_start3A_1095 : memref<1x!tpu.dma_semaphore, #tpu.memory_space<semaphore_mem>> -> memref<!tpu.dma_semaphore, #tpu.memory_space<semaphore_mem>>
        tpu.enqueue_indirect_dma source(%dma_start3A_1094 : memref<100096x16xf32, #tpu.memory_space<hbm>>) target(%dma_start3A_1088 : memref<100x16xf32, #tpu.memory_space<vmem>>) offsets(%dma_start3A_1091 : memref<100xi32, #tpu.memory_space<vmem>>) semaphore(%dma_start3A_1096 : memref<!tpu.dma_semaphore, #tpu.memory_space<semaphore_mem>>)
      } else {
      }
      %add3A_873 = arith.constant 4 : i32
      %add3A_874 = arith.addi %sub3A_452, %add3A_873 : i32
      %ge3A_875 = arith.constant 20 : i32
      %ge3A_876 = arith.cmpi sge, %add3A_874, %ge3A_875 : i32
      %jit3A_877 = arith.constant 1 : i32
      %jit3A_878 = arith.constant 0 : i32
      %select_n3A_879 = arith.select %ge3A_876, %jit3A_877, %jit3A_878 : i32
      %add3A_880 = arith.addi %select_n3A, %select_n3A_879 : i32
      %rem3A_881 = arith.constant 2 : i32
      %rem3A_882 = arith.remsi %add3A_880, %rem3A_881 : i32
      %mul3A_883 = arith.constant 20 : i32
      %mul3A_884 = arith.muli %mul3A_883, %select_n3A_879 : i32
      %sub3A_885 = arith.subi %add3A_874, %mul3A_884 : i32
      %dma_wait3A_886 = arith.constant 0 : i32
      %dma_wait3A_887 = arith.constant 0 : i32
      %dma_wait3A_888 = arith.constant 4 : i32
      %dma_wait3A_889 = arith.constant 4 : i32
      %dma_wait3A_890 = arith.constant 0 : i32
      %dma_wait3A_891 = arith.constant 0 : i32
      %dma_wait3A_892 = tpu.memref_slice %arg8[%dma_wait3A_888, %dma_wait3A_890, %dma_wait3A_891] : memref<6x100x16xf32, #tpu.memory_space<vmem>> -> memref<1x100x16xf32, #tpu.memory_space<vmem>>
      %dma_wait3A_893 = tpu.memref_squeeze %dma_wait3A_892 : memref<1x100x16xf32, #tpu.memory_space<vmem>> -> memref<100x16xf32, #tpu.memory_space<vmem>>
      %dma_wait3A_894 = arith.constant 0 : i32
      %dma_wait3A_895 = tpu.memref_slice %arg6[%dma_wait3A_886, %dma_wait3A_887, %dma_wait3A_894] : memref<2x20x100xi32, #tpu.memory_space<vmem>> -> memref<1x1x100xi32, #tpu.memory_space<vmem>>
      %dma_wait3A_896 = tpu.memref_squeeze %dma_wait3A_895 : memref<1x1x100xi32, #tpu.memory_space<vmem>> -> memref<100xi32, #tpu.memory_space<vmem>>
      %dma_wait3A_897 = arith.constant 0 : i32
      %dma_wait3A_898 = arith.constant 0 : i32
      %dma_wait3A_899 = tpu.memref_slice %arg2[%dma_wait3A_897, %dma_wait3A_898] : memref<100096x16xf32, #tpu.memory_space<hbm>> -> memref<100096x16xf32, #tpu.memory_space<hbm>>
      %dma_wait3A_900 = tpu.memref_slice %arg11[%dma_wait3A_889] : memref<6x!tpu.dma_semaphore, #tpu.memory_space<semaphore_mem>> -> memref<1x!tpu.dma_semaphore, #tpu.memory_space<semaphore_mem>>
      %dma_wait3A_901 = tpu.memref_squeeze %dma_wait3A_900 : memref<1x!tpu.dma_semaphore, #tpu.memory_space<semaphore_mem>> -> memref<!tpu.dma_semaphore, #tpu.memory_space<semaphore_mem>>
      tpu.wait_indirect_dma semaphore(%dma_wait3A_901 : memref<!tpu.dma_semaphore, #tpu.memory_space<semaphore_mem>>) src(%dma_wait3A_899 : memref<100096x16xf32, #tpu.memory_space<hbm>>) dst(%dma_wait3A_893 : memref<100x16xf32, #tpu.memory_space<vmem>>)
      %dma_wait3A_902 = arith.constant 0 : i32
      %dma_wait3A_903 = arith.constant 0 : i32
      %dma_wait3A_904 = arith.constant 4 : i32
      %dma_wait3A_905 = arith.constant 4 : i32
      %dma_wait3A_906 = arith.constant 0 : i32
      %dma_wait3A_907 = arith.constant 0 : i32
      %dma_wait3A_908 = tpu.memref_slice %arg9[%dma_wait3A_904, %dma_wait3A_906, %dma_wait3A_907] : memref<6x100x16xf32, #tpu.memory_space<vmem>> -> memref<1x100x16xf32, #tpu.memory_space<vmem>>
      %dma_wait3A_909 = tpu.memref_squeeze %dma_wait3A_908 : memref<1x100x16xf32, #tpu.memory_space<vmem>> -> memref<100x16xf32, #tpu.memory_space<vmem>>
      %dma_wait3A_910 = arith.constant 0 : i32
      %dma_wait3A_911 = tpu.memref_slice %arg7[%dma_wait3A_902, %dma_wait3A_903, %dma_wait3A_910] : memref<2x20x100xi32, #tpu.memory_space<vmem>> -> memref<1x1x100xi32, #tpu.memory_space<vmem>>
      %dma_wait3A_912 = tpu.memref_squeeze %dma_wait3A_911 : memref<1x1x100xi32, #tpu.memory_space<vmem>> -> memref<100xi32, #tpu.memory_space<vmem>>
      %dma_wait3A_913 = arith.constant 0 : i32
      %dma_wait3A_914 = arith.constant 0 : i32
      %dma_wait3A_915 = tpu.memref_slice %arg2[%dma_wait3A_913, %dma_wait3A_914] : memref<100096x16xf32, #tpu.memory_space<hbm>> -> memref<100096x16xf32, #tpu.memory_space<hbm>>
      %dma_wait3A_916 = tpu.memref_slice %arg12[%dma_wait3A_905] : memref<6x!tpu.dma_semaphore, #tpu.memory_space<semaphore_mem>> -> memref<1x!tpu.dma_semaphore, #tpu.memory_space<semaphore_mem>>
      %dma_wait3A_917 = tpu.memref_squeeze %dma_wait3A_916 : memref<1x!tpu.dma_semaphore, #tpu.memory_space<semaphore_mem>> -> memref<!tpu.dma_semaphore, #tpu.memory_space<semaphore_mem>>
      tpu.wait_indirect_dma semaphore(%dma_wait3A_917 : memref<!tpu.dma_semaphore, #tpu.memory_space<semaphore_mem>>) src(%dma_wait3A_915 : memref<100096x16xf32, #tpu.memory_space<hbm>>) dst(%dma_wait3A_909 : memref<100x16xf32, #tpu.memory_space<vmem>>)
      %dma_start3A_918 = arith.constant 4 : i32
      %dma_start3A_919 = arith.constant 4 : i32
      %dma_start3A_920 = arith.constant 0 : i32
      %dma_start3A_921 = arith.constant 0 : i32
      %dma_start3A_922 = tpu.memref_slice %arg8[%dma_start3A_918, %dma_start3A_920, %dma_start3A_921] : memref<6x100x16xf32, #tpu.memory_space<vmem>> -> memref<1x100x16xf32, #tpu.memory_space<vmem>>
      %dma_start3A_923 = tpu.memref_squeeze %dma_start3A_922 : memref<1x100x16xf32, #tpu.memory_space<vmem>> -> memref<100x16xf32, #tpu.memory_space<vmem>>
      %dma_start3A_924 = arith.constant 0 : i32
      %dma_start3A_925 = tpu.memref_slice %arg7[%rem3A_882, %sub3A_885, %dma_start3A_924] : memref<2x20x100xi32, #tpu.memory_space<vmem>> -> memref<1x1x100xi32, #tpu.memory_space<vmem>>
      %dma_start3A_926 = tpu.memref_squeeze %dma_start3A_925 : memref<1x1x100xi32, #tpu.memory_space<vmem>> -> memref<100xi32, #tpu.memory_space<vmem>>
      %dma_start3A_927 = arith.constant 0 : i32
      %dma_start3A_928 = arith.constant 0 : i32
      %dma_start3A_929 = tpu.memref_slice %arg10[%dma_start3A_927, %dma_start3A_928] : memref<100096x16xf32, #tpu.memory_space<vmem_shared>> -> memref<100096x16xf32, #tpu.memory_space<vmem_shared>>
      %dma_start3A_930 = tpu.memref_slice %arg13[%dma_start3A_919] : memref<6x!tpu.dma_semaphore, #tpu.memory_space<semaphore_mem>> -> memref<1x!tpu.dma_semaphore, #tpu.memory_space<semaphore_mem>>
      %dma_start3A_931 = tpu.memref_squeeze %dma_start3A_930 : memref<1x!tpu.dma_semaphore, #tpu.memory_space<semaphore_mem>> -> memref<!tpu.dma_semaphore, #tpu.memory_space<semaphore_mem>>
      tpu.enqueue_indirect_dma source(%dma_start3A_923 : memref<100x16xf32, #tpu.memory_space<vmem>>) target(%dma_start3A_929 : memref<100096x16xf32, #tpu.memory_space<vmem_shared>>) offsets(%dma_start3A_926 : memref<100xi32, #tpu.memory_space<vmem>>) semaphore(%dma_start3A_931 : memref<!tpu.dma_semaphore, #tpu.memory_space<semaphore_mem>>) {add = true}
      %dma_start3A_932 = arith.constant 4 : i32
      %dma_start3A_933 = arith.constant 4 : i32
      %dma_start3A_934 = arith.constant 0 : i32
      %dma_start3A_935 = arith.constant 0 : i32
      %dma_start3A_936 = tpu.memref_slice %arg9[%dma_start3A_932, %dma_start3A_934, %dma_start3A_935] : memref<6x100x16xf32, #tpu.memory_space<vmem>> -> memref<1x100x16xf32, #tpu.memory_space<vmem>>
      %dma_start3A_937 = tpu.memref_squeeze %dma_start3A_936 : memref<1x100x16xf32, #tpu.memory_space<vmem>> -> memref<100x16xf32, #tpu.memory_space<vmem>>
      %dma_start3A_938 = arith.constant 0 : i32
      %dma_start3A_939 = tpu.memref_slice %arg6[%rem3A_882, %sub3A_885, %dma_start3A_938] : memref<2x20x100xi32, #tpu.memory_space<vmem>> -> memref<1x1x100xi32, #tpu.memory_space<vmem>>
      %dma_start3A_940 = tpu.memref_squeeze %dma_start3A_939 : memref<1x1x100xi32, #tpu.memory_space<vmem>> -> memref<100xi32, #tpu.memory_space<vmem>>
      %dma_start3A_941 = arith.constant 0 : i32
      %dma_start3A_942 = arith.constant 0 : i32
      %dma_start3A_943 = tpu.memref_slice %arg10[%dma_start3A_941, %dma_start3A_942] : memref<100096x16xf32, #tpu.memory_space<vmem_shared>> -> memref<100096x16xf32, #tpu.memory_space<vmem_shared>>
      %dma_start3A_944 = tpu.memref_slice %arg14[%dma_start3A_933] : memref<6x!tpu.dma_semaphore, #tpu.memory_space<semaphore_mem>> -> memref<1x!tpu.dma_semaphore, #tpu.memory_space<semaphore_mem>>
      %dma_start3A_945 = tpu.memref_squeeze %dma_start3A_944 : memref<1x!tpu.dma_semaphore, #tpu.memory_space<semaphore_mem>> -> memref<!tpu.dma_semaphore, #tpu.memory_space<semaphore_mem>>
      tpu.enqueue_indirect_dma source(%dma_start3A_937 : memref<100x16xf32, #tpu.memory_space<vmem>>) target(%dma_start3A_943 : memref<100096x16xf32, #tpu.memory_space<vmem_shared>>) offsets(%dma_start3A_940 : memref<100xi32, #tpu.memory_space<vmem>>) semaphore(%dma_start3A_945 : memref<!tpu.dma_semaphore, #tpu.memory_space<semaphore_mem>>) {add = true}
      %add3A_946 = arith.constant 8 : i32
      %add3A_947 = arith.addi %sub3A_452, %add3A_946 : i32
      %ge3A_948 = arith.constant 20 : i32
      %ge3A_949 = arith.cmpi sge, %add3A_947, %ge3A_948 : i32
      %jit3A_950 = arith.constant 1 : i32
      %jit3A_951 = arith.constant 0 : i32
      %select_n3A_952 = arith.select %ge3A_949, %jit3A_950, %jit3A_951 : i32
      %add3A_953 = arith.addi %select_n3A, %select_n3A_952 : i32
      %rem3A_954 = arith.constant 2 : i32
      %rem3A_955 = arith.remsi %add3A_953, %rem3A_954 : i32
      %mul3A_956 = arith.constant 20 : i32
      %mul3A_957 = arith.muli %mul3A_956, %select_n3A_952 : i32
      %sub3A_958 = arith.subi %add3A_947, %mul3A_957 : i32
      %le3A_959 = arith.constant 164 : i32
      %le3A_960 = arith.cmpi sle, %scan3A_431, %le3A_959 : i32
      %convert_element_type3A_961 = arith.extui %le3A_960 : i1 to i32
      %cond3A_962 = arith.constant 0 : i32
      %cond3A_963 = arith.cmpi ne, %convert_element_type3A_961, %cond3A_962 : i32
      scf.if %cond3A_963 {
        %dma_wait3A_1037 = arith.constant 2 : i32
        %dma_wait3A_1038 = arith.constant 0 : i32
        %dma_wait3A_1039 = arith.constant 0 : i32
        %dma_wait3A_1040 = arith.constant 2 : i32
        %dma_wait3A_1041 = arith.constant 0 : i32
        %dma_wait3A_1042 = arith.constant 0 : i32
        %dma_wait3A_1043 = tpu.memref_slice %arg8[%dma_wait3A_1037, %dma_wait3A_1041, %dma_wait3A_1042] : memref<6x100x16xf32, #tpu.memory_space<vmem>> -> memref<1x100x16xf32, #tpu.memory_space<vmem>>
        %dma_wait3A_1044 = tpu.memref_squeeze %dma_wait3A_1043 : memref<1x100x16xf32, #tpu.memory_space<vmem>> -> memref<100x16xf32, #tpu.memory_space<vmem>>
        %dma_wait3A_1045 = arith.constant 0 : i32
        %dma_wait3A_1046 = tpu.memref_slice %arg7[%dma_wait3A_1038, %dma_wait3A_1039, %dma_wait3A_1045] : memref<2x20x100xi32, #tpu.memory_space<vmem>> -> memref<1x1x100xi32, #tpu.memory_space<vmem>>
        %dma_wait3A_1047 = tpu.memref_squeeze %dma_wait3A_1046 : memref<1x1x100xi32, #tpu.memory_space<vmem>> -> memref<100xi32, #tpu.memory_space<vmem>>
        %dma_wait3A_1048 = arith.constant 0 : i32
        %dma_wait3A_1049 = arith.constant 0 : i32
        %dma_wait3A_1050 = tpu.memref_slice %arg10[%dma_wait3A_1048, %dma_wait3A_1049] : memref<100096x16xf32, #tpu.memory_space<vmem_shared>> -> memref<100096x16xf32, #tpu.memory_space<vmem_shared>>
        %dma_wait3A_1051 = tpu.memref_slice %arg13[%dma_wait3A_1040] : memref<6x!tpu.dma_semaphore, #tpu.memory_space<semaphore_mem>> -> memref<1x!tpu.dma_semaphore, #tpu.memory_space<semaphore_mem>>
        %dma_wait3A_1052 = tpu.memref_squeeze %dma_wait3A_1051 : memref<1x!tpu.dma_semaphore, #tpu.memory_space<semaphore_mem>> -> memref<!tpu.dma_semaphore, #tpu.memory_space<semaphore_mem>>
        tpu.wait_indirect_dma semaphore(%dma_wait3A_1052 : memref<!tpu.dma_semaphore, #tpu.memory_space<semaphore_mem>>) src(%dma_wait3A_1044 : memref<100x16xf32, #tpu.memory_space<vmem>>) dst(%dma_wait3A_1050 : memref<100096x16xf32, #tpu.memory_space<vmem_shared>>)
        %dma_wait3A_1053 = arith.constant 2 : i32
        %dma_wait3A_1054 = arith.constant 0 : i32
        %dma_wait3A_1055 = arith.constant 0 : i32
        %dma_wait3A_1056 = arith.constant 2 : i32
        %dma_wait3A_1057 = arith.constant 0 : i32
        %dma_wait3A_1058 = arith.constant 0 : i32
        %dma_wait3A_1059 = tpu.memref_slice %arg9[%dma_wait3A_1053, %dma_wait3A_1057, %dma_wait3A_1058] : memref<6x100x16xf32, #tpu.memory_space<vmem>> -> memref<1x100x16xf32, #tpu.memory_space<vmem>>
        %dma_wait3A_1060 = tpu.memref_squeeze %dma_wait3A_1059 : memref<1x100x16xf32, #tpu.memory_space<vmem>> -> memref<100x16xf32, #tpu.memory_space<vmem>>
        %dma_wait3A_1061 = arith.constant 0 : i32
        %dma_wait3A_1062 = tpu.memref_slice %arg6[%dma_wait3A_1054, %dma_wait3A_1055, %dma_wait3A_1061] : memref<2x20x100xi32, #tpu.memory_space<vmem>> -> memref<1x1x100xi32, #tpu.memory_space<vmem>>
        %dma_wait3A_1063 = tpu.memref_squeeze %dma_wait3A_1062 : memref<1x1x100xi32, #tpu.memory_space<vmem>> -> memref<100xi32, #tpu.memory_space<vmem>>
        %dma_wait3A_1064 = arith.constant 0 : i32
        %dma_wait3A_1065 = arith.constant 0 : i32
        %dma_wait3A_1066 = tpu.memref_slice %arg10[%dma_wait3A_1064, %dma_wait3A_1065] : memref<100096x16xf32, #tpu.memory_space<vmem_shared>> -> memref<100096x16xf32, #tpu.memory_space<vmem_shared>>
        %dma_wait3A_1067 = tpu.memref_slice %arg14[%dma_wait3A_1056] : memref<6x!tpu.dma_semaphore, #tpu.memory_space<semaphore_mem>> -> memref<1x!tpu.dma_semaphore, #tpu.memory_space<semaphore_mem>>
        %dma_wait3A_1068 = tpu.memref_squeeze %dma_wait3A_1067 : memref<1x!tpu.dma_semaphore, #tpu.memory_space<semaphore_mem>> -> memref<!tpu.dma_semaphore, #tpu.memory_space<semaphore_mem>>
        tpu.wait_indirect_dma semaphore(%dma_wait3A_1068 : memref<!tpu.dma_semaphore, #tpu.memory_space<semaphore_mem>>) src(%dma_wait3A_1060 : memref<100x16xf32, #tpu.memory_space<vmem>>) dst(%dma_wait3A_1066 : memref<100096x16xf32, #tpu.memory_space<vmem_shared>>)
        %dma_start3A_1069 = arith.constant 2 : i32
        %dma_start3A_1070 = arith.constant 2 : i32
        %dma_start3A_1071 = arith.constant 0 : i32
        %dma_start3A_1072 = arith.constant 0 : i32
        %dma_start3A_1073 = tpu.memref_slice %arg8[%dma_start3A_1069, %dma_start3A_1071, %dma_start3A_1072] : memref<6x100x16xf32, #tpu.memory_space<vmem>> -> memref<1x100x16xf32, #tpu.memory_space<vmem>>
        %dma_start3A_1074 = tpu.memref_squeeze %dma_start3A_1073 : memref<1x100x16xf32, #tpu.memory_space<vmem>> -> memref<100x16xf32, #tpu.memory_space<vmem>>
        %dma_start3A_1075 = arith.constant 0 : i32
        %dma_start3A_1076 = tpu.memref_slice %arg6[%rem3A_955, %sub3A_958, %dma_start3A_1075] : memref<2x20x100xi32, #tpu.memory_space<vmem>> -> memref<1x1x100xi32, #tpu.memory_space<vmem>>
        %dma_start3A_1077 = tpu.memref_squeeze %dma_start3A_1076 : memref<1x1x100xi32, #tpu.memory_space<vmem>> -> memref<100xi32, #tpu.memory_space<vmem>>
        %dma_start3A_1078 = arith.constant 0 : i32
        %dma_start3A_1079 = arith.constant 0 : i32
        %dma_start3A_1080 = tpu.memref_slice %arg2[%dma_start3A_1078, %dma_start3A_1079] : memref<100096x16xf32, #tpu.memory_space<hbm>> -> memref<100096x16xf32, #tpu.memory_space<hbm>>
        %dma_start3A_1081 = tpu.memref_slice %arg11[%dma_start3A_1070] : memref<6x!tpu.dma_semaphore, #tpu.memory_space<semaphore_mem>> -> memref<1x!tpu.dma_semaphore, #tpu.memory_space<semaphore_mem>>
        %dma_start3A_1082 = tpu.memref_squeeze %dma_start3A_1081 : memref<1x!tpu.dma_semaphore, #tpu.memory_space<semaphore_mem>> -> memref<!tpu.dma_semaphore, #tpu.memory_space<semaphore_mem>>
        tpu.enqueue_indirect_dma source(%dma_start3A_1080 : memref<100096x16xf32, #tpu.memory_space<hbm>>) target(%dma_start3A_1074 : memref<100x16xf32, #tpu.memory_space<vmem>>) offsets(%dma_start3A_1077 : memref<100xi32, #tpu.memory_space<vmem>>) semaphore(%dma_start3A_1082 : memref<!tpu.dma_semaphore, #tpu.memory_space<semaphore_mem>>)
        %dma_start3A_1083 = arith.constant 2 : i32
        %dma_start3A_1084 = arith.constant 2 : i32
        %dma_start3A_1085 = arith.constant 0 : i32
        %dma_start3A_1086 = arith.constant 0 : i32
        %dma_start3A_1087 = tpu.memref_slice %arg9[%dma_start3A_1083, %dma_start3A_1085, %dma_start3A_1086] : memref<6x100x16xf32, #tpu.memory_space<vmem>> -> memref<1x100x16xf32, #tpu.memory_space<vmem>>
        %dma_start3A_1088 = tpu.memref_squeeze %dma_start3A_1087 : memref<1x100x16xf32, #tpu.memory_space<vmem>> -> memref<100x16xf32, #tpu.memory_space<vmem>>
        %dma_start3A_1089 = arith.constant 0 : i32
        %dma_start3A_1090 = tpu.memref_slice %arg7[%rem3A_955, %sub3A_958, %dma_start3A_1089] : memref<2x20x100xi32, #tpu.memory_space<vmem>> -> memref<1x1x100xi32, #tpu.memory_space<vmem>>
        %dma_start3A_1091 = tpu.memref_squeeze %dma_start3A_1090 : memref<1x1x100xi32, #tpu.memory_space<vmem>> -> memref<100xi32, #tpu.memory_space<vmem>>
        %dma_start3A_1092 = arith.constant 0 : i32
        %dma_start3A_1093 = arith.constant 0 : i32
        %dma_start3A_1094 = tpu.memref_slice %arg2[%dma_start3A_1092, %dma_start3A_1093] : memref<100096x16xf32, #tpu.memory_space<hbm>> -> memref<100096x16xf32, #tpu.memory_space<hbm>>
        %dma_start3A_1095 = tpu.memref_slice %arg12[%dma_start3A_1084] : memref<6x!tpu.dma_semaphore, #tpu.memory_space<semaphore_mem>> -> memref<1x!tpu.dma_semaphore, #tpu.memory_space<semaphore_mem>>
        %dma_start3A_1096 = tpu.memref_squeeze %dma_start3A_1095 : memref<1x!tpu.dma_semaphore, #tpu.memory_space<semaphore_mem>> -> memref<!tpu.dma_semaphore, #tpu.memory_space<semaphore_mem>>
        tpu.enqueue_indirect_dma source(%dma_start3A_1094 : memref<100096x16xf32, #tpu.memory_space<hbm>>) target(%dma_start3A_1088 : memref<100x16xf32, #tpu.memory_space<vmem>>) offsets(%dma_start3A_1091 : memref<100xi32, #tpu.memory_space<vmem>>) semaphore(%dma_start3A_1096 : memref<!tpu.dma_semaphore, #tpu.memory_space<semaphore_mem>>)
      } else {
      }
      %add3A_964 = arith.constant 5 : i32
      %add3A_965 = arith.addi %sub3A_452, %add3A_964 : i32
      %ge3A_966 = arith.constant 20 : i32
      %ge3A_967 = arith.cmpi sge, %add3A_965, %ge3A_966 : i32
      %jit3A_968 = arith.constant 1 : i32
      %jit3A_969 = arith.constant 0 : i32
      %select_n3A_970 = arith.select %ge3A_967, %jit3A_968, %jit3A_969 : i32
      %add3A_971 = arith.addi %select_n3A, %select_n3A_970 : i32
      %rem3A_972 = arith.constant 2 : i32
      %rem3A_973 = arith.remsi %add3A_971, %rem3A_972 : i32
      %mul3A_974 = arith.constant 20 : i32
      %mul3A_975 = arith.muli %mul3A_974, %select_n3A_970 : i32
      %sub3A_976 = arith.subi %add3A_965, %mul3A_975 : i32
      %dma_wait3A_977 = arith.constant 0 : i32
      %dma_wait3A_978 = arith.constant 0 : i32
      %dma_wait3A_979 = arith.constant 5 : i32
      %dma_wait3A_980 = arith.constant 5 : i32
      %dma_wait3A_981 = arith.constant 0 : i32
      %dma_wait3A_982 = arith.constant 0 : i32
      %dma_wait3A_983 = tpu.memref_slice %arg8[%dma_wait3A_979, %dma_wait3A_981, %dma_wait3A_982] : memref<6x100x16xf32, #tpu.memory_space<vmem>> -> memref<1x100x16xf32, #tpu.memory_space<vmem>>
      %dma_wait3A_984 = tpu.memref_squeeze %dma_wait3A_983 : memref<1x100x16xf32, #tpu.memory_space<vmem>> -> memref<100x16xf32, #tpu.memory_space<vmem>>
      %dma_wait3A_985 = arith.constant 0 : i32
      %dma_wait3A_986 = tpu.memref_slice %arg6[%dma_wait3A_977, %dma_wait3A_978, %dma_wait3A_985] : memref<2x20x100xi32, #tpu.memory_space<vmem>> -> memref<1x1x100xi32, #tpu.memory_space<vmem>>
      %dma_wait3A_987 = tpu.memref_squeeze %dma_wait3A_986 : memref<1x1x100xi32, #tpu.memory_space<vmem>> -> memref<100xi32, #tpu.memory_space<vmem>>
      %dma_wait3A_988 = arith.constant 0 : i32
      %dma_wait3A_989 = arith.constant 0 : i32
      %dma_wait3A_990 = tpu.memref_slice %arg2[%dma_wait3A_988, %dma_wait3A_989] : memref<100096x16xf32, #tpu.memory_space<hbm>> -> memref<100096x16xf32, #tpu.memory_space<hbm>>
      %dma_wait3A_991 = tpu.memref_slice %arg11[%dma_wait3A_980] : memref<6x!tpu.dma_semaphore, #tpu.memory_space<semaphore_mem>> -> memref<1x!tpu.dma_semaphore, #tpu.memory_space<semaphore_mem>>
      %dma_wait3A_992 = tpu.memref_squeeze %dma_wait3A_991 : memref<1x!tpu.dma_semaphore, #tpu.memory_space<semaphore_mem>> -> memref<!tpu.dma_semaphore, #tpu.memory_space<semaphore_mem>>
      tpu.wait_indirect_dma semaphore(%dma_wait3A_992 : memref<!tpu.dma_semaphore, #tpu.memory_space<semaphore_mem>>) src(%dma_wait3A_990 : memref<100096x16xf32, #tpu.memory_space<hbm>>) dst(%dma_wait3A_984 : memref<100x16xf32, #tpu.memory_space<vmem>>)
      %dma_wait3A_993 = arith.constant 0 : i32
      %dma_wait3A_994 = arith.constant 0 : i32
      %dma_wait3A_995 = arith.constant 5 : i32
      %dma_wait3A_996 = arith.constant 5 : i32
      %dma_wait3A_997 = arith.constant 0 : i32
      %dma_wait3A_998 = arith.constant 0 : i32
      %dma_wait3A_999 = tpu.memref_slice %arg9[%dma_wait3A_995, %dma_wait3A_997, %dma_wait3A_998] : memref<6x100x16xf32, #tpu.memory_space<vmem>> -> memref<1x100x16xf32, #tpu.memory_space<vmem>>
      %dma_wait3A_1000 = tpu.memref_squeeze %dma_wait3A_999 : memref<1x100x16xf32, #tpu.memory_space<vmem>> -> memref<100x16xf32, #tpu.memory_space<vmem>>
      %dma_wait3A_1001 = arith.constant 0 : i32
      %dma_wait3A_1002 = tpu.memref_slice %arg7[%dma_wait3A_993, %dma_wait3A_994, %dma_wait3A_1001] : memref<2x20x100xi32, #tpu.memory_space<vmem>> -> memref<1x1x100xi32, #tpu.memory_space<vmem>>
      %dma_wait3A_1003 = tpu.memref_squeeze %dma_wait3A_1002 : memref<1x1x100xi32, #tpu.memory_space<vmem>> -> memref<100xi32, #tpu.memory_space<vmem>>
      %dma_wait3A_1004 = arith.constant 0 : i32
      %dma_wait3A_1005 = arith.constant 0 : i32
      %dma_wait3A_1006 = tpu.memref_slice %arg2[%dma_wait3A_1004, %dma_wait3A_1005] : memref<100096x16xf32, #tpu.memory_space<hbm>> -> memref<100096x16xf32, #tpu.memory_space<hbm>>
      %dma_wait3A_1007 = tpu.memref_slice %arg12[%dma_wait3A_996] : memref<6x!tpu.dma_semaphore, #tpu.memory_space<semaphore_mem>> -> memref<1x!tpu.dma_semaphore, #tpu.memory_space<semaphore_mem>>
      %dma_wait3A_1008 = tpu.memref_squeeze %dma_wait3A_1007 : memref<1x!tpu.dma_semaphore, #tpu.memory_space<semaphore_mem>> -> memref<!tpu.dma_semaphore, #tpu.memory_space<semaphore_mem>>
      tpu.wait_indirect_dma semaphore(%dma_wait3A_1008 : memref<!tpu.dma_semaphore, #tpu.memory_space<semaphore_mem>>) src(%dma_wait3A_1006 : memref<100096x16xf32, #tpu.memory_space<hbm>>) dst(%dma_wait3A_1000 : memref<100x16xf32, #tpu.memory_space<vmem>>)
      %dma_start3A_1009 = arith.constant 5 : i32
      %dma_start3A_1010 = arith.constant 5 : i32
      %dma_start3A_1011 = arith.constant 0 : i32
      %dma_start3A_1012 = arith.constant 0 : i32
      %dma_start3A_1013 = tpu.memref_slice %arg8[%dma_start3A_1009, %dma_start3A_1011, %dma_start3A_1012] : memref<6x100x16xf32, #tpu.memory_space<vmem>> -> memref<1x100x16xf32, #tpu.memory_space<vmem>>
      %dma_start3A_1014 = tpu.memref_squeeze %dma_start3A_1013 : memref<1x100x16xf32, #tpu.memory_space<vmem>> -> memref<100x16xf32, #tpu.memory_space<vmem>>
      %dma_start3A_1015 = arith.constant 0 : i32
      %dma_start3A_1016 = tpu.memref_slice %arg7[%rem3A_973, %sub3A_976, %dma_start3A_1015] : memref<2x20x100xi32, #tpu.memory_space<vmem>> -> memref<1x1x100xi32, #tpu.memory_space<vmem>>
      %dma_start3A_1017 = tpu.memref_squeeze %dma_start3A_1016 : memref<1x1x100xi32, #tpu.memory_space<vmem>> -> memref<100xi32, #tpu.memory_space<vmem>>
      %dma_start3A_1018 = arith.constant 0 : i32
      %dma_start3A_1019 = arith.constant 0 : i32
      %dma_start3A_1020 = tpu.memref_slice %arg10[%dma_start3A_1018, %dma_start3A_1019] : memref<100096x16xf32, #tpu.memory_space<vmem_shared>> -> memref<100096x16xf32, #tpu.memory_space<vmem_shared>>
      %dma_start3A_1021 = tpu.memref_slice %arg13[%dma_start3A_1010] : memref<6x!tpu.dma_semaphore, #tpu.memory_space<semaphore_mem>> -> memref<1x!tpu.dma_semaphore, #tpu.memory_space<semaphore_mem>>
      %dma_start3A_1022 = tpu.memref_squeeze %dma_start3A_1021 : memref<1x!tpu.dma_semaphore, #tpu.memory_space<semaphore_mem>> -> memref<!tpu.dma_semaphore, #tpu.memory_space<semaphore_mem>>
      tpu.enqueue_indirect_dma source(%dma_start3A_1014 : memref<100x16xf32, #tpu.memory_space<vmem>>) target(%dma_start3A_1020 : memref<100096x16xf32, #tpu.memory_space<vmem_shared>>) offsets(%dma_start3A_1017 : memref<100xi32, #tpu.memory_space<vmem>>) semaphore(%dma_start3A_1022 : memref<!tpu.dma_semaphore, #tpu.memory_space<semaphore_mem>>) {add = true}
      %dma_start3A_1023 = arith.constant 5 : i32
      %dma_start3A_1024 = arith.constant 5 : i32
      %dma_start3A_1025 = arith.constant 0 : i32
      %dma_start3A_1026 = arith.constant 0 : i32
      %dma_start3A_1027 = tpu.memref_slice %arg9[%dma_start3A_1023, %dma_start3A_1025, %dma_start3A_1026] : memref<6x100x16xf32, #tpu.memory_space<vmem>> -> memref<1x100x16xf32, #tpu.memory_space<vmem>>
      %dma_start3A_1028 = tpu.memref_squeeze %dma_start3A_1027 : memref<1x100x16xf32, #tpu.memory_space<vmem>> -> memref<100x16xf32, #tpu.memory_space<vmem>>
      %dma_start3A_1029 = arith.constant 0 : i32
      %dma_start3A_1030 = tpu.memref_slice %arg6[%rem3A_973, %sub3A_976, %dma_start3A_1029] : memref<2x20x100xi32, #tpu.memory_space<vmem>> -> memref<1x1x100xi32, #tpu.memory_space<vmem>>
      %dma_start3A_1031 = tpu.memref_squeeze %dma_start3A_1030 : memref<1x1x100xi32, #tpu.memory_space<vmem>> -> memref<100xi32, #tpu.memory_space<vmem>>
      %dma_start3A_1032 = arith.constant 0 : i32
      %dma_start3A_1033 = arith.constant 0 : i32
      %dma_start3A_1034 = tpu.memref_slice %arg10[%dma_start3A_1032, %dma_start3A_1033] : memref<100096x16xf32, #tpu.memory_space<vmem_shared>> -> memref<100096x16xf32, #tpu.memory_space<vmem_shared>>
      %dma_start3A_1035 = tpu.memref_slice %arg14[%dma_start3A_1024] : memref<6x!tpu.dma_semaphore, #tpu.memory_space<semaphore_mem>> -> memref<1x!tpu.dma_semaphore, #tpu.memory_space<semaphore_mem>>
      %dma_start3A_1036 = tpu.memref_squeeze %dma_start3A_1035 : memref<1x!tpu.dma_semaphore, #tpu.memory_space<semaphore_mem>> -> memref<!tpu.dma_semaphore, #tpu.memory_space<semaphore_mem>>
      tpu.enqueue_indirect_dma source(%dma_start3A_1028 : memref<100x16xf32, #tpu.memory_space<vmem>>) target(%dma_start3A_1034 : memref<100096x16xf32, #tpu.memory_space<vmem_shared>>) offsets(%dma_start3A_1031 : memref<100xi32, #tpu.memory_space<vmem>>) semaphore(%dma_start3A_1036 : memref<!tpu.dma_semaphore, #tpu.memory_space<semaphore_mem>>) {add = true}
    }
    %scan3A_227 = arith.constant 166 : i32
    %dma_wait3A_228 = arith.constant 0 : i32
    %dma_wait3A_229 = arith.constant 0 : i32
    %dma_wait3A_230 = arith.constant 0 : i32
    %dma_wait3A_231 = arith.constant 0 : i32
    %dma_wait3A_232 = arith.constant 0 : i32
    %dma_wait3A_233 = arith.constant 0 : i32
    %dma_wait3A_234 = tpu.memref_slice %arg8[%dma_wait3A_228, %dma_wait3A_232, %dma_wait3A_233] : memref<6x100x16xf32, #tpu.memory_space<vmem>> -> memref<1x100x16xf32, #tpu.memory_space<vmem>>
    %dma_wait3A_235 = tpu.memref_squeeze %dma_wait3A_234 : memref<1x100x16xf32, #tpu.memory_space<vmem>> -> memref<100x16xf32, #tpu.memory_space<vmem>>
    %dma_wait3A_236 = arith.constant 0 : i32
    %dma_wait3A_237 = tpu.memref_slice %arg7[%dma_wait3A_229, %dma_wait3A_230, %dma_wait3A_236] : memref<2x20x100xi32, #tpu.memory_space<vmem>> -> memref<1x1x100xi32, #tpu.memory_space<vmem>>
    %dma_wait3A_238 = tpu.memref_squeeze %dma_wait3A_237 : memref<1x1x100xi32, #tpu.memory_space<vmem>> -> memref<100xi32, #tpu.memory_space<vmem>>
    %dma_wait3A_239 = arith.constant 0 : i32
    %dma_wait3A_240 = arith.constant 0 : i32
    %dma_wait3A_241 = tpu.memref_slice %arg10[%dma_wait3A_239, %dma_wait3A_240] : memref<100096x16xf32, #tpu.memory_space<vmem_shared>> -> memref<100096x16xf32, #tpu.memory_space<vmem_shared>>
    %dma_wait3A_242 = tpu.memref_slice %arg13[%dma_wait3A_231] : memref<6x!tpu.dma_semaphore, #tpu.memory_space<semaphore_mem>> -> memref<1x!tpu.dma_semaphore, #tpu.memory_space<semaphore_mem>>
    %dma_wait3A_243 = tpu.memref_squeeze %dma_wait3A_242 : memref<1x!tpu.dma_semaphore, #tpu.memory_space<semaphore_mem>> -> memref<!tpu.dma_semaphore, #tpu.memory_space<semaphore_mem>>
    tpu.wait_indirect_dma semaphore(%dma_wait3A_243 : memref<!tpu.dma_semaphore, #tpu.memory_space<semaphore_mem>>) src(%dma_wait3A_235 : memref<100x16xf32, #tpu.memory_space<vmem>>) dst(%dma_wait3A_241 : memref<100096x16xf32, #tpu.memory_space<vmem_shared>>)
    %dma_wait3A_244 = arith.constant 0 : i32
    %dma_wait3A_245 = arith.constant 0 : i32
    %dma_wait3A_246 = arith.constant 0 : i32
    %dma_wait3A_247 = arith.constant 0 : i32
    %dma_wait3A_248 = arith.constant 0 : i32
    %dma_wait3A_249 = arith.constant 0 : i32
    %dma_wait3A_250 = tpu.memref_slice %arg9[%dma_wait3A_244, %dma_wait3A_248, %dma_wait3A_249] : memref<6x100x16xf32, #tpu.memory_space<vmem>> -> memref<1x100x16xf32, #tpu.memory_space<vmem>>
    %dma_wait3A_251 = tpu.memref_squeeze %dma_wait3A_250 : memref<1x100x16xf32, #tpu.memory_space<vmem>> -> memref<100x16xf32, #tpu.memory_space<vmem>>
    %dma_wait3A_252 = arith.constant 0 : i32
    %dma_wait3A_253 = tpu.memref_slice %arg6[%dma_wait3A_245, %dma_wait3A_246, %dma_wait3A_252] : memref<2x20x100xi32, #tpu.memory_space<vmem>> -> memref<1x1x100xi32, #tpu.memory_space<vmem>>
    %dma_wait3A_254 = tpu.memref_squeeze %dma_wait3A_253 : memref<1x1x100xi32, #tpu.memory_space<vmem>> -> memref<100xi32, #tpu.memory_space<vmem>>
    %dma_wait3A_255 = arith.constant 0 : i32
    %dma_wait3A_256 = arith.constant 0 : i32
    %dma_wait3A_257 = tpu.memref_slice %arg10[%dma_wait3A_255, %dma_wait3A_256] : memref<100096x16xf32, #tpu.memory_space<vmem_shared>> -> memref<100096x16xf32, #tpu.memory_space<vmem_shared>>
    %dma_wait3A_258 = tpu.memref_slice %arg14[%dma_wait3A_247] : memref<6x!tpu.dma_semaphore, #tpu.memory_space<semaphore_mem>> -> memref<1x!tpu.dma_semaphore, #tpu.memory_space<semaphore_mem>>
    %dma_wait3A_259 = tpu.memref_squeeze %dma_wait3A_258 : memref<1x!tpu.dma_semaphore, #tpu.memory_space<semaphore_mem>> -> memref<!tpu.dma_semaphore, #tpu.memory_space<semaphore_mem>>
    tpu.wait_indirect_dma semaphore(%dma_wait3A_259 : memref<!tpu.dma_semaphore, #tpu.memory_space<semaphore_mem>>) src(%dma_wait3A_251 : memref<100x16xf32, #tpu.memory_space<vmem>>) dst(%dma_wait3A_257 : memref<100096x16xf32, #tpu.memory_space<vmem_shared>>)
    %dma_wait3A_260 = arith.constant 1 : i32
    %dma_wait3A_261 = arith.constant 0 : i32
    %dma_wait3A_262 = arith.constant 0 : i32
    %dma_wait3A_263 = arith.constant 1 : i32
    %dma_wait3A_264 = arith.constant 0 : i32
    %dma_wait3A_265 = arith.constant 0 : i32
    %dma_wait3A_266 = tpu.memref_slice %arg8[%dma_wait3A_260, %dma_wait3A_264, %dma_wait3A_265] : memref<6x100x16xf32, #tpu.memory_space<vmem>> -> memref<1x100x16xf32, #tpu.memory_space<vmem>>
    %dma_wait3A_267 = tpu.memref_squeeze %dma_wait3A_266 : memref<1x100x16xf32, #tpu.memory_space<vmem>> -> memref<100x16xf32, #tpu.memory_space<vmem>>
    %dma_wait3A_268 = arith.constant 0 : i32
    %dma_wait3A_269 = tpu.memref_slice %arg7[%dma_wait3A_261, %dma_wait3A_262, %dma_wait3A_268] : memref<2x20x100xi32, #tpu.memory_space<vmem>> -> memref<1x1x100xi32, #tpu.memory_space<vmem>>
    %dma_wait3A_270 = tpu.memref_squeeze %dma_wait3A_269 : memref<1x1x100xi32, #tpu.memory_space<vmem>> -> memref<100xi32, #tpu.memory_space<vmem>>
    %dma_wait3A_271 = arith.constant 0 : i32
    %dma_wait3A_272 = arith.constant 0 : i32
    %dma_wait3A_273 = tpu.memref_slice %arg10[%dma_wait3A_271, %dma_wait3A_272] : memref<100096x16xf32, #tpu.memory_space<vmem_shared>> -> memref<100096x16xf32, #tpu.memory_space<vmem_shared>>
    %dma_wait3A_274 = tpu.memref_slice %arg13[%dma_wait3A_263] : memref<6x!tpu.dma_semaphore, #tpu.memory_space<semaphore_mem>> -> memref<1x!tpu.dma_semaphore, #tpu.memory_space<semaphore_mem>>
    %dma_wait3A_275 = tpu.memref_squeeze %dma_wait3A_274 : memref<1x!tpu.dma_semaphore, #tpu.memory_space<semaphore_mem>> -> memref<!tpu.dma_semaphore, #tpu.memory_space<semaphore_mem>>
    tpu.wait_indirect_dma semaphore(%dma_wait3A_275 : memref<!tpu.dma_semaphore, #tpu.memory_space<semaphore_mem>>) src(%dma_wait3A_267 : memref<100x16xf32, #tpu.memory_space<vmem>>) dst(%dma_wait3A_273 : memref<100096x16xf32, #tpu.memory_space<vmem_shared>>)
    %dma_wait3A_276 = arith.constant 1 : i32
    %dma_wait3A_277 = arith.constant 0 : i32
    %dma_wait3A_278 = arith.constant 0 : i32
    %dma_wait3A_279 = arith.constant 1 : i32
    %dma_wait3A_280 = arith.constant 0 : i32
    %dma_wait3A_281 = arith.constant 0 : i32
    %dma_wait3A_282 = tpu.memref_slice %arg9[%dma_wait3A_276, %dma_wait3A_280, %dma_wait3A_281] : memref<6x100x16xf32, #tpu.memory_space<vmem>> -> memref<1x100x16xf32, #tpu.memory_space<vmem>>
    %dma_wait3A_283 = tpu.memref_squeeze %dma_wait3A_282 : memref<1x100x16xf32, #tpu.memory_space<vmem>> -> memref<100x16xf32, #tpu.memory_space<vmem>>
    %dma_wait3A_284 = arith.constant 0 : i32
    %dma_wait3A_285 = tpu.memref_slice %arg6[%dma_wait3A_277, %dma_wait3A_278, %dma_wait3A_284] : memref<2x20x100xi32, #tpu.memory_space<vmem>> -> memref<1x1x100xi32, #tpu.memory_space<vmem>>
    %dma_wait3A_286 = tpu.memref_squeeze %dma_wait3A_285 : memref<1x1x100xi32, #tpu.memory_space<vmem>> -> memref<100xi32, #tpu.memory_space<vmem>>
    %dma_wait3A_287 = arith.constant 0 : i32
    %dma_wait3A_288 = arith.constant 0 : i32
    %dma_wait3A_289 = tpu.memref_slice %arg10[%dma_wait3A_287, %dma_wait3A_288] : memref<100096x16xf32, #tpu.memory_space<vmem_shared>> -> memref<100096x16xf32, #tpu.memory_space<vmem_shared>>
    %dma_wait3A_290 = tpu.memref_slice %arg14[%dma_wait3A_279] : memref<6x!tpu.dma_semaphore, #tpu.memory_space<semaphore_mem>> -> memref<1x!tpu.dma_semaphore, #tpu.memory_space<semaphore_mem>>
    %dma_wait3A_291 = tpu.memref_squeeze %dma_wait3A_290 : memref<1x!tpu.dma_semaphore, #tpu.memory_space<semaphore_mem>> -> memref<!tpu.dma_semaphore, #tpu.memory_space<semaphore_mem>>
    tpu.wait_indirect_dma semaphore(%dma_wait3A_291 : memref<!tpu.dma_semaphore, #tpu.memory_space<semaphore_mem>>) src(%dma_wait3A_283 : memref<100x16xf32, #tpu.memory_space<vmem>>) dst(%dma_wait3A_289 : memref<100096x16xf32, #tpu.memory_space<vmem_shared>>)
    %dma_wait3A_292 = arith.constant 2 : i32
    %dma_wait3A_293 = arith.constant 0 : i32
    %dma_wait3A_294 = arith.constant 0 : i32
    %dma_wait3A_295 = arith.constant 2 : i32
    %dma_wait3A_296 = arith.constant 0 : i32
    %dma_wait3A_297 = arith.constant 0 : i32
    %dma_wait3A_298 = tpu.memref_slice %arg8[%dma_wait3A_292, %dma_wait3A_296, %dma_wait3A_297] : memref<6x100x16xf32, #tpu.memory_space<vmem>> -> memref<1x100x16xf32, #tpu.memory_space<vmem>>
    %dma_wait3A_299 = tpu.memref_squeeze %dma_wait3A_298 : memref<1x100x16xf32, #tpu.memory_space<vmem>> -> memref<100x16xf32, #tpu.memory_space<vmem>>
    %dma_wait3A_300 = arith.constant 0 : i32
    %dma_wait3A_301 = tpu.memref_slice %arg7[%dma_wait3A_293, %dma_wait3A_294, %dma_wait3A_300] : memref<2x20x100xi32, #tpu.memory_space<vmem>> -> memref<1x1x100xi32, #tpu.memory_space<vmem>>
    %dma_wait3A_302 = tpu.memref_squeeze %dma_wait3A_301 : memref<1x1x100xi32, #tpu.memory_space<vmem>> -> memref<100xi32, #tpu.memory_space<vmem>>
    %dma_wait3A_303 = arith.constant 0 : i32
    %dma_wait3A_304 = arith.constant 0 : i32
    %dma_wait3A_305 = tpu.memref_slice %arg10[%dma_wait3A_303, %dma_wait3A_304] : memref<100096x16xf32, #tpu.memory_space<vmem_shared>> -> memref<100096x16xf32, #tpu.memory_space<vmem_shared>>
    %dma_wait3A_306 = tpu.memref_slice %arg13[%dma_wait3A_295] : memref<6x!tpu.dma_semaphore, #tpu.memory_space<semaphore_mem>> -> memref<1x!tpu.dma_semaphore, #tpu.memory_space<semaphore_mem>>
    %dma_wait3A_307 = tpu.memref_squeeze %dma_wait3A_306 : memref<1x!tpu.dma_semaphore, #tpu.memory_space<semaphore_mem>> -> memref<!tpu.dma_semaphore, #tpu.memory_space<semaphore_mem>>
    tpu.wait_indirect_dma semaphore(%dma_wait3A_307 : memref<!tpu.dma_semaphore, #tpu.memory_space<semaphore_mem>>) src(%dma_wait3A_299 : memref<100x16xf32, #tpu.memory_space<vmem>>) dst(%dma_wait3A_305 : memref<100096x16xf32, #tpu.memory_space<vmem_shared>>)
    %dma_wait3A_308 = arith.constant 2 : i32
    %dma_wait3A_309 = arith.constant 0 : i32
    %dma_wait3A_310 = arith.constant 0 : i32
    %dma_wait3A_311 = arith.constant 2 : i32
    %dma_wait3A_312 = arith.constant 0 : i32
    %dma_wait3A_313 = arith.constant 0 : i32
    %dma_wait3A_314 = tpu.memref_slice %arg9[%dma_wait3A_308, %dma_wait3A_312, %dma_wait3A_313] : memref<6x100x16xf32, #tpu.memory_space<vmem>> -> memref<1x100x16xf32, #tpu.memory_space<vmem>>
    %dma_wait3A_315 = tpu.memref_squeeze %dma_wait3A_314 : memref<1x100x16xf32, #tpu.memory_space<vmem>> -> memref<100x16xf32, #tpu.memory_space<vmem>>
    %dma_wait3A_316 = arith.constant 0 : i32
    %dma_wait3A_317 = tpu.memref_slice %arg6[%dma_wait3A_309, %dma_wait3A_310, %dma_wait3A_316] : memref<2x20x100xi32, #tpu.memory_space<vmem>> -> memref<1x1x100xi32, #tpu.memory_space<vmem>>
    %dma_wait3A_318 = tpu.memref_squeeze %dma_wait3A_317 : memref<1x1x100xi32, #tpu.memory_space<vmem>> -> memref<100xi32, #tpu.memory_space<vmem>>
    %dma_wait3A_319 = arith.constant 0 : i32
    %dma_wait3A_320 = arith.constant 0 : i32
    %dma_wait3A_321 = tpu.memref_slice %arg10[%dma_wait3A_319, %dma_wait3A_320] : memref<100096x16xf32, #tpu.memory_space<vmem_shared>> -> memref<100096x16xf32, #tpu.memory_space<vmem_shared>>
    %dma_wait3A_322 = tpu.memref_slice %arg14[%dma_wait3A_311] : memref<6x!tpu.dma_semaphore, #tpu.memory_space<semaphore_mem>> -> memref<1x!tpu.dma_semaphore, #tpu.memory_space<semaphore_mem>>
    %dma_wait3A_323 = tpu.memref_squeeze %dma_wait3A_322 : memref<1x!tpu.dma_semaphore, #tpu.memory_space<semaphore_mem>> -> memref<!tpu.dma_semaphore, #tpu.memory_space<semaphore_mem>>
    tpu.wait_indirect_dma semaphore(%dma_wait3A_323 : memref<!tpu.dma_semaphore, #tpu.memory_space<semaphore_mem>>) src(%dma_wait3A_315 : memref<100x16xf32, #tpu.memory_space<vmem>>) dst(%dma_wait3A_321 : memref<100096x16xf32, #tpu.memory_space<vmem_shared>>)
    %dma_wait3A_324 = arith.constant 3 : i32
    %dma_wait3A_325 = arith.constant 0 : i32
    %dma_wait3A_326 = arith.constant 0 : i32
    %dma_wait3A_327 = arith.constant 3 : i32
    %dma_wait3A_328 = arith.constant 0 : i32
    %dma_wait3A_329 = arith.constant 0 : i32
    %dma_wait3A_330 = tpu.memref_slice %arg8[%dma_wait3A_324, %dma_wait3A_328, %dma_wait3A_329] : memref<6x100x16xf32, #tpu.memory_space<vmem>> -> memref<1x100x16xf32, #tpu.memory_space<vmem>>
    %dma_wait3A_331 = tpu.memref_squeeze %dma_wait3A_330 : memref<1x100x16xf32, #tpu.memory_space<vmem>> -> memref<100x16xf32, #tpu.memory_space<vmem>>
    %dma_wait3A_332 = arith.constant 0 : i32
    %dma_wait3A_333 = tpu.memref_slice %arg7[%dma_wait3A_325, %dma_wait3A_326, %dma_wait3A_332] : memref<2x20x100xi32, #tpu.memory_space<vmem>> -> memref<1x1x100xi32, #tpu.memory_space<vmem>>
    %dma_wait3A_334 = tpu.memref_squeeze %dma_wait3A_333 : memref<1x1x100xi32, #tpu.memory_space<vmem>> -> memref<100xi32, #tpu.memory_space<vmem>>
    %dma_wait3A_335 = arith.constant 0 : i32
    %dma_wait3A_336 = arith.constant 0 : i32
    %dma_wait3A_337 = tpu.memref_slice %arg10[%dma_wait3A_335, %dma_wait3A_336] : memref<100096x16xf32, #tpu.memory_space<vmem_shared>> -> memref<100096x16xf32, #tpu.memory_space<vmem_shared>>
    %dma_wait3A_338 = tpu.memref_slice %arg13[%dma_wait3A_327] : memref<6x!tpu.dma_semaphore, #tpu.memory_space<semaphore_mem>> -> memref<1x!tpu.dma_semaphore, #tpu.memory_space<semaphore_mem>>
    %dma_wait3A_339 = tpu.memref_squeeze %dma_wait3A_338 : memref<1x!tpu.dma_semaphore, #tpu.memory_space<semaphore_mem>> -> memref<!tpu.dma_semaphore, #tpu.memory_space<semaphore_mem>>
    tpu.wait_indirect_dma semaphore(%dma_wait3A_339 : memref<!tpu.dma_semaphore, #tpu.memory_space<semaphore_mem>>) src(%dma_wait3A_331 : memref<100x16xf32, #tpu.memory_space<vmem>>) dst(%dma_wait3A_337 : memref<100096x16xf32, #tpu.memory_space<vmem_shared>>)
    %dma_wait3A_340 = arith.constant 3 : i32
    %dma_wait3A_341 = arith.constant 0 : i32
    %dma_wait3A_342 = arith.constant 0 : i32
    %dma_wait3A_343 = arith.constant 3 : i32
    %dma_wait3A_344 = arith.constant 0 : i32
    %dma_wait3A_345 = arith.constant 0 : i32
    %dma_wait3A_346 = tpu.memref_slice %arg9[%dma_wait3A_340, %dma_wait3A_344, %dma_wait3A_345] : memref<6x100x16xf32, #tpu.memory_space<vmem>> -> memref<1x100x16xf32, #tpu.memory_space<vmem>>
    %dma_wait3A_347 = tpu.memref_squeeze %dma_wait3A_346 : memref<1x100x16xf32, #tpu.memory_space<vmem>> -> memref<100x16xf32, #tpu.memory_space<vmem>>
    %dma_wait3A_348 = arith.constant 0 : i32
    %dma_wait3A_349 = tpu.memref_slice %arg6[%dma_wait3A_341, %dma_wait3A_342, %dma_wait3A_348] : memref<2x20x100xi32, #tpu.memory_space<vmem>> -> memref<1x1x100xi32, #tpu.memory_space<vmem>>
    %dma_wait3A_350 = tpu.memref_squeeze %dma_wait3A_349 : memref<1x1x100xi32, #tpu.memory_space<vmem>> -> memref<100xi32, #tpu.memory_space<vmem>>
    %dma_wait3A_351 = arith.constant 0 : i32
    %dma_wait3A_352 = arith.constant 0 : i32
    %dma_wait3A_353 = tpu.memref_slice %arg10[%dma_wait3A_351, %dma_wait3A_352] : memref<100096x16xf32, #tpu.memory_space<vmem_shared>> -> memref<100096x16xf32, #tpu.memory_space<vmem_shared>>
    %dma_wait3A_354 = tpu.memref_slice %arg14[%dma_wait3A_343] : memref<6x!tpu.dma_semaphore, #tpu.memory_space<semaphore_mem>> -> memref<1x!tpu.dma_semaphore, #tpu.memory_space<semaphore_mem>>
    %dma_wait3A_355 = tpu.memref_squeeze %dma_wait3A_354 : memref<1x!tpu.dma_semaphore, #tpu.memory_space<semaphore_mem>> -> memref<!tpu.dma_semaphore, #tpu.memory_space<semaphore_mem>>
    tpu.wait_indirect_dma semaphore(%dma_wait3A_355 : memref<!tpu.dma_semaphore, #tpu.memory_space<semaphore_mem>>) src(%dma_wait3A_347 : memref<100x16xf32, #tpu.memory_space<vmem>>) dst(%dma_wait3A_353 : memref<100096x16xf32, #tpu.memory_space<vmem_shared>>)
    %dma_wait3A_356 = arith.constant 4 : i32
    %dma_wait3A_357 = arith.constant 0 : i32
    %dma_wait3A_358 = arith.constant 0 : i32
    %dma_wait3A_359 = arith.constant 4 : i32
    %dma_wait3A_360 = arith.constant 0 : i32
    %dma_wait3A_361 = arith.constant 0 : i32
    %dma_wait3A_362 = tpu.memref_slice %arg8[%dma_wait3A_356, %dma_wait3A_360, %dma_wait3A_361] : memref<6x100x16xf32, #tpu.memory_space<vmem>> -> memref<1x100x16xf32, #tpu.memory_space<vmem>>
    %dma_wait3A_363 = tpu.memref_squeeze %dma_wait3A_362 : memref<1x100x16xf32, #tpu.memory_space<vmem>> -> memref<100x16xf32, #tpu.memory_space<vmem>>
    %dma_wait3A_364 = arith.constant 0 : i32
    %dma_wait3A_365 = tpu.memref_slice %arg7[%dma_wait3A_357, %dma_wait3A_358, %dma_wait3A_364] : memref<2x20x100xi32, #tpu.memory_space<vmem>> -> memref<1x1x100xi32, #tpu.memory_space<vmem>>
    %dma_wait3A_366 = tpu.memref_squeeze %dma_wait3A_365 : memref<1x1x100xi32, #tpu.memory_space<vmem>> -> memref<100xi32, #tpu.memory_space<vmem>>
    %dma_wait3A_367 = arith.constant 0 : i32
    %dma_wait3A_368 = arith.constant 0 : i32
    %dma_wait3A_369 = tpu.memref_slice %arg10[%dma_wait3A_367, %dma_wait3A_368] : memref<100096x16xf32, #tpu.memory_space<vmem_shared>> -> memref<100096x16xf32, #tpu.memory_space<vmem_shared>>
    %dma_wait3A_370 = tpu.memref_slice %arg13[%dma_wait3A_359] : memref<6x!tpu.dma_semaphore, #tpu.memory_space<semaphore_mem>> -> memref<1x!tpu.dma_semaphore, #tpu.memory_space<semaphore_mem>>
    %dma_wait3A_371 = tpu.memref_squeeze %dma_wait3A_370 : memref<1x!tpu.dma_semaphore, #tpu.memory_space<semaphore_mem>> -> memref<!tpu.dma_semaphore, #tpu.memory_space<semaphore_mem>>
    tpu.wait_indirect_dma semaphore(%dma_wait3A_371 : memref<!tpu.dma_semaphore, #tpu.memory_space<semaphore_mem>>) src(%dma_wait3A_363 : memref<100x16xf32, #tpu.memory_space<vmem>>) dst(%dma_wait3A_369 : memref<100096x16xf32, #tpu.memory_space<vmem_shared>>)
    %dma_wait3A_372 = arith.constant 4 : i32
    %dma_wait3A_373 = arith.constant 0 : i32
    %dma_wait3A_374 = arith.constant 0 : i32
    %dma_wait3A_375 = arith.constant 4 : i32
    %dma_wait3A_376 = arith.constant 0 : i32
    %dma_wait3A_377 = arith.constant 0 : i32
    %dma_wait3A_378 = tpu.memref_slice %arg9[%dma_wait3A_372, %dma_wait3A_376, %dma_wait3A_377] : memref<6x100x16xf32, #tpu.memory_space<vmem>> -> memref<1x100x16xf32, #tpu.memory_space<vmem>>
    %dma_wait3A_379 = tpu.memref_squeeze %dma_wait3A_378 : memref<1x100x16xf32, #tpu.memory_space<vmem>> -> memref<100x16xf32, #tpu.memory_space<vmem>>
    %dma_wait3A_380 = arith.constant 0 : i32
    %dma_wait3A_381 = tpu.memref_slice %arg6[%dma_wait3A_373, %dma_wait3A_374, %dma_wait3A_380] : memref<2x20x100xi32, #tpu.memory_space<vmem>> -> memref<1x1x100xi32, #tpu.memory_space<vmem>>
    %dma_wait3A_382 = tpu.memref_squeeze %dma_wait3A_381 : memref<1x1x100xi32, #tpu.memory_space<vmem>> -> memref<100xi32, #tpu.memory_space<vmem>>
    %dma_wait3A_383 = arith.constant 0 : i32
    %dma_wait3A_384 = arith.constant 0 : i32
    %dma_wait3A_385 = tpu.memref_slice %arg10[%dma_wait3A_383, %dma_wait3A_384] : memref<100096x16xf32, #tpu.memory_space<vmem_shared>> -> memref<100096x16xf32, #tpu.memory_space<vmem_shared>>
    %dma_wait3A_386 = tpu.memref_slice %arg14[%dma_wait3A_375] : memref<6x!tpu.dma_semaphore, #tpu.memory_space<semaphore_mem>> -> memref<1x!tpu.dma_semaphore, #tpu.memory_space<semaphore_mem>>
    %dma_wait3A_387 = tpu.memref_squeeze %dma_wait3A_386 : memref<1x!tpu.dma_semaphore, #tpu.memory_space<semaphore_mem>> -> memref<!tpu.dma_semaphore, #tpu.memory_space<semaphore_mem>>
    tpu.wait_indirect_dma semaphore(%dma_wait3A_387 : memref<!tpu.dma_semaphore, #tpu.memory_space<semaphore_mem>>) src(%dma_wait3A_379 : memref<100x16xf32, #tpu.memory_space<vmem>>) dst(%dma_wait3A_385 : memref<100096x16xf32, #tpu.memory_space<vmem_shared>>)
    %dma_wait3A_388 = arith.constant 5 : i32
    %dma_wait3A_389 = arith.constant 0 : i32
    %dma_wait3A_390 = arith.constant 0 : i32
    %dma_wait3A_391 = arith.constant 5 : i32
    %dma_wait3A_392 = arith.constant 0 : i32
    %dma_wait3A_393 = arith.constant 0 : i32
    %dma_wait3A_394 = tpu.memref_slice %arg8[%dma_wait3A_388, %dma_wait3A_392, %dma_wait3A_393] : memref<6x100x16xf32, #tpu.memory_space<vmem>> -> memref<1x100x16xf32, #tpu.memory_space<vmem>>
    %dma_wait3A_395 = tpu.memref_squeeze %dma_wait3A_394 : memref<1x100x16xf32, #tpu.memory_space<vmem>> -> memref<100x16xf32, #tpu.memory_space<vmem>>
    %dma_wait3A_396 = arith.constant 0 : i32
    %dma_wait3A_397 = tpu.memref_slice %arg7[%dma_wait3A_389, %dma_wait3A_390, %dma_wait3A_396] : memref<2x20x100xi32, #tpu.memory_space<vmem>> -> memref<1x1x100xi32, #tpu.memory_space<vmem>>
    %dma_wait3A_398 = tpu.memref_squeeze %dma_wait3A_397 : memref<1x1x100xi32, #tpu.memory_space<vmem>> -> memref<100xi32, #tpu.memory_space<vmem>>
    %dma_wait3A_399 = arith.constant 0 : i32
    %dma_wait3A_400 = arith.constant 0 : i32
    %dma_wait3A_401 = tpu.memref_slice %arg10[%dma_wait3A_399, %dma_wait3A_400] : memref<100096x16xf32, #tpu.memory_space<vmem_shared>> -> memref<100096x16xf32, #tpu.memory_space<vmem_shared>>
    %dma_wait3A_402 = tpu.memref_slice %arg13[%dma_wait3A_391] : memref<6x!tpu.dma_semaphore, #tpu.memory_space<semaphore_mem>> -> memref<1x!tpu.dma_semaphore, #tpu.memory_space<semaphore_mem>>
    %dma_wait3A_403 = tpu.memref_squeeze %dma_wait3A_402 : memref<1x!tpu.dma_semaphore, #tpu.memory_space<semaphore_mem>> -> memref<!tpu.dma_semaphore, #tpu.memory_space<semaphore_mem>>
    tpu.wait_indirect_dma semaphore(%dma_wait3A_403 : memref<!tpu.dma_semaphore, #tpu.memory_space<semaphore_mem>>) src(%dma_wait3A_395 : memref<100x16xf32, #tpu.memory_space<vmem>>) dst(%dma_wait3A_401 : memref<100096x16xf32, #tpu.memory_space<vmem_shared>>)
    %dma_wait3A_404 = arith.constant 5 : i32
    %dma_wait3A_405 = arith.constant 0 : i32
    %dma_wait3A_406 = arith.constant 0 : i32
    %dma_wait3A_407 = arith.constant 5 : i32
    %dma_wait3A_408 = arith.constant 0 : i32
    %dma_wait3A_409 = arith.constant 0 : i32
    %dma_wait3A_410 = tpu.memref_slice %arg9[%dma_wait3A_404, %dma_wait3A_408, %dma_wait3A_409] : memref<6x100x16xf32, #tpu.memory_space<vmem>> -> memref<1x100x16xf32, #tpu.memory_space<vmem>>
    %dma_wait3A_411 = tpu.memref_squeeze %dma_wait3A_410 : memref<1x100x16xf32, #tpu.memory_space<vmem>> -> memref<100x16xf32, #tpu.memory_space<vmem>>
    %dma_wait3A_412 = arith.constant 0 : i32
    %dma_wait3A_413 = tpu.memref_slice %arg6[%dma_wait3A_405, %dma_wait3A_406, %dma_wait3A_412] : memref<2x20x100xi32, #tpu.memory_space<vmem>> -> memref<1x1x100xi32, #tpu.memory_space<vmem>>
    %dma_wait3A_414 = tpu.memref_squeeze %dma_wait3A_413 : memref<1x1x100xi32, #tpu.memory_space<vmem>> -> memref<100xi32, #tpu.memory_space<vmem>>
    %dma_wait3A_415 = arith.constant 0 : i32
    %dma_wait3A_416 = arith.constant 0 : i32
    %dma_wait3A_417 = tpu.memref_slice %arg10[%dma_wait3A_415, %dma_wait3A_416] : memref<100096x16xf32, #tpu.memory_space<vmem_shared>> -> memref<100096x16xf32, #tpu.memory_space<vmem_shared>>
    %dma_wait3A_418 = tpu.memref_slice %arg14[%dma_wait3A_407] : memref<6x!tpu.dma_semaphore, #tpu.memory_space<semaphore_mem>> -> memref<1x!tpu.dma_semaphore, #tpu.memory_space<semaphore_mem>>
    %dma_wait3A_419 = tpu.memref_squeeze %dma_wait3A_418 : memref<1x!tpu.dma_semaphore, #tpu.memory_space<semaphore_mem>> -> memref<!tpu.dma_semaphore, #tpu.memory_space<semaphore_mem>>
    tpu.wait_indirect_dma semaphore(%dma_wait3A_419 : memref<!tpu.dma_semaphore, #tpu.memory_space<semaphore_mem>>) src(%dma_wait3A_411 : memref<100x16xf32, #tpu.memory_space<vmem>>) dst(%dma_wait3A_417 : memref<100096x16xf32, #tpu.memory_space<vmem_shared>>)
    %scan3A_420 = arith.constant 0 : i32
    %scan3A_421 = arith.constant 0 : i32
    %scan3A_422 = arith.constant 4 : i32
    %scan3A_423 = arith.addi %scan3A_421, %scan3A_422 : i32
    %scan3A_424 = arith.constant 1 : i32
    scf.for %scan3A_431 = %scan3A_421 to %scan3A_423 step %scan3A_424  : i32 {
      %add3A_432 = arith.constant 16 : i32
      %add3A_433 = arith.addi %add3A_432, %scan3A_431 : i32
      %dma_start3A_434 = arith.constant 1 : i32
      %dma_start3A_435 = arith.constant 0 : i32
      %dma_start3A_436 = arith.constant 0 : i32
      %dma_start3A_437 = arith.constant 0 : i32
      %dma_start3A_438 = arith.constant 0 : i32
      %dma_start3A_439 = tpu.memref_slice %arg8[%dma_start3A_435, %dma_start3A_437, %dma_start3A_438] : memref<6x100x16xf32, #tpu.memory_space<vmem>> -> memref<1x100x16xf32, #tpu.memory_space<vmem>>
      %dma_start3A_440 = tpu.memref_squeeze %dma_start3A_439 : memref<1x100x16xf32, #tpu.memory_space<vmem>> -> memref<100x16xf32, #tpu.memory_space<vmem>>
      %dma_start3A_441 = arith.constant 0 : i32
      %dma_start3A_442 = tpu.memref_slice %arg6[%dma_start3A_434, %add3A_433, %dma_start3A_441] : memref<2x20x100xi32, #tpu.memory_space<vmem>> -> memref<1x1x100xi32, #tpu.memory_space<vmem>>
      %dma_start3A_443 = tpu.memref_squeeze %dma_start3A_442 : memref<1x1x100xi32, #tpu.memory_space<vmem>> -> memref<100xi32, #tpu.memory_space<vmem>>
      %dma_start3A_444 = arith.constant 0 : i32
      %dma_start3A_445 = arith.constant 0 : i32
      %dma_start3A_446 = tpu.memref_slice %arg2[%dma_start3A_444, %dma_start3A_445] : memref<100096x16xf32, #tpu.memory_space<hbm>> -> memref<100096x16xf32, #tpu.memory_space<hbm>>
      %dma_start3A_447 = tpu.memref_slice %arg11[%dma_start3A_436] : memref<6x!tpu.dma_semaphore, #tpu.memory_space<semaphore_mem>> -> memref<1x!tpu.dma_semaphore, #tpu.memory_space<semaphore_mem>>
      %dma_start3A_448 = tpu.memref_squeeze %dma_start3A_447 : memref<1x!tpu.dma_semaphore, #tpu.memory_space<semaphore_mem>> -> memref<!tpu.dma_semaphore, #tpu.memory_space<semaphore_mem>>
      tpu.enqueue_indirect_dma source(%dma_start3A_446 : memref<100096x16xf32, #tpu.memory_space<hbm>>) target(%dma_start3A_440 : memref<100x16xf32, #tpu.memory_space<vmem>>) offsets(%dma_start3A_443 : memref<100xi32, #tpu.memory_space<vmem>>) semaphore(%dma_start3A_448 : memref<!tpu.dma_semaphore, #tpu.memory_space<semaphore_mem>>)
      %dma_start3A_449 = arith.constant 1 : i32
      %dma_start3A_450 = arith.constant 0 : i32
      %dma_start3A_451 = arith.constant 0 : i32
      %dma_start3A_452 = arith.constant 0 : i32
      %dma_start3A_453 = arith.constant 0 : i32
      %dma_start3A_454 = tpu.memref_slice %arg9[%dma_start3A_450, %dma_start3A_452, %dma_start3A_453] : memref<6x100x16xf32, #tpu.memory_space<vmem>> -> memref<1x100x16xf32, #tpu.memory_space<vmem>>
      %dma_start3A_455 = tpu.memref_squeeze %dma_start3A_454 : memref<1x100x16xf32, #tpu.memory_space<vmem>> -> memref<100x16xf32, #tpu.memory_space<vmem>>
      %dma_start3A_456 = arith.constant 0 : i32
      %dma_start3A_457 = tpu.memref_slice %arg7[%dma_start3A_449, %add3A_433, %dma_start3A_456] : memref<2x20x100xi32, #tpu.memory_space<vmem>> -> memref<1x1x100xi32, #tpu.memory_space<vmem>>
      %dma_start3A_458 = tpu.memref_squeeze %dma_start3A_457 : memref<1x1x100xi32, #tpu.memory_space<vmem>> -> memref<100xi32, #tpu.memory_space<vmem>>
      %dma_start3A_459 = arith.constant 0 : i32
      %dma_start3A_460 = arith.constant 0 : i32
      %dma_start3A_461 = tpu.memref_slice %arg2[%dma_start3A_459, %dma_start3A_460] : memref<100096x16xf32, #tpu.memory_space<hbm>> -> memref<100096x16xf32, #tpu.memory_space<hbm>>
      %dma_start3A_462 = tpu.memref_slice %arg12[%dma_start3A_451] : memref<6x!tpu.dma_semaphore, #tpu.memory_space<semaphore_mem>> -> memref<1x!tpu.dma_semaphore, #tpu.memory_space<semaphore_mem>>
      %dma_start3A_463 = tpu.memref_squeeze %dma_start3A_462 : memref<1x!tpu.dma_semaphore, #tpu.memory_space<semaphore_mem>> -> memref<!tpu.dma_semaphore, #tpu.memory_space<semaphore_mem>>
      tpu.enqueue_indirect_dma source(%dma_start3A_461 : memref<100096x16xf32, #tpu.memory_space<hbm>>) target(%dma_start3A_455 : memref<100x16xf32, #tpu.memory_space<vmem>>) offsets(%dma_start3A_458 : memref<100xi32, #tpu.memory_space<vmem>>) semaphore(%dma_start3A_463 : memref<!tpu.dma_semaphore, #tpu.memory_space<semaphore_mem>>)
      %dma_wait3A_464 = arith.constant 0 : i32
      %dma_wait3A_465 = arith.constant 0 : i32
      %dma_wait3A_466 = arith.constant 0 : i32
      %dma_wait3A_467 = arith.constant 0 : i32
      %dma_wait3A_468 = arith.constant 0 : i32
      %dma_wait3A_469 = arith.constant 0 : i32
      %dma_wait3A_470 = tpu.memref_slice %arg8[%dma_wait3A_466, %dma_wait3A_468, %dma_wait3A_469] : memref<6x100x16xf32, #tpu.memory_space<vmem>> -> memref<1x100x16xf32, #tpu.memory_space<vmem>>
      %dma_wait3A_471 = tpu.memref_squeeze %dma_wait3A_470 : memref<1x100x16xf32, #tpu.memory_space<vmem>> -> memref<100x16xf32, #tpu.memory_space<vmem>>
      %dma_wait3A_472 = arith.constant 0 : i32
      %dma_wait3A_473 = tpu.memref_slice %arg6[%dma_wait3A_464, %dma_wait3A_465, %dma_wait3A_472] : memref<2x20x100xi32, #tpu.memory_space<vmem>> -> memref<1x1x100xi32, #tpu.memory_space<vmem>>
      %dma_wait3A_474 = tpu.memref_squeeze %dma_wait3A_473 : memref<1x1x100xi32, #tpu.memory_space<vmem>> -> memref<100xi32, #tpu.memory_space<vmem>>
      %dma_wait3A_475 = arith.constant 0 : i32
      %dma_wait3A_476 = arith.constant 0 : i32
      %dma_wait3A_477 = tpu.memref_slice %arg2[%dma_wait3A_475, %dma_wait3A_476] : memref<100096x16xf32, #tpu.memory_space<hbm>> -> memref<100096x16xf32, #tpu.memory_space<hbm>>
      %dma_wait3A_478 = tpu.memref_slice %arg11[%dma_wait3A_467] : memref<6x!tpu.dma_semaphore, #tpu.memory_space<semaphore_mem>> -> memref<1x!tpu.dma_semaphore, #tpu.memory_space<semaphore_mem>>
      %dma_wait3A_479 = tpu.memref_squeeze %dma_wait3A_478 : memref<1x!tpu.dma_semaphore, #tpu.memory_space<semaphore_mem>> -> memref<!tpu.dma_semaphore, #tpu.memory_space<semaphore_mem>>
      tpu.wait_indirect_dma semaphore(%dma_wait3A_479 : memref<!tpu.dma_semaphore, #tpu.memory_space<semaphore_mem>>) src(%dma_wait3A_477 : memref<100096x16xf32, #tpu.memory_space<hbm>>) dst(%dma_wait3A_471 : memref<100x16xf32, #tpu.memory_space<vmem>>)
      %dma_wait3A_480 = arith.constant 0 : i32
      %dma_wait3A_481 = arith.constant 0 : i32
      %dma_wait3A_482 = arith.constant 0 : i32
      %dma_wait3A_483 = arith.constant 0 : i32
      %dma_wait3A_484 = arith.constant 0 : i32
      %dma_wait3A_485 = arith.constant 0 : i32
      %dma_wait3A_486 = tpu.memref_slice %arg9[%dma_wait3A_482, %dma_wait3A_484, %dma_wait3A_485] : memref<6x100x16xf32, #tpu.memory_space<vmem>> -> memref<1x100x16xf32, #tpu.memory_space<vmem>>
      %dma_wait3A_487 = tpu.memref_squeeze %dma_wait3A_486 : memref<1x100x16xf32, #tpu.memory_space<vmem>> -> memref<100x16xf32, #tpu.memory_space<vmem>>
      %dma_wait3A_488 = arith.constant 0 : i32
      %dma_wait3A_489 = tpu.memref_slice %arg7[%dma_wait3A_480, %dma_wait3A_481, %dma_wait3A_488] : memref<2x20x100xi32, #tpu.memory_space<vmem>> -> memref<1x1x100xi32, #tpu.memory_space<vmem>>
      %dma_wait3A_490 = tpu.memref_squeeze %dma_wait3A_489 : memref<1x1x100xi32, #tpu.memory_space<vmem>> -> memref<100xi32, #tpu.memory_space<vmem>>
      %dma_wait3A_491 = arith.constant 0 : i32
      %dma_wait3A_492 = arith.constant 0 : i32
      %dma_wait3A_493 = tpu.memref_slice %arg2[%dma_wait3A_491, %dma_wait3A_492] : memref<100096x16xf32, #tpu.memory_space<hbm>> -> memref<100096x16xf32, #tpu.memory_space<hbm>>
      %dma_wait3A_494 = tpu.memref_slice %arg12[%dma_wait3A_483] : memref<6x!tpu.dma_semaphore, #tpu.memory_space<semaphore_mem>> -> memref<1x!tpu.dma_semaphore, #tpu.memory_space<semaphore_mem>>
      %dma_wait3A_495 = tpu.memref_squeeze %dma_wait3A_494 : memref<1x!tpu.dma_semaphore, #tpu.memory_space<semaphore_mem>> -> memref<!tpu.dma_semaphore, #tpu.memory_space<semaphore_mem>>
      tpu.wait_indirect_dma semaphore(%dma_wait3A_495 : memref<!tpu.dma_semaphore, #tpu.memory_space<semaphore_mem>>) src(%dma_wait3A_493 : memref<100096x16xf32, #tpu.memory_space<hbm>>) dst(%dma_wait3A_487 : memref<100x16xf32, #tpu.memory_space<vmem>>)
      %add3A_496 = arith.constant 16 : i32
      %add3A_497 = arith.addi %add3A_496, %scan3A_431 : i32
      %dma_start3A_498 = arith.constant 0 : i32
      %dma_start3A_499 = arith.constant 1 : i32
      %dma_start3A_500 = arith.constant 0 : i32
      %dma_start3A_501 = arith.constant 0 : i32
      %dma_start3A_502 = arith.constant 0 : i32
      %dma_start3A_503 = tpu.memref_slice %arg8[%dma_start3A_498, %dma_start3A_501, %dma_start3A_502] : memref<6x100x16xf32, #tpu.memory_space<vmem>> -> memref<1x100x16xf32, #tpu.memory_space<vmem>>
      %dma_start3A_504 = tpu.memref_squeeze %dma_start3A_503 : memref<1x100x16xf32, #tpu.memory_space<vmem>> -> memref<100x16xf32, #tpu.memory_space<vmem>>
      %dma_start3A_505 = arith.constant 0 : i32
      %dma_start3A_506 = tpu.memref_slice %arg7[%dma_start3A_499, %add3A_497, %dma_start3A_505] : memref<2x20x100xi32, #tpu.memory_space<vmem>> -> memref<1x1x100xi32, #tpu.memory_space<vmem>>
      %dma_start3A_507 = tpu.memref_squeeze %dma_start3A_506 : memref<1x1x100xi32, #tpu.memory_space<vmem>> -> memref<100xi32, #tpu.memory_space<vmem>>
      %dma_start3A_508 = arith.constant 0 : i32
      %dma_start3A_509 = arith.constant 0 : i32
      %dma_start3A_510 = tpu.memref_slice %arg10[%dma_start3A_508, %dma_start3A_509] : memref<100096x16xf32, #tpu.memory_space<vmem_shared>> -> memref<100096x16xf32, #tpu.memory_space<vmem_shared>>
      %dma_start3A_511 = tpu.memref_slice %arg13[%dma_start3A_500] : memref<6x!tpu.dma_semaphore, #tpu.memory_space<semaphore_mem>> -> memref<1x!tpu.dma_semaphore, #tpu.memory_space<semaphore_mem>>
      %dma_start3A_512 = tpu.memref_squeeze %dma_start3A_511 : memref<1x!tpu.dma_semaphore, #tpu.memory_space<semaphore_mem>> -> memref<!tpu.dma_semaphore, #tpu.memory_space<semaphore_mem>>
      tpu.enqueue_indirect_dma source(%dma_start3A_504 : memref<100x16xf32, #tpu.memory_space<vmem>>) target(%dma_start3A_510 : memref<100096x16xf32, #tpu.memory_space<vmem_shared>>) offsets(%dma_start3A_507 : memref<100xi32, #tpu.memory_space<vmem>>) semaphore(%dma_start3A_512 : memref<!tpu.dma_semaphore, #tpu.memory_space<semaphore_mem>>) {add = true}
      %dma_start3A_513 = arith.constant 0 : i32
      %dma_start3A_514 = arith.constant 1 : i32
      %dma_start3A_515 = arith.constant 0 : i32
      %dma_start3A_516 = arith.constant 0 : i32
      %dma_start3A_517 = arith.constant 0 : i32
      %dma_start3A_518 = tpu.memref_slice %arg9[%dma_start3A_513, %dma_start3A_516, %dma_start3A_517] : memref<6x100x16xf32, #tpu.memory_space<vmem>> -> memref<1x100x16xf32, #tpu.memory_space<vmem>>
      %dma_start3A_519 = tpu.memref_squeeze %dma_start3A_518 : memref<1x100x16xf32, #tpu.memory_space<vmem>> -> memref<100x16xf32, #tpu.memory_space<vmem>>
      %dma_start3A_520 = arith.constant 0 : i32
      %dma_start3A_521 = tpu.memref_slice %arg6[%dma_start3A_514, %add3A_497, %dma_start3A_520] : memref<2x20x100xi32, #tpu.memory_space<vmem>> -> memref<1x1x100xi32, #tpu.memory_space<vmem>>
      %dma_start3A_522 = tpu.memref_squeeze %dma_start3A_521 : memref<1x1x100xi32, #tpu.memory_space<vmem>> -> memref<100xi32, #tpu.memory_space<vmem>>
      %dma_start3A_523 = arith.constant 0 : i32
      %dma_start3A_524 = arith.constant 0 : i32
      %dma_start3A_525 = tpu.memref_slice %arg10[%dma_start3A_523, %dma_start3A_524] : memref<100096x16xf32, #tpu.memory_space<vmem_shared>> -> memref<100096x16xf32, #tpu.memory_space<vmem_shared>>
      %dma_start3A_526 = tpu.memref_slice %arg14[%dma_start3A_515] : memref<6x!tpu.dma_semaphore, #tpu.memory_space<semaphore_mem>> -> memref<1x!tpu.dma_semaphore, #tpu.memory_space<semaphore_mem>>
      %dma_start3A_527 = tpu.memref_squeeze %dma_start3A_526 : memref<1x!tpu.dma_semaphore, #tpu.memory_space<semaphore_mem>> -> memref<!tpu.dma_semaphore, #tpu.memory_space<semaphore_mem>>
      tpu.enqueue_indirect_dma source(%dma_start3A_519 : memref<100x16xf32, #tpu.memory_space<vmem>>) target(%dma_start3A_525 : memref<100096x16xf32, #tpu.memory_space<vmem_shared>>) offsets(%dma_start3A_522 : memref<100xi32, #tpu.memory_space<vmem>>) semaphore(%dma_start3A_527 : memref<!tpu.dma_semaphore, #tpu.memory_space<semaphore_mem>>) {add = true}
      %dma_wait3A_528 = arith.constant 0 : i32
      %dma_wait3A_529 = arith.constant 0 : i32
      %dma_wait3A_530 = arith.constant 0 : i32
      %dma_wait3A_531 = arith.constant 0 : i32
      %dma_wait3A_532 = arith.constant 0 : i32
      %dma_wait3A_533 = arith.constant 0 : i32
      %dma_wait3A_534 = tpu.memref_slice %arg8[%dma_wait3A_528, %dma_wait3A_532, %dma_wait3A_533] : memref<6x100x16xf32, #tpu.memory_space<vmem>> -> memref<1x100x16xf32, #tpu.memory_space<vmem>>
      %dma_wait3A_535 = tpu.memref_squeeze %dma_wait3A_534 : memref<1x100x16xf32, #tpu.memory_space<vmem>> -> memref<100x16xf32, #tpu.memory_space<vmem>>
      %dma_wait3A_536 = arith.constant 0 : i32
      %dma_wait3A_537 = tpu.memref_slice %arg7[%dma_wait3A_529, %dma_wait3A_530, %dma_wait3A_536] : memref<2x20x100xi32, #tpu.memory_space<vmem>> -> memref<1x1x100xi32, #tpu.memory_space<vmem>>
      %dma_wait3A_538 = tpu.memref_squeeze %dma_wait3A_537 : memref<1x1x100xi32, #tpu.memory_space<vmem>> -> memref<100xi32, #tpu.memory_space<vmem>>
      %dma_wait3A_539 = arith.constant 0 : i32
      %dma_wait3A_540 = arith.constant 0 : i32
      %dma_wait3A_541 = tpu.memref_slice %arg10[%dma_wait3A_539, %dma_wait3A_540] : memref<100096x16xf32, #tpu.memory_space<vmem_shared>> -> memref<100096x16xf32, #tpu.memory_space<vmem_shared>>
      %dma_wait3A_542 = tpu.memref_slice %arg13[%dma_wait3A_531] : memref<6x!tpu.dma_semaphore, #tpu.memory_space<semaphore_mem>> -> memref<1x!tpu.dma_semaphore, #tpu.memory_space<semaphore_mem>>
      %dma_wait3A_543 = tpu.memref_squeeze %dma_wait3A_542 : memref<1x!tpu.dma_semaphore, #tpu.memory_space<semaphore_mem>> -> memref<!tpu.dma_semaphore, #tpu.memory_space<semaphore_mem>>
      tpu.wait_indirect_dma semaphore(%dma_wait3A_543 : memref<!tpu.dma_semaphore, #tpu.memory_space<semaphore_mem>>) src(%dma_wait3A_535 : memref<100x16xf32, #tpu.memory_space<vmem>>) dst(%dma_wait3A_541 : memref<100096x16xf32, #tpu.memory_space<vmem_shared>>)
      %dma_wait3A_544 = arith.constant 0 : i32
      %dma_wait3A_545 = arith.constant 0 : i32
      %dma_wait3A_546 = arith.constant 0 : i32
      %dma_wait3A_547 = arith.constant 0 : i32
      %dma_wait3A_548 = arith.constant 0 : i32
      %dma_wait3A_549 = arith.constant 0 : i32
      %dma_wait3A_550 = tpu.memref_slice %arg9[%dma_wait3A_544, %dma_wait3A_548, %dma_wait3A_549] : memref<6x100x16xf32, #tpu.memory_space<vmem>> -> memref<1x100x16xf32, #tpu.memory_space<vmem>>
      %dma_wait3A_551 = tpu.memref_squeeze %dma_wait3A_550 : memref<1x100x16xf32, #tpu.memory_space<vmem>> -> memref<100x16xf32, #tpu.memory_space<vmem>>
      %dma_wait3A_552 = arith.constant 0 : i32
      %dma_wait3A_553 = tpu.memref_slice %arg6[%dma_wait3A_545, %dma_wait3A_546, %dma_wait3A_552] : memref<2x20x100xi32, #tpu.memory_space<vmem>> -> memref<1x1x100xi32, #tpu.memory_space<vmem>>
      %dma_wait3A_554 = tpu.memref_squeeze %dma_wait3A_553 : memref<1x1x100xi32, #tpu.memory_space<vmem>> -> memref<100xi32, #tpu.memory_space<vmem>>
      %dma_wait3A_555 = arith.constant 0 : i32
      %dma_wait3A_556 = arith.constant 0 : i32
      %dma_wait3A_557 = tpu.memref_slice %arg10[%dma_wait3A_555, %dma_wait3A_556] : memref<100096x16xf32, #tpu.memory_space<vmem_shared>> -> memref<100096x16xf32, #tpu.memory_space<vmem_shared>>
      %dma_wait3A_558 = tpu.memref_slice %arg14[%dma_wait3A_547] : memref<6x!tpu.dma_semaphore, #tpu.memory_space<semaphore_mem>> -> memref<1x!tpu.dma_semaphore, #tpu.memory_space<semaphore_mem>>
      %dma_wait3A_559 = tpu.memref_squeeze %dma_wait3A_558 : memref<1x!tpu.dma_semaphore, #tpu.memory_space<semaphore_mem>> -> memref<!tpu.dma_semaphore, #tpu.memory_space<semaphore_mem>>
      tpu.wait_indirect_dma semaphore(%dma_wait3A_559 : memref<!tpu.dma_semaphore, #tpu.memory_space<semaphore_mem>>) src(%dma_wait3A_551 : memref<100x16xf32, #tpu.memory_space<vmem>>) dst(%dma_wait3A_557 : memref<100096x16xf32, #tpu.memory_space<vmem_shared>>)
    }
    %scan3A_425 = arith.constant 4 : i32
    %barrier3A_426 = arith.constant 0 : index
    tpu.barrier barrier_id(%barrier3A_426)
    %mul3A_427 = arith.constant 6256 : i32
    %mul3A_428 = arith.muli %arg1, %mul3A_427 : i32
    %mul3A_429 = arith.constant 6256 : i32
    %mul3A_430 = arith.muli %arg1, %mul3A_429 : i32
    "tpu.region"() ({
      %run_scoped3A = tpu.sem_alloc : memref<!tpu.dma_semaphore, #tpu.memory_space<semaphore_mem>>
      %dma_start3A_431 = arith.constant 0 : i32
      %dma_start3A_432 = tpu.memref_slice %arg5[%arg0, %mul3A_430, %dma_start3A_431] : memref<2x100096x16xf32, #tpu.memory_space<hbm>> -> memref<1x6256x16xf32, #tpu.memory_space<hbm>>
      %dma_start3A_433 = tpu.memref_squeeze %dma_start3A_432 : memref<1x6256x16xf32, #tpu.memory_space<hbm>> -> memref<6256x16xf32, #tpu.memory_space<hbm>>
      %dma_start3A_434 = arith.constant 0 : i32
      %dma_start3A_435 = tpu.memref_slice %arg10[%mul3A_428, %dma_start3A_434] : memref<100096x16xf32, #tpu.memory_space<vmem_shared>> -> memref<6256x16xf32, #tpu.memory_space<vmem_shared>>
      tpu.enqueue_dma source(%dma_start3A_435 : memref<6256x16xf32, #tpu.memory_space<vmem_shared>>) target(%dma_start3A_433 : memref<6256x16xf32, #tpu.memory_space<hbm>>) target_semaphore(%run_scoped3A : memref<!tpu.dma_semaphore, #tpu.memory_space<semaphore_mem>>)
      %dma_wait3A_436 = arith.constant 0 : i32
      %dma_wait3A_437 = tpu.memref_slice %arg5[%arg0, %mul3A_430, %dma_wait3A_436] : memref<2x100096x16xf32, #tpu.memory_space<hbm>> -> memref<1x6256x16xf32, #tpu.memory_space<hbm>>
      %dma_wait3A_438 = tpu.memref_squeeze %dma_wait3A_437 : memref<1x6256x16xf32, #tpu.memory_space<hbm>> -> memref<6256x16xf32, #tpu.memory_space<hbm>>
      %dma_wait3A_439 = arith.constant 0 : i32
      %dma_wait3A_440 = tpu.memref_slice %arg10[%mul3A_428, %dma_wait3A_439] : memref<100096x16xf32, #tpu.memory_space<vmem_shared>> -> memref<6256x16xf32, #tpu.memory_space<vmem_shared>>
      tpu.wait_dma2 semaphore(%run_scoped3A : memref<!tpu.dma_semaphore, #tpu.memory_space<semaphore_mem>>) src(%dma_wait3A_440 : memref<6256x16xf32, #tpu.memory_space<vmem_shared>>) dst(%dma_wait3A_438 : memref<6256x16xf32, #tpu.memory_space<hbm>>)
      tpu.yield
    }) : () -> ()
    return
  }
}

module attributes {stable_mosaic.version = 14 : i64} {
  func.func @_tc_update_body(%arg0: i32, %arg1: memref<3128x128xf32, #tpu.memory_space<vmem>>, %arg2: memref<3128x128xf32, #tpu.memory_space<vmem>>, %arg3: memref<3128x8xf32, #tpu.memory_space<vmem>>, %arg4: memref<3128x8xf32, #tpu.memory_space<vmem>>, %arg5: memref<8x128xf32, #tpu.memory_space<vmem>>, %arg6: memref<128x128xf32, #tpu.memory_space<vmem>>, %arg7: memref<3128x128xf32, #tpu.memory_space<vmem>>) attributes {dimension_semantics = [#tpu.dimension_semantics<arbitrary>], iteration_bounds = array<i64: 4>, scalar_prefetch = 0 : i64, scratch_operands = 0 : i64, tpu.core_type = #tpu.core_type<tc>, window_params = [{transform_indices = @transform_0, window_bounds = array<i64: 3128, 128>}, {transform_indices = @transform_1, window_bounds = array<i64: 3128, 128>}, {transform_indices = @transform_2, window_bounds = array<i64: 3128, 8>}, {transform_indices = @transform_3, window_bounds = array<i64: 3128, 8>}, {pipeline_mode = #tpu.pipeline_mode<synchronous>, transform_indices = @transform_4, window_bounds = array<i64: 8, 128>}, {pipeline_mode = #tpu.pipeline_mode<synchronous>, transform_indices = @transform_5, window_bounds = array<i64: 128, 128>}, {transform_indices = @transform_6, window_bounds = array<i64: 3128, 128>}]} {
    %get3A = arith.constant 0 : index
    %get3A_0 = arith.constant 0 : index
    %get3A_1 = vector.load %arg1[%get3A, %get3A_0] : memref<3128x128xf32, #tpu.memory_space<vmem>>, vector<3128x128xf32>
    %get3A_2 = arith.constant 0 : index
    %get3A_3 = arith.constant 0 : index
    %get3A_4 = vector.load %arg2[%get3A_2, %get3A_3] : memref<3128x128xf32, #tpu.memory_space<vmem>>, vector<3128x128xf32>
    %add3A = arith.addf %get3A_1, %get3A_4 : vector<3128x128xf32>
    %get3A_5 = arith.constant 0 : index
    %get3A_6 = arith.constant 0 : index
    %get3A_7 = vector.load %arg5[%get3A_5, %get3A_6] : memref<8x128xf32, #tpu.memory_space<vmem>>, vector<8x128xf32>
    %get3A_8 = arith.constant 0 : index
    %get3A_9 = arith.constant 0 : index
    %get3A_10 = vector.load %arg3[%get3A_8, %get3A_9] : memref<3128x8xf32, #tpu.memory_space<vmem>>, vector<3128x8xf32>
    %dot_general3A = arith.constant dense<0.000000e+00> : vector<3128x128xf32>
    %dot_general3A_11 = tpu.matmul %get3A_10, %get3A_7, %dot_general3A {dimension_numbers = #tpu.dot_dimension_numbers<[1], [0], [0], [1], [0, 0, 1, 1], [], []>, transpose_lhs_hint = false} : vector<3128x8xf32>, vector<8x128xf32>, vector<3128x128xf32> -> vector<3128x128xf32>
    %get3A_12 = arith.constant 0 : index
    %get3A_13 = arith.constant 0 : index
    %get3A_14 = vector.load %arg4[%get3A_12, %get3A_13] : memref<3128x8xf32, #tpu.memory_space<vmem>>, vector<3128x8xf32>
    %dot_general3A_15 = arith.constant dense<0.000000e+00> : vector<3128x128xf32>
    %dot_general3A_16 = tpu.matmul %get3A_14, %get3A_7, %dot_general3A_15 {dimension_numbers = #tpu.dot_dimension_numbers<[1], [0], [0], [1], [0, 0, 1, 1], [], []>, transpose_lhs_hint = false} : vector<3128x8xf32>, vector<8x128xf32>, vector<3128x128xf32> -> vector<3128x128xf32>
    %iota3A = tpu.iota {dimensions = array<i32: 1>} : vector<3128x128xi32>
    %jit3A = arith.constant 16 : i32
    %eq3A = arith.constant 0 : i32
    %eq3A_17 = arith.cmpi eq, %jit3A, %eq3A : i32
    %jit3A_18 = arith.constant 1 : i32
    %select_n3A = arith.select %eq3A_17, %jit3A_18, %jit3A : i32
    %rem3A = vector.broadcast %select_n3A : i32 to vector<3128x128xi32>
    %rem3A_19 = arith.remsi %iota3A, %rem3A : vector<3128x128xi32>
    %ne3A = arith.constant 0 : i32
    %ne3A_20 = vector.broadcast %ne3A : i32 to vector<3128x128xi32>
    %ne3A_21 = arith.cmpi ne, %rem3A_19, %ne3A_20 : vector<3128x128xi32>
    %lt3A = arith.constant 0 : i32
    %lt3A_22 = vector.broadcast %lt3A : i32 to vector<3128x128xi32>
    %lt3A_23 = arith.cmpi slt, %rem3A_19, %lt3A_22 : vector<3128x128xi32>
    %lt3A_24 = arith.constant 0 : i32
    %lt3A_25 = arith.cmpi slt, %select_n3A, %lt3A_24 : i32
    %ne3A_26 = vector.broadcast %lt3A_25 : i1 to vector<3128x128xi1>
    %ne3A_27 = vector.broadcast %ne3A_26 : vector<3128x128xi1> to vector<3128x128xi1>
    %ne3A_28 = arith.xori %lt3A_23, %ne3A_27 : vector<3128x128xi1>
    %and3A = arith.andi %ne3A_28, %ne3A_21 : vector<3128x128xi1>
    %add3A_29 = vector.broadcast %select_n3A : i32 to vector<3128x128xi32>
    %add3A_30 = arith.addi %rem3A_19, %add3A_29 : vector<3128x128xi32>
    %select_n3A_31 = arith.select %and3A, %add3A_30, %rem3A_19 : vector<3128x128xi1>, vector<3128x128xi32>
    %convert_element_type3A = arith.sitofp %select_n3A_31 : vector<3128x128xi32> to vector<3128x128xf32>
    %eq3A_32 = arith.cmpf oeq, %dot_general3A_16, %convert_element_type3A : vector<3128x128xf32>
    %convert_element_type3A_33 = arith.extui %eq3A_32 : vector<3128x128xi1> to vector<3128x128xi32>
    %convert_element_type3A_34 = arith.sitofp %convert_element_type3A_33 : vector<3128x128xi32> to vector<3128x128xf32>
    %mul3A = arith.constant 1.600000e-01 : f32
    %mul3A_35 = vector.broadcast %mul3A : f32 to vector<3128x128xf32>
    %mul3A_36 = arith.mulf %mul3A_35, %convert_element_type3A_34 : vector<3128x128xf32>
    %sub3A = arith.constant 0.00999999977 : f32
    %sub3A_37 = vector.broadcast %sub3A : f32 to vector<3128x128xf32>
    %sub3A_38 = arith.subf %mul3A_36, %sub3A_37 : vector<3128x128xf32>
    %mul3A_39 = arith.mulf %dot_general3A_11, %sub3A_38 : vector<3128x128xf32>
    %get3A_40 = arith.constant 0 : index
    %get3A_41 = arith.constant 0 : index
    %get3A_42 = vector.load %arg6[%get3A_40, %get3A_41] : memref<128x128xf32, #tpu.memory_space<vmem>>, vector<128x128xf32>
    %dot_general3A_43 = arith.constant dense<0.000000e+00> : vector<3128x128xf32>
    %dot_general3A_44 = tpu.matmul %add3A, %get3A_42, %dot_general3A_43 {dimension_numbers = #tpu.dot_dimension_numbers<[1], [0], [0], [1], [0, 0, 1, 1], [], []>, transpose_lhs_hint = false} : vector<3128x128xf32>, vector<128x128xf32>, vector<3128x128xf32> -> vector<3128x128xf32>
    %mul3A_45 = arith.constant 6.250000e-04 : f32
    %mul3A_46 = vector.broadcast %mul3A_45 : f32 to vector<3128x128xf32>
    %mul3A_47 = arith.mulf %mul3A_46, %dot_general3A_44 : vector<3128x128xf32>
    %add3A_48 = arith.addf %mul3A_39, %mul3A_47 : vector<3128x128xf32>
    %swap3A = arith.constant 0 : index
    %swap3A_49 = arith.constant 0 : index
    %swap3A_50 = vector.load %arg7[%swap3A, %swap3A_49] : memref<3128x128xf32, #tpu.memory_space<vmem>>, vector<3128x128xf32>
    tpu.vector_store %arg7[%swap3A, %swap3A_49], %add3A_48 {strides = array<i32>} : memref<3128x128xf32, #tpu.memory_space<vmem>>, vector<3128x128xf32>,
    return
  }
  func.func @transform_0(%arg0: i32) -> (i32, i32) {
    %c0_i32 = arith.constant 0 : i32
    %c0_i32_0 = arith.constant 0 : i32
    return %arg0, %c0_i32 : i32, i32
  }
  func.func @transform_1(%arg0: i32) -> (i32, i32) {
    %c0_i32 = arith.constant 0 : i32
    %c0_i32_0 = arith.constant 0 : i32
    return %arg0, %c0_i32 : i32, i32
  }
  func.func @transform_2(%arg0: i32) -> (i32, i32) {
    %c0_i32 = arith.constant 0 : i32
    %c0_i32_0 = arith.constant 0 : i32
    return %arg0, %c0_i32 : i32, i32
  }
  func.func @transform_3(%arg0: i32) -> (i32, i32) {
    %c0_i32 = arith.constant 0 : i32
    %c0_i32_0 = arith.constant 0 : i32
    return %arg0, %c0_i32 : i32, i32
  }
  func.func @transform_4(%arg0: i32) -> (i32, i32) {
    %c0_i32 = arith.constant 0 : i32
    %c0_i32_0 = arith.constant 0 : i32
    %c0_i32_1 = arith.constant 0 : i32
    return %c0_i32, %c0_i32_0 : i32, i32
  }
  func.func @transform_5(%arg0: i32) -> (i32, i32) {
    %c0_i32 = arith.constant 0 : i32
    %c0_i32_0 = arith.constant 0 : i32
    %c0_i32_1 = arith.constant 0 : i32
    return %c0_i32, %c0_i32_0 : i32, i32
  }
  func.func @transform_6(%arg0: i32) -> (i32, i32) {
    %c0_i32 = arith.constant 0 : i32
    %c0_i32_0 = arith.constant 0 : i32
    return %arg0, %c0_i32 : i32, i32
  }
}

module attributes {stable_mosaic.version = 14 : i64} {
  func.func @_tc_update_body(%arg0: i32, %arg1: memref<3128x128xf32, #tpu.memory_space<vmem>>, %arg2: memref<3128x128xf32, #tpu.memory_space<vmem>>, %arg3: memref<3128x8xf32, #tpu.memory_space<vmem>>, %arg4: memref<3128x8xf32, #tpu.memory_space<vmem>>, %arg5: memref<8x128xf32, #tpu.memory_space<vmem>>, %arg6: memref<128x128xf32, #tpu.memory_space<vmem>>, %arg7: memref<3128x128xf32, #tpu.memory_space<vmem>>) attributes {dimension_semantics = [#tpu.dimension_semantics<arbitrary>], iteration_bounds = array<i64: 4>, scalar_prefetch = 0 : i64, scratch_operands = 0 : i64, tpu.core_type = #tpu.core_type<tc>, window_params = [{transform_indices = @transform_0, window_bounds = array<i64: 3128, 128>}, {transform_indices = @transform_1, window_bounds = array<i64: 3128, 128>}, {transform_indices = @transform_2, window_bounds = array<i64: 3128, 8>}, {transform_indices = @transform_3, window_bounds = array<i64: 3128, 8>}, {pipeline_mode = #tpu.pipeline_mode<synchronous>, transform_indices = @transform_4, window_bounds = array<i64: 8, 128>}, {pipeline_mode = #tpu.pipeline_mode<synchronous>, transform_indices = @transform_5, window_bounds = array<i64: 128, 128>}, {transform_indices = @transform_6, window_bounds = array<i64: 3128, 128>}]} {
    %get3A = arith.constant 0 : index
    %get3A_0 = arith.constant 0 : index
    %get3A_1 = vector.load %arg1[%get3A, %get3A_0] : memref<3128x128xf32, #tpu.memory_space<vmem>>, vector<3128x128xf32>
    %get3A_2 = arith.constant 0 : index
    %get3A_3 = arith.constant 0 : index
    %get3A_4 = vector.load %arg2[%get3A_2, %get3A_3] : memref<3128x128xf32, #tpu.memory_space<vmem>>, vector<3128x128xf32>
    %add3A = arith.addf %get3A_1, %get3A_4 : vector<3128x128xf32>
    %get3A_5 = arith.constant 0 : index
    %get3A_6 = arith.constant 0 : index
    %get3A_7 = vector.load %arg5[%get3A_5, %get3A_6] : memref<8x128xf32, #tpu.memory_space<vmem>>, vector<8x128xf32>
    %get3A_8 = arith.constant 0 : index
    %get3A_9 = arith.constant 0 : index
    %get3A_10 = vector.load %arg3[%get3A_8, %get3A_9] : memref<3128x8xf32, #tpu.memory_space<vmem>>, vector<3128x8xf32>
    %dot_general3A = arith.constant dense<0.000000e+00> : vector<3128x128xf32>
    %dot_general3A_11 = tpu.matmul %get3A_10, %get3A_7, %dot_general3A {dimension_numbers = #tpu.dot_dimension_numbers<[1], [0], [0], [1], [0, 0, 1, 1], [], []>, transpose_lhs_hint = false} : vector<3128x8xf32>, vector<8x128xf32>, vector<3128x128xf32> -> vector<3128x128xf32>
    %get3A_12 = arith.constant 0 : index
    %get3A_13 = arith.constant 0 : index
    %get3A_14 = vector.load %arg4[%get3A_12, %get3A_13] : memref<3128x8xf32, #tpu.memory_space<vmem>>, vector<3128x8xf32>
    %dot_general3A_15 = arith.constant dense<0.000000e+00> : vector<3128x128xf32>
    %dot_general3A_16 = tpu.matmul %get3A_14, %get3A_7, %dot_general3A_15 {dimension_numbers = #tpu.dot_dimension_numbers<[1], [0], [0], [1], [0, 0, 1, 1], [], []>, transpose_lhs_hint = false} : vector<3128x8xf32>, vector<8x128xf32>, vector<3128x128xf32> -> vector<3128x128xf32>
    %iota3A = tpu.iota {dimensions = array<i32: 1>} : vector<3128x128xi32>
    %jit3A = arith.constant 16 : i32
    %eq3A = arith.constant 0 : i32
    %eq3A_17 = arith.cmpi eq, %jit3A, %eq3A : i32
    %jit3A_18 = arith.constant 1 : i32
    %select_n3A = arith.select %eq3A_17, %jit3A_18, %jit3A : i32
    %rem3A = vector.broadcast %select_n3A : i32 to vector<3128x128xi32>
    %rem3A_19 = arith.remsi %iota3A, %rem3A : vector<3128x128xi32>
    %ne3A = arith.constant 0 : i32
    %ne3A_20 = vector.broadcast %ne3A : i32 to vector<3128x128xi32>
    %ne3A_21 = arith.cmpi ne, %rem3A_19, %ne3A_20 : vector<3128x128xi32>
    %lt3A = arith.constant 0 : i32
    %lt3A_22 = vector.broadcast %lt3A : i32 to vector<3128x128xi32>
    %lt3A_23 = arith.cmpi slt, %rem3A_19, %lt3A_22 : vector<3128x128xi32>
    %lt3A_24 = arith.constant 0 : i32
    %lt3A_25 = arith.cmpi slt, %select_n3A, %lt3A_24 : i32
    %ne3A_26 = vector.broadcast %lt3A_25 : i1 to vector<3128x128xi1>
    %ne3A_27 = vector.broadcast %ne3A_26 : vector<3128x128xi1> to vector<3128x128xi1>
    %ne3A_28 = arith.xori %lt3A_23, %ne3A_27 : vector<3128x128xi1>
    %and3A = arith.andi %ne3A_28, %ne3A_21 : vector<3128x128xi1>
    %add3A_29 = vector.broadcast %select_n3A : i32 to vector<3128x128xi32>
    %add3A_30 = arith.addi %rem3A_19, %add3A_29 : vector<3128x128xi32>
    %select_n3A_31 = arith.select %and3A, %add3A_30, %rem3A_19 : vector<3128x128xi1>, vector<3128x128xi32>
    %convert_element_type3A = arith.sitofp %select_n3A_31 : vector<3128x128xi32> to vector<3128x128xf32>
    %eq3A_32 = arith.cmpf oeq, %dot_general3A_16, %convert_element_type3A : vector<3128x128xf32>
    %convert_element_type3A_33 = arith.extui %eq3A_32 : vector<3128x128xi1> to vector<3128x128xi32>
    %convert_element_type3A_34 = arith.sitofp %convert_element_type3A_33 : vector<3128x128xi32> to vector<3128x128xf32>
    %mul3A = arith.constant 1.600000e-01 : f32
    %mul3A_35 = vector.broadcast %mul3A : f32 to vector<3128x128xf32>
    %mul3A_36 = arith.mulf %mul3A_35, %convert_element_type3A_34 : vector<3128x128xf32>
    %sub3A = arith.constant 0.00999999977 : f32
    %sub3A_37 = vector.broadcast %sub3A : f32 to vector<3128x128xf32>
    %sub3A_38 = arith.subf %mul3A_36, %sub3A_37 : vector<3128x128xf32>
    %mul3A_39 = arith.mulf %dot_general3A_11, %sub3A_38 : vector<3128x128xf32>
    %get3A_40 = arith.constant 0 : index
    %get3A_41 = arith.constant 0 : index
    %get3A_42 = vector.load %arg6[%get3A_40, %get3A_41] : memref<128x128xf32, #tpu.memory_space<vmem>>, vector<128x128xf32>
    %dot_general3A_43 = arith.constant dense<0.000000e+00> : vector<3128x128xf32>
    %dot_general3A_44 = tpu.matmul %add3A, %get3A_42, %dot_general3A_43 {dimension_numbers = #tpu.dot_dimension_numbers<[1], [0], [0], [1], [0, 0, 1, 1], [], []>, transpose_lhs_hint = false} : vector<3128x128xf32>, vector<128x128xf32>, vector<3128x128xf32> -> vector<3128x128xf32>
    %mul3A_45 = arith.constant 6.250000e-04 : f32
    %mul3A_46 = vector.broadcast %mul3A_45 : f32 to vector<3128x128xf32>
    %mul3A_47 = arith.mulf %mul3A_46, %dot_general3A_44 : vector<3128x128xf32>
    %add3A_48 = arith.addf %mul3A_39, %mul3A_47 : vector<3128x128xf32>
    %swap3A = arith.constant 0 : index
    %swap3A_49 = arith.constant 0 : index
    %swap3A_50 = vector.load %arg7[%swap3A, %swap3A_49] : memref<3128x128xf32, #tpu.memory_space<vmem>>, vector<3128x128xf32>
    tpu.vector_store %arg7[%swap3A, %swap3A_49], %add3A_48 {strides = array<i32>} : memref<3128x128xf32, #tpu.memory_space<vmem>>, vector<3128x128xf32>,
    return
  }
  func.func @transform_0(%arg0: i32) -> (i32, i32) {
    %c0_i32 = arith.constant 0 : i32
    %c0_i32_0 = arith.constant 0 : i32
    return %arg0, %c0_i32 : i32, i32
  }
  func.func @transform_1(%arg0: i32) -> (i32, i32) {
    %add3A = arith.constant 4 : i32
    %add3A_0 = arith.addi %arg0, %add3A : i32
    %c0_i32 = arith.constant 0 : i32
    %c0_i32_1 = arith.constant 0 : i32
    return %add3A_0, %c0_i32 : i32, i32
  }
  func.func @transform_2(%arg0: i32) -> (i32, i32) {
    %c0_i32 = arith.constant 0 : i32
    %c0_i32_0 = arith.constant 0 : i32
    return %arg0, %c0_i32 : i32, i32
  }
  func.func @transform_3(%arg0: i32) -> (i32, i32) {
    %c0_i32 = arith.constant 0 : i32
    %c0_i32_0 = arith.constant 0 : i32
    return %arg0, %c0_i32 : i32, i32
  }
  func.func @transform_4(%arg0: i32) -> (i32, i32) {
    %c0_i32 = arith.constant 0 : i32
    %c0_i32_0 = arith.constant 0 : i32
    %c0_i32_1 = arith.constant 0 : i32
    return %c0_i32, %c0_i32_0 : i32, i32
  }
  func.func @transform_5(%arg0: i32) -> (i32, i32) {
    %c0_i32 = arith.constant 0 : i32
    %c0_i32_0 = arith.constant 0 : i32
    %c0_i32_1 = arith.constant 0 : i32
    return %c0_i32, %c0_i32_0 : i32, i32
  }
  func.func @transform_6(%arg0: i32) -> (i32, i32) {
    %c0_i32 = arith.constant 0 : i32
    %c0_i32_0 = arith.constant 0 : i32
    return %arg0, %c0_i32 : i32, i32
  }
}

</mosaic_0001>

<sc_bundles>
// kernel: kernel.10.cloned.1.call-start
scs
__scs_entry_jumppad:
0x0: {  	(pc) =	sbr.rel $0x88, $3  }
0x1: {  	(tag) =	ssettag $0x0;
	lr =	simm.s32 $0x1  }
0x2: {  	[smem:$0x3F9D] =	sst lr;
	_ =	strace $0xD0000000  }
0x3: {  	_ = 	snop  }
0x4: {  	_ = 	snop  }
0x5: {  	_ = 	snop  }
0x6: {  	_ = 	snop  }
0x7: {  	_ = 	snop  }
__scs_overlays_trampoline_lowered:
0x8: {  	[smem:$0x3FAC] =	sst s0  }
0x9: {  	[smem:$0x3FAD] =	sst s1  }
0xa: {  	[smem:$0x3FAE] =	sst s2  }
0xb: {  	[smem:$0x3FAF] =	sst s3  }
0xc: {  	[smem:$0x3FB0] =	sst s4  }
0xd: {  	[smem:$0x3FB1] =	sst s5  }
0xe: {  	[smem:$0x3FB2] =	sst s6  }
0xf: {  	[smem:$0x3FB3] =	sst s7  }
0x10: {  	[smem:$0x3FB4] =	sst s8  }
0x11: {  	[smem:$0x3FB5] =	sst s9;
	s0 =	simm.s32 @!p0 $0x0  }
0x12: {  	s1 =	sld [smem:$0x3F9B];
	s0 =	simm.s32 @p0 $0x1  }
0x13: {  	[smem:$0x3FB6] =	sst s0;
	s0 =	simm.s32 @!p1 $0x0  }
0x14: {  	s2 =	sld [smem:$0x3F9A];
	s0 =	simm.s32 @p1 $0x1  }
0x15: {  	[smem:$0x3FB7] =	sst s0;
	s0 =	simm.s32 @!p2 $0x0  }
0x16: {  	s3 =	sld [smem:$0x3FDB];
	s0 =	simm.s32 @p2 $0x1  }
0x17: {  	s4 =	simm.s32 $0x1BF5;
	[smem:$0x3FB9] =	sst s0  }
0x18: {  	s0 =	sld [smem:$0x3F9C];
	_ =	swait.ge [sflag:s4], $0x0  }
0x19: {  	s7 =	sld [smem:$0x3F9D]  }
0x1a: {  	s8 =	sadd.s32 $0xFFFFE003, lr  }
0x1b: {  	s9 =	sadd.s32 $0xFFFFFEF7, lr;
	s5 =	simm.s32 $0xFFFFFFFF;
	p2 =	slt.u32 s8, $0xFFFFF086  }
0x1c: {  	p1 =	slt.u32 s9, $0xF7A;
	s5 =	simm.s32 @!p2 $0x0  }
0x1d: {  	s5 =	simm.s32 @p1 $0x1;
	p0 =	seq.s32 s7, s2  }
0x1e: {  	s7 =	smul.u32 @!p0 $0xF7A, s2;
	p2 =	seq.s32 @!p0 s5, $0x0  }
0x1f: {  	s9 =	smul.u32 $0xF7A, s1;
	s8 =	simm.s32 @!p0 $0x1BF5;
	p2 =	por !p2, p0  }
0x20: {  	[sflag:s8] =	ssyncset.s32 @!p0 $0xFFFFF086;
	s6 =	sadd.s32 @!p0 s3, s7;
	s7 =	simm.s32 @!p0 $0x108  }
0x21: {  	s3 =	sadd.s32 s3, s9;
	s6 =	sadd.s32 @!p0 $0x88, s6;
	s7 =	simm.s32 @p2 $0x1082  }
0x22: {  	[simem:s7], [sflag:s8] =	dma.local @!p0 [hbm:s6], $0xF7A  }
0x23: {  	s9 =	sor.u32 $0xD0000000, s2;
	s6 =	simm.s32 $0x108;
	_ =	swait.ge @!p0 [sflag:s8], $0x0  }
0x24: {  	s3 =	sadd.s32 $0x88, s3;
	s6 =	simm.s32 @!p1 $0x1082;
	[sflag:s4] =	ssyncset.s32 $0xFFFFF086  }
0x25: {  	[simem:s6], [sflag:s4] =	dma.local [hbm:s3], $0xF7A  }
0x26: {  	[smem:$0x3F9D] =	sst s1;
	(tag) =	ssettag s2;
	_ =	strace s9  }
0x27: {  	s1 =	sld [smem:$0x3FAD]  }
0x28: {  	s2 =	sld [smem:$0x3FAE]  }
0x29: {  	s4 =	sld [smem:$0x3FB0]  }
0x2a: {  	p0 =	seq.s32 s5, $0x0;
	s5 =	sld [smem:$0x3FB1]  }
0x2b: {  	s6 =	sld [smem:$0x3FB2]  }
0x2c: {  	s7 =	sld [smem:$0x3FB3]  }
0x2d: {  	s3 =	simm.s32 $0x108;
	s8 =	sld [smem:$0x3FB4]  }
0x2e: {  	s3 =	simm.s32 @!p0 $0x1082;
	s9 =	sld [smem:$0x3FB5]  }
0x2f: {  	lr =	sadd.s32 s0, s3;
	s0 =	sld [smem:$0x3FAC]  }
0x30: {  	s3 =	sld [smem:$0x3FAF]  }
0x31: {  	[smem:$0x3FB8] =	sst s10  }
0x32: {  	s10 =	sld [smem:$0x3FB6];
	_ =	sdelay $0x3  }
0x33: {  	p0 =	seq.s32 s10, $0x1;
	s10 =	sld [smem:$0x3FB8];
	_ =	sdelay $0x3  }
0x34: {  	[smem:$0x3FB8] =	sst s10  }
0x35: {  	s10 =	sld [smem:$0x3FB7];
	_ =	sdelay $0x3  }
0x36: {  	p1 =	seq.s32 s10, $0x1;
	s10 =	sld [smem:$0x3FB8];
	_ =	sdelay $0x3  }
0x37: {  	[smem:$0x3FB8] =	sst s10  }
0x38: {  	s10 =	sld [smem:$0x3FB9]  }
0x39: {  	_ = 	snop;
	(pc) =	sbr.ind lr, $3  }
0x3a: {  	_ = 	snop  }
0x3b: {  	_ = 	snop  }
0x3c: {  	p2 =	seq.s32 s10, $0x1;
	s10 =	sld [smem:$0x3FB8]  }
0x3d: {  	_ =	shalt  }
0x3e: {  	_ =	shalt  }
0x3f: {  	_ =	shalt  }
0x40: {  	_ =	shalt  }
0x41: {  	_ =	shalt  }
0x42: {  	_ =	shalt  }
0x43: {  	_ =	shalt  }
0x44: {  	_ =	shalt  }
0x45: {  	_ =	shalt  }
0x46: {  	_ =	shalt  }
0x47: {  	_ =	shalt  }
0x48: {  	_ =	shalt  }
0x49: {  	_ =	shalt  }
0x4a: {  	_ =	shalt  }
0x4b: {  	_ =	shalt  }
0x4c: {  	_ =	shalt  }
0x4d: {  	_ =	shalt  }
0x4e: {  	_ =	shalt  }
0x4f: {  	_ =	shalt  }
0x50: {  	_ =	shalt  }
0x51: {  	_ =	shalt  }
0x52: {  	_ =	shalt  }
0x53: {  	_ =	shalt  }
0x54: {  	_ =	shalt  }
0x55: {  	_ =	shalt  }
0x56: {  	_ =	shalt  }
0x57: {  	_ =	shalt  }
0x58: {  	_ =	shalt  }
0x59: {  	_ =	shalt  }
0x5a: {  	_ =	shalt  }
0x5b: {  	_ =	shalt  }
0x5c: {  	_ =	shalt  }
0x5d: {  	_ =	shalt  }
0x5e: {  	_ =	shalt  }
0x5f: {  	_ =	shalt  }
0x60: {  	_ =	shalt  }
0x61: {  	_ =	shalt  }
0x62: {  	_ =	shalt  }
0x63: {  	_ =	shalt  }
0x64: {  	_ =	shalt  }
0x65: {  	_ =	shalt  }
0x66: {  	_ =	shalt  }
0x67: {  	_ =	shalt  }
0x68: {  	_ =	shalt  }
0x69: {  	_ =	shalt  }
0x6a: {  	_ =	shalt  }
0x6b: {  	_ =	shalt  }
0x6c: {  	_ =	shalt  }
0x6d: {  	_ =	shalt  }
0x6e: {  	_ =	shalt  }
0x6f: {  	_ =	shalt  }
0x70: {  	_ =	shalt  }
0x71: {  	_ =	shalt  }
0x72: {  	_ =	shalt  }
0x73: {  	_ =	shalt  }
0x74: {  	_ =	shalt  }
0x75: {  	_ =	shalt  }
0x76: {  	_ =	shalt  }
0x77: {  	_ =	shalt  }
0x78: {  	_ =	shalt  }
0x79: {  	_ =	shalt  }
0x7a: {  	_ =	shalt  }
0x7b: {  	_ =	shalt  }
0x7c: {  	_ =	shalt  }
0x7d: {  	_ =	shalt  }
0x7e: {  	_ =	shalt  }
0x7f: {  	_ =	shalt  }
0x80: {  	_ =	shalt  }
0x81: {  	_ =	shalt  }
0x82: {  	_ =	shalt  }
0x83: {  	_ =	shalt  }
0x84: {  	_ =	shalt  }
0x85: {  	_ =	shalt  }
0x86: {  	_ =	shalt  }
0x87: {  	_ =	shalt  }
.Lfunc_end0:
.L_simem_size_0:
called_computation.1_lowered:
.L_overlay_start_0:
0x88: {  	s2 =	sld [smem:$0x3FD9]  }
0x89: {  	s3 =	sld [smem:$0x3FFE];
	_ =	sdelay $0x1  }
0x8a: {  	s1 =	srdreg.scid  }
0x8b: {  	s0 =	sand.u32 $0x1, s1  }
0x8c: {  	s17 =	sshll.u32 s0, $0xA;
	s2 =	sadd.s32 s3, s2  }
0x8d: {  	s2 =	sadd.s32 s2, s17  }
0x8e: {  	[smem:$0x3FC4] =	sst s2  }
0x8f: {  	_ = 	snop  }
0x90: {  	s2 =	sld [smem:$0x3FD0];
	(tm) =	ssettm $0x1  }
0x91: {  	s18 =	sld [smem:$0x3FFB];
	_ =	sdelay $0x3  }
0x92: {  	_ =	strace s18  }
0x93: {  	s3 =	sld [smem:$0x3FFC];
	_ =	sdelay $0x3  }
0x94: {  	_ =	strace s3  }
0x95: {  	s3 =	sld [smem:$0x3FFD];
	_ =	sdelay $0x3  }
0x96: {  	_ =	strace s3  }
0x97: {  	_ =	strace $0x8FFFFFFF  }
0x98: {  	s19 =	sld [smem:$0x3FDB];
	_ =	sdelay $0x1  }
0x99: {  	s4 =	simm.s32 $_scs_section_size  }
0x9a: {  	s5 =	simm.s32 $_size__tile_overlayer_lowered;
	s6 =	simm.s32 $_tile_overlayer_lowered  }
0x9b: {  	s22 =	simm.s32 $0x1BFF;
	s21 =	sshll.u32 s6, $0x1;
	s3 =	sadd.s32 s4, s19  }
0x9c: {  	s7 =	simm.s32 $0x0;
	s20 =	sshll.u32 s5, $0x1;
	s5 =	sadd.s32 s21, s3  }
0x9d: {  	[timem:s7], [sflag:s22] =	dma.local [hbm:s5], s20  }
0x9e: {  	_ =	swait.ge [sflag:s22], s20  }
0x9f: {  	s4 =	ssub.s32 $0x0, s20;
	[sflag:s22] =	ssyncset.done $0x0  }
0xa0: {  	[sflag:s22] =	ssyncadd.s32 s4;
	_ =	sdelay $0x1  }
0xa1: {  	s23 =	simm.s32 $0x1B8B  }
0xa2: {  	_ =	swait.ge [sflag:s23], $0x1  }
0xa3: {  	[sflag:s23] =	ssyncset.done $0x0  }
0xa4: {  	s25 =	simm.s32 $0x1B8E;
	s24 =	sld [smem:$0x3FFE];
	[sflag:s23] =	ssyncadd.s32 $0xFFFFFFFF  }
0xa5: {  	s26 =	simm.s32 $execute0_lowered;
	[smem:$0x3FD2] =	sst s25  }
0xa6: {  	s5 =	sshll.u32 s26, $0x1;
	_ =	strace $0x80000049;
	[dreg:$0x1] =	wrdreg $0xFFFFFFFF  }
0xa7: {  	s28 =	simm.s32 $_size_execute0_lowered;
	s3 =	sadd.s32 s3, s5;
	[dreg:$0x0] =	wrdreg $0x0  }
0xa8: {  	s5 =	sshll.u32 s28, $0x1;
	[dreg:$0x2] =	wrdreg s3  }
0xa9: {  	[dreg:$0x3] =	wrdreg s5  }
0xaa: {  	[dreg:$0x4] =	wrdreg $0xC0  }
0xab: {  	_ =	task [dreg:s7], $0x5FFFF  }
0xac: {  	[dreg:$0x1] =	wrdreg $0xFFFFFFFF  }
0xad: {  	[dreg:$0x0] =	wrdreg $0x60  }
0xae: {  	[dreg:$0x2] =	wrdreg s2  }
0xaf: {  	[dreg:$0x3] =	wrdreg s24  }
0xb0: {  	[dreg:$0x4] =	wrdreg $0x6B800  }
0xb1: {  	[dreg:$0x5] =	wrdreg $0x9  }
0xb2: {  	_ =	task.clear_ibuf [dreg:s7], $0x6FFFF;
	_ =	strace $0x90000049  }
0xb3: {  	s29 =	simm.s32 $0x9;
	_ =	strace $0x8000004B  }
0xb4: {  	_ =	swait.ge [sflag:s29], $0x1  }
0xb5: {  	[sflag:s29] =	ssyncadd.s32 $0xFFFFFFFF  }
0xb6: {  	_ =	strace $0x9000004B  }
0xb7: {  	_ =	sfence  }
0xb8: {  	s30 =	sld [smem:$0x0];
	_ =	sdelay $0x2  }
0xb9: {  	s31 =	sshll.u32 s1, $0xD;
	s1 =	sshrl.u32 s1, $0x2  }
0xba: {  	s3 =	sand.u32 $0x4000, s31;
	s1 =	sadd.s32 s1, s30  }
0xbb: {  	s0 =	sor.u32 s3, s0;
	s1 =	sshll.u32 s1, $0x11  }
0xbc: {  	s0 =	sor.u32 s1, s0  }
0xbd: {  	s0 =	sadd.s32 $0x8F2B, s0  }
0xbe: {  	[sflag:s0] =	ssyncadd.remote.s32 $0x1  }
0xbf: {  	_ =	sfence.sel $0xFFFF  }
0xc0: {  	[dreg:$0x0] =	wrdreg $0xFFFFFFFF;
	(pc) =	sbr.abs _section_cstart, $3  }
0xc1: {  	[dreg:$0x1] =	wrdreg $0xFFFFFFFF  }
0xc2: {  	_ =	task.clear_ibuf [dreg:s7], $0x2FFFF;
	_ =	strace $0x9FFFFFFF  }
0xc3: {  	(tm) =	ssettm $0x7FFFFFFF  }
tec
execute0_lowered:
.L_overlay_start_1:
0x0: {  	(tag) =	ssettag $0x1  }
0x1: {  	s2 =	rddreg [dreg:$0x0]  }
0x2: {  	s0 =	rddreg [dreg:$0x1]  }
0x3: {  	s3 =	rddreg [dreg:$0x2];
	s9 =	stileid.u32  }
0x4: {  	s1 =	srdreg.scid;
	s5 =	simm.s32 $0x0;
	s21 =	simm.s32 $0x64  }
0x5: {  	s18 =	simm.s32 $0x2080;
	s20 =	simm.s32 $0x4600;
	s19 =	simm.s32 $0x1  }
0x6: {  	s13 =	simm.s32 $0x4;
	s14 =	simm.s32 $0xA;
	s15 =	simm.s32 $0x6  }
0x7: {  	s16 =	simm.s32 $0xC;
	s17 =	simm.s32 $0x3340;
	s31 =	simm.s32 $0x3980  }
0x8: {  	s11 =	simm.s32 $0x3FC0;
	s12 =	simm.s32 $0x6540;
	s4 =	smul.u32 $0x18700, s9  }
0x9: {  	s1 =	sand.u32 $0x1, s1;
	[smem:$0x7FF] =	sst s5;
	s10 =	sadd.s32 $0x1200, s0  }
0xa: {  	s26 =	sshll.u32 s9, $0x6;
	s23 =	smul.u32 $0x187000, s1;
	_ =	strace $0x8000004A  }
0xb: {  	s6 =	sshll.u32 s1, $0x4;
	s1 =	ssub.s32 $0x2, s1;
	[dreg:$0x4] =	wrdreg s10  }
0xc: {  	s7 =	sshrl.u32 s4, $0x3;
	s6 =	sor.u32 s9, s6;
	s24 =	sshrl.u32 s1, $0x1  }
0xd: {  	s9 =	sor.u32 $0x1C1B, s26;
	s5 =	sadd.s32 s4, s23;
	s8 =	smul.u32 $0x19640, s6  }
0xe: {  	s7 =	sadd.s32 s7, s0;
	s1 =	ssub.s32 s1, s24;
	s4 =	sadd.s32 s4, s3  }
0xf: {  	s6 =	smul.u32 $0x3E8, s6;
	[dreg:$0x7] =	wrdreg s9;
	s7 =	sadd.s32 $0xFD200, s7  }
0x10: {  	s24 =	simm.s32 $0x7;
	s5 =	sshrl.u32 s5, $0x3;
	[dreg:$0x5] =	wrdreg s7  }
0x11: {  	s30 =	smax.u32 s1, $0x1;
	s1 =	sshrl.u32 s4, $0x3;
	[dreg:$0x8] =	wrdreg s6  }
0x12: {  	s4 =	simm.s32 $0x1B;
	s25 =	sshrl.u32 s8, $0x3;
	[dreg:$0xd] =	wrdreg s30  }
0x13: {  	s0 =	sadd.s32 s5, s0;
	[dreg:$0xe] =	wrdreg s1;
	s5 =	sadd.s32 s10, s25  }
.Ltmp0:
0x14: {  	s0 =	sadd.s32 $0x12E000, s0;
	[dreg:$0x6] =	wrdreg s5;
	(pc) =	sbr.rel .LBB2_1-.Ltmp0, $4  }
0x15: {  	s7 =	simm.s32 $0x5;
	s28 =	sadd.s32 $0x65900, s5;
	[dreg:$0xc] =	wrdreg s0  }
0x16: {  	s8 =	simm.s32 $0xB;
	s29 =	sadd.s32 $0x104, s5;
	[dreg:$0x9] =	wrdreg s28  }
0x17: {  	s6 =	simm.s32 $0x5F00;
	s5 =	sadd.s32 $0x65A04, s5;
	[dreg:$0xa] =	wrdreg s29  }
0x18: {  	s10 =	simm.s32 $0x58C0;
	[dreg:$0xb] =	wrdreg s5;
	s5 =	simm.s32 $0x0  }
.LBB2_6:
0x19: {  	s0 =	simm.s32 $0xD  }
0x1a: {  	_ =	swait.ge [sflag:s0], $0x640  }
0x1b: {  	[sflag:s0] =	ssyncset.done $0x0  }
0x1c: {  	s1 =	simm.s32 $0x13;
	[sflag:s0] =	ssyncadd.s32 $0xFFFFF9C0  }
0x1d: {  	_ =	swait.ge [sflag:s1], $0x640  }
0x1e: {  	[sflag:s1] =	ssyncset.done $0x0  }
0x1f: {  	s4 =	simm.s32 $0xE;
	[sflag:s1] =	ssyncadd.s32 $0xFFFFF9C0  }
0x20: {  	_ =	swait.ge [sflag:s4], $0x640  }
0x21: {  	[sflag:s4] =	ssyncset.done $0x0  }
0x22: {  	s5 =	simm.s32 $0x14;
	[sflag:s4] =	ssyncadd.s32 $0xFFFFF9C0  }
0x23: {  	_ =	swait.ge [sflag:s5], $0x640  }
0x24: {  	[sflag:s5] =	ssyncset.done $0x0  }
0x25: {  	s9 =	simm.s32 $0xF;
	[sflag:s5] =	ssyncadd.s32 $0xFFFFF9C0  }
0x26: {  	_ =	swait.ge [sflag:s9], $0x640  }
0x27: {  	[sflag:s9] =	ssyncset.done $0x0  }
0x28: {  	s18 =	simm.s32 $0x15;
	[sflag:s9] =	ssyncadd.s32 $0xFFFFF9C0  }
0x29: {  	_ =	swait.ge [sflag:s18], $0x640  }
0x2a: {  	[sflag:s18] =	ssyncset.done $0x0  }
0x2b: {  	s20 =	simm.s32 $0x10;
	[sflag:s18] =	ssyncadd.s32 $0xFFFFF9C0  }
0x2c: {  	_ =	swait.ge [sflag:s20], $0x640  }
0x2d: {  	[sflag:s20] =	ssyncset.done $0x0  }
0x2e: {  	s22 =	simm.s32 $0x16;
	[sflag:s20] =	ssyncadd.s32 $0xFFFFF9C0  }
0x2f: {  	_ =	swait.ge [sflag:s22], $0x640  }
0x30: {  	[sflag:s22] =	ssyncset.done $0x0  }
0x31: {  	s23 =	simm.s32 $0x11;
	[sflag:s22] =	ssyncadd.s32 $0xFFFFF9C0  }
0x32: {  	_ =	swait.ge [sflag:s23], $0x640  }
0x33: {  	[sflag:s23] =	ssyncset.done $0x0  }
0x34: {  	s25 =	simm.s32 $0x17;
	[sflag:s23] =	ssyncadd.s32 $0xFFFFF9C0  }
0x35: {  	_ =	swait.ge [sflag:s25], $0x640  }
0x36: {  	[sflag:s25] =	ssyncset.done $0x0  }
0x37: {  	s26 =	simm.s32 $0x12;
	[sflag:s25] =	ssyncadd.s32 $0xFFFFF9C0  }
0x38: {  	_ =	swait.ge [sflag:s26], $0x640  }
0x39: {  	[sflag:s26] =	ssyncset.done $0x0  }
0x3a: {  	s28 =	simm.s32 $0x18;
	[sflag:s26] =	ssyncadd.s32 $0xFFFFF9C0  }
0x3b: {  	_ =	swait.ge [sflag:s28], $0x640  }
0x3c: {  	[sflag:s28] =	ssyncset.done $0x0  }
0x3d: {  	s29 =	simm.s32 $0xEA0;
	s18 =	simm.s32 $0x2080;
	[sflag:s28] =	ssyncadd.s32 $0xFFFFF9C0  }
0x3e: {  	[tilespmem:s18], [sflag:$0x1] =	stream.indirect.gather [hbm4b:s2+s21], $0x10, s29, s21, $0xb8;
	[tilespmem:$0x1F280] =	vst v63  }
0x3f: {  	s5 =	simm.s32 $0x1EE0;
	s20 =	simm.s32 $0x4600  }
0x40: {  	[tilespmem:s20], [sflag:$0x7] =	stream.indirect.gather [hbm4b:s2+s21], $0x10, s5, s21, $0xb8;
	[tilespmem:$0x1F280] =	vst v63  }
0x41: {  	_ =	swait.ge [sflag:s19], $0x640  }
0x42: {  	[sflag:s19] =	ssyncset.done $0x0  }
0x43: {  	[sflag:s19] =	ssyncadd.s32 $0xFFFFF9C0  }
0x44: {  	_ =	swait.ge [sflag:s24], $0x640  }
0x45: {  	[sflag:s24] =	ssyncset.done $0x0  }
0x46: {  	[sflag:s24] =	ssyncadd.s32 $0xFFFFF9C0  }
0x47: {  	[spmem:s3] =	stream.indirect.scatter.add.f32 [tilespmem:s18], [sflag:$0xD], $0x10, s5, s21, $0xb8;
	[tilespmem:$0x1F280] =	vst v63  }
0x48: {  	_ = 	snop  }
0x49: {  	[spmem:s3] =	stream.indirect.scatter.add.f32 [tilespmem:s20], [sflag:$0x13], $0x10, s29, s21, $0xb8;
	[tilespmem:$0x1F280] =	vst v63  }
0x4a: {  	_ =	swait.ge [sflag:s0], $0x640  }
0x4b: {  	[sflag:s0] =	ssyncset.done $0x0  }
0x4c: {  	[sflag:s0] =	ssyncadd.s32 $0xFFFFF9C0  }
0x4d: {  	_ =	swait.ge [sflag:s1], $0x640  }
0x4e: {  	[sflag:s1] =	ssyncset.done $0x0  }
0x4f: {  	s30 =	simm.s32 $0xF08;
	[sflag:s1] =	ssyncadd.s32 $0xFFFFF9C0  }
0x50: {  	[tilespmem:s18], [sflag:$0x1] =	stream.indirect.gather [hbm4b:s2+s21], $0x10, s30, s21, $0xb8;
	[tilespmem:$0x1F280] =	vst v63  }
0x51: {  	s9 =	simm.s32 $0x1F48  }
0x52: {  	[tilespmem:s20], [sflag:$0x7] =	stream.indirect.gather [hbm4b:s2+s21], $0x10, s9, s21, $0xb8;
	[tilespmem:$0x1F280] =	vst v63  }
0x53: {  	_ =	swait.ge [sflag:s19], $0x640  }
0x54: {  	[sflag:s19] =	ssyncset.done $0x0  }
0x55: {  	[sflag:s19] =	ssyncadd.s32 $0xFFFFF9C0  }
0x56: {  	_ =	swait.ge [sflag:s24], $0x640  }
0x57: {  	[sflag:s24] =	ssyncset.done $0x0  }
0x58: {  	[sflag:s24] =	ssyncadd.s32 $0xFFFFF9C0  }
0x59: {  	[spmem:s3] =	stream.indirect.scatter.add.f32 [tilespmem:s18], [sflag:$0xD], $0x10, s9, s21, $0xb8;
	[tilespmem:$0x1F280] =	vst v63  }
0x5a: {  	_ = 	snop  }
0x5b: {  	[spmem:s3] =	stream.indirect.scatter.add.f32 [tilespmem:s20], [sflag:$0x13], $0x10, s30, s21, $0xb8;
	[tilespmem:$0x1F280] =	vst v63  }
0x5c: {  	_ =	swait.ge [sflag:s0], $0x640  }
0x5d: {  	[sflag:s0] =	ssyncset.done $0x0  }
0x5e: {  	[sflag:s0] =	ssyncadd.s32 $0xFFFFF9C0  }
0x5f: {  	_ =	swait.ge [sflag:s1], $0x640  }
0x60: {  	[sflag:s1] =	ssyncset.done $0x0  }
0x61: {  	s22 =	simm.s32 $0xF70;
	[sflag:s1] =	ssyncadd.s32 $0xFFFFF9C0  }
0x62: {  	[tilespmem:s18], [sflag:$0x1] =	stream.indirect.gather [hbm4b:s2+s21], $0x10, s22, s21, $0xb8;
	[tilespmem:$0x1F280] =	vst v63  }
0x63: {  	s23 =	simm.s32 $0x1FB0  }
0x64: {  	[tilespmem:s20], [sflag:$0x7] =	stream.indirect.gather [hbm4b:s2+s21], $0x10, s23, s21, $0xb8;
	[tilespmem:$0x1F280] =	vst v63  }
0x65: {  	_ =	swait.ge [sflag:s19], $0x640  }
0x66: {  	[sflag:s19] =	ssyncset.done $0x0  }
0x67: {  	[sflag:s19] =	ssyncadd.s32 $0xFFFFF9C0  }
0x68: {  	_ =	swait.ge [sflag:s24], $0x640  }
0x69: {  	[sflag:s24] =	ssyncset.done $0x0  }
0x6a: {  	[sflag:s24] =	ssyncadd.s32 $0xFFFFF9C0  }
0x6b: {  	[spmem:s3] =	stream.indirect.scatter.add.f32 [tilespmem:s18], [sflag:$0xD], $0x10, s23, s21, $0xb8;
	[tilespmem:$0x1F280] =	vst v63  }
0x6c: {  	_ = 	snop  }
0x6d: {  	[spmem:s3] =	stream.indirect.scatter.add.f32 [tilespmem:s20], [sflag:$0x13], $0x10, s22, s21, $0xb8;
	[tilespmem:$0x1F280] =	vst v63  }
0x6e: {  	_ =	swait.ge [sflag:s0], $0x640  }
0x6f: {  	[sflag:s0] =	ssyncset.done $0x0  }
0x70: {  	[sflag:s0] =	ssyncadd.s32 $0xFFFFF9C0  }
0x71: {  	_ =	swait.ge [sflag:s1], $0x640  }
0x72: {  	[sflag:s1] =	ssyncset.done $0x0  }
0x73: {  	s25 =	simm.s32 $0xFD8;
	[sflag:s1] =	ssyncadd.s32 $0xFFFFF9C0  }
0x74: {  	[tilespmem:s18], [sflag:$0x1] =	stream.indirect.gather [hbm4b:s2+s21], $0x10, s25, s21, $0xb8;
	[tilespmem:$0x1F280] =	vst v63  }
0x75: {  	s26 =	simm.s32 $0x2018  }
0x76: {  	[tilespmem:s20], [sflag:$0x7] =	stream.indirect.gather [hbm4b:s2+s21], $0x10, s26, s21, $0xb8;
	[tilespmem:$0x1F280] =	vst v63  }
0x77: {  	_ =	swait.ge [sflag:s19], $0x640  }
0x78: {  	[sflag:s19] =	ssyncset.done $0x0  }
0x79: {  	[sflag:s19] =	ssyncadd.s32 $0xFFFFF9C0  }
0x7a: {  	_ =	swait.ge [sflag:s24], $0x640  }
0x7b: {  	[sflag:s24] =	ssyncset.done $0x0  }
0x7c: {  	[sflag:s24] =	ssyncadd.s32 $0xFFFFF9C0  }
0x7d: {  	[spmem:s3] =	stream.indirect.scatter.add.f32 [tilespmem:s18], [sflag:$0xD], $0x10, s26, s21, $0xb8;
	[tilespmem:$0x1F280] =	vst v63  }
0x7e: {  	_ = 	snop  }
0x7f: {  	[spmem:s3] =	stream.indirect.scatter.add.f32 [tilespmem:s20], [sflag:$0x13], $0x10, s25, s21, $0xb8;
	[tilespmem:$0x1F280] =	vst v63  }
0x80: {  	_ =	swait.ge [sflag:s0], $0x640  }
0x81: {  	[sflag:s0] =	ssyncset.done $0x0  }
0x82: {  	[sflag:s0] =	ssyncadd.s32 $0xFFFFF9C0  }
0x83: {  	_ =	swait.ge [sflag:s1], $0x640  }
0x84: {  	[sflag:s1] =	ssyncset.done $0x0  }
0x85: {  	[sflag:s1] =	ssyncadd.s32 $0xFFFFF9C0  }
0x86: {  	[bflag:$0x0] =	sbarrier.arrive $0xFFFF  }
0x87: {  	s9 =	rddreg [dreg:$0x7]  }
0x88: {  	s28 =	rddreg [dreg:$0xc]  }
0x89: {  	s4 =	simm.s32 $0x1B;
	s1 =	rddreg [dreg:$0xe]  }
0x8a: {  	[hbm:s28], [sflag:s9] =	dma.local [spmem:s1], $0x30E0  }
0x8b: {  	_ =	swait.ge [sflag:s4], $0x30E0  }
0x8c: {  	s29 =	rddreg [dreg:$0xf]  }
0x8d: {  	s30 =	rddreg [dreg:$0xd];
	s5 =	sadd.s32 $0x1, s29  }
0x8e: {  	p0 =	sne.s32 s5, s30  }
.Ltmp1:
0x8f: {  	_ = 	snop;
	(pc) =	sbr.rel @!p0 .LBB2_7-.Ltmp1, $3  }
0x90: {  	_ =	sdelay $0x1  }
0x91: {  	[sflag:s4] =	ssyncset.done $0x0  }
0x92: {  	[sflag:s4] =	ssyncadd.s32 $0xFFFFCF20  }
.LBB2_1:
0x93: {  	[dreg:$0xf] =	wrdreg s5  }
0x94: {  	s0 =	rddreg [dreg:$0x5]  }
0x95: {  	[spmem:s1], [sflag:s9] =	dma.local [hbm:s0], $0x30E0  }
0x96: {  	_ =	swait.ge [sflag:s4], $0x30E0  }
0x97: {  	[sflag:s4] =	ssyncset.done $0x0  }
0x98: {  	[sflag:s4] =	ssyncadd.s32 $0xFFFFCF20  }
0x99: {  	[bflag:$0x0] =	sbarrier.arrive $0xFFFF  }
0x9a: {  	s4 =	simm.s32 $0x0;
	s22 =	rddreg [dreg:$0x6]  }
0x9b: {  	[tilespmem:s4], [sflag:$0x19] =	stream.linear.gather [hbm4b:s22+s4], $0x820, $0x38;
	[tilespmem:$0x1F280] =	vst v63  }
0x9c: {  	s25 =	simm.s32 $0x1040;
	s23 =	rddreg [dreg:$0x9]  }
0x9d: {  	[tilespmem:s25], [sflag:$0x19] =	stream.linear.gather [hbm4b:s23+s4], $0x820, $0x38;
	[tilespmem:$0x1F280] =	vst v63  }
0x9e: {  	s28 =	simm.s32 $0x820;
	s26 =	rddreg [dreg:$0xa]  }
0x9f: {  	[tilespmem:s28], [sflag:$0x1A] =	stream.linear.gather [hbm4b:s26+s4], $0x820, $0x38;
	[tilespmem:$0x1F280] =	vst v63  }
0xa0: {  	s30 =	simm.s32 $0x1860;
	s9 =	simm.s32 $0x19;
	s29 =	rddreg [dreg:$0xb]  }
0xa1: {  	[tilespmem:s30], [sflag:$0x1A] =	stream.linear.gather [hbm4b:s29+s4], $0x820, $0x38;
	[tilespmem:$0x1F280] =	vst v63  }
0xa2: {  	_ =	swait.ge [sflag:s9], $0x820  }
0xa3: {  	[sflag:s9] =	ssyncset.done $0x0  }
0xa4: {  	[sflag:s9] =	ssyncadd.s32 $0xFFFFF7E0  }
0xa5: {  	_ =	swait.ge [sflag:s9], $0x820  }
0xa6: {  	[sflag:s9] =	ssyncset.done $0x0  }
0xa7: {  	[sflag:s9] =	ssyncadd.s32 $0xFFFFF7E0  }
0xa8: {  	[tilespmem:s18], [sflag:$0x1] =	stream.indirect.gather [hbm4b:s2+s21], $0x10, s4, s21, $0xb8;
	[tilespmem:$0x1F280] =	vst v63  }
0xa9: {  	_ = 	snop  }
0xaa: {  	[tilespmem:s20], [sflag:$0x7] =	stream.indirect.gather [hbm4b:s2+s21], $0x10, s25, s21, $0xb8;
	[tilespmem:$0x1F280] =	vst v63  }
0xab: {  	s22 =	simm.s32 $0x26C0;
	s20 =	simm.s32 $0x68  }
0xac: {  	[tilespmem:s22], [sflag:$0x2] =	stream.indirect.gather [hbm4b:s2+s21], $0x10, s20, s21, $0xb8;
	[tilespmem:$0x1F280] =	vst v63  }
0xad: {  	s23 =	simm.s32 $0x10A8;
	s25 =	simm.s32 $0x4C40  }
0xae: {  	[tilespmem:s25], [sflag:$0x8] =	stream.indirect.gather [hbm4b:s2+s21], $0x10, s23, s21, $0xb8;
	[tilespmem:$0x1F280] =	vst v63  }
.Ltmp2:
0xaf: {  	_ = 	snop;
	(pc) =	sbr.rel .LBB2_2-.Ltmp2, $4  }
0xb0: {  	s26 =	simm.s32 $0xD0;
	s28 =	simm.s32 $0x2D00;
	s29 =	simm.s32 $0x1110  }
0xb1: {  	[tilespmem:s28], [sflag:$0x3] =	stream.indirect.gather [hbm4b:s2+s21], $0x10, s26, s21, $0xb8;
	[tilespmem:$0x1F280] =	vst v63  }
0xb2: {  	s30 =	simm.s32 $0x5280;
	s20 =	simm.s32 $0x0;
	s25 =	simm.s32 $0x0  }
0xb3: {  	[tilespmem:s30], [sflag:$0x9] =	stream.indirect.gather [hbm4b:s2+s21], $0x10, s29, s21, $0xb8;
	[tilespmem:$0x1F280] =	vst v63  }
.LBB2_4:
0xb4: {  	p0 =	sgt.u32 s25, $0xA3;
	s4 =	sadd.s32 $0xFFFFFFF4, s30  }
0xb5: {  	p1 =	sgt.u32 @!p0 s4, $0x5  }
0xb6: {  	p0 =	por p1, p0  }
0xb7: {  	s1 =	sand.u32 @!p0 $0x1, s1  }
0xb8: {  	s1 =	sadd.s32 @!p0 $0x19, s1  }
0xb9: {  	_ =	swait.ge @!p0 [sflag:s1], $0x820  }
0xba: {  	[sflag:s1] =	ssyncset.done @!p0 $0x0  }
0xbb: {  	[sflag:s1] =	ssyncadd.s32 @!p0 $0xFFFFF7E0  }
0xbc: {  	_ =	swait.ge @!p0 [sflag:s1], $0x820  }
0xbd: {  	[sflag:s1] =	ssyncset.done @!p0 $0x0  }
0xbe: {  	s9 =	simm.s32 $0x2080;
	[sflag:s1] =	ssyncadd.s32 @!p0 $0xFFFFF7E0  }
.LBB2_5:
0xbf: {  	p3 =	sgt.s32 s30, $0x10;
	s0 =	sand.u32 $0x1, s0  }
0xc0: {  	p2 =	seq.s32 s20, $0x0;
	p0 =	seq.s32 s0, $0x1;
	s0 =	simm.s32 $0xFFFFFFEC  }
0xc1: {  	s4 =	simm.s32 $0x820;
	s1 =	simm.s32 @!p2 $0x10;
	s0 =	simm.s32 @!p3 $0x0  }
0xc2: {  	p1 =	por !p0, !p0;
	_ =	swait.ge @!p2 [sflag:s1], $0x640;
	s0 =	sadd.s32 s20, s0  }
0xc3: {  	p4 =	por p1, p1;
	[sflag:s1] =	ssyncset.done @!p2 $0x0;
	s0 =	sadd.s32 s28, s0  }
0xc4: {  	[sflag:s1] =	ssyncadd.s32 @!p2 $0xFFFFF9C0;
	s1 =	simm.s32 @!p2 $0x16;
	s0 =	sadd.s32 $0x3, s0  }
0xc5: {  	p4 =	por @!p3 p0, p0;
	_ =	swait.ge @!p2 [sflag:s1], $0x640;
	s0 =	smul.u32 $0x68, s0  }
0xc6: {  	p3 =	sgt.s32 s30, $0x13;
	s4 =	simm.s32 @!p4 $0x0;
	[sflag:s1] =	ssyncset.done @!p2 $0x0  }
0xc7: {  	[sflag:s1] =	ssyncadd.s32 @!p2 $0xFFFFF9C0;
	s1 =	simm.s32 $0xFFFFFFEC;
	s0 =	sadd.s32 s4, s0  }
0xc8: {  	[tilespmem:s17], [sflag:$0x4] =	stream.indirect.gather [hbm4b:s2+s21], $0x10, s0, s21, $0xb8;
	[tilespmem:$0x1F280] =	vst v63  }
0xc9: {  	s1 =	simm.s32 @!p3 $0x0;
	s5 =	sadd.s32 $0x1040, s0  }
0xca: {  	[tilespmem:s10], [sflag:$0xA] =	stream.indirect.gather [hbm4b:s2+s21], $0x10, s5, s21, $0xb8;
	[tilespmem:$0x1F280] =	vst v63  }
0xcb: {  	p4 =	por p1, p1;
	s1 =	sadd.s32 s20, s1;
	_ =	swait.ge [sflag:s19], $0x640  }
0xcc: {  	p4 =	por @!p3 p0, p0;
	s1 =	sadd.s32 s28, s1;
	[sflag:s19] =	ssyncset.done $0x0  }
0xcd: {  	s4 =	simm.s32 $0x820;
	s1 =	smul.u32 $0x68, s1;
	[sflag:s19] =	ssyncadd.s32 $0xFFFFF9C0  }
0xce: {  	s4 =	simm.s32 @!p4 $0x0;
	_ =	swait.ge [sflag:s24], $0x640  }
0xcf: {  	s1 =	sadd.s32 s4, s1;
	[sflag:s24] =	ssyncset.done $0x0  }
0xd0: {  	s4 =	sadd.s32 $0x1040, s1;
	[sflag:s24] =	ssyncadd.s32 $0xFFFFF9C0  }
0xd1: {  	[spmem:s3] =	stream.indirect.scatter.add.f32 [tilespmem:s9], [sflag:$0xD], $0x10, s4, s21, $0xb8;
	[tilespmem:$0x1F280] =	vst v63  }
0xd2: {  	s23 =	simm.s32 $0x4600  }
0xd3: {  	[spmem:s3] =	stream.indirect.scatter.add.f32 [tilespmem:s23], [sflag:$0x13], $0x10, s1, s21, $0xb8;
	[tilespmem:$0x1F280] =	vst v63  }
0xd4: {  	p3 =	sgt.s32 s30, $0xF;
	s1 =	simm.s32 $0xFFFFFFEC  }
0xd5: {  	s26 =	simm.s32 $0x2;
	s4 =	simm.s32 @!p2 $0x11;
	s1 =	simm.s32 @!p3 $0x0  }
0xd6: {  	p4 =	por p1, p1;
	_ =	swait.ge @!p2 [sflag:s4], $0x640;
	s1 =	sadd.s32 s20, s1  }
0xd7: {  	p4 =	por @!p3 p0, p0;
	[sflag:s4] =	ssyncset.done @!p2 $0x0;
	s1 =	sadd.s32 s28, s1  }
0xd8: {  	[sflag:s4] =	ssyncadd.s32 @!p2 $0xFFFFF9C0;
	s4 =	simm.s32 @!p2 $0x17;
	s1 =	sadd.s32 $0x4, s1  }
0xd9: {  	s9 =	simm.s32 $0x820;
	_ =	swait.ge @!p2 [sflag:s4], $0x640;
	s1 =	smul.u32 $0x68, s1  }
0xda: {  	s9 =	simm.s32 @!p4 $0x0;
	p3 =	sgt.s32 s30, $0x12;
	[sflag:s4] =	ssyncset.done @!p2 $0x0  }
0xdb: {  	[sflag:s4] =	ssyncadd.s32 @!p2 $0xFFFFF9C0;
	s22 =	sadd.s32 s9, s1;
	s1 =	simm.s32 $0xFFFFFFEC  }
0xdc: {  	[tilespmem:s31], [sflag:$0x5] =	stream.indirect.gather [hbm4b:s2+s21], $0x10, s22, s21, $0xb8;
	[tilespmem:$0x1F280] =	vst v63  }
0xdd: {  	s29 =	simm.s32 $0x8;
	s23 =	sadd.s32 $0x1040, s22;
	s1 =	simm.s32 @!p3 $0x0  }
0xde: {  	[tilespmem:s6], [sflag:$0xB] =	stream.indirect.gather [hbm4b:s2+s21], $0x10, s23, s21, $0xb8;
	[tilespmem:$0x1F280] =	vst v63  }
0xdf: {  	p4 =	por p1, p1;
	s1 =	sadd.s32 s20, s1;
	_ =	swait.ge [sflag:s26], $0x640  }
0xe0: {  	p4 =	por @!p3 p0, p0;
	s1 =	sadd.s32 s28, s1;
	[sflag:s26] =	ssyncset.done $0x0  }
0xe1: {  	s4 =	simm.s32 $0x820;
	s1 =	smul.u32 $0x68, s1;
	[sflag:s26] =	ssyncadd.s32 $0xFFFFF9C0  }
0xe2: {  	s4 =	simm.s32 @!p4 $0x0;
	_ =	swait.ge [sflag:s29], $0x640  }
0xe3: {  	s1 =	sadd.s32 s4, s1;
	[sflag:s29] =	ssyncset.done $0x0  }
0xe4: {  	s18 =	simm.s32 $0x26C0;
	s4 =	sadd.s32 $0x10A8, s1;
	[sflag:s29] =	ssyncadd.s32 $0xFFFFF9C0  }
0xe5: {  	[spmem:s3] =	stream.indirect.scatter.add.f32 [tilespmem:s18], [sflag:$0xE], $0x10, s4, s21, $0xb8;
	[tilespmem:$0x1F280] =	vst v63  }
0xe6: {  	s26 =	simm.s32 $0x4C40;
	s1 =	sadd.s32 $0x68, s1  }
0xe7: {  	[spmem:s3] =	stream.indirect.scatter.add.f32 [tilespmem:s26], [sflag:$0x14], $0x10, s1, s21, $0xb8;
	[tilespmem:$0x1F280] =	vst v63  }
0xe8: {  	p3 =	sgt.s32 s30, $0xE;
	s4 =	simm.s32 @!p2 $0x12;
	s1 =	simm.s32 $0xFFFFFFEC  }
0xe9: {  	s1 =	simm.s32 @!p3 $0x0;
	_ =	swait.ge @!p2 [sflag:s4], $0x640  }
0xea: {  	p4 =	por p1, p1;
	s1 =	sadd.s32 s20, s1;
	[sflag:s4] =	ssyncset.done @!p2 $0x0  }
0xeb: {  	s1 =	sadd.s32 s28, s1;
	[sflag:s4] =	ssyncadd.s32 @!p2 $0xFFFFF9C0;
	s4 =	simm.s32 @!p2 $0x18  }
0xec: {  	s9 =	simm.s32 $0x820;
	s1 =	sadd.s32 $0x5, s1;
	_ =	swait.ge @!p2 [sflag:s4], $0x640  }
0xed: {  	p4 =	por @!p3 p0, p0;
	s1 =	smul.u32 $0x68, s1;
	[sflag:s4] =	ssyncset.done @!p2 $0x0  }
0xee: {  	s9 =	simm.s32 @!p4 $0x0;
	p4 =	por p0, p0;
	[sflag:s4] =	ssyncadd.s32 @!p2 $0xFFFFF9C0  }
0xef: {  	p2 =	sgt.s32 s30, $0x11;
	s9 =	sadd.s32 s9, s1;
	s1 =	simm.s32 $0xFFFFFFEC  }
0xf0: {  	[tilespmem:s11], [sflag:$0x6] =	stream.indirect.gather [hbm4b:s2+s21], $0x10, s9, s21, $0xb8;
	[tilespmem:$0x1F280] =	vst v63  }
0xf1: {  	s18 =	simm.s32 $0x3;
	s4 =	sadd.s32 $0x1040, s9;
	s1 =	simm.s32 @!p2 $0x0  }
0xf2: {  	[tilespmem:s12], [sflag:$0xC] =	stream.indirect.gather [hbm4b:s2+s21], $0x10, s4, s21, $0xb8;
	[tilespmem:$0x1F280] =	vst v63  }
0xf3: {  	s26 =	simm.s32 $0x9;
	s1 =	sadd.s32 s20, s1;
	_ =	swait.ge [sflag:s18], $0x640  }
0xf4: {  	p1 =	por @!p2 p0, p0;
	s1 =	sadd.s32 s28, s1;
	[sflag:s18] =	ssyncset.done $0x0  }
0xf5: {  	s1 =	smul.u32 $0x68, s1;
	[sflag:s18] =	ssyncadd.s32 $0xFFFFF9C0;
	s18 =	simm.s32 $0x820  }
0xf6: {  	s29 =	simm.s32 $0x2D00;
	_ =	swait.ge [sflag:s26], $0x640;
	s18 =	simm.s32 @!p1 $0x0  }
0xf7: {  	p1 =	seq.s32 s20, $0x3DE;
	[sflag:s26] =	ssyncset.done $0x0;
	s1 =	sadd.s32 s18, s1  }
0xf8: {  	p2 =	sgt.s32 @!p1 s30, $0xD;
	[sflag:s26] =	ssyncadd.s32 $0xFFFFF9C0;
	s18 =	sadd.s32 $0x1110, s1  }
0xf9: {  	[spmem:s3] =	stream.indirect.scatter.add.f32 [tilespmem:s29], [sflag:$0xF], $0x10, s18, s21, $0xb8;
	[tilespmem:$0x1F280] =	vst v63  }
0xfa: {  	s1 =	sadd.s32 $0xD0, s1;
	p3 =	por !p2, p1;
	s29 =	simm.s32 $0x5280  }
0xfb: {  	[spmem:s3] =	stream.indirect.scatter.add.f32 [tilespmem:s29], [sflag:$0x15], $0x10, s1, s21, $0xb8;
	[tilespmem:$0x1F280] =	vst v63  }
0xfc: {  	p2 =	por @!p1 !p0, !p0;
	s18 =	simm.s32 @!p1 $0xD;
	s1 =	simm.s32 @!p1 $0xFFFFFFEC  }
0xfd: {  	s26 =	simm.s32 @!p1 $0x820;
	s1 =	simm.s32 @p3 $0x0;
	_ =	swait.ge @!p1 [sflag:s18], $0x640  }
0xfe: {  	p4 =	por @!p3 p2, p2;
	s1 =	sadd.s32 @!p1 s20, s1;
	[sflag:s18] =	ssyncset.done @!p1 $0x0  }
0xff: {  	s1 =	sadd.s32 @!p1 s28, s1;
	[sflag:s18] =	ssyncadd.s32 @!p1 $0xFFFFF9C0;
	s18 =	simm.s32 @!p1 $0x13  }
0x100: {  	p3 =	por !p4, p1;
	s1 =	smul.u32 @!p1 $0x68, s1;
	_ =	swait.ge @!p1 [sflag:s18], $0x640  }
0x101: {  	s26 =	simm.s32 @p3 $0x0;
	[sflag:s18] =	ssyncset.done @!p1 $0x0  }
0x102: {  	[sflag:s18] =	ssyncadd.s32 @!p1 $0xFFFFF9C0;
	s18 =	sadd.s32 @!p1 s26, s1  }
0x103: {  	s29 =	simm.s32 @!p1 $0x2080;
	s1 =	simm.s32 @!p1 $0x64;
	s26 =	sadd.s32 @!p1 $0x270, s18  }
0x104: {  	[tilespmem:s29], [sflag:$0x1] =	stream.indirect.gather @!p1 [hbm4b:s2+s1], $0x10, s26, s1, $0xb8;
	[tilespmem:$0x1F280] =	vst v63  }
0x105: {  	s18 =	sadd.s32 @!p1 $0x12B0, s18;
	s26 =	simm.s32 @!p1 $0x4600  }
0x106: {  	[tilespmem:s26], [sflag:$0x7] =	stream.indirect.gather @!p1 [hbm4b:s2+s1], $0x10, s18, s1, $0xb8;
	[tilespmem:$0x1F280] =	vst v63  }
0x107: {  	_ =	swait.ge [sflag:s13], $0x640  }
0x108: {  	[sflag:s13] =	ssyncset.done $0x0  }
0x109: {  	[sflag:s13] =	ssyncadd.s32 $0xFFFFF9C0  }
0x10a: {  	_ =	swait.ge [sflag:s14], $0x640  }
0x10b: {  	[sflag:s14] =	ssyncset.done $0x0  }
0x10c: {  	[sflag:s14] =	ssyncadd.s32 $0xFFFFF9C0  }
0x10d: {  	[spmem:s3] =	stream.indirect.scatter.add.f32 [tilespmem:s17], [sflag:$0x10], $0x10, s5, s21, $0xb8;
	[tilespmem:$0x1F280] =	vst v63  }
0x10e: {  	p3 =	sgt.s32 @!p1 s30, $0xC  }
0x10f: {  	[spmem:s3] =	stream.indirect.scatter.add.f32 [tilespmem:s10], [sflag:$0x16], $0x10, s0, s21, $0xb8;
	[tilespmem:$0x1F280] =	vst v63  }
0x110: {  	p4 =	por p0, p0;
	p3 =	por !p3, p1;
	s0 =	simm.s32 @!p1 $0xFFFFFFEC  }
0x111: {  	p4 =	por @!p3 p2, p2;
	s5 =	simm.s32 @!p1 $0xE;
	s0 =	simm.s32 @p3 $0x0  }
0x112: {  	s18 =	simm.s32 @!p1 $0x820;
	_ =	swait.ge @!p1 [sflag:s5], $0x640;
	s0 =	sadd.s32 @!p1 s20, s0  }
0x113: {  	p3 =	por !p4, p1;
	[sflag:s5] =	ssyncset.done @!p1 $0x0;
	s0 =	sadd.s32 @!p1 s28, s0  }
0x114: {  	[sflag:s5] =	ssyncadd.s32 @!p1 $0xFFFFF9C0;
	s5 =	simm.s32 @!p1 $0x14;
	s0 =	smul.u32 @!p1 $0x68, s0  }
0x115: {  	s18 =	simm.s32 @p3 $0x0;
	_ =	swait.ge @!p1 [sflag:s5], $0x640  }
0x116: {  	[sflag:s5] =	ssyncset.done @!p1 $0x0;
	s0 =	sadd.s32 @!p1 s18, s0  }
0x117: {  	[sflag:s5] =	ssyncadd.s32 @!p1 $0xFFFFF9C0;
	s18 =	simm.s32 @!p1 $0x26C0;
	s5 =	sadd.s32 @!p1 $0x2D8, s0  }
0x118: {  	[tilespmem:s18], [sflag:$0x2] =	stream.indirect.gather @!p1 [hbm4b:s2+s1], $0x10, s5, s1, $0xb8;
	[tilespmem:$0x1F280] =	vst v63  }
0x119: {  	s0 =	sadd.s32 @!p1 $0x1318, s0;
	s5 =	simm.s32 @!p1 $0x4C40  }
0x11a: {  	[tilespmem:s5], [sflag:$0x8] =	stream.indirect.gather @!p1 [hbm4b:s2+s1], $0x10, s0, s1, $0xb8;
	[tilespmem:$0x1F280] =	vst v63  }
0x11b: {  	_ =	swait.ge [sflag:s7], $0x640  }
0x11c: {  	[sflag:s7] =	ssyncset.done $0x0  }
0x11d: {  	[sflag:s7] =	ssyncadd.s32 $0xFFFFF9C0  }
0x11e: {  	_ =	swait.ge [sflag:s8], $0x640  }
0x11f: {  	p3 =	sgt.s32 @!p1 s30, $0xB;
	[sflag:s8] =	ssyncset.done $0x0  }
0x120: {  	p3 =	por !p3, p1;
	s0 =	simm.s32 @!p1 $0xFFFFFFEC;
	[sflag:s8] =	ssyncadd.s32 $0xFFFFF9C0  }
0x121: {  	[spmem:s3] =	stream.indirect.scatter.add.f32 [tilespmem:s31], [sflag:$0x11], $0x10, s23, s21, $0xb8;
	[tilespmem:$0x1F280] =	vst v63  }
0x122: {  	p0 =	por @!p3 p2, p2;
	s5 =	simm.s32 @!p1 $0xF;
	s0 =	simm.s32 @p3 $0x0  }
0x123: {  	[spmem:s3] =	stream.indirect.scatter.add.f32 [tilespmem:s6], [sflag:$0x17], $0x10, s22, s21, $0xb8;
	[tilespmem:$0x1F280] =	vst v63  }
0x124: {  	p0 =	por !p0, p1;
	s0 =	sadd.s32 @!p1 s20, s0;
	_ =	swait.ge @!p1 [sflag:s5], $0x640  }
0x125: {  	s18 =	simm.s32 @!p1 $0x820;
	s0 =	sadd.s32 @!p1 s28, s0;
	[sflag:s5] =	ssyncset.done @!p1 $0x0  }
0x126: {  	s0 =	smul.u32 @!p1 $0x68, s0;
	[sflag:s5] =	ssyncadd.s32 @!p1 $0xFFFFF9C0;
	s5 =	simm.s32 @!p1 $0x15  }
0x127: {  	s18 =	simm.s32 @p0 $0x0;
	_ =	swait.ge @!p1 [sflag:s5], $0x640  }
0x128: {  	s0 =	sadd.s32 @!p1 s18, s0;
	[sflag:s5] =	ssyncset.done @!p1 $0x0  }
0x129: {  	s18 =	simm.s32 @!p1 $0x2D00;
	[sflag:s5] =	ssyncadd.s32 @!p1 $0xFFFFF9C0;
	s5 =	sadd.s32 @!p1 $0x340, s0  }
0x12a: {  	[tilespmem:s18], [sflag:$0x3] =	stream.indirect.gather @!p1 [hbm4b:s2+s1], $0x10, s5, s1, $0xb8;
	[tilespmem:$0x1F280] =	vst v63  }
0x12b: {  	s0 =	sadd.s32 @!p1 $0x1380, s0;
	s5 =	simm.s32 @!p1 $0x5280  }
0x12c: {  	[tilespmem:s5], [sflag:$0x9] =	stream.indirect.gather @!p1 [hbm4b:s2+s1], $0x10, s0, s1, $0xb8;
	[tilespmem:$0x1F280] =	vst v63  }
0x12d: {  	_ =	swait.ge [sflag:s15], $0x640  }
0x12e: {  	[sflag:s15] =	ssyncset.done $0x0  }
0x12f: {  	s20 =	sadd.s32 $0x6, s20;
	[sflag:s15] =	ssyncadd.s32 $0xFFFFF9C0  }
0x130: {  	p0 =	sne.s32 s20, $0x3E4;
	_ =	swait.ge [sflag:s16], $0x640  }
.Ltmp3:
0x131: {  	[sflag:s16] =	ssyncset.done $0x0;
	(pc) =	sbr.rel @!p0 .LBB2_6-.Ltmp3, $4  }
0x132: {  	[sflag:s16] =	ssyncadd.s32 $0xFFFFF9C0  }
0x133: {  	[spmem:s3] =	stream.indirect.scatter.add.f32 [tilespmem:s11], [sflag:$0x12], $0x10, s4, s21, $0xb8;
	[tilespmem:$0x1F280] =	vst v63  }
0x134: {  	s25 =	sadd.s32 $0x1, s25  }
0x135: {  	[spmem:s3] =	stream.indirect.scatter.add.f32 [tilespmem:s12], [sflag:$0x18], $0x10, s9, s21, $0xb8;
	[tilespmem:$0x1F280] =	vst v63  }
.LBB2_2:
0x136: {  	s0 =	smulhi.u32 $0xCCCCCCCD, s20;
	_ =	sdelay $0x1  }
0x137: {  	s1 =	smul.u32 $0xCCCD, s20;
	s0 =	sshrl.u32 s0, $0x4  }
0x138: {  	s28 =	smul.u32 $0xFFFFFFEC, s0  }
0x139: {  	s0 =	sshrl.u32 s1, $0x14  }
0x13a: {  	s1 =	sadd.s32 $0xFFFFFFFF, s0;
	s30 =	sadd.s32 s28, s20  }
0x13b: {  	p0 =	sgt.u32 s1, $0x2F;
	s4 =	sadd.s32 $0xFFFFFFFC, s30  }
0x13c: {  	p1 =	sgt.u32 @!p0 s4, $0x5  }
0x13d: {  	p0 =	por p0, p1  }
.Ltmp4:
0x13e: {  	_ = 	snop;
	(pc) =	sbr.rel @p0 .LBB2_4-.Ltmp4, $2  }
0x13f: {  	_ =	sdelay $0x2  }
0x140: {  	s1 =	sadd.s32 $0x1, s0  }
0x141: {  	s4 =	smul.u32 $0x14, s1  }
0x142: {  	s5 =	rddreg [dreg:$0x8]  }
0x143: {  	s4 =	sadd.s32 s5, s4  }
0x144: {  	s23 =	sand.u32 $0x1, s1;
	s4 =	smul.u32 $0x68, s4  }
0x145: {  	s26 =	smul.u32 $0x820, s23  }
.Ltmp5:
0x146: {  	s9 =	rddreg [dreg:$0x4];
	s4 =	sshrl.u32 s4, $0x3;
	(pc) =	sbr.rel .LBB2_5-.Ltmp5, $4  }
0x147: {  	s29 =	simm.s32 $0x0;
	s1 =	sadd.s32 $0x19, s23;
	s4 =	sadd.s32 s9, s4  }
0x148: {  	[tilespmem:s26], [sflag:s1] =	stream.linear.gather [hbm4b:s4+s29], $0x820, $0x38;
	[tilespmem:$0x1F280] =	vst v63  }
0x149: {  	s5 =	sadd.s32 $0x1040, s26;
	s9 =	simm.s32 $0x2080;
	s4 =	sadd.s32 $0x65900, s4  }
0x14a: {  	[tilespmem:s5], [sflag:s1] =	stream.linear.gather [hbm4b:s4+s29], $0x820, $0x38;
	[tilespmem:$0x1F280] =	vst v63  }
.LBB2_7:
0x14b: {  	_ =	sfence.sel $0x180000  }
0x14c: {  	[bflag:$0x0] =	sbarrier.arrive $0xFFFF  }
0x14d: {  	_ =	strace $0x9000004A  }
0x14e: {  	s0 =	stileid.u32;
	[bflag:$0x2] =	sbarrier.arrive $0xFFFF  }
0x14f: {  	p0 =	sne.s32 s0, $0x0;
	s0 =	rddreg [dreg:$0x3]  }
0x150: {  	s0 =	sadd.s32 @!p0 $0x100000, s0  }
0x151: {  	[sflag:s0] =	ssyncadd.tile.s32 @!p0 $0x1;
	_ =	shalt  }
.Lfunc_end2:
_tile_overlayer_lowered:
.L_overlay_start_2:
0x152: {  	(tag) =	ssettag $0x2  }
0x153: {  	s0 =	rddreg [dreg:$0x0];
	s2 =	stileid.u32  }
0x154: {  	s1 =	rddreg [dreg:$0x1];
	p0 =	sne.s32 s2, $0x0  }
0x155: {  	s3 =	rddreg [dreg:$0x2];
	[bflag:$0x3] =	sbarrier.arrive $0xFFFF;
	s2 =	simm.s32 @!p0 $0x1C1B  }
0x156: {  	[timem:s3], [sflag:s2] =	dma.local @!p0 [hbm:s0], s1  }
0x157: {  	s0 =	simm.s32 @!p0 $0x1B  }
0x158: {  	_ =	swait.ge @!p0 [sflag:s0], s1  }
0x159: {  	s1 =	ssub.s32 @!p0 $0x0, s1;
	[sflag:s0] =	ssyncset.done @!p0 $0x0  }
0x15a: {  	[sflag:s0] =	ssyncadd.s32 @!p0 s1  }
0x15b: {  	[bflag:$0x3] =	sbarrier.arrive $0xFFFF  }
0x15c: {  	_ =	shalt  }

// kernel: kernel.7.cloned.1.call-start
scs
__scs_entry_jumppad:
0x0: {  	(pc) =	sbr.rel $0x88, $3  }
0x1: {  	(tag) =	ssettag $0x0;
	lr =	simm.s32 $0x1  }
0x2: {  	[smem:$0x3F9D] =	sst lr;
	_ =	strace $0xD0000000  }
0x3: {  	_ = 	snop  }
0x4: {  	_ = 	snop  }
0x5: {  	_ = 	snop  }
0x6: {  	_ = 	snop  }
0x7: {  	_ = 	snop  }
__scs_overlays_trampoline_lowered:
0x8: {  	[smem:$0x3FAC] =	sst s0  }
0x9: {  	[smem:$0x3FAD] =	sst s1  }
0xa: {  	[smem:$0x3FAE] =	sst s2  }
0xb: {  	[smem:$0x3FAF] =	sst s3  }
0xc: {  	[smem:$0x3FB0] =	sst s4  }
0xd: {  	[smem:$0x3FB1] =	sst s5  }
0xe: {  	[smem:$0x3FB2] =	sst s6  }
0xf: {  	[smem:$0x3FB3] =	sst s7  }
0x10: {  	[smem:$0x3FB4] =	sst s8  }
0x11: {  	[smem:$0x3FB5] =	sst s9;
	s0 =	simm.s32 @!p0 $0x0  }
0x12: {  	s1 =	sld [smem:$0x3F9B];
	s0 =	simm.s32 @p0 $0x1  }
0x13: {  	[smem:$0x3FB6] =	sst s0;
	s0 =	simm.s32 @!p1 $0x0  }
0x14: {  	s2 =	sld [smem:$0x3F9A];
	s0 =	simm.s32 @p1 $0x1  }
0x15: {  	[smem:$0x3FB7] =	sst s0;
	s0 =	simm.s32 @!p2 $0x0  }
0x16: {  	s3 =	sld [smem:$0x3FDB];
	s0 =	simm.s32 @p2 $0x1  }
0x17: {  	s4 =	simm.s32 $0x1BF5;
	[smem:$0x3FB9] =	sst s0  }
0x18: {  	s0 =	sld [smem:$0x3F9C];
	_ =	swait.ge [sflag:s4], $0x0  }
0x19: {  	s7 =	sld [smem:$0x3F9D]  }
0x1a: {  	s8 =	sadd.s32 $0xFFFFE003, lr  }
0x1b: {  	s9 =	sadd.s32 $0xFFFFFEF7, lr;
	s5 =	simm.s32 $0xFFFFFFFF;
	p2 =	slt.u32 s8, $0xFFFFF086  }
0x1c: {  	p1 =	slt.u32 s9, $0xF7A;
	s5 =	simm.s32 @!p2 $0x0  }
0x1d: {  	s5 =	simm.s32 @p1 $0x1;
	p0 =	seq.s32 s7, s2  }
0x1e: {  	s7 =	smul.u32 @!p0 $0xF7A, s2;
	p2 =	seq.s32 @!p0 s5, $0x0  }
0x1f: {  	s9 =	smul.u32 $0xF7A, s1;
	s8 =	simm.s32 @!p0 $0x1BF5;
	p2 =	por !p2, p0  }
0x20: {  	[sflag:s8] =	ssyncset.s32 @!p0 $0xFFFFF086;
	s6 =	sadd.s32 @!p0 s3, s7;
	s7 =	simm.s32 @!p0 $0x108  }
0x21: {  	s3 =	sadd.s32 s3, s9;
	s6 =	sadd.s32 @!p0 $0x88, s6;
	s7 =	simm.s32 @p2 $0x1082  }
0x22: {  	[simem:s7], [sflag:s8] =	dma.local @!p0 [hbm:s6], $0xF7A  }
0x23: {  	s9 =	sor.u32 $0xD0000000, s2;
	s6 =	simm.s32 $0x108;
	_ =	swait.ge @!p0 [sflag:s8], $0x0  }
0x24: {  	s3 =	sadd.s32 $0x88, s3;
	s6 =	simm.s32 @!p1 $0x1082;
	[sflag:s4] =	ssyncset.s32 $0xFFFFF086  }
0x25: {  	[simem:s6], [sflag:s4] =	dma.local [hbm:s3], $0xF7A  }
0x26: {  	[smem:$0x3F9D] =	sst s1;
	(tag) =	ssettag s2;
	_ =	strace s9  }
0x27: {  	s1 =	sld [smem:$0x3FAD]  }
0x28: {  	s2 =	sld [smem:$0x3FAE]  }
0x29: {  	s4 =	sld [smem:$0x3FB0]  }
0x2a: {  	p0 =	seq.s32 s5, $0x0;
	s5 =	sld [smem:$0x3FB1]  }
0x2b: {  	s6 =	sld [smem:$0x3FB2]  }
0x2c: {  	s7 =	sld [smem:$0x3FB3]  }
0x2d: {  	s3 =	simm.s32 $0x108;
	s8 =	sld [smem:$0x3FB4]  }
0x2e: {  	s3 =	simm.s32 @!p0 $0x1082;
	s9 =	sld [smem:$0x3FB5]  }
0x2f: {  	lr =	sadd.s32 s0, s3;
	s0 =	sld [smem:$0x3FAC]  }
0x30: {  	s3 =	sld [smem:$0x3FAF]  }
0x31: {  	[smem:$0x3FB8] =	sst s10  }
0x32: {  	s10 =	sld [smem:$0x3FB6];
	_ =	sdelay $0x3  }
0x33: {  	p0 =	seq.s32 s10, $0x1;
	s10 =	sld [smem:$0x3FB8];
	_ =	sdelay $0x3  }
0x34: {  	[smem:$0x3FB8] =	sst s10  }
0x35: {  	s10 =	sld [smem:$0x3FB7];
	_ =	sdelay $0x3  }
0x36: {  	p1 =	seq.s32 s10, $0x1;
	s10 =	sld [smem:$0x3FB8];
	_ =	sdelay $0x3  }
0x37: {  	[smem:$0x3FB8] =	sst s10  }
0x38: {  	s10 =	sld [smem:$0x3FB9]  }
0x39: {  	_ = 	snop;
	(pc) =	sbr.ind lr, $3  }
0x3a: {  	_ = 	snop  }
0x3b: {  	_ = 	snop  }
0x3c: {  	p2 =	seq.s32 s10, $0x1;
	s10 =	sld [smem:$0x3FB8]  }
0x3d: {  	_ =	shalt  }
0x3e: {  	_ =	shalt  }
0x3f: {  	_ =	shalt  }
0x40: {  	_ =	shalt  }
0x41: {  	_ =	shalt  }
0x42: {  	_ =	shalt  }
0x43: {  	_ =	shalt  }
0x44: {  	_ =	shalt  }
0x45: {  	_ =	shalt  }
0x46: {  	_ =	shalt  }
0x47: {  	_ =	shalt  }
0x48: {  	_ =	shalt  }
0x49: {  	_ =	shalt  }
0x4a: {  	_ =	shalt  }
0x4b: {  	_ =	shalt  }
0x4c: {  	_ =	shalt  }
0x4d: {  	_ =	shalt  }
0x4e: {  	_ =	shalt  }
0x4f: {  	_ =	shalt  }
0x50: {  	_ =	shalt  }
0x51: {  	_ =	shalt  }
0x52: {  	_ =	shalt  }
0x53: {  	_ =	shalt  }
0x54: {  	_ =	shalt  }
0x55: {  	_ =	shalt  }
0x56: {  	_ =	shalt  }
0x57: {  	_ =	shalt  }
0x58: {  	_ =	shalt  }
0x59: {  	_ =	shalt  }
0x5a: {  	_ =	shalt  }
0x5b: {  	_ =	shalt  }
0x5c: {  	_ =	shalt  }
0x5d: {  	_ =	shalt  }
0x5e: {  	_ =	shalt  }
0x5f: {  	_ =	shalt  }
0x60: {  	_ =	shalt  }
0x61: {  	_ =	shalt  }
0x62: {  	_ =	shalt  }
0x63: {  	_ =	shalt  }
0x64: {  	_ =	shalt  }
0x65: {  	_ =	shalt  }
0x66: {  	_ =	shalt  }
0x67: {  	_ =	shalt  }
0x68: {  	_ =	shalt  }
0x69: {  	_ =	shalt  }
0x6a: {  	_ =	shalt  }
0x6b: {  	_ =	shalt  }
0x6c: {  	_ =	shalt  }
0x6d: {  	_ =	shalt  }
0x6e: {  	_ =	shalt  }
0x6f: {  	_ =	shalt  }
0x70: {  	_ =	shalt  }
0x71: {  	_ =	shalt  }
0x72: {  	_ =	shalt  }
0x73: {  	_ =	shalt  }
0x74: {  	_ =	shalt  }
0x75: {  	_ =	shalt  }
0x76: {  	_ =	shalt  }
0x77: {  	_ =	shalt  }
0x78: {  	_ =	shalt  }
0x79: {  	_ =	shalt  }
0x7a: {  	_ =	shalt  }
0x7b: {  	_ =	shalt  }
0x7c: {  	_ =	shalt  }
0x7d: {  	_ =	shalt  }
0x7e: {  	_ =	shalt  }
0x7f: {  	_ =	shalt  }
0x80: {  	_ =	shalt  }
0x81: {  	_ =	shalt  }
0x82: {  	_ =	shalt  }
0x83: {  	_ =	shalt  }
0x84: {  	_ =	shalt  }
0x85: {  	_ =	shalt  }
0x86: {  	_ =	shalt  }
0x87: {  	_ =	shalt  }
.Lfunc_end0:
.L_simem_size_0:
called_computation_lowered:
.L_overlay_start_0:
0x88: {  	s2 =	sld [smem:$0x3FD9]  }
0x89: {  	s3 =	sld [smem:$0x3FFE];
	_ =	sdelay $0x1  }
0x8a: {  	s1 =	srdreg.scid  }
0x8b: {  	s0 =	sand.u32 $0x1, s1  }
0x8c: {  	s16 =	sshll.u32 s0, $0xA;
	s2 =	sadd.s32 s3, s2  }
0x8d: {  	s2 =	sadd.s32 s2, s16  }
0x8e: {  	[smem:$0x3FC4] =	sst s2  }
0x8f: {  	_ = 	snop  }
0x90: {  	(tm) =	ssettm $0x1  }
0x91: {  	s17 =	sld [smem:$0x3FFB];
	_ =	sdelay $0x3  }
0x92: {  	_ =	strace s17  }
0x93: {  	s2 =	sld [smem:$0x3FFC];
	_ =	sdelay $0x3  }
0x94: {  	_ =	strace s2  }
0x95: {  	s2 =	sld [smem:$0x3FFD];
	_ =	sdelay $0x3  }
0x96: {  	_ =	strace s2  }
0x97: {  	_ =	strace $0x8FFFFFFF  }
0x98: {  	s18 =	sld [smem:$0x3FDB];
	_ =	sdelay $0x1  }
0x99: {  	s19 =	simm.s32 $_scs_section_size  }
0x9a: {  	s4 =	simm.s32 $_size__tile_overlayer_lowered;
	s5 =	simm.s32 $_tile_overlayer_lowered  }
0x9b: {  	s22 =	simm.s32 $0x1BFF;
	s21 =	sshll.u32 s5, $0x1;
	s2 =	sadd.s32 s19, s18  }
0x9c: {  	s6 =	simm.s32 $0x0;
	s20 =	sshll.u32 s4, $0x1;
	s4 =	sadd.s32 s21, s2  }
0x9d: {  	[timem:s6], [sflag:s22] =	dma.local [hbm:s4], s20  }
0x9e: {  	_ =	swait.ge [sflag:s22], s20  }
0x9f: {  	s3 =	ssub.s32 $0x0, s20;
	[sflag:s22] =	ssyncset.done $0x0  }
0xa0: {  	[sflag:s22] =	ssyncadd.s32 s3;
	_ =	sdelay $0x1  }
0xa1: {  	s23 =	simm.s32 $0x1B8B  }
0xa2: {  	_ =	swait.ge [sflag:s23], $0x1  }
0xa3: {  	[sflag:s23] =	ssyncset.done $0x0  }
0xa4: {  	s25 =	simm.s32 $0x1B8E;
	s24 =	sld [smem:$0x3FFE];
	[sflag:s23] =	ssyncadd.s32 $0xFFFFFFFF  }
0xa5: {  	s26 =	simm.s32 $execute0_lowered;
	[smem:$0x3FD2] =	sst s25  }
0xa6: {  	s4 =	sshll.u32 s26, $0x1;
	_ =	strace $0x80000046;
	[dreg:$0x1] =	wrdreg $0xFFFFFFFF  }
0xa7: {  	s28 =	simm.s32 $_size_execute0_lowered;
	s2 =	sadd.s32 s2, s4;
	[dreg:$0x0] =	wrdreg $0x0  }
0xa8: {  	s4 =	sshll.u32 s28, $0x1;
	[dreg:$0x2] =	wrdreg s2  }
0xa9: {  	[dreg:$0x3] =	wrdreg s4  }
0xaa: {  	[dreg:$0x4] =	wrdreg $0xC0  }
0xab: {  	_ =	task [dreg:s6], $0x5FFFF  }
0xac: {  	[dreg:$0x1] =	wrdreg $0xFFFFFFFF  }
0xad: {  	[dreg:$0x0] =	wrdreg $0x60  }
0xae: {  	[dreg:$0x2] =	wrdreg s24  }
0xaf: {  	[dreg:$0x3] =	wrdreg $0x6B800  }
0xb0: {  	[dreg:$0x4] =	wrdreg $0x9  }
0xb1: {  	_ =	task.clear_ibuf [dreg:s6], $0x5FFFF;
	_ =	strace $0x90000046  }
0xb2: {  	s29 =	simm.s32 $0x9;
	_ =	strace $0x80000048  }
0xb3: {  	_ =	swait.ge [sflag:s29], $0x1  }
0xb4: {  	[sflag:s29] =	ssyncadd.s32 $0xFFFFFFFF  }
0xb5: {  	_ =	strace $0x90000048  }
0xb6: {  	_ =	sfence  }
0xb7: {  	s30 =	sld [smem:$0x0];
	_ =	sdelay $0x2  }
0xb8: {  	s31 =	sshll.u32 s1, $0xD;
	s1 =	sshrl.u32 s1, $0x2  }
0xb9: {  	s3 =	sand.u32 $0x4000, s31;
	s1 =	sadd.s32 s1, s30  }
0xba: {  	s0 =	sor.u32 s3, s0;
	s1 =	sshll.u32 s1, $0x11  }
0xbb: {  	s0 =	sor.u32 s1, s0  }
0xbc: {  	s0 =	sadd.s32 $0x8F2B, s0  }
0xbd: {  	[sflag:s0] =	ssyncadd.remote.s32 $0x1  }
0xbe: {  	_ =	sfence.sel $0xFFFF  }
0xbf: {  	[dreg:$0x0] =	wrdreg $0xFFFFFFFF;
	(pc) =	sbr.abs _section_cstart, $3  }
0xc0: {  	[dreg:$0x1] =	wrdreg $0xFFFFFFFF  }
0xc1: {  	_ =	task.clear_ibuf [dreg:s6], $0x2FFFF;
	_ =	strace $0x9FFFFFFF  }
0xc2: {  	(tm) =	ssettm $0x7FFFFFFF  }
0xc3: {  	_ =	shalt  }
tec
execute0_lowered:
.L_overlay_start_1:
0x0: {  	(tag) =	ssettag $0x1  }
0x1: {  	s0 =	rddreg [dreg:$0x0]  }
0x2: {  	s2 =	rddreg [dreg:$0x1];
	s3 =	simm.s32 $0x0;
	s9 =	stileid.u32  }
0x3: {  	s1 =	srdreg.scid;
	s21 =	simm.s32 $0x64;
	s18 =	simm.s32 $0x2080  }
0x4: {  	s20 =	simm.s32 $0x4600;
	s19 =	simm.s32 $0x1;
	s13 =	simm.s32 $0x4  }
0x5: {  	s14 =	simm.s32 $0xA;
	s15 =	simm.s32 $0x6;
	s16 =	simm.s32 $0xC  }
0x6: {  	s17 =	simm.s32 $0x3340;
	s31 =	simm.s32 $0x3980;
	s11 =	simm.s32 $0x3FC0  }
0x7: {  	s12 =	simm.s32 $0x6540;
	[smem:$0x7FF] =	sst s3;
	s23 =	smul.u32 $0x18700, s9  }
0x8: {  	s1 =	sand.u32 $0x1, s1;
	s4 =	sadd.s32 $0xCC400, s0;
	s10 =	sadd.s32 $0x1200, s0  }
0x9: {  	s26 =	sshll.u32 s9, $0x6;
	_ =	strace $0x80000047;
	s5 =	smul.u32 $0x187000, s1  }
0xa: {  	s6 =	sshll.u32 s1, $0x4;
	s1 =	ssub.s32 $0x2, s1;
	[dreg:$0x3] =	wrdreg s10  }
0xb: {  	s7 =	sshrl.u32 s23, $0x3;
	s6 =	sor.u32 s9, s6;
	s24 =	sshrl.u32 s1, $0x1  }
0xc: {  	s3 =	sadd.s32 s23, s2;
	s9 =	sor.u32 $0x1C1B, s26;
	s5 =	sadd.s32 s23, s5  }
0xd: {  	s8 =	smul.u32 $0x19640, s6;
	s7 =	sadd.s32 s7, s0;
	s1 =	ssub.s32 s1, s24  }
0xe: {  	s6 =	smul.u32 $0x3E8, s6;
	[dreg:$0x6] =	wrdreg s9;
	s7 =	sadd.s32 $0xFD200, s7  }
0xf: {  	s24 =	simm.s32 $0x7;
	s5 =	sshrl.u32 s5, $0x3;
	[dreg:$0x4] =	wrdreg s7  }
0x10: {  	s30 =	smax.u32 s1, $0x1;
	s1 =	sshrl.u32 s3, $0x3;
	[dreg:$0x7] =	wrdreg s6  }
0x11: {  	s3 =	simm.s32 $0x1B;
	s25 =	sshrl.u32 s8, $0x3;
	[dreg:$0xc] =	wrdreg s30  }
0x12: {  	s0 =	sadd.s32 s5, s0;
	[dreg:$0xd] =	wrdreg s1;
	s5 =	sadd.s32 s10, s25  }
.Ltmp0:
0x13: {  	s0 =	sadd.s32 $0x12E000, s0;
	[dreg:$0x5] =	wrdreg s5;
	(pc) =	sbr.rel .LBB2_1-.Ltmp0, $4  }
0x14: {  	s7 =	simm.s32 $0x5;
	s28 =	sadd.s32 $0x65900, s5;
	[dreg:$0xb] =	wrdreg s0  }
0x15: {  	s8 =	simm.s32 $0xB;
	s29 =	sadd.s32 $0x104, s5;
	[dreg:$0x8] =	wrdreg s28  }
0x16: {  	s6 =	simm.s32 $0x5F00;
	s5 =	sadd.s32 $0x65A04, s5;
	[dreg:$0x9] =	wrdreg s29  }
0x17: {  	s10 =	simm.s32 $0x58C0;
	[dreg:$0xa] =	wrdreg s5;
	s5 =	simm.s32 $0x0  }
.LBB2_6:
0x18: {  	s0 =	simm.s32 $0xD  }
0x19: {  	_ =	swait.ge [sflag:s0], $0x640  }
0x1a: {  	[sflag:s0] =	ssyncset.done $0x0  }
0x1b: {  	s1 =	simm.s32 $0x13;
	[sflag:s0] =	ssyncadd.s32 $0xFFFFF9C0  }
0x1c: {  	_ =	swait.ge [sflag:s1], $0x640  }
0x1d: {  	[sflag:s1] =	ssyncset.done $0x0  }
0x1e: {  	s3 =	simm.s32 $0xE;
	[sflag:s1] =	ssyncadd.s32 $0xFFFFF9C0  }
0x1f: {  	_ =	swait.ge [sflag:s3], $0x640  }
0x20: {  	[sflag:s3] =	ssyncset.done $0x0  }
0x21: {  	s5 =	simm.s32 $0x14;
	[sflag:s3] =	ssyncadd.s32 $0xFFFFF9C0  }
0x22: {  	_ =	swait.ge [sflag:s5], $0x640  }
0x23: {  	[sflag:s5] =	ssyncset.done $0x0  }
0x24: {  	s9 =	simm.s32 $0xF;
	[sflag:s5] =	ssyncadd.s32 $0xFFFFF9C0  }
0x25: {  	_ =	swait.ge [sflag:s9], $0x640  }
0x26: {  	[sflag:s9] =	ssyncset.done $0x0  }
0x27: {  	s18 =	simm.s32 $0x15;
	[sflag:s9] =	ssyncadd.s32 $0xFFFFF9C0  }
0x28: {  	_ =	swait.ge [sflag:s18], $0x640  }
0x29: {  	[sflag:s18] =	ssyncset.done $0x0  }
0x2a: {  	s20 =	simm.s32 $0x10;
	[sflag:s18] =	ssyncadd.s32 $0xFFFFF9C0  }
0x2b: {  	_ =	swait.ge [sflag:s20], $0x640  }
0x2c: {  	[sflag:s20] =	ssyncset.done $0x0  }
0x2d: {  	s22 =	simm.s32 $0x16;
	[sflag:s20] =	ssyncadd.s32 $0xFFFFF9C0  }
0x2e: {  	_ =	swait.ge [sflag:s22], $0x640  }
0x2f: {  	[sflag:s22] =	ssyncset.done $0x0  }
0x30: {  	s23 =	simm.s32 $0x11;
	[sflag:s22] =	ssyncadd.s32 $0xFFFFF9C0  }
0x31: {  	_ =	swait.ge [sflag:s23], $0x640  }
0x32: {  	[sflag:s23] =	ssyncset.done $0x0  }
0x33: {  	s25 =	simm.s32 $0x17;
	[sflag:s23] =	ssyncadd.s32 $0xFFFFF9C0  }
0x34: {  	_ =	swait.ge [sflag:s25], $0x640  }
0x35: {  	[sflag:s25] =	ssyncset.done $0x0  }
0x36: {  	s26 =	simm.s32 $0x12;
	[sflag:s25] =	ssyncadd.s32 $0xFFFFF9C0  }
0x37: {  	_ =	swait.ge [sflag:s26], $0x640  }
0x38: {  	[sflag:s26] =	ssyncset.done $0x0  }
0x39: {  	s28 =	simm.s32 $0x18;
	[sflag:s26] =	ssyncadd.s32 $0xFFFFF9C0  }
0x3a: {  	_ =	swait.ge [sflag:s28], $0x640  }
0x3b: {  	[sflag:s28] =	ssyncset.done $0x0  }
0x3c: {  	s29 =	simm.s32 $0xEA0;
	s18 =	simm.s32 $0x2080;
	[sflag:s28] =	ssyncadd.s32 $0xFFFFF9C0  }
0x3d: {  	[tilespmem:s18], [sflag:$0x1] =	stream.indirect.gather [hbm4b:s4+s21], $0x10, s29, s21, $0xb8;
	[tilespmem:$0x1F280] =	vst v63  }
0x3e: {  	s5 =	simm.s32 $0x1EE0;
	s20 =	simm.s32 $0x4600  }
0x3f: {  	[tilespmem:s20], [sflag:$0x7] =	stream.indirect.gather [hbm4b:s4+s21], $0x10, s5, s21, $0xb8;
	[tilespmem:$0x1F280] =	vst v63  }
0x40: {  	_ =	swait.ge [sflag:s19], $0x640  }
0x41: {  	[sflag:s19] =	ssyncset.done $0x0  }
0x42: {  	[sflag:s19] =	ssyncadd.s32 $0xFFFFF9C0  }
0x43: {  	_ =	swait.ge [sflag:s24], $0x640  }
0x44: {  	[sflag:s24] =	ssyncset.done $0x0  }
0x45: {  	[sflag:s24] =	ssyncadd.s32 $0xFFFFF9C0  }
0x46: {  	[spmem:s2] =	stream.indirect.scatter.add.f32 [tilespmem:s18], [sflag:$0xD], $0x10, s5, s21, $0xb8;
	[tilespmem:$0x1F280] =	vst v63  }
0x47: {  	_ = 	snop  }
0x48: {  	[spmem:s2] =	stream.indirect.scatter.add.f32 [tilespmem:s20], [sflag:$0x13], $0x10, s29, s21, $0xb8;
	[tilespmem:$0x1F280] =	vst v63  }
0x49: {  	_ =	swait.ge [sflag:s0], $0x640  }
0x4a: {  	[sflag:s0] =	ssyncset.done $0x0  }
0x4b: {  	[sflag:s0] =	ssyncadd.s32 $0xFFFFF9C0  }
0x4c: {  	_ =	swait.ge [sflag:s1], $0x640  }
0x4d: {  	[sflag:s1] =	ssyncset.done $0x0  }
0x4e: {  	s30 =	simm.s32 $0xF08;
	[sflag:s1] =	ssyncadd.s32 $0xFFFFF9C0  }
0x4f: {  	[tilespmem:s18], [sflag:$0x1] =	stream.indirect.gather [hbm4b:s4+s21], $0x10, s30, s21, $0xb8;
	[tilespmem:$0x1F280] =	vst v63  }
0x50: {  	s9 =	simm.s32 $0x1F48  }
0x51: {  	[tilespmem:s20], [sflag:$0x7] =	stream.indirect.gather [hbm4b:s4+s21], $0x10, s9, s21, $0xb8;
	[tilespmem:$0x1F280] =	vst v63  }
0x52: {  	_ =	swait.ge [sflag:s19], $0x640  }
0x53: {  	[sflag:s19] =	ssyncset.done $0x0  }
0x54: {  	[sflag:s19] =	ssyncadd.s32 $0xFFFFF9C0  }
0x55: {  	_ =	swait.ge [sflag:s24], $0x640  }
0x56: {  	[sflag:s24] =	ssyncset.done $0x0  }
0x57: {  	[sflag:s24] =	ssyncadd.s32 $0xFFFFF9C0  }
0x58: {  	[spmem:s2] =	stream.indirect.scatter.add.f32 [tilespmem:s18], [sflag:$0xD], $0x10, s9, s21, $0xb8;
	[tilespmem:$0x1F280] =	vst v63  }
0x59: {  	_ = 	snop  }
0x5a: {  	[spmem:s2] =	stream.indirect.scatter.add.f32 [tilespmem:s20], [sflag:$0x13], $0x10, s30, s21, $0xb8;
	[tilespmem:$0x1F280] =	vst v63  }
0x5b: {  	_ =	swait.ge [sflag:s0], $0x640  }
0x5c: {  	[sflag:s0] =	ssyncset.done $0x0  }
0x5d: {  	[sflag:s0] =	ssyncadd.s32 $0xFFFFF9C0  }
0x5e: {  	_ =	swait.ge [sflag:s1], $0x640  }
0x5f: {  	[sflag:s1] =	ssyncset.done $0x0  }
0x60: {  	s22 =	simm.s32 $0xF70;
	[sflag:s1] =	ssyncadd.s32 $0xFFFFF9C0  }
0x61: {  	[tilespmem:s18], [sflag:$0x1] =	stream.indirect.gather [hbm4b:s4+s21], $0x10, s22, s21, $0xb8;
	[tilespmem:$0x1F280] =	vst v63  }
0x62: {  	s23 =	simm.s32 $0x1FB0  }
0x63: {  	[tilespmem:s20], [sflag:$0x7] =	stream.indirect.gather [hbm4b:s4+s21], $0x10, s23, s21, $0xb8;
	[tilespmem:$0x1F280] =	vst v63  }
0x64: {  	_ =	swait.ge [sflag:s19], $0x640  }
0x65: {  	[sflag:s19] =	ssyncset.done $0x0  }
0x66: {  	[sflag:s19] =	ssyncadd.s32 $0xFFFFF9C0  }
0x67: {  	_ =	swait.ge [sflag:s24], $0x640  }
0x68: {  	[sflag:s24] =	ssyncset.done $0x0  }
0x69: {  	[sflag:s24] =	ssyncadd.s32 $0xFFFFF9C0  }
0x6a: {  	[spmem:s2] =	stream.indirect.scatter.add.f32 [tilespmem:s18], [sflag:$0xD], $0x10, s23, s21, $0xb8;
	[tilespmem:$0x1F280] =	vst v63  }
0x6b: {  	_ = 	snop  }
0x6c: {  	[spmem:s2] =	stream.indirect.scatter.add.f32 [tilespmem:s20], [sflag:$0x13], $0x10, s22, s21, $0xb8;
	[tilespmem:$0x1F280] =	vst v63  }
0x6d: {  	_ =	swait.ge [sflag:s0], $0x640  }
0x6e: {  	[sflag:s0] =	ssyncset.done $0x0  }
0x6f: {  	[sflag:s0] =	ssyncadd.s32 $0xFFFFF9C0  }
0x70: {  	_ =	swait.ge [sflag:s1], $0x640  }
0x71: {  	[sflag:s1] =	ssyncset.done $0x0  }
0x72: {  	s25 =	simm.s32 $0xFD8;
	[sflag:s1] =	ssyncadd.s32 $0xFFFFF9C0  }
0x73: {  	[tilespmem:s18], [sflag:$0x1] =	stream.indirect.gather [hbm4b:s4+s21], $0x10, s25, s21, $0xb8;
	[tilespmem:$0x1F280] =	vst v63  }
0x74: {  	s26 =	simm.s32 $0x2018  }
0x75: {  	[tilespmem:s20], [sflag:$0x7] =	stream.indirect.gather [hbm4b:s4+s21], $0x10, s26, s21, $0xb8;
	[tilespmem:$0x1F280] =	vst v63  }
0x76: {  	_ =	swait.ge [sflag:s19], $0x640  }
0x77: {  	[sflag:s19] =	ssyncset.done $0x0  }
0x78: {  	[sflag:s19] =	ssyncadd.s32 $0xFFFFF9C0  }
0x79: {  	_ =	swait.ge [sflag:s24], $0x640  }
0x7a: {  	[sflag:s24] =	ssyncset.done $0x0  }
0x7b: {  	[sflag:s24] =	ssyncadd.s32 $0xFFFFF9C0  }
0x7c: {  	[spmem:s2] =	stream.indirect.scatter.add.f32 [tilespmem:s18], [sflag:$0xD], $0x10, s26, s21, $0xb8;
	[tilespmem:$0x1F280] =	vst v63  }
0x7d: {  	_ = 	snop  }
0x7e: {  	[spmem:s2] =	stream.indirect.scatter.add.f32 [tilespmem:s20], [sflag:$0x13], $0x10, s25, s21, $0xb8;
	[tilespmem:$0x1F280] =	vst v63  }
0x7f: {  	_ =	swait.ge [sflag:s0], $0x640  }
0x80: {  	[sflag:s0] =	ssyncset.done $0x0  }
0x81: {  	[sflag:s0] =	ssyncadd.s32 $0xFFFFF9C0  }
0x82: {  	_ =	swait.ge [sflag:s1], $0x640  }
0x83: {  	[sflag:s1] =	ssyncset.done $0x0  }
0x84: {  	[sflag:s1] =	ssyncadd.s32 $0xFFFFF9C0  }
0x85: {  	[bflag:$0x0] =	sbarrier.arrive $0xFFFF  }
0x86: {  	s9 =	rddreg [dreg:$0x6]  }
0x87: {  	s28 =	rddreg [dreg:$0xb]  }
0x88: {  	s3 =	simm.s32 $0x1B;
	s1 =	rddreg [dreg:$0xd]  }
0x89: {  	[hbm:s28], [sflag:s9] =	dma.local [spmem:s1], $0x30E0  }
0x8a: {  	_ =	swait.ge [sflag:s3], $0x30E0  }
0x8b: {  	s29 =	rddreg [dreg:$0xe]  }
0x8c: {  	s30 =	rddreg [dreg:$0xc];
	s5 =	sadd.s32 $0x1, s29  }
0x8d: {  	p0 =	sne.s32 s5, s30  }
.Ltmp1:
0x8e: {  	_ = 	snop;
	(pc) =	sbr.rel @!p0 .LBB2_7-.Ltmp1, $3  }
0x8f: {  	_ =	sdelay $0x1  }
0x90: {  	[sflag:s3] =	ssyncset.done $0x0  }
0x91: {  	[sflag:s3] =	ssyncadd.s32 $0xFFFFCF20  }
.LBB2_1:
0x92: {  	[dreg:$0xe] =	wrdreg s5  }
0x93: {  	s0 =	rddreg [dreg:$0x4]  }
0x94: {  	[spmem:s1], [sflag:s9] =	dma.local [hbm:s0], $0x30E0  }
0x95: {  	_ =	swait.ge [sflag:s3], $0x30E0  }
0x96: {  	[sflag:s3] =	ssyncset.done $0x0  }
0x97: {  	[sflag:s3] =	ssyncadd.s32 $0xFFFFCF20  }
0x98: {  	[bflag:$0x0] =	sbarrier.arrive $0xFFFF  }
0x99: {  	s3 =	simm.s32 $0x0;
	s22 =	rddreg [dreg:$0x5]  }
0x9a: {  	[tilespmem:s3], [sflag:$0x19] =	stream.linear.gather [hbm4b:s22+s3], $0x820, $0x38;
	[tilespmem:$0x1F280] =	vst v63  }
0x9b: {  	s25 =	simm.s32 $0x1040;
	s23 =	rddreg [dreg:$0x8]  }
0x9c: {  	[tilespmem:s25], [sflag:$0x19] =	stream.linear.gather [hbm4b:s23+s3], $0x820, $0x38;
	[tilespmem:$0x1F280] =	vst v63  }
0x9d: {  	s28 =	simm.s32 $0x820;
	s26 =	rddreg [dreg:$0x9]  }
0x9e: {  	[tilespmem:s28], [sflag:$0x1A] =	stream.linear.gather [hbm4b:s26+s3], $0x820, $0x38;
	[tilespmem:$0x1F280] =	vst v63  }
0x9f: {  	s30 =	simm.s32 $0x1860;
	s9 =	simm.s32 $0x19;
	s29 =	rddreg [dreg:$0xa]  }
0xa0: {  	[tilespmem:s30], [sflag:$0x1A] =	stream.linear.gather [hbm4b:s29+s3], $0x820, $0x38;
	[tilespmem:$0x1F280] =	vst v63  }
0xa1: {  	_ =	swait.ge [sflag:s9], $0x820  }
0xa2: {  	[sflag:s9] =	ssyncset.done $0x0  }
0xa3: {  	[sflag:s9] =	ssyncadd.s32 $0xFFFFF7E0  }
0xa4: {  	_ =	swait.ge [sflag:s9], $0x820  }
0xa5: {  	[sflag:s9] =	ssyncset.done $0x0  }
0xa6: {  	[sflag:s9] =	ssyncadd.s32 $0xFFFFF7E0  }
0xa7: {  	[tilespmem:s18], [sflag:$0x1] =	stream.indirect.gather [hbm4b:s4+s21], $0x10, s3, s21, $0xb8;
	[tilespmem:$0x1F280] =	vst v63  }
0xa8: {  	_ = 	snop  }
0xa9: {  	[tilespmem:s20], [sflag:$0x7] =	stream.indirect.gather [hbm4b:s4+s21], $0x10, s25, s21, $0xb8;
	[tilespmem:$0x1F280] =	vst v63  }
0xaa: {  	s22 =	simm.s32 $0x26C0;
	s20 =	simm.s32 $0x68  }
0xab: {  	[tilespmem:s22], [sflag:$0x2] =	stream.indirect.gather [hbm4b:s4+s21], $0x10, s20, s21, $0xb8;
	[tilespmem:$0x1F280] =	vst v63  }
0xac: {  	s23 =	simm.s32 $0x10A8;
	s25 =	simm.s32 $0x4C40  }
0xad: {  	[tilespmem:s25], [sflag:$0x8] =	stream.indirect.gather [hbm4b:s4+s21], $0x10, s23, s21, $0xb8;
	[tilespmem:$0x1F280] =	vst v63  }
.Ltmp2:
0xae: {  	_ = 	snop;
	(pc) =	sbr.rel .LBB2_2-.Ltmp2, $4  }
0xaf: {  	s26 =	simm.s32 $0xD0;
	s28 =	simm.s32 $0x2D00;
	s29 =	simm.s32 $0x1110  }
0xb0: {  	[tilespmem:s28], [sflag:$0x3] =	stream.indirect.gather [hbm4b:s4+s21], $0x10, s26, s21, $0xb8;
	[tilespmem:$0x1F280] =	vst v63  }
0xb1: {  	s30 =	simm.s32 $0x5280;
	s20 =	simm.s32 $0x0;
	s25 =	simm.s32 $0x0  }
0xb2: {  	[tilespmem:s30], [sflag:$0x9] =	stream.indirect.gather [hbm4b:s4+s21], $0x10, s29, s21, $0xb8;
	[tilespmem:$0x1F280] =	vst v63  }
.LBB2_4:
0xb3: {  	p0 =	sgt.u32 s25, $0xA3;
	s3 =	sadd.s32 $0xFFFFFFF4, s30  }
0xb4: {  	p1 =	sgt.u32 @!p0 s3, $0x5  }
0xb5: {  	p0 =	por p1, p0  }
0xb6: {  	s1 =	sand.u32 @!p0 $0x1, s1  }
0xb7: {  	s1 =	sadd.s32 @!p0 $0x19, s1  }
0xb8: {  	_ =	swait.ge @!p0 [sflag:s1], $0x820  }
0xb9: {  	[sflag:s1] =	ssyncset.done @!p0 $0x0  }
0xba: {  	[sflag:s1] =	ssyncadd.s32 @!p0 $0xFFFFF7E0  }
0xbb: {  	_ =	swait.ge @!p0 [sflag:s1], $0x820  }
0xbc: {  	[sflag:s1] =	ssyncset.done @!p0 $0x0  }
0xbd: {  	s9 =	simm.s32 $0x2080;
	[sflag:s1] =	ssyncadd.s32 @!p0 $0xFFFFF7E0  }
.LBB2_5:
0xbe: {  	p3 =	sgt.s32 s30, $0x10;
	s0 =	sand.u32 $0x1, s0  }
0xbf: {  	p2 =	seq.s32 s20, $0x0;
	p0 =	seq.s32 s0, $0x1;
	s0 =	simm.s32 $0xFFFFFFEC  }
0xc0: {  	s3 =	simm.s32 $0x820;
	s1 =	simm.s32 @!p2 $0x10;
	s0 =	simm.s32 @!p3 $0x0  }
0xc1: {  	p1 =	por !p0, !p0;
	_ =	swait.ge @!p2 [sflag:s1], $0x640;
	s0 =	sadd.s32 s20, s0  }
0xc2: {  	p4 =	por p1, p1;
	[sflag:s1] =	ssyncset.done @!p2 $0x0;
	s0 =	sadd.s32 s28, s0  }
0xc3: {  	[sflag:s1] =	ssyncadd.s32 @!p2 $0xFFFFF9C0;
	s1 =	simm.s32 @!p2 $0x16;
	s0 =	sadd.s32 $0x3, s0  }
0xc4: {  	p4 =	por @!p3 p0, p0;
	_ =	swait.ge @!p2 [sflag:s1], $0x640;
	s0 =	smul.u32 $0x68, s0  }
0xc5: {  	p3 =	sgt.s32 s30, $0x13;
	s3 =	simm.s32 @!p4 $0x0;
	[sflag:s1] =	ssyncset.done @!p2 $0x0  }
0xc6: {  	[sflag:s1] =	ssyncadd.s32 @!p2 $0xFFFFF9C0;
	s1 =	simm.s32 $0xFFFFFFEC;
	s0 =	sadd.s32 s3, s0  }
0xc7: {  	[tilespmem:s17], [sflag:$0x4] =	stream.indirect.gather [hbm4b:s4+s21], $0x10, s0, s21, $0xb8;
	[tilespmem:$0x1F280] =	vst v63  }
0xc8: {  	s1 =	simm.s32 @!p3 $0x0;
	s5 =	sadd.s32 $0x1040, s0  }
0xc9: {  	[tilespmem:s10], [sflag:$0xA] =	stream.indirect.gather [hbm4b:s4+s21], $0x10, s5, s21, $0xb8;
	[tilespmem:$0x1F280] =	vst v63  }
0xca: {  	p4 =	por p1, p1;
	s1 =	sadd.s32 s20, s1;
	_ =	swait.ge [sflag:s19], $0x640  }
0xcb: {  	p4 =	por @!p3 p0, p0;
	s1 =	sadd.s32 s28, s1;
	[sflag:s19] =	ssyncset.done $0x0  }
0xcc: {  	s3 =	simm.s32 $0x820;
	s1 =	smul.u32 $0x68, s1;
	[sflag:s19] =	ssyncadd.s32 $0xFFFFF9C0  }
0xcd: {  	s3 =	simm.s32 @!p4 $0x0;
	_ =	swait.ge [sflag:s24], $0x640  }
0xce: {  	s1 =	sadd.s32 s3, s1;
	[sflag:s24] =	ssyncset.done $0x0  }
0xcf: {  	s3 =	sadd.s32 $0x1040, s1;
	[sflag:s24] =	ssyncadd.s32 $0xFFFFF9C0  }
0xd0: {  	[spmem:s2] =	stream.indirect.scatter.add.f32 [tilespmem:s9], [sflag:$0xD], $0x10, s3, s21, $0xb8;
	[tilespmem:$0x1F280] =	vst v63  }
0xd1: {  	s23 =	simm.s32 $0x4600  }
0xd2: {  	[spmem:s2] =	stream.indirect.scatter.add.f32 [tilespmem:s23], [sflag:$0x13], $0x10, s1, s21, $0xb8;
	[tilespmem:$0x1F280] =	vst v63  }
0xd3: {  	p3 =	sgt.s32 s30, $0xF;
	s1 =	simm.s32 $0xFFFFFFEC  }
0xd4: {  	s26 =	simm.s32 $0x2;
	s3 =	simm.s32 @!p2 $0x11;
	s1 =	simm.s32 @!p3 $0x0  }
0xd5: {  	p4 =	por p1, p1;
	_ =	swait.ge @!p2 [sflag:s3], $0x640;
	s1 =	sadd.s32 s20, s1  }
0xd6: {  	p4 =	por @!p3 p0, p0;
	[sflag:s3] =	ssyncset.done @!p2 $0x0;
	s1 =	sadd.s32 s28, s1  }
0xd7: {  	[sflag:s3] =	ssyncadd.s32 @!p2 $0xFFFFF9C0;
	s3 =	simm.s32 @!p2 $0x17;
	s1 =	sadd.s32 $0x4, s1  }
0xd8: {  	s9 =	simm.s32 $0x820;
	_ =	swait.ge @!p2 [sflag:s3], $0x640;
	s1 =	smul.u32 $0x68, s1  }
0xd9: {  	s9 =	simm.s32 @!p4 $0x0;
	p3 =	sgt.s32 s30, $0x12;
	[sflag:s3] =	ssyncset.done @!p2 $0x0  }
0xda: {  	[sflag:s3] =	ssyncadd.s32 @!p2 $0xFFFFF9C0;
	s22 =	sadd.s32 s9, s1;
	s1 =	simm.s32 $0xFFFFFFEC  }
0xdb: {  	[tilespmem:s31], [sflag:$0x5] =	stream.indirect.gather [hbm4b:s4+s21], $0x10, s22, s21, $0xb8;
	[tilespmem:$0x1F280] =	vst v63  }
0xdc: {  	s29 =	simm.s32 $0x8;
	s23 =	sadd.s32 $0x1040, s22;
	s1 =	simm.s32 @!p3 $0x0  }
0xdd: {  	[tilespmem:s6], [sflag:$0xB] =	stream.indirect.gather [hbm4b:s4+s21], $0x10, s23, s21, $0xb8;
	[tilespmem:$0x1F280] =	vst v63  }
0xde: {  	p4 =	por p1, p1;
	s1 =	sadd.s32 s20, s1;
	_ =	swait.ge [sflag:s26], $0x640  }
0xdf: {  	p4 =	por @!p3 p0, p0;
	s1 =	sadd.s32 s28, s1;
	[sflag:s26] =	ssyncset.done $0x0  }
0xe0: {  	s3 =	simm.s32 $0x820;
	s1 =	smul.u32 $0x68, s1;
	[sflag:s26] =	ssyncadd.s32 $0xFFFFF9C0  }
0xe1: {  	s3 =	simm.s32 @!p4 $0x0;
	_ =	swait.ge [sflag:s29], $0x640  }
0xe2: {  	s1 =	sadd.s32 s3, s1;
	[sflag:s29] =	ssyncset.done $0x0  }
0xe3: {  	s18 =	simm.s32 $0x26C0;
	s3 =	sadd.s32 $0x10A8, s1;
	[sflag:s29] =	ssyncadd.s32 $0xFFFFF9C0  }
0xe4: {  	[spmem:s2] =	stream.indirect.scatter.add.f32 [tilespmem:s18], [sflag:$0xE], $0x10, s3, s21, $0xb8;
	[tilespmem:$0x1F280] =	vst v63  }
0xe5: {  	s26 =	simm.s32 $0x4C40;
	s1 =	sadd.s32 $0x68, s1  }
0xe6: {  	[spmem:s2] =	stream.indirect.scatter.add.f32 [tilespmem:s26], [sflag:$0x14], $0x10, s1, s21, $0xb8;
	[tilespmem:$0x1F280] =	vst v63  }
0xe7: {  	p3 =	sgt.s32 s30, $0xE;
	s3 =	simm.s32 @!p2 $0x12;
	s1 =	simm.s32 $0xFFFFFFEC  }
0xe8: {  	s1 =	simm.s32 @!p3 $0x0;
	_ =	swait.ge @!p2 [sflag:s3], $0x640  }
0xe9: {  	p4 =	por p1, p1;
	s1 =	sadd.s32 s20, s1;
	[sflag:s3] =	ssyncset.done @!p2 $0x0  }
0xea: {  	s1 =	sadd.s32 s28, s1;
	[sflag:s3] =	ssyncadd.s32 @!p2 $0xFFFFF9C0;
	s3 =	simm.s32 @!p2 $0x18  }
0xeb: {  	s9 =	simm.s32 $0x820;
	s1 =	sadd.s32 $0x5, s1;
	_ =	swait.ge @!p2 [sflag:s3], $0x640  }
0xec: {  	p4 =	por @!p3 p0, p0;
	s1 =	smul.u32 $0x68, s1;
	[sflag:s3] =	ssyncset.done @!p2 $0x0  }
0xed: {  	s9 =	simm.s32 @!p4 $0x0;
	p4 =	por p0, p0;
	[sflag:s3] =	ssyncadd.s32 @!p2 $0xFFFFF9C0  }
0xee: {  	p2 =	sgt.s32 s30, $0x11;
	s9 =	sadd.s32 s9, s1;
	s1 =	simm.s32 $0xFFFFFFEC  }
0xef: {  	[tilespmem:s11], [sflag:$0x6] =	stream.indirect.gather [hbm4b:s4+s21], $0x10, s9, s21, $0xb8;
	[tilespmem:$0x1F280] =	vst v63  }
0xf0: {  	s18 =	simm.s32 $0x3;
	s3 =	sadd.s32 $0x1040, s9;
	s1 =	simm.s32 @!p2 $0x0  }
0xf1: {  	[tilespmem:s12], [sflag:$0xC] =	stream.indirect.gather [hbm4b:s4+s21], $0x10, s3, s21, $0xb8;
	[tilespmem:$0x1F280] =	vst v63  }
0xf2: {  	s26 =	simm.s32 $0x9;
	s1 =	sadd.s32 s20, s1;
	_ =	swait.ge [sflag:s18], $0x640  }
0xf3: {  	p1 =	por @!p2 p0, p0;
	s1 =	sadd.s32 s28, s1;
	[sflag:s18] =	ssyncset.done $0x0  }
0xf4: {  	s1 =	smul.u32 $0x68, s1;
	[sflag:s18] =	ssyncadd.s32 $0xFFFFF9C0;
	s18 =	simm.s32 $0x820  }
0xf5: {  	s29 =	simm.s32 $0x2D00;
	_ =	swait.ge [sflag:s26], $0x640;
	s18 =	simm.s32 @!p1 $0x0  }
0xf6: {  	p1 =	seq.s32 s20, $0x3DE;
	[sflag:s26] =	ssyncset.done $0x0;
	s1 =	sadd.s32 s18, s1  }
0xf7: {  	p2 =	sgt.s32 @!p1 s30, $0xD;
	[sflag:s26] =	ssyncadd.s32 $0xFFFFF9C0;
	s18 =	sadd.s32 $0x1110, s1  }
0xf8: {  	[spmem:s2] =	stream.indirect.scatter.add.f32 [tilespmem:s29], [sflag:$0xF], $0x10, s18, s21, $0xb8;
	[tilespmem:$0x1F280] =	vst v63  }
0xf9: {  	s1 =	sadd.s32 $0xD0, s1;
	p3 =	por !p2, p1;
	s29 =	simm.s32 $0x5280  }
0xfa: {  	[spmem:s2] =	stream.indirect.scatter.add.f32 [tilespmem:s29], [sflag:$0x15], $0x10, s1, s21, $0xb8;
	[tilespmem:$0x1F280] =	vst v63  }
0xfb: {  	p2 =	por @!p1 !p0, !p0;
	s18 =	simm.s32 @!p1 $0xD;
	s1 =	simm.s32 @!p1 $0xFFFFFFEC  }
0xfc: {  	s26 =	simm.s32 @!p1 $0x820;
	s1 =	simm.s32 @p3 $0x0;
	_ =	swait.ge @!p1 [sflag:s18], $0x640  }
0xfd: {  	p4 =	por @!p3 p2, p2;
	s1 =	sadd.s32 @!p1 s20, s1;
	[sflag:s18] =	ssyncset.done @!p1 $0x0  }
0xfe: {  	s1 =	sadd.s32 @!p1 s28, s1;
	[sflag:s18] =	ssyncadd.s32 @!p1 $0xFFFFF9C0;
	s18 =	simm.s32 @!p1 $0x13  }
0xff: {  	p3 =	por !p4, p1;
	s1 =	smul.u32 @!p1 $0x68, s1;
	_ =	swait.ge @!p1 [sflag:s18], $0x640  }
0x100: {  	s26 =	simm.s32 @p3 $0x0;
	[sflag:s18] =	ssyncset.done @!p1 $0x0  }
0x101: {  	[sflag:s18] =	ssyncadd.s32 @!p1 $0xFFFFF9C0;
	s18 =	sadd.s32 @!p1 s26, s1  }
0x102: {  	s29 =	simm.s32 @!p1 $0x2080;
	s1 =	simm.s32 @!p1 $0x64;
	s26 =	sadd.s32 @!p1 $0x270, s18  }
0x103: {  	[tilespmem:s29], [sflag:$0x1] =	stream.indirect.gather @!p1 [hbm4b:s4+s1], $0x10, s26, s1, $0xb8;
	[tilespmem:$0x1F280] =	vst v63  }
0x104: {  	s18 =	sadd.s32 @!p1 $0x12B0, s18;
	s26 =	simm.s32 @!p1 $0x4600  }
0x105: {  	[tilespmem:s26], [sflag:$0x7] =	stream.indirect.gather @!p1 [hbm4b:s4+s1], $0x10, s18, s1, $0xb8;
	[tilespmem:$0x1F280] =	vst v63  }
0x106: {  	_ =	swait.ge [sflag:s13], $0x640  }
0x107: {  	[sflag:s13] =	ssyncset.done $0x0  }
0x108: {  	[sflag:s13] =	ssyncadd.s32 $0xFFFFF9C0  }
0x109: {  	_ =	swait.ge [sflag:s14], $0x640  }
0x10a: {  	[sflag:s14] =	ssyncset.done $0x0  }
0x10b: {  	[sflag:s14] =	ssyncadd.s32 $0xFFFFF9C0  }
0x10c: {  	[spmem:s2] =	stream.indirect.scatter.add.f32 [tilespmem:s17], [sflag:$0x10], $0x10, s5, s21, $0xb8;
	[tilespmem:$0x1F280] =	vst v63  }
0x10d: {  	p3 =	sgt.s32 @!p1 s30, $0xC  }
0x10e: {  	[spmem:s2] =	stream.indirect.scatter.add.f32 [tilespmem:s10], [sflag:$0x16], $0x10, s0, s21, $0xb8;
	[tilespmem:$0x1F280] =	vst v63  }
0x10f: {  	p4 =	por p0, p0;
	p3 =	por !p3, p1;
	s0 =	simm.s32 @!p1 $0xFFFFFFEC  }
0x110: {  	p4 =	por @!p3 p2, p2;
	s5 =	simm.s32 @!p1 $0xE;
	s0 =	simm.s32 @p3 $0x0  }
0x111: {  	s18 =	simm.s32 @!p1 $0x820;
	_ =	swait.ge @!p1 [sflag:s5], $0x640;
	s0 =	sadd.s32 @!p1 s20, s0  }
0x112: {  	p3 =	por !p4, p1;
	[sflag:s5] =	ssyncset.done @!p1 $0x0;
	s0 =	sadd.s32 @!p1 s28, s0  }
0x113: {  	[sflag:s5] =	ssyncadd.s32 @!p1 $0xFFFFF9C0;
	s5 =	simm.s32 @!p1 $0x14;
	s0 =	smul.u32 @!p1 $0x68, s0  }
0x114: {  	s18 =	simm.s32 @p3 $0x0;
	_ =	swait.ge @!p1 [sflag:s5], $0x640  }
0x115: {  	[sflag:s5] =	ssyncset.done @!p1 $0x0;
	s0 =	sadd.s32 @!p1 s18, s0  }
0x116: {  	[sflag:s5] =	ssyncadd.s32 @!p1 $0xFFFFF9C0;
	s18 =	simm.s32 @!p1 $0x26C0;
	s5 =	sadd.s32 @!p1 $0x2D8, s0  }
0x117: {  	[tilespmem:s18], [sflag:$0x2] =	stream.indirect.gather @!p1 [hbm4b:s4+s1], $0x10, s5, s1, $0xb8;
	[tilespmem:$0x1F280] =	vst v63  }
0x118: {  	s0 =	sadd.s32 @!p1 $0x1318, s0;
	s5 =	simm.s32 @!p1 $0x4C40  }
0x119: {  	[tilespmem:s5], [sflag:$0x8] =	stream.indirect.gather @!p1 [hbm4b:s4+s1], $0x10, s0, s1, $0xb8;
	[tilespmem:$0x1F280] =	vst v63  }
0x11a: {  	_ =	swait.ge [sflag:s7], $0x640  }
0x11b: {  	[sflag:s7] =	ssyncset.done $0x0  }
0x11c: {  	[sflag:s7] =	ssyncadd.s32 $0xFFFFF9C0  }
0x11d: {  	_ =	swait.ge [sflag:s8], $0x640  }
0x11e: {  	p3 =	sgt.s32 @!p1 s30, $0xB;
	[sflag:s8] =	ssyncset.done $0x0  }
0x11f: {  	p3 =	por !p3, p1;
	s0 =	simm.s32 @!p1 $0xFFFFFFEC;
	[sflag:s8] =	ssyncadd.s32 $0xFFFFF9C0  }
0x120: {  	[spmem:s2] =	stream.indirect.scatter.add.f32 [tilespmem:s31], [sflag:$0x11], $0x10, s23, s21, $0xb8;
	[tilespmem:$0x1F280] =	vst v63  }
0x121: {  	p0 =	por @!p3 p2, p2;
	s5 =	simm.s32 @!p1 $0xF;
	s0 =	simm.s32 @p3 $0x0  }
0x122: {  	[spmem:s2] =	stream.indirect.scatter.add.f32 [tilespmem:s6], [sflag:$0x17], $0x10, s22, s21, $0xb8;
	[tilespmem:$0x1F280] =	vst v63  }
0x123: {  	p0 =	por !p0, p1;
	s0 =	sadd.s32 @!p1 s20, s0;
	_ =	swait.ge @!p1 [sflag:s5], $0x640  }
0x124: {  	s18 =	simm.s32 @!p1 $0x820;
	s0 =	sadd.s32 @!p1 s28, s0;
	[sflag:s5] =	ssyncset.done @!p1 $0x0  }
0x125: {  	s0 =	smul.u32 @!p1 $0x68, s0;
	[sflag:s5] =	ssyncadd.s32 @!p1 $0xFFFFF9C0;
	s5 =	simm.s32 @!p1 $0x15  }
0x126: {  	s18 =	simm.s32 @p0 $0x0;
	_ =	swait.ge @!p1 [sflag:s5], $0x640  }
0x127: {  	s0 =	sadd.s32 @!p1 s18, s0;
	[sflag:s5] =	ssyncset.done @!p1 $0x0  }
0x128: {  	s18 =	simm.s32 @!p1 $0x2D00;
	[sflag:s5] =	ssyncadd.s32 @!p1 $0xFFFFF9C0;
	s5 =	sadd.s32 @!p1 $0x340, s0  }
0x129: {  	[tilespmem:s18], [sflag:$0x3] =	stream.indirect.gather @!p1 [hbm4b:s4+s1], $0x10, s5, s1, $0xb8;
	[tilespmem:$0x1F280] =	vst v63  }
0x12a: {  	s0 =	sadd.s32 @!p1 $0x1380, s0;
	s5 =	simm.s32 @!p1 $0x5280  }
0x12b: {  	[tilespmem:s5], [sflag:$0x9] =	stream.indirect.gather @!p1 [hbm4b:s4+s1], $0x10, s0, s1, $0xb8;
	[tilespmem:$0x1F280] =	vst v63  }
0x12c: {  	_ =	swait.ge [sflag:s15], $0x640  }
0x12d: {  	[sflag:s15] =	ssyncset.done $0x0  }
0x12e: {  	s20 =	sadd.s32 $0x6, s20;
	[sflag:s15] =	ssyncadd.s32 $0xFFFFF9C0  }
0x12f: {  	p0 =	sne.s32 s20, $0x3E4;
	_ =	swait.ge [sflag:s16], $0x640  }
.Ltmp3:
0x130: {  	[sflag:s16] =	ssyncset.done $0x0;
	(pc) =	sbr.rel @!p0 .LBB2_6-.Ltmp3, $4  }
0x131: {  	[sflag:s16] =	ssyncadd.s32 $0xFFFFF9C0  }
0x132: {  	[spmem:s2] =	stream.indirect.scatter.add.f32 [tilespmem:s11], [sflag:$0x12], $0x10, s3, s21, $0xb8;
	[tilespmem:$0x1F280] =	vst v63  }
0x133: {  	s25 =	sadd.s32 $0x1, s25  }
0x134: {  	[spmem:s2] =	stream.indirect.scatter.add.f32 [tilespmem:s12], [sflag:$0x18], $0x10, s9, s21, $0xb8;
	[tilespmem:$0x1F280] =	vst v63  }
.LBB2_2:
0x135: {  	s0 =	smulhi.u32 $0xCCCCCCCD, s20;
	_ =	sdelay $0x1  }
0x136: {  	s1 =	smul.u32 $0xCCCD, s20;
	s0 =	sshrl.u32 s0, $0x4  }
0x137: {  	s28 =	smul.u32 $0xFFFFFFEC, s0  }
0x138: {  	s0 =	sshrl.u32 s1, $0x14  }
0x139: {  	s1 =	sadd.s32 $0xFFFFFFFF, s0;
	s30 =	sadd.s32 s28, s20  }
0x13a: {  	p0 =	sgt.u32 s1, $0x2F;
	s3 =	sadd.s32 $0xFFFFFFFC, s30  }
0x13b: {  	p1 =	sgt.u32 @!p0 s3, $0x5  }
0x13c: {  	p0 =	por p0, p1  }
.Ltmp4:
0x13d: {  	_ = 	snop;
	(pc) =	sbr.rel @p0 .LBB2_4-.Ltmp4, $2  }
0x13e: {  	_ =	sdelay $0x2  }
0x13f: {  	s1 =	sadd.s32 $0x1, s0  }
0x140: {  	s3 =	smul.u32 $0x14, s1  }
0x141: {  	s5 =	rddreg [dreg:$0x7]  }
0x142: {  	s3 =	sadd.s32 s5, s3  }
0x143: {  	s23 =	sand.u32 $0x1, s1;
	s3 =	smul.u32 $0x68, s3  }
0x144: {  	s26 =	smul.u32 $0x820, s23  }
.Ltmp5:
0x145: {  	s9 =	rddreg [dreg:$0x3];
	s3 =	sshrl.u32 s3, $0x3;
	(pc) =	sbr.rel .LBB2_5-.Ltmp5, $4  }
0x146: {  	s29 =	simm.s32 $0x0;
	s1 =	sadd.s32 $0x19, s23;
	s3 =	sadd.s32 s9, s3  }
0x147: {  	[tilespmem:s26], [sflag:s1] =	stream.linear.gather [hbm4b:s3+s29], $0x820, $0x38;
	[tilespmem:$0x1F280] =	vst v63  }
0x148: {  	s5 =	sadd.s32 $0x1040, s26;
	s9 =	simm.s32 $0x2080;
	s3 =	sadd.s32 $0x65900, s3  }
0x149: {  	[tilespmem:s5], [sflag:s1] =	stream.linear.gather [hbm4b:s3+s29], $0x820, $0x38;
	[tilespmem:$0x1F280] =	vst v63  }
.LBB2_7:
0x14a: {  	_ =	sfence.sel $0x180000  }
0x14b: {  	[bflag:$0x0] =	sbarrier.arrive $0xFFFF  }
0x14c: {  	_ =	strace $0x90000047  }
0x14d: {  	s0 =	stileid.u32;
	[bflag:$0x2] =	sbarrier.arrive $0xFFFF  }
0x14e: {  	p0 =	sne.s32 s0, $0x0;
	s0 =	rddreg [dreg:$0x2]  }
0x14f: {  	s0 =	sadd.s32 @!p0 $0x100000, s0  }
0x150: {  	[sflag:s0] =	ssyncadd.tile.s32 @!p0 $0x1;
	_ =	shalt  }
.Lfunc_end2:
_tile_overlayer_lowered:
.L_overlay_start_2:
0x151: {  	(tag) =	ssettag $0x2  }
0x152: {  	s0 =	rddreg [dreg:$0x0];
	s2 =	stileid.u32  }
0x153: {  	s1 =	rddreg [dreg:$0x1];
	p0 =	sne.s32 s2, $0x0  }
0x154: {  	s3 =	rddreg [dreg:$0x2];
	[bflag:$0x3] =	sbarrier.arrive $0xFFFF;
	s2 =	simm.s32 @!p0 $0x1C1B  }
0x155: {  	[timem:s3], [sflag:s2] =	dma.local @!p0 [hbm:s0], s1  }
0x156: {  	s0 =	simm.s32 @!p0 $0x1B  }
0x157: {  	_ =	swait.ge @!p0 [sflag:s0], s1  }
0x158: {  	s1 =	ssub.s32 @!p0 $0x0, s1;
	[sflag:s0] =	ssyncset.done @!p0 $0x0  }
0x159: {  	[sflag:s0] =	ssyncadd.s32 @!p0 s1  }
0x15a: {  	[bflag:$0x3] =	sbarrier.arrive $0xFFFF  }
0x15b: {  	_ =	shalt  }

</sc_bundles>
